<compile_context>
chip_gen: v7x
topology: tpu7x:2x2x1
jax: 0.10.2.dev20260603
libtpu: 0.0.44.dev20260713+nightly
codegen_flags: <defaults>
</compile_context>

<pallas_src>
import functools
import jax
import jax.numpy as jnp
from jax import lax
from jax.experimental import pallas as pl
from jax.experimental.pallas import tpu as pltpu
from jax.experimental.pallas import tpu_sc as plsc

N = 10000
E = 320000
D_NODE = 128
D_MSG = 64
H_MSG = 64
H_TEN = 32
D_OUT = 64

EDGE_BLOCK = 3200

NC = 2
NS = 16
NW = NC * NS
NPAD = 10240
HALF = NPAD // NC
TRASH = 128
TROWS = HALF + TRASH
ZSTRIPE = TROWS // NS
OSTRIPE = HALF // NS
GC = 256
GSUB = GC // 128
NCHUNK = E // GC
SC2 = 512
SSUB = SC2 // 128
NSCHUNK = E // SC2



def _gather_inner(x_ref, tgt_ref, src_ref, gt_ref, gs_ref,
                  it_buf, is_buf, bt, bs):
    cid = lax.axis_index("c")
    sid = lax.axis_index("s")
    w = sid * NC + cid
    nk = (NCHUNK - w + NW - 1) // NW

    zero16 = jnp.zeros((16,), jnp.float32)
    one16 = jnp.ones((16,), jnp.float32)

    def chunk(k, _):
        base = (w + k * NW) * GC
        for j in range(GSUB):
            pltpu.sync_copy(tgt_ref.at[pl.ds(base + 128 * j, 128)], it_buf.at[j])
            pltpu.sync_copy(src_ref.at[pl.ds(base + 128 * j, 128)], is_buf.at[j])
        for j in range(GSUB):
            pltpu.sync_copy(x_ref.at[it_buf.at[j]], bt.at[pl.ds(128 * j, 128)])
            pltpu.sync_copy(x_ref.at[is_buf.at[j]], bs.at[pl.ds(128 * j, 128)])
        pltpu.sync_copy(bt, gt_ref.at[pl.ds(base, GC)])
        pltpu.sync_copy(bs, gs_ref.at[pl.ds(base, GC)])
        return 0

    lax.fori_loop(0, nk, chunk, 0)


def _sc_gather(x, tgt, src):
    mesh = plsc.VectorSubcoreMesh(core_axis_name="c", subcore_axis_name="s",
                                  num_cores=NC, num_subcores=NS)
    f = pl.kernel(
        _gather_inner,
        out_type=[
            jax.ShapeDtypeStruct((E, D_NODE), jnp.float32),
            jax.ShapeDtypeStruct((E, D_NODE), jnp.float32),
        ],
        mesh=mesh,
        scratch_types=[
            pltpu.VMEM((GSUB, 128), jnp.int32),
            pltpu.VMEM((GSUB, 128), jnp.int32),
            pltpu.VMEM((GC, D_NODE), jnp.float32),
            pltpu.VMEM((GC, D_NODE), jnp.float32),
        ],
    )
    return f(x, tgt, src)



def _mlp_body(gt_ref, gs_ref, ea_ref, w1x_ref, w1e_ref, b1_ref, w2_ref, b2_ref,
              wt1_ref, bt1_ref, wt2_ref, bt2_ref,
              mf_ref, mr_ref, e_ref):
    d = gt_ref[...] - gs_ref[...]
    z1 = jnp.dot(d, w1x_ref[...], preferred_element_type=jnp.float32) \
        + jnp.dot(ea_ref[...], w1e_ref[...], preferred_element_type=jnp.float32)
    b1 = b1_ref[...]
    hf = jnp.maximum(z1 + b1, 0.0)
    hr = jnp.maximum(b1 - z1, 0.0)
    w2 = w2_ref[...]
    b2 = b2_ref[...]
    mf = jnp.maximum(jnp.dot(hf, w2, preferred_element_type=jnp.float32) + b2, 0.0)
    mr = jnp.maximum(jnp.dot(hr, w2, preferred_element_type=jnp.float32) + b2, 0.0)
    mf_ref[...] = mf
    mr_ref[...] = mr
    t = jnp.maximum(jnp.dot(mf + mr, wt1_ref[...],
                            preferred_element_type=jnp.float32) + bt1_ref[...], 0.0)
    e_ref[...] = jnp.dot(t, wt2_ref[...], preferred_element_type=jnp.float32) \
        + bt2_ref[...]


def _edge_mlp(gt, gs, ea, w1x, w1e, b1, w2, b2, wt1, bt1, wt2, bt2):
    nb = E // EDGE_BLOCK
    full = lambda s: pl.BlockSpec(s, lambda i: (0,) * len(s))
    return pl.pallas_call(
        _mlp_body,
        grid=(nb,),
        in_specs=[
            pl.BlockSpec((EDGE_BLOCK, D_NODE), lambda i: (i, 0)),
            pl.BlockSpec((EDGE_BLOCK, D_NODE), lambda i: (i, 0)),
            pl.BlockSpec((EDGE_BLOCK, 4), lambda i: (i, 0)),
            full((D_NODE, H_MSG)),
            full((4, H_MSG)),
            full((H_MSG,)),
            full((H_MSG, D_MSG)),
            full((D_MSG,)),
            full((D_MSG, H_TEN)),
            full((H_TEN,)),
            full((H_TEN, 1)),
            full((1,)),
        ],
        out_specs=[
            pl.BlockSpec((EDGE_BLOCK, D_MSG), lambda i: (i, 0)),
            pl.BlockSpec((EDGE_BLOCK, D_MSG), lambda i: (i, 0)),
            pl.BlockSpec((EDGE_BLOCK, 1), lambda i: (i, 0)),
        ],
        out_shape=[
            jax.ShapeDtypeStruct((E, D_MSG), jnp.float32),
            jax.ShapeDtypeStruct((E, D_MSG), jnp.float32),
            jax.ShapeDtypeStruct((E, 1), jnp.float32),
        ],
    )(gt, gs, ea, w1x, w1e, b1, w2, b2, wt1, bt1, wt2, bt2)


def kernel(x, edge_index, edge_attr, W1, b1, W2, b2, Wu, bu, Wt1, bt1, Wt2, bt2):
    src = edge_index[0]
    tgt = edge_index[1]
    gt, gs = _sc_gather(x, tgt, src)
    mf, mr, e = _edge_mlp(gt, gs, edge_attr, W1[:D_NODE], W1[D_NODE:], b1,
                          W2, b2, Wt1, bt1, Wt2, bt2)
    agg = jax.ops.segment_sum(mf, tgt, num_segments=N) + \
        jax.ops.segment_sum(mr, src, num_segments=N)
    ones = jnp.ones((E,), jnp.float32)
    cnt = jax.ops.segment_sum(ones, tgt, num_segments=N) + \
        jax.ops.segment_sum(ones, src, num_segments=N)
    mean = agg / jnp.maximum(cnt, 1.0)[:, None]
    x_out = jnp.dot(x, Wu[:D_NODE], preferred_element_type=jnp.float32) \
        + jnp.dot(mean, Wu[D_NODE:], preferred_element_type=jnp.float32) + bu
    return (x_out, e.reshape(-1))

# --- scband reference (transcript-rebuilt; emitter-appended) ---
"""Pipeline reference for scband-single-mp-tension-3427383902968 (READ-ONLY COPY).

The authoritative reference and input builder live on the scoring server;
editing this copy changes nothing except your own understanding.
"""

import jax, jax.numpy as jnp
import numpy as np

N = 10000
E = 320000
D_NODE = 128
D_EDGE = 4
D_MSG = 64
H_MSG = 64
H_TEN = 32
D_OUT = 64


def setup_inputs(seed: int = 0) -> dict:
    key = jax.random.key(seed)
    ks = jax.random.split(key, 13)
    x = jax.random.normal(ks[0], (N, D_NODE), dtype=jnp.float32)
    edge_index = jax.random.randint(ks[1], (2, E), 0, N, dtype=jnp.int32)
    edge_attr = jax.random.normal(ks[2], (E, D_EDGE), dtype=jnp.float32)
    d_in_msg = D_NODE + D_EDGE
    W1 = jax.random.normal(ks[3], (d_in_msg, H_MSG), dtype=jnp.float32) / np.sqrt(d_in_msg)
    b1 = jnp.zeros((H_MSG,), dtype=jnp.float32)
    W2 = jax.random.normal(ks[4], (H_MSG, D_MSG), dtype=jnp.float32) / np.sqrt(H_MSG)
    b2 = jnp.zeros((D_MSG,), dtype=jnp.float32)
    d_in_upd = D_NODE + D_MSG
    Wu = jax.random.normal(ks[5], (d_in_upd, D_OUT), dtype=jnp.float32) / np.sqrt(d_in_upd)
    bu = jnp.zeros((D_OUT,), dtype=jnp.float32)
    Wt1 = jax.random.normal(ks[6], (D_MSG, H_TEN), dtype=jnp.float32) / np.sqrt(D_MSG)
    bt1 = jnp.zeros((H_TEN,), dtype=jnp.float32)
    Wt2 = jax.random.normal(ks[7], (H_TEN, 1), dtype=jnp.float32) / np.sqrt(H_TEN)
    bt2 = jnp.zeros((1,), dtype=jnp.float32)
    return {"x": x, "edge_index": edge_index, "edge_attr": edge_attr,
            "W1": W1, "b1": b1, "W2": W2, "b2": b2,
            "Wu": Wu, "bu": bu, "Wt1": Wt1, "bt1": bt1, "Wt2": Wt2, "bt2": bt2}


def reference(x, edge_index, edge_attr, W1, b1, W2, b2, Wu, bu, Wt1, bt1, Wt2, bt2):
    # Symmetrize edges (undirected): append reversed edges with negated edge_attr
    ei = jnp.concatenate([edge_index, jnp.stack([edge_index[1], edge_index[0]], axis=0)], axis=1)
    ea = jnp.concatenate([edge_attr, -edge_attr], axis=0)
    src = jnp.take(x, ei[0], axis=0)
    tgt = jnp.take(x, ei[1], axis=0)
    # DiffMessage: mlp([x_t - x_s, e_st]) = Linear -> ReLU -> Linear
    h = jnp.concatenate([tgt - src, ea], axis=-1)
    h = jnp.maximum(jnp.dot(h, W1) + b1, 0.0)
    m = jnp.dot(h, W2) + b2
    # outer ReLU from forward()
    m = jnp.maximum(m, 0.0)
    # AggregateUpdate with aggr='mean': mean messages per target node, concat with x, single Linear
    num_nodes = x.shape[0]
    agg = jax.ops.segment_sum(m, ei[1], num_segments=num_nodes)
    cnt = jax.ops.segment_sum(jnp.ones((ei.shape[1],), jnp.float32), ei[1], num_segments=num_nodes)
    mean = agg / jnp.maximum(cnt, 1.0)[:, None]
    u = jnp.concatenate([x, mean], axis=-1)
    x_out = jnp.dot(u, Wu) + bu
    # Tension head on symmetrized messages
    half = m.shape[0] // 2
    t = m[:half] + m[half:]
    t = jnp.maximum(jnp.dot(t, Wt1) + bt1, 0.0)
    e_out = (jnp.dot(t, Wt2) + bt2).reshape(-1)
    return (x_out, e_out)

if __name__ == "__main__":
    import jax
    _d = setup_inputs()
    print(jax.jit(kernel)(*tuple(_d.values())))

</pallas_src>

<mosaic_0001>
#map = affine_map<(d0, d1) -> (0, 0)>
#map1 = affine_map<(d0, d1) -> (0)>
module attributes {stable_mosaic.version = 14 : i64} {
  func.func @_gather_inner(%arg0: i32, %arg1: i32, %arg2: memref<10000x128xf32, #tpu.memory_space<hbm>>, %arg3: memref<320000xi32, #tpu.memory_space<hbm>>, %arg4: memref<320000xi32, #tpu.memory_space<hbm>>, %arg5: memref<320000x128xf32, #tpu.memory_space<hbm>>, %arg6: memref<320000x128xf32, #tpu.memory_space<hbm>>, %arg7: memref<2x128xi32, #tpu.memory_space<vmem>>, %arg8: memref<2x128xi32, #tpu.memory_space<vmem>>, %arg9: memref<256x128xf32, #tpu.memory_space<vmem>>, %arg10: memref<256x128xf32, #tpu.memory_space<vmem>>) attributes {dimension_semantics = [#tpu.dimension_semantics<core_parallel>, #tpu.dimension_semantics<subcore_parallel>], iteration_bounds = array<i64: 2, 16>, scalar_prefetch = 0 : i64, scratch_operands = 4 : i64, tpu.core_type = #tpu.core_type<sc_vector_subcore>, window_params = [{transform_indices = #map}, {transform_indices = #map1}, {transform_indices = #map1}, {transform_indices = #map}, {transform_indices = #map}]} {
    %mul3A = arith.constant 2 : i32
    %mul3A_0 = arith.muli %arg1, %mul3A : i32
    %add3A = arith.addi %mul3A_0, %arg0 : i32
    %sub3A = arith.constant 1250 : i32
    %sub3A_1 = arith.subi %sub3A, %add3A : i32
    %add3A_2 = arith.constant 32 : i32
    %add3A_3 = arith.addi %sub3A_1, %add3A_2 : i32
    %sub3A_4 = arith.constant 1 : i32
    %sub3A_5 = arith.subi %add3A_3, %sub3A_4 : i32
    %jit3A = arith.constant 32 : i32
    %div3A = arith.divsi %sub3A_5, %jit3A : i32
    %sign3A = arith.constant 0 : i32
    %sign3A_6 = arith.cmpi sgt, %sub3A_5, %sign3A : i32
    %sign3A_7 = arith.extui %sign3A_6 : i1 to i32
    %sign3A_8 = arith.constant 0 : i32
    %sign3A_9 = arith.cmpi slt, %sub3A_5, %sign3A_8 : i32
    %sign3A_10 = arith.extui %sign3A_9 : i1 to i32
    %sign3A_11 = arith.subi %sign3A_7, %sign3A_10 : i32
    %sign3A_12 = arith.constant 0 : i32
    %sign3A_13 = arith.cmpi sgt, %jit3A, %sign3A_12 : i32
    %sign3A_14 = arith.extui %sign3A_13 : i1 to i32
    %sign3A_15 = arith.constant 0 : i32
    %sign3A_16 = arith.cmpi slt, %jit3A, %sign3A_15 : i32
    %sign3A_17 = arith.extui %sign3A_16 : i1 to i32
    %sign3A_18 = arith.subi %sign3A_14, %sign3A_17 : i32
    %ne3A = arith.cmpi ne, %sign3A_11, %sign3A_18 : i32
    %rem3A = arith.remsi %sub3A_5, %jit3A : i32
    %ne3A_19 = arith.constant 0 : i32
    %ne3A_20 = arith.cmpi ne, %rem3A, %ne3A_19 : i32
    %and3A = arith.andi %ne3A, %ne3A_20 : i1
    %sub3A_21 = arith.constant 1 : i32
    %sub3A_22 = arith.subi %div3A, %sub3A_21 : i32
    %select_n3A = arith.select %and3A, %sub3A_22, %div3A : i32
    %broadcast_in_dim3A = arith.constant 0.000000e+00 : f32
    %broadcast_in_dim3A_23 = vector.broadcast %broadcast_in_dim3A : f32 to vector<16xf32>
    %broadcast_in_dim3A_24 = arith.constant 1.000000e+00 : f32
    %broadcast_in_dim3A_25 = vector.broadcast %broadcast_in_dim3A_24 : f32 to vector<16xf32>
    %while3A = arith.constant 0 : i32
    %while3A_26 = arith.constant 0 : i32
    %while3A_27 = arith.subi %select_n3A, %while3A : i32
    %while3A_28 = arith.addi %while3A, %while3A_27 : i32
    %while3A_29 = arith.constant 1 : i32
    %while3A_30 = arith.divsi %while3A_27, %while3A_29 : i32
    %while3A_31 = arith.muli %while3A_30, %while3A_29 : i32
    %while3A_32 = arith.addi %while3A, %while3A_31 : i32
    %while3A_33 = arith.constant 1 : i32
    %while3A_34 = scf.for %while3A_37 = %while3A to %while3A_32 step %while3A_33 iter_args(%while3A_38 = %while3A_26) -> (i32)  : i32 {
      %mul3A_39 = arith.constant 32 : i32
      %mul3A_40 = arith.muli %while3A_37, %mul3A_39 : i32
      %add3A_41 = arith.addi %add3A, %mul3A_40 : i32
      %mul3A_42 = arith.constant 256 : i32
      %mul3A_43 = arith.muli %add3A_41, %mul3A_42 : i32
      %add3A_44 = arith.constant 0 : i32
      %add3A_45 = arith.addi %mul3A_43, %add3A_44 : i32
      %run_scoped3A = arith.constant 0 : i32
      "tpu.region"() ({
        %run_scoped3A_60 = tpu.sem_alloc : memref<!tpu.dma_semaphore, #tpu.memory_space<semaphore_mem>>
        %dma_start3A = arith.constant 0 : i32
        %dma_start3A_61 = tpu.memref_slice %arg7[%run_scoped3A, %dma_start3A] : memref<2x128xi32, #tpu.memory_space<vmem>> -> memref<1x128xi32, #tpu.memory_space<vmem>>
        %dma_start3A_62 = tpu.memref_squeeze %dma_start3A_61 : memref<1x128xi32, #tpu.memory_space<vmem>> -> memref<128xi32, #tpu.memory_space<vmem>>
        %dma_start3A_63 = tpu.memref_slice %arg3[%add3A_45] : memref<320000xi32, #tpu.memory_space<hbm>> -> memref<128xi32, #tpu.memory_space<hbm>>
        %dma_start3A_64 = arith.constant 0 : i32
        %dma_start3A_65 = tpu.memref_slice %arg7[%run_scoped3A, %dma_start3A_64] : memref<2x128xi32, #tpu.memory_space<vmem>> -> memref<1x128xi32, #tpu.memory_space<vmem>>
        %dma_start3A_66 = tpu.memref_squeeze %dma_start3A_65 : memref<1x128xi32, #tpu.memory_space<vmem>> -> memref<128xi32, #tpu.memory_space<vmem>>
        %dma_start3A_67 = tpu.memref_slice %arg3[%add3A_45] : memref<320000xi32, #tpu.memory_space<hbm>> -> memref<128xi32, #tpu.memory_space<hbm>>
        tpu.enqueue_dma source(%dma_start3A_67 : memref<128xi32, #tpu.memory_space<hbm>>) target(%dma_start3A_66 : memref<128xi32, #tpu.memory_space<vmem>>) target_semaphore(%run_scoped3A_60 : memref<!tpu.dma_semaphore, #tpu.memory_space<semaphore_mem>>)
        %dma_wait3A = arith.constant 0 : i32
        %dma_wait3A_68 = tpu.memref_slice %arg7[%run_scoped3A, %dma_wait3A] : memref<2x128xi32, #tpu.memory_space<vmem>> -> memref<1x128xi32, #tpu.memory_space<vmem>>
        %dma_wait3A_69 = tpu.memref_squeeze %dma_wait3A_68 : memref<1x128xi32, #tpu.memory_space<vmem>> -> memref<128xi32, #tpu.memory_space<vmem>>
        %dma_wait3A_70 = tpu.memref_slice %arg3[%add3A_45] : memref<320000xi32, #tpu.memory_space<hbm>> -> memref<128xi32, #tpu.memory_space<hbm>>
        %dma_wait3A_71 = arith.constant 0 : i32
        %dma_wait3A_72 = tpu.memref_slice %arg7[%run_scoped3A, %dma_wait3A_71] : memref<2x128xi32, #tpu.memory_space<vmem>> -> memref<1x128xi32, #tpu.memory_space<vmem>>
        %dma_wait3A_73 = tpu.memref_squeeze %dma_wait3A_72 : memref<1x128xi32, #tpu.memory_space<vmem>> -> memref<128xi32, #tpu.memory_space<vmem>>
        %dma_wait3A_74 = tpu.memref_slice %arg3[%add3A_45] : memref<320000xi32, #tpu.memory_space<hbm>> -> memref<128xi32, #tpu.memory_space<hbm>>
        tpu.wait_dma2 semaphore(%run_scoped3A_60 : memref<!tpu.dma_semaphore, #tpu.memory_space<semaphore_mem>>) src(%dma_wait3A_74 : memref<128xi32, #tpu.memory_space<hbm>>) dst(%dma_wait3A_73 : memref<128xi32, #tpu.memory_space<vmem>>)
        tpu.yield
      }) : () -> ()
      %add3A_46 = arith.constant 0 : i32
      %add3A_47 = arith.addi %mul3A_43, %add3A_46 : i32
      %run_scoped3A_48 = arith.constant 0 : i32
      "tpu.region"() ({
        %run_scoped3A_60 = tpu.sem_alloc : memref<!tpu.dma_semaphore, #tpu.memory_space<semaphore_mem>>
        %dma_start3A = arith.constant 0 : i32
        %dma_start3A_61 = tpu.memref_slice %arg8[%run_scoped3A_48, %dma_start3A] : memref<2x128xi32, #tpu.memory_space<vmem>> -> memref<1x128xi32, #tpu.memory_space<vmem>>
        %dma_start3A_62 = tpu.memref_squeeze %dma_start3A_61 : memref<1x128xi32, #tpu.memory_space<vmem>> -> memref<128xi32, #tpu.memory_space<vmem>>
        %dma_start3A_63 = tpu.memref_slice %arg4[%add3A_47] : memref<320000xi32, #tpu.memory_space<hbm>> -> memref<128xi32, #tpu.memory_space<hbm>>
        %dma_start3A_64 = arith.constant 0 : i32
        %dma_start3A_65 = tpu.memref_slice %arg8[%run_scoped3A_48, %dma_start3A_64] : memref<2x128xi32, #tpu.memory_space<vmem>> -> memref<1x128xi32, #tpu.memory_space<vmem>>
        %dma_start3A_66 = tpu.memref_squeeze %dma_start3A_65 : memref<1x128xi32, #tpu.memory_space<vmem>> -> memref<128xi32, #tpu.memory_space<vmem>>
        %dma_start3A_67 = tpu.memref_slice %arg4[%add3A_47] : memref<320000xi32, #tpu.memory_space<hbm>> -> memref<128xi32, #tpu.memory_space<hbm>>
        tpu.enqueue_dma source(%dma_start3A_67 : memref<128xi32, #tpu.memory_space<hbm>>) target(%dma_start3A_66 : memref<128xi32, #tpu.memory_space<vmem>>) target_semaphore(%run_scoped3A_60 : memref<!tpu.dma_semaphore, #tpu.memory_space<semaphore_mem>>)
        %dma_wait3A = arith.constant 0 : i32
        %dma_wait3A_68 = tpu.memref_slice %arg8[%run_scoped3A_48, %dma_wait3A] : memref<2x128xi32, #tpu.memory_space<vmem>> -> memref<1x128xi32, #tpu.memory_space<vmem>>
        %dma_wait3A_69 = tpu.memref_squeeze %dma_wait3A_68 : memref<1x128xi32, #tpu.memory_space<vmem>> -> memref<128xi32, #tpu.memory_space<vmem>>
        %dma_wait3A_70 = tpu.memref_slice %arg4[%add3A_47] : memref<320000xi32, #tpu.memory_space<hbm>> -> memref<128xi32, #tpu.memory_space<hbm>>
        %dma_wait3A_71 = arith.constant 0 : i32
        %dma_wait3A_72 = tpu.memref_slice %arg8[%run_scoped3A_48, %dma_wait3A_71] : memref<2x128xi32, #tpu.memory_space<vmem>> -> memref<1x128xi32, #tpu.memory_space<vmem>>
        %dma_wait3A_73 = tpu.memref_squeeze %dma_wait3A_72 : memref<1x128xi32, #tpu.memory_space<vmem>> -> memref<128xi32, #tpu.memory_space<vmem>>
        %dma_wait3A_74 = tpu.memref_slice %arg4[%add3A_47] : memref<320000xi32, #tpu.memory_space<hbm>> -> memref<128xi32, #tpu.memory_space<hbm>>
        tpu.wait_dma2 semaphore(%run_scoped3A_60 : memref<!tpu.dma_semaphore, #tpu.memory_space<semaphore_mem>>) src(%dma_wait3A_74 : memref<128xi32, #tpu.memory_space<hbm>>) dst(%dma_wait3A_73 : memref<128xi32, #tpu.memory_space<vmem>>)
        tpu.yield
      }) : () -> ()
      %add3A_49 = arith.constant 128 : i32
      %add3A_50 = arith.addi %mul3A_43, %add3A_49 : i32
      %run_scoped3A_51 = arith.constant 1 : i32
      "tpu.region"() ({
        %run_scoped3A_60 = tpu.sem_alloc : memref<!tpu.dma_semaphore, #tpu.memory_space<semaphore_mem>>
        %dma_start3A = arith.constant 0 : i32
        %dma_start3A_61 = tpu.memref_slice %arg7[%run_scoped3A_51, %dma_start3A] : memref<2x128xi32, #tpu.memory_space<vmem>> -> memref<1x128xi32, #tpu.memory_space<vmem>>
        %dma_start3A_62 = tpu.memref_squeeze %dma_start3A_61 : memref<1x128xi32, #tpu.memory_space<vmem>> -> memref<128xi32, #tpu.memory_space<vmem>>
        %dma_start3A_63 = tpu.memref_slice %arg3[%add3A_50] : memref<320000xi32, #tpu.memory_space<hbm>> -> memref<128xi32, #tpu.memory_space<hbm>>
        %dma_start3A_64 = arith.constant 0 : i32
        %dma_start3A_65 = tpu.memref_slice %arg7[%run_scoped3A_51, %dma_start3A_64] : memref<2x128xi32, #tpu.memory_space<vmem>> -> memref<1x128xi32, #tpu.memory_space<vmem>>
        %dma_start3A_66 = tpu.memref_squeeze %dma_start3A_65 : memref<1x128xi32, #tpu.memory_space<vmem>> -> memref<128xi32, #tpu.memory_space<vmem>>
        %dma_start3A_67 = tpu.memref_slice %arg3[%add3A_50] : memref<320000xi32, #tpu.memory_space<hbm>> -> memref<128xi32, #tpu.memory_space<hbm>>
        tpu.enqueue_dma source(%dma_start3A_67 : memref<128xi32, #tpu.memory_space<hbm>>) target(%dma_start3A_66 : memref<128xi32, #tpu.memory_space<vmem>>) target_semaphore(%run_scoped3A_60 : memref<!tpu.dma_semaphore, #tpu.memory_space<semaphore_mem>>)
        %dma_wait3A = arith.constant 0 : i32
        %dma_wait3A_68 = tpu.memref_slice %arg7[%run_scoped3A_51, %dma_wait3A] : memref<2x128xi32, #tpu.memory_space<vmem>> -> memref<1x128xi32, #tpu.memory_space<vmem>>
        %dma_wait3A_69 = tpu.memref_squeeze %dma_wait3A_68 : memref<1x128xi32, #tpu.memory_space<vmem>> -> memref<128xi32, #tpu.memory_space<vmem>>
        %dma_wait3A_70 = tpu.memref_slice %arg3[%add3A_50] : memref<320000xi32, #tpu.memory_space<hbm>> -> memref<128xi32, #tpu.memory_space<hbm>>
        %dma_wait3A_71 = arith.constant 0 : i32
        %dma_wait3A_72 = tpu.memref_slice %arg7[%run_scoped3A_51, %dma_wait3A_71] : memref<2x128xi32, #tpu.memory_space<vmem>> -> memref<1x128xi32, #tpu.memory_space<vmem>>
        %dma_wait3A_73 = tpu.memref_squeeze %dma_wait3A_72 : memref<1x128xi32, #tpu.memory_space<vmem>> -> memref<128xi32, #tpu.memory_space<vmem>>
        %dma_wait3A_74 = tpu.memref_slice %arg3[%add3A_50] : memref<320000xi32, #tpu.memory_space<hbm>> -> memref<128xi32, #tpu.memory_space<hbm>>
        tpu.wait_dma2 semaphore(%run_scoped3A_60 : memref<!tpu.dma_semaphore, #tpu.memory_space<semaphore_mem>>) src(%dma_wait3A_74 : memref<128xi32, #tpu.memory_space<hbm>>) dst(%dma_wait3A_73 : memref<128xi32, #tpu.memory_space<vmem>>)
        tpu.yield
      }) : () -> ()
      %add3A_52 = arith.constant 128 : i32
      %add3A_53 = arith.addi %mul3A_43, %add3A_52 : i32
      %run_scoped3A_54 = arith.constant 1 : i32
      "tpu.region"() ({
        %run_scoped3A_60 = tpu.sem_alloc : memref<!tpu.dma_semaphore, #tpu.memory_space<semaphore_mem>>
        %dma_start3A = arith.constant 0 : i32
        %dma_start3A_61 = tpu.memref_slice %arg8[%run_scoped3A_54, %dma_start3A] : memref<2x128xi32, #tpu.memory_space<vmem>> -> memref<1x128xi32, #tpu.memory_space<vmem>>
        %dma_start3A_62 = tpu.memref_squeeze %dma_start3A_61 : memref<1x128xi32, #tpu.memory_space<vmem>> -> memref<128xi32, #tpu.memory_space<vmem>>
        %dma_start3A_63 = tpu.memref_slice %arg4[%add3A_53] : memref<320000xi32, #tpu.memory_space<hbm>> -> memref<128xi32, #tpu.memory_space<hbm>>
        %dma_start3A_64 = arith.constant 0 : i32
        %dma_start3A_65 = tpu.memref_slice %arg8[%run_scoped3A_54, %dma_start3A_64] : memref<2x128xi32, #tpu.memory_space<vmem>> -> memref<1x128xi32, #tpu.memory_space<vmem>>
        %dma_start3A_66 = tpu.memref_squeeze %dma_start3A_65 : memref<1x128xi32, #tpu.memory_space<vmem>> -> memref<128xi32, #tpu.memory_space<vmem>>
        %dma_start3A_67 = tpu.memref_slice %arg4[%add3A_53] : memref<320000xi32, #tpu.memory_space<hbm>> -> memref<128xi32, #tpu.memory_space<hbm>>
        tpu.enqueue_dma source(%dma_start3A_67 : memref<128xi32, #tpu.memory_space<hbm>>) target(%dma_start3A_66 : memref<128xi32, #tpu.memory_space<vmem>>) target_semaphore(%run_scoped3A_60 : memref<!tpu.dma_semaphore, #tpu.memory_space<semaphore_mem>>)
        %dma_wait3A = arith.constant 0 : i32
        %dma_wait3A_68 = tpu.memref_slice %arg8[%run_scoped3A_54, %dma_wait3A] : memref<2x128xi32, #tpu.memory_space<vmem>> -> memref<1x128xi32, #tpu.memory_space<vmem>>
        %dma_wait3A_69 = tpu.memref_squeeze %dma_wait3A_68 : memref<1x128xi32, #tpu.memory_space<vmem>> -> memref<128xi32, #tpu.memory_space<vmem>>
        %dma_wait3A_70 = tpu.memref_slice %arg4[%add3A_53] : memref<320000xi32, #tpu.memory_space<hbm>> -> memref<128xi32, #tpu.memory_space<hbm>>
        %dma_wait3A_71 = arith.constant 0 : i32
        %dma_wait3A_72 = tpu.memref_slice %arg8[%run_scoped3A_54, %dma_wait3A_71] : memref<2x128xi32, #tpu.memory_space<vmem>> -> memref<1x128xi32, #tpu.memory_space<vmem>>
        %dma_wait3A_73 = tpu.memref_squeeze %dma_wait3A_72 : memref<1x128xi32, #tpu.memory_space<vmem>> -> memref<128xi32, #tpu.memory_space<vmem>>
        %dma_wait3A_74 = tpu.memref_slice %arg4[%add3A_53] : memref<320000xi32, #tpu.memory_space<hbm>> -> memref<128xi32, #tpu.memory_space<hbm>>
        tpu.wait_dma2 semaphore(%run_scoped3A_60 : memref<!tpu.dma_semaphore, #tpu.memory_space<semaphore_mem>>) src(%dma_wait3A_74 : memref<128xi32, #tpu.memory_space<hbm>>) dst(%dma_wait3A_73 : memref<128xi32, #tpu.memory_space<vmem>>)
        tpu.yield
      }) : () -> ()
      %run_scoped3A_55 = arith.constant 0 : i32
      "tpu.region"() ({
        %run_scoped3A_60 = tpu.sem_alloc : memref<!tpu.dma_semaphore, #tpu.memory_space<semaphore_mem>>
        %dma_start3A = arith.constant 0 : i32
        %dma_start3A_61 = arith.constant 0 : i32
        %dma_start3A_62 = tpu.memref_slice %arg9[%dma_start3A, %dma_start3A_61] : memref<256x128xf32, #tpu.memory_space<vmem>> -> memref<128x128xf32, #tpu.memory_space<vmem>>
        %dma_start3A_63 = arith.constant 0 : i32
        %dma_start3A_64 = tpu.memref_slice %arg7[%run_scoped3A_55, %dma_start3A_63] : memref<2x128xi32, #tpu.memory_space<vmem>> -> memref<1x128xi32, #tpu.memory_space<vmem>>
        %dma_start3A_65 = tpu.memref_squeeze %dma_start3A_64 : memref<1x128xi32, #tpu.memory_space<vmem>> -> memref<128xi32, #tpu.memory_space<vmem>>
        %dma_start3A_66 = arith.constant 0 : i32
        %dma_start3A_67 = arith.constant 0 : i32
        %dma_start3A_68 = tpu.memref_slice %arg2[%dma_start3A_66, %dma_start3A_67] : memref<10000x128xf32, #tpu.memory_space<hbm>> -> memref<10000x128xf32, #tpu.memory_space<hbm>>
        tpu.enqueue_indirect_dma source(%dma_start3A_68 : memref<10000x128xf32, #tpu.memory_space<hbm>>) target(%dma_start3A_62 : memref<128x128xf32, #tpu.memory_space<vmem>>) offsets(%dma_start3A_65 : memref<128xi32, #tpu.memory_space<vmem>>) semaphore(%run_scoped3A_60 : memref<!tpu.dma_semaphore, #tpu.memory_space<semaphore_mem>>)
        %dma_wait3A = arith.constant 0 : i32
        %dma_wait3A_69 = arith.constant 0 : i32
        %dma_wait3A_70 = tpu.memref_slice %arg9[%dma_wait3A, %dma_wait3A_69] : memref<256x128xf32, #tpu.memory_space<vmem>> -> memref<128x128xf32, #tpu.memory_space<vmem>>
        %dma_wait3A_71 = arith.constant 0 : i32
        %dma_wait3A_72 = tpu.memref_slice %arg7[%run_scoped3A_55, %dma_wait3A_71] : memref<2x128xi32, #tpu.memory_space<vmem>> -> memref<1x128xi32, #tpu.memory_space<vmem>>
        %dma_wait3A_73 = tpu.memref_squeeze %dma_wait3A_72 : memref<1x128xi32, #tpu.memory_space<vmem>> -> memref<128xi32, #tpu.memory_space<vmem>>
        %dma_wait3A_74 = arith.constant 0 : i32
        %dma_wait3A_75 = arith.constant 0 : i32
        %dma_wait3A_76 = tpu.memref_slice %arg2[%dma_wait3A_74, %dma_wait3A_75] : memref<10000x128xf32, #tpu.memory_space<hbm>> -> memref<10000x128xf32, #tpu.memory_space<hbm>>
        tpu.wait_indirect_dma semaphore(%run_scoped3A_60 : memref<!tpu.dma_semaphore, #tpu.memory_space<semaphore_mem>>) src(%dma_wait3A_76 : memref<10000x128xf32, #tpu.memory_space<hbm>>) dst(%dma_wait3A_70 : memref<128x128xf32, #tpu.memory_space<vmem>>)
        tpu.yield
      }) : () -> ()
      %run_scoped3A_56 = arith.constant 0 : i32
      "tpu.region"() ({
        %run_scoped3A_60 = tpu.sem_alloc : memref<!tpu.dma_semaphore, #tpu.memory_space<semaphore_mem>>
        %dma_start3A = arith.constant 0 : i32
        %dma_start3A_61 = arith.constant 0 : i32
        %dma_start3A_62 = tpu.memref_slice %arg10[%dma_start3A, %dma_start3A_61] : memref<256x128xf32, #tpu.memory_space<vmem>> -> memref<128x128xf32, #tpu.memory_space<vmem>>
        %dma_start3A_63 = arith.constant 0 : i32
        %dma_start3A_64 = tpu.memref_slice %arg8[%run_scoped3A_56, %dma_start3A_63] : memref<2x128xi32, #tpu.memory_space<vmem>> -> memref<1x128xi32, #tpu.memory_space<vmem>>
        %dma_start3A_65 = tpu.memref_squeeze %dma_start3A_64 : memref<1x128xi32, #tpu.memory_space<vmem>> -> memref<128xi32, #tpu.memory_space<vmem>>
        %dma_start3A_66 = arith.constant 0 : i32
        %dma_start3A_67 = arith.constant 0 : i32
        %dma_start3A_68 = tpu.memref_slice %arg2[%dma_start3A_66, %dma_start3A_67] : memref<10000x128xf32, #tpu.memory_space<hbm>> -> memref<10000x128xf32, #tpu.memory_space<hbm>>
        tpu.enqueue_indirect_dma source(%dma_start3A_68 : memref<10000x128xf32, #tpu.memory_space<hbm>>) target(%dma_start3A_62 : memref<128x128xf32, #tpu.memory_space<vmem>>) offsets(%dma_start3A_65 : memref<128xi32, #tpu.memory_space<vmem>>) semaphore(%run_scoped3A_60 : memref<!tpu.dma_semaphore, #tpu.memory_space<semaphore_mem>>)
        %dma_wait3A = arith.constant 0 : i32
        %dma_wait3A_69 = arith.constant 0 : i32
        %dma_wait3A_70 = tpu.memref_slice %arg10[%dma_wait3A, %dma_wait3A_69] : memref<256x128xf32, #tpu.memory_space<vmem>> -> memref<128x128xf32, #tpu.memory_space<vmem>>
        %dma_wait3A_71 = arith.constant 0 : i32
        %dma_wait3A_72 = tpu.memref_slice %arg8[%run_scoped3A_56, %dma_wait3A_71] : memref<2x128xi32, #tpu.memory_space<vmem>> -> memref<1x128xi32, #tpu.memory_space<vmem>>
        %dma_wait3A_73 = tpu.memref_squeeze %dma_wait3A_72 : memref<1x128xi32, #tpu.memory_space<vmem>> -> memref<128xi32, #tpu.memory_space<vmem>>
        %dma_wait3A_74 = arith.constant 0 : i32
        %dma_wait3A_75 = arith.constant 0 : i32
        %dma_wait3A_76 = tpu.memref_slice %arg2[%dma_wait3A_74, %dma_wait3A_75] : memref<10000x128xf32, #tpu.memory_space<hbm>> -> memref<10000x128xf32, #tpu.memory_space<hbm>>
        tpu.wait_indirect_dma semaphore(%run_scoped3A_60 : memref<!tpu.dma_semaphore, #tpu.memory_space<semaphore_mem>>) src(%dma_wait3A_76 : memref<10000x128xf32, #tpu.memory_space<hbm>>) dst(%dma_wait3A_70 : memref<128x128xf32, #tpu.memory_space<vmem>>)
        tpu.yield
      }) : () -> ()
      %run_scoped3A_57 = arith.constant 1 : i32
      "tpu.region"() ({
        %run_scoped3A_60 = tpu.sem_alloc : memref<!tpu.dma_semaphore, #tpu.memory_space<semaphore_mem>>
        %dma_start3A = arith.constant 128 : i32
        %dma_start3A_61 = arith.constant 0 : i32
        %dma_start3A_62 = tpu.memref_slice %arg9[%dma_start3A, %dma_start3A_61] : memref<256x128xf32, #tpu.memory_space<vmem>> -> memref<128x128xf32, #tpu.memory_space<vmem>>
        %dma_start3A_63 = arith.constant 0 : i32
        %dma_start3A_64 = tpu.memref_slice %arg7[%run_scoped3A_57, %dma_start3A_63] : memref<2x128xi32, #tpu.memory_space<vmem>> -> memref<1x128xi32, #tpu.memory_space<vmem>>
        %dma_start3A_65 = tpu.memref_squeeze %dma_start3A_64 : memref<1x128xi32, #tpu.memory_space<vmem>> -> memref<128xi32, #tpu.memory_space<vmem>>
        %dma_start3A_66 = arith.constant 0 : i32
        %dma_start3A_67 = arith.constant 0 : i32
        %dma_start3A_68 = tpu.memref_slice %arg2[%dma_start3A_66, %dma_start3A_67] : memref<10000x128xf32, #tpu.memory_space<hbm>> -> memref<10000x128xf32, #tpu.memory_space<hbm>>
        tpu.enqueue_indirect_dma source(%dma_start3A_68 : memref<10000x128xf32, #tpu.memory_space<hbm>>) target(%dma_start3A_62 : memref<128x128xf32, #tpu.memory_space<vmem>>) offsets(%dma_start3A_65 : memref<128xi32, #tpu.memory_space<vmem>>) semaphore(%run_scoped3A_60 : memref<!tpu.dma_semaphore, #tpu.memory_space<semaphore_mem>>)
        %dma_wait3A = arith.constant 128 : i32
        %dma_wait3A_69 = arith.constant 0 : i32
        %dma_wait3A_70 = tpu.memref_slice %arg9[%dma_wait3A, %dma_wait3A_69] : memref<256x128xf32, #tpu.memory_space<vmem>> -> memref<128x128xf32, #tpu.memory_space<vmem>>
        %dma_wait3A_71 = arith.constant 0 : i32
        %dma_wait3A_72 = tpu.memref_slice %arg7[%run_scoped3A_57, %dma_wait3A_71] : memref<2x128xi32, #tpu.memory_space<vmem>> -> memref<1x128xi32, #tpu.memory_space<vmem>>
        %dma_wait3A_73 = tpu.memref_squeeze %dma_wait3A_72 : memref<1x128xi32, #tpu.memory_space<vmem>> -> memref<128xi32, #tpu.memory_space<vmem>>
        %dma_wait3A_74 = arith.constant 0 : i32
        %dma_wait3A_75 = arith.constant 0 : i32
        %dma_wait3A_76 = tpu.memref_slice %arg2[%dma_wait3A_74, %dma_wait3A_75] : memref<10000x128xf32, #tpu.memory_space<hbm>> -> memref<10000x128xf32, #tpu.memory_space<hbm>>
        tpu.wait_indirect_dma semaphore(%run_scoped3A_60 : memref<!tpu.dma_semaphore, #tpu.memory_space<semaphore_mem>>) src(%dma_wait3A_76 : memref<10000x128xf32, #tpu.memory_space<hbm>>) dst(%dma_wait3A_70 : memref<128x128xf32, #tpu.memory_space<vmem>>)
        tpu.yield
      }) : () -> ()
      %run_scoped3A_58 = arith.constant 1 : i32
      "tpu.region"() ({
        %run_scoped3A_60 = tpu.sem_alloc : memref<!tpu.dma_semaphore, #tpu.memory_space<semaphore_mem>>
        %dma_start3A = arith.constant 128 : i32
        %dma_start3A_61 = arith.constant 0 : i32
        %dma_start3A_62 = tpu.memref_slice %arg10[%dma_start3A, %dma_start3A_61] : memref<256x128xf32, #tpu.memory_space<vmem>> -> memref<128x128xf32, #tpu.memory_space<vmem>>
        %dma_start3A_63 = arith.constant 0 : i32
        %dma_start3A_64 = tpu.memref_slice %arg8[%run_scoped3A_58, %dma_start3A_63] : memref<2x128xi32, #tpu.memory_space<vmem>> -> memref<1x128xi32, #tpu.memory_space<vmem>>
        %dma_start3A_65 = tpu.memref_squeeze %dma_start3A_64 : memref<1x128xi32, #tpu.memory_space<vmem>> -> memref<128xi32, #tpu.memory_space<vmem>>
        %dma_start3A_66 = arith.constant 0 : i32
        %dma_start3A_67 = arith.constant 0 : i32
        %dma_start3A_68 = tpu.memref_slice %arg2[%dma_start3A_66, %dma_start3A_67] : memref<10000x128xf32, #tpu.memory_space<hbm>> -> memref<10000x128xf32, #tpu.memory_space<hbm>>
        tpu.enqueue_indirect_dma source(%dma_start3A_68 : memref<10000x128xf32, #tpu.memory_space<hbm>>) target(%dma_start3A_62 : memref<128x128xf32, #tpu.memory_space<vmem>>) offsets(%dma_start3A_65 : memref<128xi32, #tpu.memory_space<vmem>>) semaphore(%run_scoped3A_60 : memref<!tpu.dma_semaphore, #tpu.memory_space<semaphore_mem>>)
        %dma_wait3A = arith.constant 128 : i32
        %dma_wait3A_69 = arith.constant 0 : i32
        %dma_wait3A_70 = tpu.memref_slice %arg10[%dma_wait3A, %dma_wait3A_69] : memref<256x128xf32, #tpu.memory_space<vmem>> -> memref<128x128xf32, #tpu.memory_space<vmem>>
        %dma_wait3A_71 = arith.constant 0 : i32
        %dma_wait3A_72 = tpu.memref_slice %arg8[%run_scoped3A_58, %dma_wait3A_71] : memref<2x128xi32, #tpu.memory_space<vmem>> -> memref<1x128xi32, #tpu.memory_space<vmem>>
        %dma_wait3A_73 = tpu.memref_squeeze %dma_wait3A_72 : memref<1x128xi32, #tpu.memory_space<vmem>> -> memref<128xi32, #tpu.memory_space<vmem>>
        %dma_wait3A_74 = arith.constant 0 : i32
        %dma_wait3A_75 = arith.constant 0 : i32
        %dma_wait3A_76 = tpu.memref_slice %arg2[%dma_wait3A_74, %dma_wait3A_75] : memref<10000x128xf32, #tpu.memory_space<hbm>> -> memref<10000x128xf32, #tpu.memory_space<hbm>>
        tpu.wait_indirect_dma semaphore(%run_scoped3A_60 : memref<!tpu.dma_semaphore, #tpu.memory_space<semaphore_mem>>) src(%dma_wait3A_76 : memref<10000x128xf32, #tpu.memory_space<hbm>>) dst(%dma_wait3A_70 : memref<128x128xf32, #tpu.memory_space<vmem>>)
        tpu.yield
      }) : () -> ()
      "tpu.region"() ({
        %run_scoped3A_60 = tpu.sem_alloc : memref<!tpu.dma_semaphore, #tpu.memory_space<semaphore_mem>>
        %dma_start3A = arith.constant 0 : i32
        %dma_start3A_61 = tpu.memref_slice %arg5[%mul3A_43, %dma_start3A] : memref<320000x128xf32, #tpu.memory_space<hbm>> -> memref<256x128xf32, #tpu.memory_space<hbm>>
        %dma_start3A_62 = arith.constant 0 : i32
        %dma_start3A_63 = tpu.memref_slice %arg5[%mul3A_43, %dma_start3A_62] : memref<320000x128xf32, #tpu.memory_space<hbm>> -> memref<256x128xf32, #tpu.memory_space<hbm>>
        tpu.enqueue_dma source(%arg9 : memref<256x128xf32, #tpu.memory_space<vmem>>) target(%dma_start3A_63 : memref<256x128xf32, #tpu.memory_space<hbm>>) target_semaphore(%run_scoped3A_60 : memref<!tpu.dma_semaphore, #tpu.memory_space<semaphore_mem>>)
        %dma_wait3A = arith.constant 0 : i32
        %dma_wait3A_64 = tpu.memref_slice %arg5[%mul3A_43, %dma_wait3A] : memref<320000x128xf32, #tpu.memory_space<hbm>> -> memref<256x128xf32, #tpu.memory_space<hbm>>
        %dma_wait3A_65 = arith.constant 0 : i32
        %dma_wait3A_66 = tpu.memref_slice %arg5[%mul3A_43, %dma_wait3A_65] : memref<320000x128xf32, #tpu.memory_space<hbm>> -> memref<256x128xf32, #tpu.memory_space<hbm>>
        tpu.wait_dma2 semaphore(%run_scoped3A_60 : memref<!tpu.dma_semaphore, #tpu.memory_space<semaphore_mem>>) src(%arg9 : memref<256x128xf32, #tpu.memory_space<vmem>>) dst(%dma_wait3A_66 : memref<256x128xf32, #tpu.memory_space<hbm>>)
        tpu.yield
      }) : () -> ()
      "tpu.region"() ({
        %run_scoped3A_60 = tpu.sem_alloc : memref<!tpu.dma_semaphore, #tpu.memory_space<semaphore_mem>>
        %dma_start3A = arith.constant 0 : i32
        %dma_start3A_61 = tpu.memref_slice %arg6[%mul3A_43, %dma_start3A] : memref<320000x128xf32, #tpu.memory_space<hbm>> -> memref<256x128xf32, #tpu.memory_space<hbm>>
        %dma_start3A_62 = arith.constant 0 : i32
        %dma_start3A_63 = tpu.memref_slice %arg6[%mul3A_43, %dma_start3A_62] : memref<320000x128xf32, #tpu.memory_space<hbm>> -> memref<256x128xf32, #tpu.memory_space<hbm>>
        tpu.enqueue_dma source(%arg10 : memref<256x128xf32, #tpu.memory_space<vmem>>) target(%dma_start3A_63 : memref<256x128xf32, #tpu.memory_space<hbm>>) target_semaphore(%run_scoped3A_60 : memref<!tpu.dma_semaphore, #tpu.memory_space<semaphore_mem>>)
        %dma_wait3A = arith.constant 0 : i32
        %dma_wait3A_64 = tpu.memref_slice %arg6[%mul3A_43, %dma_wait3A] : memref<320000x128xf32, #tpu.memory_space<hbm>> -> memref<256x128xf32, #tpu.memory_space<hbm>>
        %dma_wait3A_65 = arith.constant 0 : i32
        %dma_wait3A_66 = tpu.memref_slice %arg6[%mul3A_43, %dma_wait3A_65] : memref<320000x128xf32, #tpu.memory_space<hbm>> -> memref<256x128xf32, #tpu.memory_space<hbm>>
        tpu.wait_dma2 semaphore(%run_scoped3A_60 : memref<!tpu.dma_semaphore, #tpu.memory_space<semaphore_mem>>) src(%arg10 : memref<256x128xf32, #tpu.memory_space<vmem>>) dst(%dma_wait3A_66 : memref<256x128xf32, #tpu.memory_space<hbm>>)
        tpu.yield
      }) : () -> ()
      %while3A_59 = arith.constant 0 : i32
      scf.yield %while3A_59 : i32
    }
    %while3A_35 = arith.constant 1 : i32
    %while3A_36 = scf.for %while3A_37 = %while3A_32 to %while3A_28 step %while3A_35 iter_args(%while3A_38 = %while3A_34) -> (i32)  : i32 {
      %mul3A_39 = arith.constant 32 : i32
      %mul3A_40 = arith.muli %while3A_37, %mul3A_39 : i32
      %add3A_41 = arith.addi %add3A, %mul3A_40 : i32
      %mul3A_42 = arith.constant 256 : i32
      %mul3A_43 = arith.muli %add3A_41, %mul3A_42 : i32
      %add3A_44 = arith.constant 0 : i32
      %add3A_45 = arith.addi %mul3A_43, %add3A_44 : i32
      %run_scoped3A = arith.constant 0 : i32
      "tpu.region"() ({
        %run_scoped3A_60 = tpu.sem_alloc : memref<!tpu.dma_semaphore, #tpu.memory_space<semaphore_mem>>
        %dma_start3A = arith.constant 0 : i32
        %dma_start3A_61 = tpu.memref_slice %arg7[%run_scoped3A, %dma_start3A] : memref<2x128xi32, #tpu.memory_space<vmem>> -> memref<1x128xi32, #tpu.memory_space<vmem>>
        %dma_start3A_62 = tpu.memref_squeeze %dma_start3A_61 : memref<1x128xi32, #tpu.memory_space<vmem>> -> memref<128xi32, #tpu.memory_space<vmem>>
        %dma_start3A_63 = tpu.memref_slice %arg3[%add3A_45] : memref<320000xi32, #tpu.memory_space<hbm>> -> memref<128xi32, #tpu.memory_space<hbm>>
        %dma_start3A_64 = arith.constant 0 : i32
        %dma_start3A_65 = tpu.memref_slice %arg7[%run_scoped3A, %dma_start3A_64] : memref<2x128xi32, #tpu.memory_space<vmem>> -> memref<1x128xi32, #tpu.memory_space<vmem>>
        %dma_start3A_66 = tpu.memref_squeeze %dma_start3A_65 : memref<1x128xi32, #tpu.memory_space<vmem>> -> memref<128xi32, #tpu.memory_space<vmem>>
        %dma_start3A_67 = tpu.memref_slice %arg3[%add3A_45] : memref<320000xi32, #tpu.memory_space<hbm>> -> memref<128xi32, #tpu.memory_space<hbm>>
        tpu.enqueue_dma source(%dma_start3A_67 : memref<128xi32, #tpu.memory_space<hbm>>) target(%dma_start3A_66 : memref<128xi32, #tpu.memory_space<vmem>>) target_semaphore(%run_scoped3A_60 : memref<!tpu.dma_semaphore, #tpu.memory_space<semaphore_mem>>)
        %dma_wait3A = arith.constant 0 : i32
        %dma_wait3A_68 = tpu.memref_slice %arg7[%run_scoped3A, %dma_wait3A] : memref<2x128xi32, #tpu.memory_space<vmem>> -> memref<1x128xi32, #tpu.memory_space<vmem>>
        %dma_wait3A_69 = tpu.memref_squeeze %dma_wait3A_68 : memref<1x128xi32, #tpu.memory_space<vmem>> -> memref<128xi32, #tpu.memory_space<vmem>>
        %dma_wait3A_70 = tpu.memref_slice %arg3[%add3A_45] : memref<320000xi32, #tpu.memory_space<hbm>> -> memref<128xi32, #tpu.memory_space<hbm>>
        %dma_wait3A_71 = arith.constant 0 : i32
        %dma_wait3A_72 = tpu.memref_slice %arg7[%run_scoped3A, %dma_wait3A_71] : memref<2x128xi32, #tpu.memory_space<vmem>> -> memref<1x128xi32, #tpu.memory_space<vmem>>
        %dma_wait3A_73 = tpu.memref_squeeze %dma_wait3A_72 : memref<1x128xi32, #tpu.memory_space<vmem>> -> memref<128xi32, #tpu.memory_space<vmem>>
        %dma_wait3A_74 = tpu.memref_slice %arg3[%add3A_45] : memref<320000xi32, #tpu.memory_space<hbm>> -> memref<128xi32, #tpu.memory_space<hbm>>
        tpu.wait_dma2 semaphore(%run_scoped3A_60 : memref<!tpu.dma_semaphore, #tpu.memory_space<semaphore_mem>>) src(%dma_wait3A_74 : memref<128xi32, #tpu.memory_space<hbm>>) dst(%dma_wait3A_73 : memref<128xi32, #tpu.memory_space<vmem>>)
        tpu.yield
      }) : () -> ()
      %add3A_46 = arith.constant 0 : i32
      %add3A_47 = arith.addi %mul3A_43, %add3A_46 : i32
      %run_scoped3A_48 = arith.constant 0 : i32
      "tpu.region"() ({
        %run_scoped3A_60 = tpu.sem_alloc : memref<!tpu.dma_semaphore, #tpu.memory_space<semaphore_mem>>
        %dma_start3A = arith.constant 0 : i32
        %dma_start3A_61 = tpu.memref_slice %arg8[%run_scoped3A_48, %dma_start3A] : memref<2x128xi32, #tpu.memory_space<vmem>> -> memref<1x128xi32, #tpu.memory_space<vmem>>
        %dma_start3A_62 = tpu.memref_squeeze %dma_start3A_61 : memref<1x128xi32, #tpu.memory_space<vmem>> -> memref<128xi32, #tpu.memory_space<vmem>>
        %dma_start3A_63 = tpu.memref_slice %arg4[%add3A_47] : memref<320000xi32, #tpu.memory_space<hbm>> -> memref<128xi32, #tpu.memory_space<hbm>>
        %dma_start3A_64 = arith.constant 0 : i32
        %dma_start3A_65 = tpu.memref_slice %arg8[%run_scoped3A_48, %dma_start3A_64] : memref<2x128xi32, #tpu.memory_space<vmem>> -> memref<1x128xi32, #tpu.memory_space<vmem>>
        %dma_start3A_66 = tpu.memref_squeeze %dma_start3A_65 : memref<1x128xi32, #tpu.memory_space<vmem>> -> memref<128xi32, #tpu.memory_space<vmem>>
        %dma_start3A_67 = tpu.memref_slice %arg4[%add3A_47] : memref<320000xi32, #tpu.memory_space<hbm>> -> memref<128xi32, #tpu.memory_space<hbm>>
        tpu.enqueue_dma source(%dma_start3A_67 : memref<128xi32, #tpu.memory_space<hbm>>) target(%dma_start3A_66 : memref<128xi32, #tpu.memory_space<vmem>>) target_semaphore(%run_scoped3A_60 : memref<!tpu.dma_semaphore, #tpu.memory_space<semaphore_mem>>)
        %dma_wait3A = arith.constant 0 : i32
        %dma_wait3A_68 = tpu.memref_slice %arg8[%run_scoped3A_48, %dma_wait3A] : memref<2x128xi32, #tpu.memory_space<vmem>> -> memref<1x128xi32, #tpu.memory_space<vmem>>
        %dma_wait3A_69 = tpu.memref_squeeze %dma_wait3A_68 : memref<1x128xi32, #tpu.memory_space<vmem>> -> memref<128xi32, #tpu.memory_space<vmem>>
        %dma_wait3A_70 = tpu.memref_slice %arg4[%add3A_47] : memref<320000xi32, #tpu.memory_space<hbm>> -> memref<128xi32, #tpu.memory_space<hbm>>
        %dma_wait3A_71 = arith.constant 0 : i32
        %dma_wait3A_72 = tpu.memref_slice %arg8[%run_scoped3A_48, %dma_wait3A_71] : memref<2x128xi32, #tpu.memory_space<vmem>> -> memref<1x128xi32, #tpu.memory_space<vmem>>
        %dma_wait3A_73 = tpu.memref_squeeze %dma_wait3A_72 : memref<1x128xi32, #tpu.memory_space<vmem>> -> memref<128xi32, #tpu.memory_space<vmem>>
        %dma_wait3A_74 = tpu.memref_slice %arg4[%add3A_47] : memref<320000xi32, #tpu.memory_space<hbm>> -> memref<128xi32, #tpu.memory_space<hbm>>
        tpu.wait_dma2 semaphore(%run_scoped3A_60 : memref<!tpu.dma_semaphore, #tpu.memory_space<semaphore_mem>>) src(%dma_wait3A_74 : memref<128xi32, #tpu.memory_space<hbm>>) dst(%dma_wait3A_73 : memref<128xi32, #tpu.memory_space<vmem>>)
        tpu.yield
      }) : () -> ()
      %add3A_49 = arith.constant 128 : i32
      %add3A_50 = arith.addi %mul3A_43, %add3A_49 : i32
      %run_scoped3A_51 = arith.constant 1 : i32
      "tpu.region"() ({
        %run_scoped3A_60 = tpu.sem_alloc : memref<!tpu.dma_semaphore, #tpu.memory_space<semaphore_mem>>
        %dma_start3A = arith.constant 0 : i32
        %dma_start3A_61 = tpu.memref_slice %arg7[%run_scoped3A_51, %dma_start3A] : memref<2x128xi32, #tpu.memory_space<vmem>> -> memref<1x128xi32, #tpu.memory_space<vmem>>
        %dma_start3A_62 = tpu.memref_squeeze %dma_start3A_61 : memref<1x128xi32, #tpu.memory_space<vmem>> -> memref<128xi32, #tpu.memory_space<vmem>>
        %dma_start3A_63 = tpu.memref_slice %arg3[%add3A_50] : memref<320000xi32, #tpu.memory_space<hbm>> -> memref<128xi32, #tpu.memory_space<hbm>>
        %dma_start3A_64 = arith.constant 0 : i32
        %dma_start3A_65 = tpu.memref_slice %arg7[%run_scoped3A_51, %dma_start3A_64] : memref<2x128xi32, #tpu.memory_space<vmem>> -> memref<1x128xi32, #tpu.memory_space<vmem>>
        %dma_start3A_66 = tpu.memref_squeeze %dma_start3A_65 : memref<1x128xi32, #tpu.memory_space<vmem>> -> memref<128xi32, #tpu.memory_space<vmem>>
        %dma_start3A_67 = tpu.memref_slice %arg3[%add3A_50] : memref<320000xi32, #tpu.memory_space<hbm>> -> memref<128xi32, #tpu.memory_space<hbm>>
        tpu.enqueue_dma source(%dma_start3A_67 : memref<128xi32, #tpu.memory_space<hbm>>) target(%dma_start3A_66 : memref<128xi32, #tpu.memory_space<vmem>>) target_semaphore(%run_scoped3A_60 : memref<!tpu.dma_semaphore, #tpu.memory_space<semaphore_mem>>)
        %dma_wait3A = arith.constant 0 : i32
        %dma_wait3A_68 = tpu.memref_slice %arg7[%run_scoped3A_51, %dma_wait3A] : memref<2x128xi32, #tpu.memory_space<vmem>> -> memref<1x128xi32, #tpu.memory_space<vmem>>
        %dma_wait3A_69 = tpu.memref_squeeze %dma_wait3A_68 : memref<1x128xi32, #tpu.memory_space<vmem>> -> memref<128xi32, #tpu.memory_space<vmem>>
        %dma_wait3A_70 = tpu.memref_slice %arg3[%add3A_50] : memref<320000xi32, #tpu.memory_space<hbm>> -> memref<128xi32, #tpu.memory_space<hbm>>
        %dma_wait3A_71 = arith.constant 0 : i32
        %dma_wait3A_72 = tpu.memref_slice %arg7[%run_scoped3A_51, %dma_wait3A_71] : memref<2x128xi32, #tpu.memory_space<vmem>> -> memref<1x128xi32, #tpu.memory_space<vmem>>
        %dma_wait3A_73 = tpu.memref_squeeze %dma_wait3A_72 : memref<1x128xi32, #tpu.memory_space<vmem>> -> memref<128xi32, #tpu.memory_space<vmem>>
        %dma_wait3A_74 = tpu.memref_slice %arg3[%add3A_50] : memref<320000xi32, #tpu.memory_space<hbm>> -> memref<128xi32, #tpu.memory_space<hbm>>
        tpu.wait_dma2 semaphore(%run_scoped3A_60 : memref<!tpu.dma_semaphore, #tpu.memory_space<semaphore_mem>>) src(%dma_wait3A_74 : memref<128xi32, #tpu.memory_space<hbm>>) dst(%dma_wait3A_73 : memref<128xi32, #tpu.memory_space<vmem>>)
        tpu.yield
      }) : () -> ()
      %add3A_52 = arith.constant 128 : i32
      %add3A_53 = arith.addi %mul3A_43, %add3A_52 : i32
      %run_scoped3A_54 = arith.constant 1 : i32
      "tpu.region"() ({
        %run_scoped3A_60 = tpu.sem_alloc : memref<!tpu.dma_semaphore, #tpu.memory_space<semaphore_mem>>
        %dma_start3A = arith.constant 0 : i32
        %dma_start3A_61 = tpu.memref_slice %arg8[%run_scoped3A_54, %dma_start3A] : memref<2x128xi32, #tpu.memory_space<vmem>> -> memref<1x128xi32, #tpu.memory_space<vmem>>
        %dma_start3A_62 = tpu.memref_squeeze %dma_start3A_61 : memref<1x128xi32, #tpu.memory_space<vmem>> -> memref<128xi32, #tpu.memory_space<vmem>>
        %dma_start3A_63 = tpu.memref_slice %arg4[%add3A_53] : memref<320000xi32, #tpu.memory_space<hbm>> -> memref<128xi32, #tpu.memory_space<hbm>>
        %dma_start3A_64 = arith.constant 0 : i32
        %dma_start3A_65 = tpu.memref_slice %arg8[%run_scoped3A_54, %dma_start3A_64] : memref<2x128xi32, #tpu.memory_space<vmem>> -> memref<1x128xi32, #tpu.memory_space<vmem>>
        %dma_start3A_66 = tpu.memref_squeeze %dma_start3A_65 : memref<1x128xi32, #tpu.memory_space<vmem>> -> memref<128xi32, #tpu.memory_space<vmem>>
        %dma_start3A_67 = tpu.memref_slice %arg4[%add3A_53] : memref<320000xi32, #tpu.memory_space<hbm>> -> memref<128xi32, #tpu.memory_space<hbm>>
        tpu.enqueue_dma source(%dma_start3A_67 : memref<128xi32, #tpu.memory_space<hbm>>) target(%dma_start3A_66 : memref<128xi32, #tpu.memory_space<vmem>>) target_semaphore(%run_scoped3A_60 : memref<!tpu.dma_semaphore, #tpu.memory_space<semaphore_mem>>)
        %dma_wait3A = arith.constant 0 : i32
        %dma_wait3A_68 = tpu.memref_slice %arg8[%run_scoped3A_54, %dma_wait3A] : memref<2x128xi32, #tpu.memory_space<vmem>> -> memref<1x128xi32, #tpu.memory_space<vmem>>
        %dma_wait3A_69 = tpu.memref_squeeze %dma_wait3A_68 : memref<1x128xi32, #tpu.memory_space<vmem>> -> memref<128xi32, #tpu.memory_space<vmem>>
        %dma_wait3A_70 = tpu.memref_slice %arg4[%add3A_53] : memref<320000xi32, #tpu.memory_space<hbm>> -> memref<128xi32, #tpu.memory_space<hbm>>
        %dma_wait3A_71 = arith.constant 0 : i32
        %dma_wait3A_72 = tpu.memref_slice %arg8[%run_scoped3A_54, %dma_wait3A_71] : memref<2x128xi32, #tpu.memory_space<vmem>> -> memref<1x128xi32, #tpu.memory_space<vmem>>
        %dma_wait3A_73 = tpu.memref_squeeze %dma_wait3A_72 : memref<1x128xi32, #tpu.memory_space<vmem>> -> memref<128xi32, #tpu.memory_space<vmem>>
        %dma_wait3A_74 = tpu.memref_slice %arg4[%add3A_53] : memref<320000xi32, #tpu.memory_space<hbm>> -> memref<128xi32, #tpu.memory_space<hbm>>
        tpu.wait_dma2 semaphore(%run_scoped3A_60 : memref<!tpu.dma_semaphore, #tpu.memory_space<semaphore_mem>>) src(%dma_wait3A_74 : memref<128xi32, #tpu.memory_space<hbm>>) dst(%dma_wait3A_73 : memref<128xi32, #tpu.memory_space<vmem>>)
        tpu.yield
      }) : () -> ()
      %run_scoped3A_55 = arith.constant 0 : i32
      "tpu.region"() ({
        %run_scoped3A_60 = tpu.sem_alloc : memref<!tpu.dma_semaphore, #tpu.memory_space<semaphore_mem>>
        %dma_start3A = arith.constant 0 : i32
        %dma_start3A_61 = arith.constant 0 : i32
        %dma_start3A_62 = tpu.memref_slice %arg9[%dma_start3A, %dma_start3A_61] : memref<256x128xf32, #tpu.memory_space<vmem>> -> memref<128x128xf32, #tpu.memory_space<vmem>>
        %dma_start3A_63 = arith.constant 0 : i32
        %dma_start3A_64 = tpu.memref_slice %arg7[%run_scoped3A_55, %dma_start3A_63] : memref<2x128xi32, #tpu.memory_space<vmem>> -> memref<1x128xi32, #tpu.memory_space<vmem>>
        %dma_start3A_65 = tpu.memref_squeeze %dma_start3A_64 : memref<1x128xi32, #tpu.memory_space<vmem>> -> memref<128xi32, #tpu.memory_space<vmem>>
        %dma_start3A_66 = arith.constant 0 : i32
        %dma_start3A_67 = arith.constant 0 : i32
        %dma_start3A_68 = tpu.memref_slice %arg2[%dma_start3A_66, %dma_start3A_67] : memref<10000x128xf32, #tpu.memory_space<hbm>> -> memref<10000x128xf32, #tpu.memory_space<hbm>>
        tpu.enqueue_indirect_dma source(%dma_start3A_68 : memref<10000x128xf32, #tpu.memory_space<hbm>>) target(%dma_start3A_62 : memref<128x128xf32, #tpu.memory_space<vmem>>) offsets(%dma_start3A_65 : memref<128xi32, #tpu.memory_space<vmem>>) semaphore(%run_scoped3A_60 : memref<!tpu.dma_semaphore, #tpu.memory_space<semaphore_mem>>)
        %dma_wait3A = arith.constant 0 : i32
        %dma_wait3A_69 = arith.constant 0 : i32
        %dma_wait3A_70 = tpu.memref_slice %arg9[%dma_wait3A, %dma_wait3A_69] : memref<256x128xf32, #tpu.memory_space<vmem>> -> memref<128x128xf32, #tpu.memory_space<vmem>>
        %dma_wait3A_71 = arith.constant 0 : i32
        %dma_wait3A_72 = tpu.memref_slice %arg7[%run_scoped3A_55, %dma_wait3A_71] : memref<2x128xi32, #tpu.memory_space<vmem>> -> memref<1x128xi32, #tpu.memory_space<vmem>>
        %dma_wait3A_73 = tpu.memref_squeeze %dma_wait3A_72 : memref<1x128xi32, #tpu.memory_space<vmem>> -> memref<128xi32, #tpu.memory_space<vmem>>
        %dma_wait3A_74 = arith.constant 0 : i32
        %dma_wait3A_75 = arith.constant 0 : i32
        %dma_wait3A_76 = tpu.memref_slice %arg2[%dma_wait3A_74, %dma_wait3A_75] : memref<10000x128xf32, #tpu.memory_space<hbm>> -> memref<10000x128xf32, #tpu.memory_space<hbm>>
        tpu.wait_indirect_dma semaphore(%run_scoped3A_60 : memref<!tpu.dma_semaphore, #tpu.memory_space<semaphore_mem>>) src(%dma_wait3A_76 : memref<10000x128xf32, #tpu.memory_space<hbm>>) dst(%dma_wait3A_70 : memref<128x128xf32, #tpu.memory_space<vmem>>)
        tpu.yield
      }) : () -> ()
      %run_scoped3A_56 = arith.constant 0 : i32
      "tpu.region"() ({
        %run_scoped3A_60 = tpu.sem_alloc : memref<!tpu.dma_semaphore, #tpu.memory_space<semaphore_mem>>
        %dma_start3A = arith.constant 0 : i32
        %dma_start3A_61 = arith.constant 0 : i32
        %dma_start3A_62 = tpu.memref_slice %arg10[%dma_start3A, %dma_start3A_61] : memref<256x128xf32, #tpu.memory_space<vmem>> -> memref<128x128xf32, #tpu.memory_space<vmem>>
        %dma_start3A_63 = arith.constant 0 : i32
        %dma_start3A_64 = tpu.memref_slice %arg8[%run_scoped3A_56, %dma_start3A_63] : memref<2x128xi32, #tpu.memory_space<vmem>> -> memref<1x128xi32, #tpu.memory_space<vmem>>
        %dma_start3A_65 = tpu.memref_squeeze %dma_start3A_64 : memref<1x128xi32, #tpu.memory_space<vmem>> -> memref<128xi32, #tpu.memory_space<vmem>>
        %dma_start3A_66 = arith.constant 0 : i32
        %dma_start3A_67 = arith.constant 0 : i32
        %dma_start3A_68 = tpu.memref_slice %arg2[%dma_start3A_66, %dma_start3A_67] : memref<10000x128xf32, #tpu.memory_space<hbm>> -> memref<10000x128xf32, #tpu.memory_space<hbm>>
        tpu.enqueue_indirect_dma source(%dma_start3A_68 : memref<10000x128xf32, #tpu.memory_space<hbm>>) target(%dma_start3A_62 : memref<128x128xf32, #tpu.memory_space<vmem>>) offsets(%dma_start3A_65 : memref<128xi32, #tpu.memory_space<vmem>>) semaphore(%run_scoped3A_60 : memref<!tpu.dma_semaphore, #tpu.memory_space<semaphore_mem>>)
        %dma_wait3A = arith.constant 0 : i32
        %dma_wait3A_69 = arith.constant 0 : i32
        %dma_wait3A_70 = tpu.memref_slice %arg10[%dma_wait3A, %dma_wait3A_69] : memref<256x128xf32, #tpu.memory_space<vmem>> -> memref<128x128xf32, #tpu.memory_space<vmem>>
        %dma_wait3A_71 = arith.constant 0 : i32
        %dma_wait3A_72 = tpu.memref_slice %arg8[%run_scoped3A_56, %dma_wait3A_71] : memref<2x128xi32, #tpu.memory_space<vmem>> -> memref<1x128xi32, #tpu.memory_space<vmem>>
        %dma_wait3A_73 = tpu.memref_squeeze %dma_wait3A_72 : memref<1x128xi32, #tpu.memory_space<vmem>> -> memref<128xi32, #tpu.memory_space<vmem>>
        %dma_wait3A_74 = arith.constant 0 : i32
        %dma_wait3A_75 = arith.constant 0 : i32
        %dma_wait3A_76 = tpu.memref_slice %arg2[%dma_wait3A_74, %dma_wait3A_75] : memref<10000x128xf32, #tpu.memory_space<hbm>> -> memref<10000x128xf32, #tpu.memory_space<hbm>>
        tpu.wait_indirect_dma semaphore(%run_scoped3A_60 : memref<!tpu.dma_semaphore, #tpu.memory_space<semaphore_mem>>) src(%dma_wait3A_76 : memref<10000x128xf32, #tpu.memory_space<hbm>>) dst(%dma_wait3A_70 : memref<128x128xf32, #tpu.memory_space<vmem>>)
        tpu.yield
      }) : () -> ()
      %run_scoped3A_57 = arith.constant 1 : i32
      "tpu.region"() ({
        %run_scoped3A_60 = tpu.sem_alloc : memref<!tpu.dma_semaphore, #tpu.memory_space<semaphore_mem>>
        %dma_start3A = arith.constant 128 : i32
        %dma_start3A_61 = arith.constant 0 : i32
        %dma_start3A_62 = tpu.memref_slice %arg9[%dma_start3A, %dma_start3A_61] : memref<256x128xf32, #tpu.memory_space<vmem>> -> memref<128x128xf32, #tpu.memory_space<vmem>>
        %dma_start3A_63 = arith.constant 0 : i32
        %dma_start3A_64 = tpu.memref_slice %arg7[%run_scoped3A_57, %dma_start3A_63] : memref<2x128xi32, #tpu.memory_space<vmem>> -> memref<1x128xi32, #tpu.memory_space<vmem>>
        %dma_start3A_65 = tpu.memref_squeeze %dma_start3A_64 : memref<1x128xi32, #tpu.memory_space<vmem>> -> memref<128xi32, #tpu.memory_space<vmem>>
        %dma_start3A_66 = arith.constant 0 : i32
        %dma_start3A_67 = arith.constant 0 : i32
        %dma_start3A_68 = tpu.memref_slice %arg2[%dma_start3A_66, %dma_start3A_67] : memref<10000x128xf32, #tpu.memory_space<hbm>> -> memref<10000x128xf32, #tpu.memory_space<hbm>>
        tpu.enqueue_indirect_dma source(%dma_start3A_68 : memref<10000x128xf32, #tpu.memory_space<hbm>>) target(%dma_start3A_62 : memref<128x128xf32, #tpu.memory_space<vmem>>) offsets(%dma_start3A_65 : memref<128xi32, #tpu.memory_space<vmem>>) semaphore(%run_scoped3A_60 : memref<!tpu.dma_semaphore, #tpu.memory_space<semaphore_mem>>)
        %dma_wait3A = arith.constant 128 : i32
        %dma_wait3A_69 = arith.constant 0 : i32
        %dma_wait3A_70 = tpu.memref_slice %arg9[%dma_wait3A, %dma_wait3A_69] : memref<256x128xf32, #tpu.memory_space<vmem>> -> memref<128x128xf32, #tpu.memory_space<vmem>>
        %dma_wait3A_71 = arith.constant 0 : i32
        %dma_wait3A_72 = tpu.memref_slice %arg7[%run_scoped3A_57, %dma_wait3A_71] : memref<2x128xi32, #tpu.memory_space<vmem>> -> memref<1x128xi32, #tpu.memory_space<vmem>>
        %dma_wait3A_73 = tpu.memref_squeeze %dma_wait3A_72 : memref<1x128xi32, #tpu.memory_space<vmem>> -> memref<128xi32, #tpu.memory_space<vmem>>
        %dma_wait3A_74 = arith.constant 0 : i32
        %dma_wait3A_75 = arith.constant 0 : i32
        %dma_wait3A_76 = tpu.memref_slice %arg2[%dma_wait3A_74, %dma_wait3A_75] : memref<10000x128xf32, #tpu.memory_space<hbm>> -> memref<10000x128xf32, #tpu.memory_space<hbm>>
        tpu.wait_indirect_dma semaphore(%run_scoped3A_60 : memref<!tpu.dma_semaphore, #tpu.memory_space<semaphore_mem>>) src(%dma_wait3A_76 : memref<10000x128xf32, #tpu.memory_space<hbm>>) dst(%dma_wait3A_70 : memref<128x128xf32, #tpu.memory_space<vmem>>)
        tpu.yield
      }) : () -> ()
      %run_scoped3A_58 = arith.constant 1 : i32
      "tpu.region"() ({
        %run_scoped3A_60 = tpu.sem_alloc : memref<!tpu.dma_semaphore, #tpu.memory_space<semaphore_mem>>
        %dma_start3A = arith.constant 128 : i32
        %dma_start3A_61 = arith.constant 0 : i32
        %dma_start3A_62 = tpu.memref_slice %arg10[%dma_start3A, %dma_start3A_61] : memref<256x128xf32, #tpu.memory_space<vmem>> -> memref<128x128xf32, #tpu.memory_space<vmem>>
        %dma_start3A_63 = arith.constant 0 : i32
        %dma_start3A_64 = tpu.memref_slice %arg8[%run_scoped3A_58, %dma_start3A_63] : memref<2x128xi32, #tpu.memory_space<vmem>> -> memref<1x128xi32, #tpu.memory_space<vmem>>
        %dma_start3A_65 = tpu.memref_squeeze %dma_start3A_64 : memref<1x128xi32, #tpu.memory_space<vmem>> -> memref<128xi32, #tpu.memory_space<vmem>>
        %dma_start3A_66 = arith.constant 0 : i32
        %dma_start3A_67 = arith.constant 0 : i32
        %dma_start3A_68 = tpu.memref_slice %arg2[%dma_start3A_66, %dma_start3A_67] : memref<10000x128xf32, #tpu.memory_space<hbm>> -> memref<10000x128xf32, #tpu.memory_space<hbm>>
        tpu.enqueue_indirect_dma source(%dma_start3A_68 : memref<10000x128xf32, #tpu.memory_space<hbm>>) target(%dma_start3A_62 : memref<128x128xf32, #tpu.memory_space<vmem>>) offsets(%dma_start3A_65 : memref<128xi32, #tpu.memory_space<vmem>>) semaphore(%run_scoped3A_60 : memref<!tpu.dma_semaphore, #tpu.memory_space<semaphore_mem>>)
        %dma_wait3A = arith.constant 128 : i32
        %dma_wait3A_69 = arith.constant 0 : i32
        %dma_wait3A_70 = tpu.memref_slice %arg10[%dma_wait3A, %dma_wait3A_69] : memref<256x128xf32, #tpu.memory_space<vmem>> -> memref<128x128xf32, #tpu.memory_space<vmem>>
        %dma_wait3A_71 = arith.constant 0 : i32
        %dma_wait3A_72 = tpu.memref_slice %arg8[%run_scoped3A_58, %dma_wait3A_71] : memref<2x128xi32, #tpu.memory_space<vmem>> -> memref<1x128xi32, #tpu.memory_space<vmem>>
        %dma_wait3A_73 = tpu.memref_squeeze %dma_wait3A_72 : memref<1x128xi32, #tpu.memory_space<vmem>> -> memref<128xi32, #tpu.memory_space<vmem>>
        %dma_wait3A_74 = arith.constant 0 : i32
        %dma_wait3A_75 = arith.constant 0 : i32
        %dma_wait3A_76 = tpu.memref_slice %arg2[%dma_wait3A_74, %dma_wait3A_75] : memref<10000x128xf32, #tpu.memory_space<hbm>> -> memref<10000x128xf32, #tpu.memory_space<hbm>>
        tpu.wait_indirect_dma semaphore(%run_scoped3A_60 : memref<!tpu.dma_semaphore, #tpu.memory_space<semaphore_mem>>) src(%dma_wait3A_76 : memref<10000x128xf32, #tpu.memory_space<hbm>>) dst(%dma_wait3A_70 : memref<128x128xf32, #tpu.memory_space<vmem>>)
        tpu.yield
      }) : () -> ()
      "tpu.region"() ({
        %run_scoped3A_60 = tpu.sem_alloc : memref<!tpu.dma_semaphore, #tpu.memory_space<semaphore_mem>>
        %dma_start3A = arith.constant 0 : i32
        %dma_start3A_61 = tpu.memref_slice %arg5[%mul3A_43, %dma_start3A] : memref<320000x128xf32, #tpu.memory_space<hbm>> -> memref<256x128xf32, #tpu.memory_space<hbm>>
        %dma_start3A_62 = arith.constant 0 : i32
        %dma_start3A_63 = tpu.memref_slice %arg5[%mul3A_43, %dma_start3A_62] : memref<320000x128xf32, #tpu.memory_space<hbm>> -> memref<256x128xf32, #tpu.memory_space<hbm>>
        tpu.enqueue_dma source(%arg9 : memref<256x128xf32, #tpu.memory_space<vmem>>) target(%dma_start3A_63 : memref<256x128xf32, #tpu.memory_space<hbm>>) target_semaphore(%run_scoped3A_60 : memref<!tpu.dma_semaphore, #tpu.memory_space<semaphore_mem>>)
        %dma_wait3A = arith.constant 0 : i32
        %dma_wait3A_64 = tpu.memref_slice %arg5[%mul3A_43, %dma_wait3A] : memref<320000x128xf32, #tpu.memory_space<hbm>> -> memref<256x128xf32, #tpu.memory_space<hbm>>
        %dma_wait3A_65 = arith.constant 0 : i32
        %dma_wait3A_66 = tpu.memref_slice %arg5[%mul3A_43, %dma_wait3A_65] : memref<320000x128xf32, #tpu.memory_space<hbm>> -> memref<256x128xf32, #tpu.memory_space<hbm>>
        tpu.wait_dma2 semaphore(%run_scoped3A_60 : memref<!tpu.dma_semaphore, #tpu.memory_space<semaphore_mem>>) src(%arg9 : memref<256x128xf32, #tpu.memory_space<vmem>>) dst(%dma_wait3A_66 : memref<256x128xf32, #tpu.memory_space<hbm>>)
        tpu.yield
      }) : () -> ()
      "tpu.region"() ({
        %run_scoped3A_60 = tpu.sem_alloc : memref<!tpu.dma_semaphore, #tpu.memory_space<semaphore_mem>>
        %dma_start3A = arith.constant 0 : i32
        %dma_start3A_61 = tpu.memref_slice %arg6[%mul3A_43, %dma_start3A] : memref<320000x128xf32, #tpu.memory_space<hbm>> -> memref<256x128xf32, #tpu.memory_space<hbm>>
        %dma_start3A_62 = arith.constant 0 : i32
        %dma_start3A_63 = tpu.memref_slice %arg6[%mul3A_43, %dma_start3A_62] : memref<320000x128xf32, #tpu.memory_space<hbm>> -> memref<256x128xf32, #tpu.memory_space<hbm>>
        tpu.enqueue_dma source(%arg10 : memref<256x128xf32, #tpu.memory_space<vmem>>) target(%dma_start3A_63 : memref<256x128xf32, #tpu.memory_space<hbm>>) target_semaphore(%run_scoped3A_60 : memref<!tpu.dma_semaphore, #tpu.memory_space<semaphore_mem>>)
        %dma_wait3A = arith.constant 0 : i32
        %dma_wait3A_64 = tpu.memref_slice %arg6[%mul3A_43, %dma_wait3A] : memref<320000x128xf32, #tpu.memory_space<hbm>> -> memref<256x128xf32, #tpu.memory_space<hbm>>
        %dma_wait3A_65 = arith.constant 0 : i32
        %dma_wait3A_66 = tpu.memref_slice %arg6[%mul3A_43, %dma_wait3A_65] : memref<320000x128xf32, #tpu.memory_space<hbm>> -> memref<256x128xf32, #tpu.memory_space<hbm>>
        tpu.wait_dma2 semaphore(%run_scoped3A_60 : memref<!tpu.dma_semaphore, #tpu.memory_space<semaphore_mem>>) src(%arg10 : memref<256x128xf32, #tpu.memory_space<vmem>>) dst(%dma_wait3A_66 : memref<256x128xf32, #tpu.memory_space<hbm>>)
        tpu.yield
      }) : () -> ()
      %while3A_59 = arith.constant 0 : i32
      scf.yield %while3A_59 : i32
    }
    return
  }
}

module attributes {stable_mosaic.version = 14 : i64} {
  func.func @_mlp_body(%arg0: i32, %arg1: memref<3200x128xf32, #tpu.memory_space<vmem>>, %arg2: memref<3200x128xf32, #tpu.memory_space<vmem>>, %arg3: memref<3200x4xf32, #tpu.memory_space<vmem>>, %arg4: memref<128x64xf32, #tpu.memory_space<vmem>>, %arg5: memref<4x64xf32, #tpu.memory_space<vmem>>, %arg6: memref<64xf32, #tpu.memory_space<vmem>>, %arg7: memref<64x64xf32, #tpu.memory_space<vmem>>, %arg8: memref<64xf32, #tpu.memory_space<vmem>>, %arg9: memref<64x32xf32, #tpu.memory_space<vmem>>, %arg10: memref<32xf32, #tpu.memory_space<vmem>>, %arg11: memref<32x1xf32, #tpu.memory_space<vmem>>, %arg12: memref<1xf32, #tpu.memory_space<vmem>>, %arg13: memref<3200x64xf32, #tpu.memory_space<vmem>>, %arg14: memref<3200x64xf32, #tpu.memory_space<vmem>>, %arg15: memref<3200x1xf32, #tpu.memory_space<vmem>>) attributes {dimension_semantics = [#tpu.dimension_semantics<arbitrary>], iteration_bounds = array<i64: 100>, scalar_prefetch = 0 : i64, scratch_operands = 0 : i64, tpu.core_type = #tpu.core_type<tc>, window_params = [{transform_indices = @transform_0, window_bounds = array<i64: 3200, 128>}, {transform_indices = @transform_1, window_bounds = array<i64: 3200, 128>}, {transform_indices = @transform_2, window_bounds = array<i64: 3200, 4>}, {pipeline_mode = #tpu.pipeline_mode<synchronous>, transform_indices = @transform_3, window_bounds = array<i64: 128, 64>}, {pipeline_mode = #tpu.pipeline_mode<synchronous>, transform_indices = @transform_4, window_bounds = array<i64: 4, 64>}, {pipeline_mode = #tpu.pipeline_mode<synchronous>, transform_indices = @transform_5, window_bounds = array<i64: 64>}, {pipeline_mode = #tpu.pipeline_mode<synchronous>, transform_indices = @transform_6, window_bounds = array<i64: 64, 64>}, {pipeline_mode = #tpu.pipeline_mode<synchronous>, transform_indices = @transform_7, window_bounds = array<i64: 64>}, {pipeline_mode = #tpu.pipeline_mode<synchronous>, transform_indices = @transform_8, window_bounds = array<i64: 64, 32>}, {pipeline_mode = #tpu.pipeline_mode<synchronous>, transform_indices = @transform_9, window_bounds = array<i64: 32>}, {pipeline_mode = #tpu.pipeline_mode<synchronous>, transform_indices = @transform_10, window_bounds = array<i64: 32, 1>}, {pipeline_mode = #tpu.pipeline_mode<synchronous>, transform_indices = @transform_11, window_bounds = array<i64: 1>}, {transform_indices = @transform_12, window_bounds = array<i64: 3200, 64>}, {transform_indices = @transform_13, window_bounds = array<i64: 3200, 64>}, {transform_indices = @transform_14, window_bounds = array<i64: 3200, 1>}]} {
    %get3A = arith.constant 0 : index
    %get3A_0 = arith.constant 0 : index
    %get3A_1 = vector.load %arg1[%get3A, %get3A_0] : memref<3200x128xf32, #tpu.memory_space<vmem>>, vector<3200x128xf32>
    %get3A_2 = arith.constant 0 : index
    %get3A_3 = arith.constant 0 : index
    %get3A_4 = vector.load %arg2[%get3A_2, %get3A_3] : memref<3200x128xf32, #tpu.memory_space<vmem>>, vector<3200x128xf32>
    %sub3A = arith.subf %get3A_1, %get3A_4 : vector<3200x128xf32>
    %get3A_5 = arith.constant 0 : index
    %get3A_6 = arith.constant 0 : index
    %get3A_7 = vector.load %arg4[%get3A_5, %get3A_6] : memref<128x64xf32, #tpu.memory_space<vmem>>, vector<128x64xf32>
    %dot_general3A = arith.constant dense<0.000000e+00> : vector<3200x64xf32>
    %dot_general3A_8 = tpu.matmul %sub3A, %get3A_7, %dot_general3A {dimension_numbers = #tpu.dot_dimension_numbers<[1], [0], [0], [1], [0, 0, 1, 1], [], []>, transpose_lhs_hint = false} : vector<3200x128xf32>, vector<128x64xf32>, vector<3200x64xf32> -> vector<3200x64xf32>
    %get3A_9 = arith.constant 0 : index
    %get3A_10 = arith.constant 0 : index
    %get3A_11 = vector.load %arg3[%get3A_9, %get3A_10] : memref<3200x4xf32, #tpu.memory_space<vmem>>, vector<3200x4xf32>
    %get3A_12 = arith.constant 0 : index
    %get3A_13 = arith.constant 0 : index
    %get3A_14 = vector.load %arg5[%get3A_12, %get3A_13] : memref<4x64xf32, #tpu.memory_space<vmem>>, vector<4x64xf32>
    %dot_general3A_15 = arith.constant dense<0.000000e+00> : vector<3200x64xf32>
    %dot_general3A_16 = tpu.matmul %get3A_11, %get3A_14, %dot_general3A_15 {dimension_numbers = #tpu.dot_dimension_numbers<[1], [0], [0], [1], [0, 0, 1, 1], [], []>, transpose_lhs_hint = false} : vector<3200x4xf32>, vector<4x64xf32>, vector<3200x64xf32> -> vector<3200x64xf32>
    %add3A = arith.addf %dot_general3A_8, %dot_general3A_16 : vector<3200x64xf32>
    %get3A_17 = arith.constant 0 : index
    %get3A_18 = vector.load %arg6[%get3A_17] : memref<64xf32, #tpu.memory_space<vmem>>, vector<64xf32>
    %broadcast_in_dim3A = vector.shape_cast %get3A_18 : vector<64xf32> to vector<1x64xf32>
    %add3A_19 = vector.broadcast %broadcast_in_dim3A : vector<1x64xf32> to vector<3200x64xf32>
    %add3A_20 = arith.addf %add3A, %add3A_19 : vector<3200x64xf32>
    %max3A = arith.constant 0.000000e+00 : f32
    %max3A_21 = vector.broadcast %max3A : f32 to vector<3200x64xf32>
    %max3A_22 = arith.maximumf %add3A_20, %max3A_21 : vector<3200x64xf32>
    %broadcast_in_dim3A_23 = vector.shape_cast %get3A_18 : vector<64xf32> to vector<1x64xf32>
    %sub3A_24 = vector.broadcast %broadcast_in_dim3A_23 : vector<1x64xf32> to vector<3200x64xf32>
    %sub3A_25 = arith.subf %sub3A_24, %add3A : vector<3200x64xf32>
    %max3A_26 = arith.constant 0.000000e+00 : f32
    %max3A_27 = vector.broadcast %max3A_26 : f32 to vector<3200x64xf32>
    %max3A_28 = arith.maximumf %sub3A_25, %max3A_27 : vector<3200x64xf32>
    %get3A_29 = arith.constant 0 : index
    %get3A_30 = arith.constant 0 : index
    %get3A_31 = vector.load %arg7[%get3A_29, %get3A_30] : memref<64x64xf32, #tpu.memory_space<vmem>>, vector<64x64xf32>
    %get3A_32 = arith.constant 0 : index
    %get3A_33 = vector.load %arg8[%get3A_32] : memref<64xf32, #tpu.memory_space<vmem>>, vector<64xf32>
    %dot_general3A_34 = arith.constant dense<0.000000e+00> : vector<3200x64xf32>
    %dot_general3A_35 = tpu.matmul %max3A_22, %get3A_31, %dot_general3A_34 {dimension_numbers = #tpu.dot_dimension_numbers<[1], [0], [0], [1], [0, 0, 1, 1], [], []>, transpose_lhs_hint = false} : vector<3200x64xf32>, vector<64x64xf32>, vector<3200x64xf32> -> vector<3200x64xf32>
    %broadcast_in_dim3A_36 = vector.shape_cast %get3A_33 : vector<64xf32> to vector<1x64xf32>
    %add3A_37 = vector.broadcast %broadcast_in_dim3A_36 : vector<1x64xf32> to vector<3200x64xf32>
    %add3A_38 = arith.addf %dot_general3A_35, %add3A_37 : vector<3200x64xf32>
    %max3A_39 = arith.constant 0.000000e+00 : f32
    %max3A_40 = vector.broadcast %max3A_39 : f32 to vector<3200x64xf32>
    %max3A_41 = arith.maximumf %add3A_38, %max3A_40 : vector<3200x64xf32>
    %dot_general3A_42 = arith.constant dense<0.000000e+00> : vector<3200x64xf32>
    %dot_general3A_43 = tpu.matmul %max3A_28, %get3A_31, %dot_general3A_42 {dimension_numbers = #tpu.dot_dimension_numbers<[1], [0], [0], [1], [0, 0, 1, 1], [], []>, transpose_lhs_hint = false} : vector<3200x64xf32>, vector<64x64xf32>, vector<3200x64xf32> -> vector<3200x64xf32>
    %broadcast_in_dim3A_44 = vector.shape_cast %get3A_33 : vector<64xf32> to vector<1x64xf32>
    %add3A_45 = vector.broadcast %broadcast_in_dim3A_44 : vector<1x64xf32> to vector<3200x64xf32>
    %add3A_46 = arith.addf %dot_general3A_43, %add3A_45 : vector<3200x64xf32>
    %max3A_47 = arith.constant 0.000000e+00 : f32
    %max3A_48 = vector.broadcast %max3A_47 : f32 to vector<3200x64xf32>
    %max3A_49 = arith.maximumf %add3A_46, %max3A_48 : vector<3200x64xf32>
    %swap3A = arith.constant 0 : index
    %swap3A_50 = arith.constant 0 : index
    %swap3A_51 = vector.load %arg13[%swap3A, %swap3A_50] : memref<3200x64xf32, #tpu.memory_space<vmem>>, vector<3200x64xf32>
    tpu.vector_store %arg13[%swap3A, %swap3A_50], %max3A_41 {strides = array<i32>} : memref<3200x64xf32, #tpu.memory_space<vmem>>, vector<3200x64xf32>,
    %swap3A_52 = arith.constant 0 : index
    %swap3A_53 = arith.constant 0 : index
    %swap3A_54 = vector.load %arg14[%swap3A_52, %swap3A_53] : memref<3200x64xf32, #tpu.memory_space<vmem>>, vector<3200x64xf32>
    tpu.vector_store %arg14[%swap3A_52, %swap3A_53], %max3A_49 {strides = array<i32>} : memref<3200x64xf32, #tpu.memory_space<vmem>>, vector<3200x64xf32>,
    %add3A_55 = arith.addf %max3A_41, %max3A_49 : vector<3200x64xf32>
    %get3A_56 = arith.constant 0 : index
    %get3A_57 = arith.constant 0 : index
    %get3A_58 = vector.load %arg9[%get3A_56, %get3A_57] : memref<64x32xf32, #tpu.memory_space<vmem>>, vector<64x32xf32>
    %dot_general3A_59 = arith.constant dense<0.000000e+00> : vector<3200x32xf32>
    %dot_general3A_60 = tpu.matmul %add3A_55, %get3A_58, %dot_general3A_59 {dimension_numbers = #tpu.dot_dimension_numbers<[1], [0], [0], [1], [0, 0, 1, 1], [], []>, transpose_lhs_hint = false} : vector<3200x64xf32>, vector<64x32xf32>, vector<3200x32xf32> -> vector<3200x32xf32>
    %get3A_61 = arith.constant 0 : index
    %get3A_62 = vector.load %arg10[%get3A_61] : memref<32xf32, #tpu.memory_space<vmem>>, vector<32xf32>
    %broadcast_in_dim3A_63 = vector.shape_cast %get3A_62 : vector<32xf32> to vector<1x32xf32>
    %add3A_64 = vector.broadcast %broadcast_in_dim3A_63 : vector<1x32xf32> to vector<3200x32xf32>
    %add3A_65 = arith.addf %dot_general3A_60, %add3A_64 : vector<3200x32xf32>
    %max3A_66 = arith.constant 0.000000e+00 : f32
    %max3A_67 = vector.broadcast %max3A_66 : f32 to vector<3200x32xf32>
    %max3A_68 = arith.maximumf %add3A_65, %max3A_67 : vector<3200x32xf32>
    %get3A_69 = arith.constant 0 : index
    %get3A_70 = arith.constant 0 : index
    %get3A_71 = vector.load %arg11[%get3A_69, %get3A_70] : memref<32x1xf32, #tpu.memory_space<vmem>>, vector<32x1xf32>
    %dot_general3A_72 = arith.constant dense<0.000000e+00> : vector<3200x1xf32>
    %dot_general3A_73 = tpu.matmul %max3A_68, %get3A_71, %dot_general3A_72 {dimension_numbers = #tpu.dot_dimension_numbers<[1], [0], [0], [1], [0, 0, 1, 1], [], []>, transpose_lhs_hint = false} : vector<3200x32xf32>, vector<32x1xf32>, vector<3200x1xf32> -> vector<3200x1xf32>
    %get3A_74 = arith.constant 0 : index
    %get3A_75 = vector.load %arg12[%get3A_74] : memref<1xf32, #tpu.memory_space<vmem>>, vector<1xf32>
    %broadcast_in_dim3A_76 = vector.shape_cast %get3A_75 : vector<1xf32> to vector<1x1xf32>
    %add3A_77 = vector.broadcast %broadcast_in_dim3A_76 : vector<1x1xf32> to vector<3200x1xf32>
    %add3A_78 = arith.addf %dot_general3A_73, %add3A_77 : vector<3200x1xf32>
    %swap3A_79 = arith.constant 0 : index
    %swap3A_80 = arith.constant 0 : index
    %swap3A_81 = vector.load %arg15[%swap3A_79, %swap3A_80] : memref<3200x1xf32, #tpu.memory_space<vmem>>, vector<3200x1xf32>
    tpu.vector_store %arg15[%swap3A_79, %swap3A_80], %add3A_78 {strides = array<i32>} : memref<3200x1xf32, #tpu.memory_space<vmem>>, vector<3200x1xf32>,
    return
  }
  func.func @transform_0(%arg0: i32) -> (i32, i32) {
    %c0_i32 = arith.constant 0 : i32
    %c0_i32_0 = arith.constant 0 : i32
    return %arg0, %c0_i32 : i32, i32
  }
  func.func @transform_1(%arg0: i32) -> (i32, i32) {
    %c0_i32 = arith.constant 0 : i32
    %c0_i32_0 = arith.constant 0 : i32
    return %arg0, %c0_i32 : i32, i32
  }
  func.func @transform_2(%arg0: i32) -> (i32, i32) {
    %c0_i32 = arith.constant 0 : i32
    %c0_i32_0 = arith.constant 0 : i32
    return %arg0, %c0_i32 : i32, i32
  }
  func.func @transform_3(%arg0: i32) -> (i32, i32) {
    %c0_i32 = arith.constant 0 : i32
    %c0_i32_0 = arith.constant 0 : i32
    %c0_i32_1 = arith.constant 0 : i32
    return %c0_i32, %c0_i32_0 : i32, i32
  }
  func.func @transform_4(%arg0: i32) -> (i32, i32) {
    %c0_i32 = arith.constant 0 : i32
    %c0_i32_0 = arith.constant 0 : i32
    %c0_i32_1 = arith.constant 0 : i32
    return %c0_i32, %c0_i32_0 : i32, i32
  }
  func.func @transform_5(%arg0: i32) -> i32 {
    %c0_i32 = arith.constant 0 : i32
    %c0_i32_0 = arith.constant 0 : i32
    return %c0_i32 : i32
  }
  func.func @transform_6(%arg0: i32) -> (i32, i32) {
    %c0_i32 = arith.constant 0 : i32
    %c0_i32_0 = arith.constant 0 : i32
    %c0_i32_1 = arith.constant 0 : i32
    return %c0_i32, %c0_i32_0 : i32, i32
  }
  func.func @transform_7(%arg0: i32) -> i32 {
    %c0_i32 = arith.constant 0 : i32
    %c0_i32_0 = arith.constant 0 : i32
    return %c0_i32 : i32
  }
  func.func @transform_8(%arg0: i32) -> (i32, i32) {
    %c0_i32 = arith.constant 0 : i32
    %c0_i32_0 = arith.constant 0 : i32
    %c0_i32_1 = arith.constant 0 : i32
    return %c0_i32, %c0_i32_0 : i32, i32
  }
  func.func @transform_9(%arg0: i32) -> i32 {
    %c0_i32 = arith.constant 0 : i32
    %c0_i32_0 = arith.constant 0 : i32
    return %c0_i32 : i32
  }
  func.func @transform_10(%arg0: i32) -> (i32, i32) {
    %c0_i32 = arith.constant 0 : i32
    %c0_i32_0 = arith.constant 0 : i32
    %c0_i32_1 = arith.constant 0 : i32
    return %c0_i32, %c0_i32_0 : i32, i32
  }
  func.func @transform_11(%arg0: i32) -> i32 {
    %c0_i32 = arith.constant 0 : i32
    %c0_i32_0 = arith.constant 0 : i32
    return %c0_i32 : i32
  }
  func.func @transform_12(%arg0: i32) -> (i32, i32) {
    %c0_i32 = arith.constant 0 : i32
    %c0_i32_0 = arith.constant 0 : i32
    return %arg0, %c0_i32 : i32, i32
  }
  func.func @transform_13(%arg0: i32) -> (i32, i32) {
    %c0_i32 = arith.constant 0 : i32
    %c0_i32_0 = arith.constant 0 : i32
    return %arg0, %c0_i32 : i32, i32
  }
  func.func @transform_14(%arg0: i32) -> (i32, i32) {
    %c0_i32 = arith.constant 0 : i32
    %c0_i32_0 = arith.constant 0 : i32
    return %arg0, %c0_i32 : i32, i32
  }
}

</mosaic_0001>

<sc_bundles>
// kernel: kernel.4.cloned.1.call-start
scs
__scs_entry_jumppad:
0x0: {  	(pc) =	sbr.rel $0x88, $3  }
0x1: {  	(tag) =	ssettag $0x0;
	lr =	simm.s32 $0x1  }
0x2: {  	[smem:$0x3F94] =	sst lr;
	_ =	strace $0xD0000000  }
0x3: {  	_ = 	snop  }
0x4: {  	_ = 	snop  }
0x5: {  	_ = 	snop  }
0x6: {  	_ = 	snop  }
0x7: {  	_ = 	snop  }
__scs_overlays_trampoline_lowered:
0x8: {  	[smem:$0x3FA3] =	sst s0  }
0x9: {  	[smem:$0x3FA4] =	sst s1  }
0xa: {  	[smem:$0x3FA5] =	sst s2  }
0xb: {  	[smem:$0x3FA6] =	sst s3  }
0xc: {  	[smem:$0x3FA7] =	sst s4  }
0xd: {  	[smem:$0x3FA8] =	sst s5  }
0xe: {  	[smem:$0x3FA9] =	sst s6  }
0xf: {  	[smem:$0x3FAA] =	sst s7  }
0x10: {  	[smem:$0x3FAB] =	sst s8  }
0x11: {  	[smem:$0x3FAC] =	sst s9;
	s0 =	simm.s32 @!p0 $0x0  }
0x12: {  	s1 =	sld [smem:$0x3F92];
	s0 =	simm.s32 @p0 $0x1  }
0x13: {  	[smem:$0x3FAD] =	sst s0;
	s0 =	simm.s32 @!p1 $0x0  }
0x14: {  	s2 =	sld [smem:$0x3F91];
	s0 =	simm.s32 @p1 $0x1  }
0x15: {  	[smem:$0x3FAE] =	sst s0;
	s0 =	simm.s32 @!p2 $0x0  }
0x16: {  	s3 =	sld [smem:$0x3FDB];
	s0 =	simm.s32 @p2 $0x1  }
0x17: {  	s4 =	simm.s32 $0x1BF5;
	[smem:$0x3FB0] =	sst s0  }
0x18: {  	s0 =	sld [smem:$0x3F93];
	_ =	swait.ge [sflag:s4], $0x0  }
0x19: {  	s7 =	sld [smem:$0x3F94]  }
0x1a: {  	s8 =	sadd.s32 $0xFFFFE003, lr  }
0x1b: {  	s9 =	sadd.s32 $0xFFFFFEF7, lr;
	s5 =	simm.s32 $0xFFFFFFFF;
	p2 =	slt.u32 s8, $0xFFFFF086  }
0x1c: {  	p1 =	slt.u32 s9, $0xF7A;
	s5 =	simm.s32 @!p2 $0x0  }
0x1d: {  	s5 =	simm.s32 @p1 $0x1;
	p0 =	seq.s32 s7, s2  }
0x1e: {  	s7 =	smul.u32 @!p0 $0xF7A, s2;
	p2 =	seq.s32 @!p0 s5, $0x0  }
0x1f: {  	s9 =	smul.u32 $0xF7A, s1;
	s8 =	simm.s32 @!p0 $0x1BF5;
	p2 =	por !p2, p0  }
0x20: {  	[sflag:s8] =	ssyncset.s32 @!p0 $0xFFFFF086;
	s6 =	sadd.s32 @!p0 s3, s7;
	s7 =	simm.s32 @!p0 $0x108  }
0x21: {  	s3 =	sadd.s32 s3, s9;
	s6 =	sadd.s32 @!p0 $0x88, s6;
	s7 =	simm.s32 @p2 $0x1082  }
0x22: {  	[simem:s7], [sflag:s8] =	dma.local @!p0 [hbm:s6], $0xF7A  }
0x23: {  	s9 =	sor.u32 $0xD0000000, s2;
	s6 =	simm.s32 $0x108;
	_ =	swait.ge @!p0 [sflag:s8], $0x0  }
0x24: {  	s3 =	sadd.s32 $0x88, s3;
	s6 =	simm.s32 @!p1 $0x1082;
	[sflag:s4] =	ssyncset.s32 $0xFFFFF086  }
0x25: {  	[simem:s6], [sflag:s4] =	dma.local [hbm:s3], $0xF7A  }
0x26: {  	[smem:$0x3F94] =	sst s1;
	(tag) =	ssettag s2;
	_ =	strace s9  }
0x27: {  	s1 =	sld [smem:$0x3FA4]  }
0x28: {  	s2 =	sld [smem:$0x3FA5]  }
0x29: {  	s4 =	sld [smem:$0x3FA7]  }
0x2a: {  	p0 =	seq.s32 s5, $0x0;
	s5 =	sld [smem:$0x3FA8]  }
0x2b: {  	s6 =	sld [smem:$0x3FA9]  }
0x2c: {  	s7 =	sld [smem:$0x3FAA]  }
0x2d: {  	s3 =	simm.s32 $0x108;
	s8 =	sld [smem:$0x3FAB]  }
0x2e: {  	s3 =	simm.s32 @!p0 $0x1082;
	s9 =	sld [smem:$0x3FAC]  }
0x2f: {  	lr =	sadd.s32 s0, s3;
	s0 =	sld [smem:$0x3FA3]  }
0x30: {  	s3 =	sld [smem:$0x3FA6]  }
0x31: {  	[smem:$0x3FAF] =	sst s10  }
0x32: {  	s10 =	sld [smem:$0x3FAD];
	_ =	sdelay $0x3  }
0x33: {  	p0 =	seq.s32 s10, $0x1;
	s10 =	sld [smem:$0x3FAF];
	_ =	sdelay $0x3  }
0x34: {  	[smem:$0x3FAF] =	sst s10  }
0x35: {  	s10 =	sld [smem:$0x3FAE];
	_ =	sdelay $0x3  }
0x36: {  	p1 =	seq.s32 s10, $0x1;
	s10 =	sld [smem:$0x3FAF];
	_ =	sdelay $0x3  }
0x37: {  	[smem:$0x3FAF] =	sst s10  }
0x38: {  	s10 =	sld [smem:$0x3FB0]  }
0x39: {  	_ = 	snop;
	(pc) =	sbr.ind lr, $3  }
0x3a: {  	_ = 	snop  }
0x3b: {  	_ = 	snop  }
0x3c: {  	p2 =	seq.s32 s10, $0x1;
	s10 =	sld [smem:$0x3FAF]  }
0x3d: {  	_ =	shalt  }
0x3e: {  	_ =	shalt  }
0x3f: {  	_ =	shalt  }
0x40: {  	_ =	shalt  }
0x41: {  	_ =	shalt  }
0x42: {  	_ =	shalt  }
0x43: {  	_ =	shalt  }
0x44: {  	_ =	shalt  }
0x45: {  	_ =	shalt  }
0x46: {  	_ =	shalt  }
0x47: {  	_ =	shalt  }
0x48: {  	_ =	shalt  }
0x49: {  	_ =	shalt  }
0x4a: {  	_ =	shalt  }
0x4b: {  	_ =	shalt  }
0x4c: {  	_ =	shalt  }
0x4d: {  	_ =	shalt  }
0x4e: {  	_ =	shalt  }
0x4f: {  	_ =	shalt  }
0x50: {  	_ =	shalt  }
0x51: {  	_ =	shalt  }
0x52: {  	_ =	shalt  }
0x53: {  	_ =	shalt  }
0x54: {  	_ =	shalt  }
0x55: {  	_ =	shalt  }
0x56: {  	_ =	shalt  }
0x57: {  	_ =	shalt  }
0x58: {  	_ =	shalt  }
0x59: {  	_ =	shalt  }
0x5a: {  	_ =	shalt  }
0x5b: {  	_ =	shalt  }
0x5c: {  	_ =	shalt  }
0x5d: {  	_ =	shalt  }
0x5e: {  	_ =	shalt  }
0x5f: {  	_ =	shalt  }
0x60: {  	_ =	shalt  }
0x61: {  	_ =	shalt  }
0x62: {  	_ =	shalt  }
0x63: {  	_ =	shalt  }
0x64: {  	_ =	shalt  }
0x65: {  	_ =	shalt  }
0x66: {  	_ =	shalt  }
0x67: {  	_ =	shalt  }
0x68: {  	_ =	shalt  }
0x69: {  	_ =	shalt  }
0x6a: {  	_ =	shalt  }
0x6b: {  	_ =	shalt  }
0x6c: {  	_ =	shalt  }
0x6d: {  	_ =	shalt  }
0x6e: {  	_ =	shalt  }
0x6f: {  	_ =	shalt  }
0x70: {  	_ =	shalt  }
0x71: {  	_ =	shalt  }
0x72: {  	_ =	shalt  }
0x73: {  	_ =	shalt  }
0x74: {  	_ =	shalt  }
0x75: {  	_ =	shalt  }
0x76: {  	_ =	shalt  }
0x77: {  	_ =	shalt  }
0x78: {  	_ =	shalt  }
0x79: {  	_ =	shalt  }
0x7a: {  	_ =	shalt  }
0x7b: {  	_ =	shalt  }
0x7c: {  	_ =	shalt  }
0x7d: {  	_ =	shalt  }
0x7e: {  	_ =	shalt  }
0x7f: {  	_ =	shalt  }
0x80: {  	_ =	shalt  }
0x81: {  	_ =	shalt  }
0x82: {  	_ =	shalt  }
0x83: {  	_ =	shalt  }
0x84: {  	_ =	shalt  }
0x85: {  	_ =	shalt  }
0x86: {  	_ =	shalt  }
0x87: {  	_ =	shalt  }
.Lfunc_end0:
.L_simem_size_0:
called_computation.4_lowered:
.L_overlay_start_0:
0x88: {  	s2 =	sld [smem:$0x3FD9]  }
0x89: {  	s3 =	sld [smem:$0x3FFE];
	_ =	sdelay $0x1  }
0x8a: {  	s1 =	srdreg.scid  }
0x8b: {  	s0 =	sand.u32 $0x1, s1  }
0x8c: {  	s15 =	sshll.u32 s0, $0xA;
	s2 =	sadd.s32 s3, s2  }
0x8d: {  	s2 =	sadd.s32 s2, s15  }
0x8e: {  	[smem:$0x3FBB] =	sst s2  }
0x8f: {  	_ = 	snop  }
0x90: {  	s2 =	sld [smem:$0x3FD0];
	_ =	sdelay $0x2  }
0x91: {  	s4 =	simm.s32 $0x11;
	s5 =	simm.s32 $0x10;
	s16 =	sld [smem:$0x3FC9]  }
0x92: {  	[smem:s5], [sflag:s4] =	dma.local [hbm:s2], $0x1  }
0x93: {  	_ =	swait.eq [sflag:s4], $0x1  }
0x94: {  	[sflag:s4] =	ssyncset.done $0x0  }
0x95: {  	[sflag:s4] =	ssyncadd.s32 $0xFFFFFFFF  }
0x96: {  	s17 =	sld [smem:$0x10]  }
0x97: {  	s4 =	sld [smem:$0x11];
	(tm) =	ssettm $0x1  }
0x98: {  	s18 =	sld [smem:$0x3FFB];
	_ =	sdelay $0x3  }
0x99: {  	_ =	strace s18  }
0x9a: {  	s5 =	sld [smem:$0x3FFC];
	_ =	sdelay $0x3  }
0x9b: {  	_ =	strace s5  }
0x9c: {  	s5 =	sld [smem:$0x3FFD];
	_ =	sdelay $0x3  }
0x9d: {  	_ =	strace s5  }
0x9e: {  	_ =	strace $0x8FFFFFFF  }
0x9f: {  	s19 =	sld [smem:$0x3FDB];
	_ =	sdelay $0x1  }
0xa0: {  	s6 =	simm.s32 $_scs_section_size  }
0xa1: {  	s7 =	simm.s32 $_size__tile_overlayer_lowered;
	s8 =	simm.s32 $_tile_overlayer_lowered  }
0xa2: {  	s22 =	simm.s32 $0x1BFF;
	s21 =	sshll.u32 s8, $0x1;
	s5 =	sadd.s32 s6, s19  }
0xa3: {  	s9 =	simm.s32 $0x0;
	s20 =	sshll.u32 s7, $0x1;
	s7 =	sadd.s32 s21, s5  }
0xa4: {  	[timem:s9], [sflag:s22] =	dma.local [hbm:s7], s20  }
0xa5: {  	_ =	swait.ge [sflag:s22], s20  }
0xa6: {  	s6 =	ssub.s32 $0x0, s20;
	[sflag:s22] =	ssyncset.done $0x0  }
0xa7: {  	[sflag:s22] =	ssyncadd.s32 s6;
	_ =	sdelay $0x1  }
0xa8: {  	s23 =	simm.s32 $0x1B8B  }
0xa9: {  	_ =	swait.ge [sflag:s23], $0x1  }
0xaa: {  	[sflag:s23] =	ssyncset.done $0x0  }
0xab: {  	s25 =	simm.s32 $0x1B8E;
	s24 =	sld [smem:$0x3FFE];
	[sflag:s23] =	ssyncadd.s32 $0xFFFFFFFF  }
0xac: {  	s26 =	simm.s32 $execute0_lowered;
	[smem:$0x3FD2] =	sst s25  }
0xad: {  	s7 =	sshll.u32 s26, $0x1;
	_ =	strace $0x80000046;
	[dreg:$0x1] =	wrdreg $0xFFFFFFFF  }
0xae: {  	s28 =	simm.s32 $_size_execute0_lowered;
	s5 =	sadd.s32 s5, s7;
	[dreg:$0x0] =	wrdreg $0x0  }
0xaf: {  	s7 =	sshll.u32 s28, $0x1;
	[dreg:$0x2] =	wrdreg s5  }
0xb0: {  	[dreg:$0x3] =	wrdreg s7  }
0xb1: {  	[dreg:$0x4] =	wrdreg $0xC0  }
0xb2: {  	_ =	task [dreg:s9], $0x5FFFF  }
0xb3: {  	[dreg:$0x1] =	wrdreg $0xFFFFFFFF  }
0xb4: {  	[dreg:$0x0] =	wrdreg $0x60  }
0xb5: {  	[dreg:$0x2] =	wrdreg s16  }
0xb6: {  	[dreg:$0x3] =	wrdreg s17  }
0xb7: {  	[dreg:$0x4] =	wrdreg s4  }
0xb8: {  	[dreg:$0x5] =	wrdreg s24  }
0xb9: {  	[dreg:$0x6] =	wrdreg $0xD  }
0xba: {  	_ =	task.clear_ibuf [dreg:s9], $0x7FFFF;
	_ =	strace $0x90000046  }
0xbb: {  	s29 =	simm.s32 $0xD;
	_ =	strace $0x80000048  }
0xbc: {  	_ =	swait.ge [sflag:s29], $0x1  }
0xbd: {  	[sflag:s29] =	ssyncadd.s32 $0xFFFFFFFF  }
0xbe: {  	_ =	strace $0x90000048  }
0xbf: {  	_ =	sfence  }
0xc0: {  	s30 =	sld [smem:$0x0];
	_ =	sdelay $0x2  }
0xc1: {  	s31 =	sshll.u32 s1, $0xD;
	s1 =	sshrl.u32 s1, $0x2  }
0xc2: {  	s3 =	sand.u32 $0x4000, s31;
	s1 =	sadd.s32 s1, s30  }
0xc3: {  	s0 =	sor.u32 s3, s0;
	s1 =	sshll.u32 s1, $0x11  }
0xc4: {  	s0 =	sor.u32 s1, s0  }
0xc5: {  	s0 =	sadd.s32 $0x8F2B, s0  }
0xc6: {  	[sflag:s0] =	ssyncadd.remote.s32 $0x1  }
0xc7: {  	_ =	sfence.sel $0xFFFF  }
0xc8: {  	[dreg:$0x0] =	wrdreg $0xFFFFFFFF;
	(pc) =	sbr.abs _section_cstart, $3  }
0xc9: {  	[dreg:$0x1] =	wrdreg $0xFFFFFFFF  }
0xca: {  	_ =	task.clear_ibuf [dreg:s9], $0x2FFFF;
	_ =	strace $0x9FFFFFFF  }
0xcb: {  	(tm) =	ssettm $0x7FFFFFFF  }
tec
execute0_lowered:
.L_overlay_start_1:
0x0: {  	(tag) =	ssettag $0x1  }
0x1: {  	s1 =	rddreg [dreg:$0x0]  }
0x2: {  	s2 =	rddreg [dreg:$0x1]  }
0x3: {  	s3 =	rddreg [dreg:$0x2]  }
0x4: {  	s0 =	srdreg.scid;
	s7 =	rddreg [dreg:$0x3];
	s5 =	simm.s32 $0x0  }
0x5: {  	s4 =	stileid.u32;
	s13 =	simm.s32 $0x80;
	s14 =	simm.s32 $0x180  }
0x6: {  	s15 =	simm.s32 $0x200;
	s16 =	simm.s32 $0x8200;
	s17 =	simm.s32 $0x4200  }
0x7: {  	s18 =	simm.s32 $0xC200;
	s8 =	sand.u32 $0x1, s0;
	s0 =	rddreg [dreg:$0x4]  }
0x8: {  	s19 =	simm.s32 $0x0;
	[smem:$0x7FF] =	sst s5;
	s30 =	sshll.u32 s4, $0x1  }
0x9: {  	s10 =	sshll.u32 s4, $0xD;
	s11 =	sshll.u32 s4, $0x9;
	s6 =	ssub.s32 $0x2, s8  }
0xa: {  	_ =	strace $0x80000047;
	s7 =	sadd.s32 s10, s7;
	s9 =	sshrl.u32 s6, $0x1  }
0xb: {  	s31 =	sshll.u32 s8, $0xC;
	s6 =	ssub.s32 s6, s9;
	s9 =	sor.u32 s30, s8  }
0xc: {  	s12 =	sshll.u32 s8, $0x8;
	s7 =	sadd.s32 s31, s7;
	s9 =	ssub.s32 $0x501, s9  }
0xd: {  	s10 =	sadd.s32 $0x4E2000, s7;
	s6 =	smax.u32 s6, $0x1;
	s8 =	sshrl.u32 s9, $0x5  }
0xe: {  	s9 =	sor.u32 s12, s11;
	s11 =	simm.s32 $0x1;
	s12 =	simm.s32 $0x100  }
.LBB2_1:
0xf: {  	p1 =	sne.s32 s8, $0x1  }
.Ltmp0:
0x10: {  	_ = 	snop;
	(pc) =	sbr.rel @!p1 .LBB2_2-.Ltmp0, $2  }
0x11: {  	_ =	sdelay $0x2  }
0x12: {  	s20 =	sadd.s32 $0xFFFFFFFF, s8;
	s24 =	sshrl.u32 s9, $0x3;
	p0 =	por $0x0, $0x0  }
0x13: {  	s21 =	sadd.s32 s2, s24  }
0x14: {  	[tilespmem:s5], [sflag:$0x1] =	stream.linear.gather [hbm4b:s21+s5], $0x80, $0x38;
	[tilespmem:$0x10200] =	vst v63  }
0x15: {  	_ =	swait.ge [sflag:s11], $0x80  }
0x16: {  	[sflag:s11] =	ssyncset.done $0x0  }
0x17: {  	s30 =	sadd.s32 s3, s24;
	[sflag:s11] =	ssyncadd.s32 $0xFFFFFF80  }
0x18: {  	[tilespmem:s12], [sflag:$0x1] =	stream.linear.gather [hbm4b:s30+s5], $0x80, $0x38;
	[tilespmem:$0x10200] =	vst v63  }
0x19: {  	_ =	swait.ge [sflag:s11], $0x80  }
0x1a: {  	s31 =	sor.u32 $0x10, s24;
	[sflag:s11] =	ssyncset.done $0x0  }
0x1b: {  	s22 =	sadd.s32 s2, s31;
	[sflag:s11] =	ssyncadd.s32 $0xFFFFFF80  }
0x1c: {  	[tilespmem:s13], [sflag:$0x1] =	stream.linear.gather [hbm4b:s22+s5], $0x80, $0x38;
	[tilespmem:$0x10200] =	vst v63  }
0x1d: {  	_ =	swait.ge [sflag:s11], $0x80  }
0x1e: {  	[sflag:s11] =	ssyncset.done $0x0  }
0x1f: {  	s21 =	sadd.s32 s3, s31;
	[sflag:s11] =	ssyncadd.s32 $0xFFFFFF80  }
0x20: {  	[tilespmem:s14], [sflag:$0x1] =	stream.linear.gather [hbm4b:s21+s5], $0x80, $0x38;
	[tilespmem:$0x10200] =	vst v63  }
0x21: {  	_ =	swait.ge [sflag:s11], $0x80  }
0x22: {  	[sflag:s11] =	ssyncset.done $0x0  }
0x23: {  	[sflag:s11] =	ssyncadd.s32 $0xFFFFFF80  }
0x24: {  	[tilespmem:s15], [sflag:$0x1] =	stream.indirect.gather [hbm4b:s1+s13], $0x80, s5, s13, $0xb8;
	[tilespmem:$0x10200] =	vst v63  }
0x25: {  	_ =	swait.ge [sflag:s11], $0x4000  }
0x26: {  	[sflag:s11] =	ssyncset.done $0x0  }
0x27: {  	[sflag:s11] =	ssyncadd.s32 $0xFFFFC000  }
0x28: {  	[tilespmem:s16], [sflag:$0x1] =	stream.indirect.gather [hbm4b:s1+s13], $0x80, s12, s13, $0xb8;
	[tilespmem:$0x10200] =	vst v63  }
0x29: {  	_ =	swait.ge [sflag:s11], $0x4000  }
0x2a: {  	[sflag:s11] =	ssyncset.done $0x0  }
0x2b: {  	[sflag:s11] =	ssyncadd.s32 $0xFFFFC000  }
0x2c: {  	[tilespmem:s17], [sflag:$0x1] =	stream.indirect.gather [hbm4b:s1+s13], $0x80, s13, s13, $0xb8;
	[tilespmem:$0x10200] =	vst v63  }
0x2d: {  	_ =	swait.ge [sflag:s11], $0x4000  }
0x2e: {  	[sflag:s11] =	ssyncset.done $0x0  }
0x2f: {  	[sflag:s11] =	ssyncadd.s32 $0xFFFFC000  }
0x30: {  	[tilespmem:s18], [sflag:$0x1] =	stream.indirect.gather [hbm4b:s1+s13], $0x80, s14, s13, $0xb8;
	[tilespmem:$0x10200] =	vst v63  }
0x31: {  	_ =	swait.ge [sflag:s11], $0x4000  }
0x32: {  	[sflag:s11] =	ssyncset.done $0x0  }
0x33: {  	[sflag:s11] =	ssyncadd.s32 $0xFFFFC000  }
0x34: {  	[hbm4b:s7+s5] =	stream.linear.scatter [tilespmem:s15], [sflag:$0x1], $0x8000, $0x38;
	[tilespmem:$0x10200] =	vst v63  }
0x35: {  	p1 =	sne.s32 s20, $0x1;
	_ =	swait.ge [sflag:s11], $0x8000  }
.Ltmp1:
0x36: {  	[sflag:s11] =	ssyncset.done $0x0;
	(pc) =	sbr.rel @!p1 .LBB2_4-.Ltmp1, $4  }
0x37: {  	s23 =	sadd.s32 $0xFFFFFFFF, s20;
	s20 =	sadd.s32 $0x20000, s10;
	[sflag:s11] =	ssyncadd.s32 $0xFFFF8000  }
0x38: {  	[hbm4b:s10+s5] =	stream.linear.scatter [tilespmem:s16], [sflag:$0x1], $0x8000, $0x38;
	[tilespmem:$0x10200] =	vst v63  }
0x39: {  	p0 =	por $0x1, $0x1;
	s22 =	sadd.s32 $0x2000, s9;
	_ =	swait.ge [sflag:s11], $0x8000  }
0x3a: {  	s24 =	sshrl.u32 s22, $0x3;
	s21 =	smov.u32 s7;
	[sflag:s11] =	ssyncset.done $0x0  }
.LBB2_5:
0x3b: {  	s25 =	sadd.s32 s2, s24;
	[sflag:s11] =	ssyncadd.s32 $0xFFFF8000;
	s21 =	sadd.s32 $0x20000, s21  }
0x3c: {  	[tilespmem:s5], [sflag:$0x1] =	stream.linear.gather [hbm4b:s25+s5], $0x80, $0x38;
	[tilespmem:$0x10200] =	vst v63  }
0x3d: {  	p1 =	sne.s32 s23, $0x1;
	s23 =	sadd.s32 $0xFFFFFFFF, s23;
	_ =	swait.ge [sflag:s11], $0x80  }
0x3e: {  	[sflag:s11] =	ssyncset.done $0x0  }
0x3f: {  	s25 =	sadd.s32 s3, s24;
	[sflag:s11] =	ssyncadd.s32 $0xFFFFFF80  }
0x40: {  	[tilespmem:s12], [sflag:$0x1] =	stream.linear.gather [hbm4b:s25+s5], $0x80, $0x38;
	[tilespmem:$0x10200] =	vst v63  }
0x41: {  	_ =	swait.ge [sflag:s11], $0x80  }
0x42: {  	s24 =	sor.u32 $0x10, s24;
	[sflag:s11] =	ssyncset.done $0x0  }
0x43: {  	s25 =	sadd.s32 s2, s24;
	[sflag:s11] =	ssyncadd.s32 $0xFFFFFF80  }
0x44: {  	[tilespmem:s13], [sflag:$0x1] =	stream.linear.gather [hbm4b:s25+s5], $0x80, $0x38;
	[tilespmem:$0x10200] =	vst v63  }
0x45: {  	_ =	swait.ge [sflag:s11], $0x80  }
0x46: {  	[sflag:s11] =	ssyncset.done $0x0  }
0x47: {  	s24 =	sadd.s32 s3, s24;
	[sflag:s11] =	ssyncadd.s32 $0xFFFFFF80  }
0x48: {  	[tilespmem:s14], [sflag:$0x1] =	stream.linear.gather [hbm4b:s24+s5], $0x80, $0x38;
	[tilespmem:$0x10200] =	vst v63  }
0x49: {  	_ =	swait.ge [sflag:s11], $0x80  }
0x4a: {  	[sflag:s11] =	ssyncset.done $0x0  }
0x4b: {  	[sflag:s11] =	ssyncadd.s32 $0xFFFFFF80  }
0x4c: {  	[tilespmem:s15], [sflag:$0x1] =	stream.indirect.gather [hbm4b:s1+s13], $0x80, s5, s13, $0xb8;
	[tilespmem:$0x10200] =	vst v63  }
0x4d: {  	_ =	swait.ge [sflag:s11], $0x4000  }
0x4e: {  	[sflag:s11] =	ssyncset.done $0x0  }
0x4f: {  	[sflag:s11] =	ssyncadd.s32 $0xFFFFC000  }
0x50: {  	[tilespmem:s16], [sflag:$0x1] =	stream.indirect.gather [hbm4b:s1+s13], $0x80, s12, s13, $0xb8;
	[tilespmem:$0x10200] =	vst v63  }
0x51: {  	_ =	swait.ge [sflag:s11], $0x4000  }
0x52: {  	[sflag:s11] =	ssyncset.done $0x0  }
0x53: {  	[sflag:s11] =	ssyncadd.s32 $0xFFFFC000  }
0x54: {  	[tilespmem:s17], [sflag:$0x1] =	stream.indirect.gather [hbm4b:s1+s13], $0x80, s13, s13, $0xb8;
	[tilespmem:$0x10200] =	vst v63  }
0x55: {  	_ =	swait.ge [sflag:s11], $0x4000  }
0x56: {  	[sflag:s11] =	ssyncset.done $0x0  }
0x57: {  	[sflag:s11] =	ssyncadd.s32 $0xFFFFC000  }
0x58: {  	[tilespmem:s18], [sflag:$0x1] =	stream.indirect.gather [hbm4b:s1+s13], $0x80, s14, s13, $0xb8;
	[tilespmem:$0x10200] =	vst v63  }
0x59: {  	_ =	swait.ge [sflag:s11], $0x4000  }
0x5a: {  	[sflag:s11] =	ssyncset.done $0x0  }
0x5b: {  	[sflag:s11] =	ssyncadd.s32 $0xFFFFC000  }
0x5c: {  	[hbm4b:s21+s5] =	stream.linear.scatter [tilespmem:s15], [sflag:$0x1], $0x8000, $0x38;
	[tilespmem:$0x10200] =	vst v63  }
0x5d: {  	_ =	swait.ge [sflag:s11], $0x8000  }
.Ltmp2:
0x5e: {  	[sflag:s11] =	ssyncset.done $0x0;
	(pc) =	sbr.rel @p1 .LBB2_5-.Ltmp2, $4  }
0x5f: {  	[sflag:s11] =	ssyncadd.s32 $0xFFFF8000  }
0x60: {  	[hbm4b:s20+s5] =	stream.linear.scatter [tilespmem:s16], [sflag:$0x1], $0x8000, $0x38;
	[tilespmem:$0x10200] =	vst v63  }
0x61: {  	s22 =	sadd.s32 $0x2000, s22;
	_ =	swait.ge [sflag:s11], $0x8000  }
0x62: {  	s24 =	sshrl.u32 s22, $0x3;
	s20 =	sadd.s32 $0x20000, s20;
	[sflag:s11] =	ssyncset.done $0x0  }
.LBB2_6:
0x63: {  	s22 =	sadd.s32 s2, s24;
	[sflag:s11] =	ssyncadd.s32 @p0 $0xFFFF8000  }
0x64: {  	[tilespmem:s5], [sflag:$0x1] =	stream.linear.gather [hbm4b:s22+s5], $0x80, $0x38;
	[tilespmem:$0x10200] =	vst v63  }
0x65: {  	_ =	swait.ge [sflag:s11], $0x80  }
0x66: {  	[sflag:s11] =	ssyncset.done $0x0  }
0x67: {  	s30 =	sadd.s32 s3, s24;
	[sflag:s11] =	ssyncadd.s32 $0xFFFFFF80  }
0x68: {  	[tilespmem:s12], [sflag:$0x1] =	stream.linear.gather [hbm4b:s30+s5], $0x80, $0x38;
	[tilespmem:$0x10200] =	vst v63  }
0x69: {  	_ =	swait.ge [sflag:s11], $0x80  }
0x6a: {  	s31 =	sor.u32 $0x10, s24;
	[sflag:s11] =	ssyncset.done $0x0  }
0x6b: {  	s23 =	sadd.s32 s2, s31;
	[sflag:s11] =	ssyncadd.s32 $0xFFFFFF80  }
0x6c: {  	[tilespmem:s13], [sflag:$0x1] =	stream.linear.gather [hbm4b:s23+s5], $0x80, $0x38;
	[tilespmem:$0x10200] =	vst v63  }
0x6d: {  	_ =	swait.ge [sflag:s11], $0x80  }
0x6e: {  	[sflag:s11] =	ssyncset.done $0x0  }
0x6f: {  	s22 =	sadd.s32 s3, s31;
	[sflag:s11] =	ssyncadd.s32 $0xFFFFFF80  }
0x70: {  	[tilespmem:s14], [sflag:$0x1] =	stream.linear.gather [hbm4b:s22+s5], $0x80, $0x38;
	[tilespmem:$0x10200] =	vst v63  }
0x71: {  	_ =	swait.ge [sflag:s11], $0x80  }
0x72: {  	[sflag:s11] =	ssyncset.done $0x0  }
0x73: {  	[sflag:s11] =	ssyncadd.s32 $0xFFFFFF80  }
0x74: {  	[tilespmem:s15], [sflag:$0x1] =	stream.indirect.gather [hbm4b:s1+s13], $0x80, s5, s13, $0xb8;
	[tilespmem:$0x10200] =	vst v63  }
0x75: {  	_ =	swait.ge [sflag:s11], $0x4000  }
0x76: {  	[sflag:s11] =	ssyncset.done $0x0  }
0x77: {  	[sflag:s11] =	ssyncadd.s32 $0xFFFFC000  }
0x78: {  	[tilespmem:s16], [sflag:$0x1] =	stream.indirect.gather [hbm4b:s1+s13], $0x80, s12, s13, $0xb8;
	[tilespmem:$0x10200] =	vst v63  }
0x79: {  	_ =	swait.ge [sflag:s11], $0x4000  }
0x7a: {  	[sflag:s11] =	ssyncset.done $0x0  }
0x7b: {  	[sflag:s11] =	ssyncadd.s32 $0xFFFFC000  }
0x7c: {  	[tilespmem:s17], [sflag:$0x1] =	stream.indirect.gather [hbm4b:s1+s13], $0x80, s13, s13, $0xb8;
	[tilespmem:$0x10200] =	vst v63  }
0x7d: {  	_ =	swait.ge [sflag:s11], $0x4000  }
0x7e: {  	[sflag:s11] =	ssyncset.done $0x0  }
0x7f: {  	[sflag:s11] =	ssyncadd.s32 $0xFFFFC000  }
0x80: {  	[tilespmem:s18], [sflag:$0x1] =	stream.indirect.gather [hbm4b:s1+s13], $0x80, s14, s13, $0xb8;
	[tilespmem:$0x10200] =	vst v63  }
0x81: {  	_ =	swait.ge [sflag:s11], $0x4000  }
0x82: {  	s21 =	sadd.s32 @p0 $0x20000, s21;
	s22 =	smov.u32 s7;
	[sflag:s11] =	ssyncset.done $0x0  }
0x83: {  	s22 =	smov.u32 @p0 s21;
	[sflag:s11] =	ssyncadd.s32 $0xFFFFC000  }
0x84: {  	[hbm4b:s22+s5] =	stream.linear.scatter [tilespmem:s15], [sflag:$0x1], $0x8000, $0x38;
	[tilespmem:$0x10200] =	vst v63  }
0x85: {  	_ =	swait.ge [sflag:s11], $0x8000  }
0x86: {  	s19 =	sadd.s32 $0x1, s19;
	[sflag:s11] =	ssyncset.done $0x0  }
0x87: {  	p0 =	sne.s32 s19, s6;
	[sflag:s11] =	ssyncadd.s32 $0xFFFF8000  }
0x88: {  	[hbm4b:s20+s5] =	stream.linear.scatter [tilespmem:s16], [sflag:$0x1], $0x8000, $0x38;
	[tilespmem:$0x10200] =	vst v63  }
.Ltmp3:
0x89: {  	_ = 	snop;
	(pc) =	sbr.rel @p0 .LBB2_1-.Ltmp3, $4  }
.Ltmp4:
0x8a: {  	_ = 	snop;
	(pc) =	sbr.rel @!p0 .LBB2_7-.Ltmp4, $4  }
0x8b: {  	_ =	swait.ge [sflag:s11], $0x8000  }
0x8c: {  	[sflag:s11] =	ssyncset.done $0x0  }
0x8d: {  	[sflag:s11] =	ssyncadd.s32 $0xFFFF8000  }
0x8e: {  	_ = 	snop  }
.LBB2_2:
.Ltmp5:
0x8f: {  	(pc) =	sbr.rel .LBB2_6-.Ltmp5, $2  }
0x90: {  	_ =	sdelay $0x2  }
0x91: {  	s21 =	smov.u32 s7;
	s20 =	smov.u32 s10  }
.LBB2_4:
.Ltmp6:
0x92: {  	(pc) =	sbr.rel .LBB2_6-.Ltmp6, $2  }
0x93: {  	_ =	sdelay $0x2  }
0x94: {  	s21 =	smov.u32 s7  }
.LBB2_7:
0x95: {  	_ =	sfence.sel $0x180000  }
0x96: {  	[bflag:$0x0] =	sbarrier.arrive $0xFFFF  }
0x97: {  	p0 =	sne.s32 s4, $0x0;
	_ =	strace $0x90000047  }
0x98: {  	s0 =	sadd.s32 @!p0 $0x100000, s0;
	[bflag:$0x2] =	sbarrier.arrive $0xFFFF  }
0x99: {  	[sflag:s0] =	ssyncadd.tile.s32 @!p0 $0x1;
	_ =	shalt  }
.Lfunc_end2:
_tile_overlayer_lowered:
.L_overlay_start_2:
0x9a: {  	(tag) =	ssettag $0x2  }
0x9b: {  	s0 =	rddreg [dreg:$0x0];
	s2 =	stileid.u32  }
0x9c: {  	s1 =	rddreg [dreg:$0x1];
	p0 =	sne.s32 s2, $0x0  }
0x9d: {  	s3 =	rddreg [dreg:$0x2];
	[bflag:$0x3] =	sbarrier.arrive $0xFFFF;
	s2 =	simm.s32 @!p0 $0x1C01  }
0x9e: {  	[timem:s3], [sflag:s2] =	dma.local @!p0 [hbm:s0], s1  }
0x9f: {  	s0 =	simm.s32 @!p0 $0x1  }
0xa0: {  	_ =	swait.ge @!p0 [sflag:s0], s1  }
0xa1: {  	s1 =	ssub.s32 @!p0 $0x0, s1;
	[sflag:s0] =	ssyncset.done @!p0 $0x0  }
0xa2: {  	[sflag:s0] =	ssyncadd.s32 @!p0 s1  }
0xa3: {  	[bflag:$0x3] =	sbarrier.arrive $0xFFFF  }
0xa4: {  	_ =	shalt  }

// kernel: scatter_offload_async_start.1
scs
__scs_entry_jumppad:
0x0: {  	(pc) =	sbr.rel $0x88, $3  }
0x1: {  	(tag) =	ssettag $0x0;
	lr =	simm.s32 $0x1  }
0x2: {  	[smem:$0x3F94] =	sst lr;
	_ =	strace $0xD0000000  }
0x3: {  	_ = 	snop  }
0x4: {  	_ = 	snop  }
0x5: {  	_ = 	snop  }
0x6: {  	_ = 	snop  }
0x7: {  	_ = 	snop  }
__scs_overlays_trampoline_lowered:
0x8: {  	[smem:$0x3FA3] =	sst s0  }
0x9: {  	[smem:$0x3FA4] =	sst s1  }
0xa: {  	[smem:$0x3FA5] =	sst s2  }
0xb: {  	[smem:$0x3FA6] =	sst s3  }
0xc: {  	[smem:$0x3FA7] =	sst s4  }
0xd: {  	[smem:$0x3FA8] =	sst s5  }
0xe: {  	[smem:$0x3FA9] =	sst s6  }
0xf: {  	[smem:$0x3FAA] =	sst s7  }
0x10: {  	[smem:$0x3FAB] =	sst s8  }
0x11: {  	[smem:$0x3FAC] =	sst s9;
	s0 =	simm.s32 @!p0 $0x0  }
0x12: {  	s1 =	sld [smem:$0x3F92];
	s0 =	simm.s32 @p0 $0x1  }
0x13: {  	[smem:$0x3FAD] =	sst s0;
	s0 =	simm.s32 @!p1 $0x0  }
0x14: {  	s2 =	sld [smem:$0x3F91];
	s0 =	simm.s32 @p1 $0x1  }
0x15: {  	[smem:$0x3FAE] =	sst s0;
	s0 =	simm.s32 @!p2 $0x0  }
0x16: {  	s3 =	sld [smem:$0x3FDB];
	s0 =	simm.s32 @p2 $0x1  }
0x17: {  	s4 =	simm.s32 $0x1BF5;
	[smem:$0x3FB0] =	sst s0  }
0x18: {  	s0 =	sld [smem:$0x3F93];
	_ =	swait.ge [sflag:s4], $0x0  }
0x19: {  	s7 =	sld [smem:$0x3F94]  }
0x1a: {  	s8 =	sadd.s32 $0xFFFFE003, lr  }
0x1b: {  	s9 =	sadd.s32 $0xFFFFFEF7, lr;
	s5 =	simm.s32 $0xFFFFFFFF;
	p2 =	slt.u32 s8, $0xFFFFF086  }
0x1c: {  	p1 =	slt.u32 s9, $0xF7A;
	s5 =	simm.s32 @!p2 $0x0  }
0x1d: {  	s5 =	simm.s32 @p1 $0x1;
	p0 =	seq.s32 s7, s2  }
0x1e: {  	s7 =	smul.u32 @!p0 $0xF7A, s2;
	p2 =	seq.s32 @!p0 s5, $0x0  }
0x1f: {  	s9 =	smul.u32 $0xF7A, s1;
	s8 =	simm.s32 @!p0 $0x1BF5;
	p2 =	por !p2, p0  }
0x20: {  	[sflag:s8] =	ssyncset.s32 @!p0 $0xFFFFF086;
	s6 =	sadd.s32 @!p0 s3, s7;
	s7 =	simm.s32 @!p0 $0x108  }
0x21: {  	s3 =	sadd.s32 s3, s9;
	s6 =	sadd.s32 @!p0 $0x88, s6;
	s7 =	simm.s32 @p2 $0x1082  }
0x22: {  	[simem:s7], [sflag:s8] =	dma.local @!p0 [hbm:s6], $0xF7A  }
0x23: {  	s9 =	sor.u32 $0xD0000000, s2;
	s6 =	simm.s32 $0x108;
	_ =	swait.ge @!p0 [sflag:s8], $0x0  }
0x24: {  	s3 =	sadd.s32 $0x88, s3;
	s6 =	simm.s32 @!p1 $0x1082;
	[sflag:s4] =	ssyncset.s32 $0xFFFFF086  }
0x25: {  	[simem:s6], [sflag:s4] =	dma.local [hbm:s3], $0xF7A  }
0x26: {  	[smem:$0x3F94] =	sst s1;
	(tag) =	ssettag s2;
	_ =	strace s9  }
0x27: {  	s1 =	sld [smem:$0x3FA4]  }
0x28: {  	s2 =	sld [smem:$0x3FA5]  }
0x29: {  	s4 =	sld [smem:$0x3FA7]  }
0x2a: {  	p0 =	seq.s32 s5, $0x0;
	s5 =	sld [smem:$0x3FA8]  }
0x2b: {  	s6 =	sld [smem:$0x3FA9]  }
0x2c: {  	s7 =	sld [smem:$0x3FAA]  }
0x2d: {  	s3 =	simm.s32 $0x108;
	s8 =	sld [smem:$0x3FAB]  }
0x2e: {  	s3 =	simm.s32 @!p0 $0x1082;
	s9 =	sld [smem:$0x3FAC]  }
0x2f: {  	lr =	sadd.s32 s0, s3;
	s0 =	sld [smem:$0x3FA3]  }
0x30: {  	s3 =	sld [smem:$0x3FA6]  }
0x31: {  	[smem:$0x3FAF] =	sst s10  }
0x32: {  	s10 =	sld [smem:$0x3FAD];
	_ =	sdelay $0x3  }
0x33: {  	p0 =	seq.s32 s10, $0x1;
	s10 =	sld [smem:$0x3FAF];
	_ =	sdelay $0x3  }
0x34: {  	[smem:$0x3FAF] =	sst s10  }
0x35: {  	s10 =	sld [smem:$0x3FAE];
	_ =	sdelay $0x3  }
0x36: {  	p1 =	seq.s32 s10, $0x1;
	s10 =	sld [smem:$0x3FAF];
	_ =	sdelay $0x3  }
0x37: {  	[smem:$0x3FAF] =	sst s10  }
0x38: {  	s10 =	sld [smem:$0x3FB0]  }
0x39: {  	_ = 	snop;
	(pc) =	sbr.ind lr, $3  }
0x3a: {  	_ = 	snop  }
0x3b: {  	_ = 	snop  }
0x3c: {  	p2 =	seq.s32 s10, $0x1;
	s10 =	sld [smem:$0x3FAF]  }
0x3d: {  	_ =	shalt  }
0x3e: {  	_ =	shalt  }
0x3f: {  	_ =	shalt  }
0x40: {  	_ =	shalt  }
0x41: {  	_ =	shalt  }
0x42: {  	_ =	shalt  }
0x43: {  	_ =	shalt  }
0x44: {  	_ =	shalt  }
0x45: {  	_ =	shalt  }
0x46: {  	_ =	shalt  }
0x47: {  	_ =	shalt  }
0x48: {  	_ =	shalt  }
0x49: {  	_ =	shalt  }
0x4a: {  	_ =	shalt  }
0x4b: {  	_ =	shalt  }
0x4c: {  	_ =	shalt  }
0x4d: {  	_ =	shalt  }
0x4e: {  	_ =	shalt  }
0x4f: {  	_ =	shalt  }
0x50: {  	_ =	shalt  }
0x51: {  	_ =	shalt  }
0x52: {  	_ =	shalt  }
0x53: {  	_ =	shalt  }
0x54: {  	_ =	shalt  }
0x55: {  	_ =	shalt  }
0x56: {  	_ =	shalt  }
0x57: {  	_ =	shalt  }
0x58: {  	_ =	shalt  }
0x59: {  	_ =	shalt  }
0x5a: {  	_ =	shalt  }
0x5b: {  	_ =	shalt  }
0x5c: {  	_ =	shalt  }
0x5d: {  	_ =	shalt  }
0x5e: {  	_ =	shalt  }
0x5f: {  	_ =	shalt  }
0x60: {  	_ =	shalt  }
0x61: {  	_ =	shalt  }
0x62: {  	_ =	shalt  }
0x63: {  	_ =	shalt  }
0x64: {  	_ =	shalt  }
0x65: {  	_ =	shalt  }
0x66: {  	_ =	shalt  }
0x67: {  	_ =	shalt  }
0x68: {  	_ =	shalt  }
0x69: {  	_ =	shalt  }
0x6a: {  	_ =	shalt  }
0x6b: {  	_ =	shalt  }
0x6c: {  	_ =	shalt  }
0x6d: {  	_ =	shalt  }
0x6e: {  	_ =	shalt  }
0x6f: {  	_ =	shalt  }
0x70: {  	_ =	shalt  }
0x71: {  	_ =	shalt  }
0x72: {  	_ =	shalt  }
0x73: {  	_ =	shalt  }
0x74: {  	_ =	shalt  }
0x75: {  	_ =	shalt  }
0x76: {  	_ =	shalt  }
0x77: {  	_ =	shalt  }
0x78: {  	_ =	shalt  }
0x79: {  	_ =	shalt  }
0x7a: {  	_ =	shalt  }
0x7b: {  	_ =	shalt  }
0x7c: {  	_ =	shalt  }
0x7d: {  	_ =	shalt  }
0x7e: {  	_ =	shalt  }
0x7f: {  	_ =	shalt  }
0x80: {  	_ =	shalt  }
0x81: {  	_ =	shalt  }
0x82: {  	_ =	shalt  }
0x83: {  	_ =	shalt  }
0x84: {  	_ =	shalt  }
0x85: {  	_ =	shalt  }
0x86: {  	_ =	shalt  }
0x87: {  	_ =	shalt  }
.Lfunc_end0:
.L_simem_size_0:
called_computation.1_lowered:
.L_overlay_start_0:
0x88: {  	s2 =	sld [smem:$0x3FD9]  }
0x89: {  	s3 =	sld [smem:$0x3FFE];
	_ =	sdelay $0x1  }
0x8a: {  	s1 =	srdreg.scid  }
0x8b: {  	s0 =	sand.u32 $0x1, s1  }
0x8c: {  	s12 =	sshll.u32 s0, $0xA;
	s2 =	sadd.s32 s3, s2  }
0x8d: {  	s2 =	sadd.s32 s2, s12  }
0x8e: {  	[smem:$0x3FBB] =	sst s2  }
0x8f: {  	_ = 	snop  }
0x90: {  	(tm) =	ssettm $0x1  }
0x91: {  	s13 =	sld [smem:$0x3FFB];
	_ =	sdelay $0x3  }
0x92: {  	_ =	strace s13  }
0x93: {  	s2 =	sld [smem:$0x3FFC];
	_ =	sdelay $0x3  }
0x94: {  	_ =	strace s2  }
0x95: {  	s2 =	sld [smem:$0x3FFD];
	_ =	sdelay $0x3  }
0x96: {  	_ =	strace s2  }
0x97: {  	_ =	strace $0x8FFFFFFF  }
0x98: {  	s14 =	sld [smem:$0x3FDB];
	_ =	sdelay $0x1  }
0x99: {  	s15 =	simm.s32 $_scs_section_size  }
0x9a: {  	s4 =	simm.s32 $_size__tile_overlayer_lowered;
	s5 =	simm.s32 $_tile_overlayer_lowered  }
0x9b: {  	s19 =	simm.s32 $0x1BFF;
	s17 =	sshll.u32 s5, $0x1;
	s6 =	sadd.s32 s15, s14  }
0x9c: {  	s20 =	simm.s32 $0x0;
	s16 =	sshll.u32 s4, $0x1;
	s18 =	sadd.s32 s17, s6  }
0x9d: {  	[timem:s20], [sflag:s19] =	dma.local [hbm:s18], s16  }
0x9e: {  	_ =	swait.ge [sflag:s19], s16  }
0x9f: {  	s3 =	ssub.s32 $0x0, s16;
	[sflag:s19] =	ssyncset.done $0x0  }
0xa0: {  	[sflag:s19] =	ssyncadd.s32 s3;
	_ =	sdelay $0x1  }
0xa1: {  	s21 =	simm.s32 $0x1B8B  }
0xa2: {  	_ =	swait.ge [sflag:s21], $0x1  }
0xa3: {  	[sflag:s21] =	ssyncset.done $0x0  }
0xa4: {  	[sflag:s21] =	ssyncadd.s32 $0xFFFFFFFF  }
0xa5: {  	s3 =	sld [smem:$0x0]  }
0xa6: {  	s4 =	sand.u32 $0xFFFFFFFE, s1  }
0xa7: {  	p0 =	sne.s32 s1, s4  }
0xa8: {  	s4 =	sshll.u32 @p0 s4, $0xE  }
0xa9: {  	s5 =	sadd.s32 @p0 $0x11B8D, s4;
	s7 =	sshll.u32 @p0 s3, $0x11  }
0xaa: {  	s5 =	sor.u32 @p0 s7, s5  }
0xab: {  	[sflag:s5] =	ssyncadd.remote.s32 @p0 $0x1;
	_ =	sdelay $0x1  }
0xac: {  	s5 =	simm.s32 @p0 $0x1B8D  }
0xad: {  	_ =	swait.eq @p0 [sflag:s5], $0x1  }
0xae: {  	[sflag:s5] =	ssyncadd.s32 @p0 $0xFFFFFFFF  }
0xaf: {  	s7 =	sshll.u32 @!p0 s1, $0xE  }
0xb0: {  	s7 =	sor.u32 @!p0 $0x4000, s7;
	s5 =	simm.s32 @!p0 $0x1B8D  }
0xb1: {  	s9 =	sshll.u32 @!p0 s3, $0x11;
	s8 =	sadd.s32 @!p0 $0x11B8D, s7;
	_ =	swait.eq @!p0 [sflag:s5], $0x1  }
0xb2: {  	[sflag:s5] =	ssyncadd.s32 @!p0 $0xFFFFFFFF;
	s5 =	sor.u32 @!p0 s9, s8  }
0xb3: {  	s23 =	simm.s32 $0x1B8E;
	s22 =	sld [smem:$0x3FFE];
	[sflag:s5] =	ssyncadd.remote.s32 @!p0 $0x1  }
0xb4: {  	s24 =	simm.s32 $execute0_lowered;
	[smem:$0x3FD2] =	sst s23  }
0xb5: {  	s8 =	sshll.u32 s24, $0x1;
	_ =	strace $0x80000055;
	[dreg:$0x1] =	wrdreg $0xFFFFFFFF  }
0xb6: {  	s25 =	simm.s32 $_size_execute0_lowered;
	s8 =	sadd.s32 s6, s8;
	[dreg:$0x0] =	wrdreg $0x0  }
0xb7: {  	s9 =	sshll.u32 s25, $0x1;
	[dreg:$0x2] =	wrdreg s8  }
0xb8: {  	[dreg:$0x3] =	wrdreg s9  }
0xb9: {  	[dreg:$0x4] =	wrdreg $0xC0  }
0xba: {  	s26 =	simm.s32 $execute1_lowered;
	_ =	task [dreg:s20], $0x5FFFF  }
0xbb: {  	s8 =	sshll.u32 s26, $0x1;
	[dreg:$0x1] =	wrdreg $0xFFFFFFFF  }
0xbc: {  	s6 =	sadd.s32 s6, s8;
	[dreg:$0x0] =	wrdreg $0x60  }
0xbd: {  	[dreg:$0x2] =	wrdreg s6  }
0xbe: {  	[dreg:$0x3] =	wrdreg s22  }
0xbf: {  	[dreg:$0x4] =	wrdreg $0xF  }
0xc0: {  	_ =	task.clear_ibuf [dreg:s20], $0x5FFFF;
	_ =	strace $0x90000055  }
0xc1: {  	s28 =	simm.s32 $0xF;
	_ =	strace $0x80000057  }
0xc2: {  	_ =	swait.ge [sflag:s28], $0x1  }
0xc3: {  	[sflag:s28] =	ssyncadd.s32 $0xFFFFFFFF  }
0xc4: {  	_ =	strace $0x90000057  }
0xc5: {  	s6 =	sld [smem:$0x0];
	_ =	sdelay $0x3  }
0xc6: {  	s4 =	sadd.s32 @p0 $0x11BF3, s4;
	s8 =	sshll.u32 @p0 s6, $0x11  }
0xc7: {  	s4 =	sor.u32 @p0 s8, s4  }
0xc8: {  	[sflag:s4] =	ssyncadd.remote.s32 @p0 $0x1;
	_ =	sdelay $0x1  }
0xc9: {  	s4 =	simm.s32 @p0 $0x1BF3  }
0xca: {  	_ =	swait.eq @p0 [sflag:s4], $0x1  }
0xcb: {  	[sflag:s4] =	ssyncadd.s32 @p0 $0xFFFFFFFF;
	_ =	sdelay $0x1  }
0xcc: {  	s4 =	simm.s32 @!p0 $0x1BF3  }
0xcd: {  	s7 =	sadd.s32 @!p0 $0x11BF3, s7;
	s6 =	sshll.u32 @!p0 s6, $0x11;
	_ =	swait.eq @!p0 [sflag:s4], $0x1  }
0xce: {  	[sflag:s4] =	ssyncadd.s32 @!p0 $0xFFFFFFFF;
	s4 =	sor.u32 @!p0 s6, s7  }
0xcf: {  	[sflag:s4] =	ssyncadd.remote.s32 @!p0 $0x1  }
0xd0: {  	_ =	strace $0x80000058;
	[dreg:$0x1] =	wrdreg $0xFFFFFFFF  }
0xd1: {  	[dreg:$0x0] =	wrdreg $0x2030  }
0xd2: {  	[dreg:$0x2] =	wrdreg s22  }
0xd3: {  	[dreg:$0x3] =	wrdreg s1  }
0xd4: {  	[dreg:$0x4] =	wrdreg s3  }
0xd5: {  	[dreg:$0x5] =	wrdreg $0x10  }
0xd6: {  	_ =	task.clear_ibuf [dreg:s20], $0x6FFFF;
	_ =	strace $0x90000058  }
0xd7: {  	s29 =	simm.s32 $0x10;
	_ =	strace $0x8000005A  }
0xd8: {  	_ =	swait.ge [sflag:s29], $0x1  }
0xd9: {  	[sflag:s29] =	ssyncadd.s32 $0xFFFFFFFF  }
0xda: {  	_ =	strace $0x9000005A  }
0xdb: {  	_ =	sfence  }
0xdc: {  	s30 =	sld [smem:$0x0];
	_ =	sdelay $0x2  }
0xdd: {  	s31 =	sshll.u32 s1, $0xD;
	s1 =	sshrl.u32 s1, $0x2  }
0xde: {  	s4 =	sand.u32 $0x4000, s31;
	s1 =	sadd.s32 s1, s30  }
0xdf: {  	s0 =	sor.u32 s4, s0;
	s1 =	sshll.u32 s1, $0x11  }
0xe0: {  	s0 =	sor.u32 s1, s0  }
0xe1: {  	s0 =	sadd.s32 $0x8F2B, s0  }
0xe2: {  	[sflag:s0] =	ssyncadd.remote.s32 $0x1  }
0xe3: {  	_ =	sfence.sel $0xFFFF  }
0xe4: {  	[dreg:$0x0] =	wrdreg $0xFFFFFFFF;
	(pc) =	sbr.abs _section_cstart, $3  }
0xe5: {  	[dreg:$0x1] =	wrdreg $0xFFFFFFFF  }
0xe6: {  	_ =	task.clear_ibuf [dreg:s20], $0x2FFFF;
	_ =	strace $0x9FFFFFFF  }
0xe7: {  	(tm) =	ssettm $0x7FFFFFFF  }
tec
execute0_lowered:
.L_overlay_start_1:
0x0: {  	(tag) =	ssettag $0x1  }
0x1: {  	s2 =	rddreg [dreg:$0x0]  }
0x2: {  	s5 =	rddreg [dreg:$0x1]  }
0x3: {  	s0 =	rddreg [dreg:$0x2];
	s3 =	stileid.u32;
	[bflag:$0x3] =	sbarrier.arrive $0xFFFF  }
0x4: {  	s1 =	simm.s32 $_size_execute1_lowered;
	s29 =	srdreg.scid;
	s31 =	simm.s32 $0x2  }
0x5: {  	s13 =	simm.s32 $0x0;
	s8 =	simm.s32 $0x40;
	p0 =	sne.s32 s3, $0x0  }
0x6: {  	s1 =	sshll.u32 s1, $0x1;
	s4 =	simm.s32 @!p0 $0x1C3F;
	s6 =	simm.s32 @!p0 $0x4060  }
0x7: {  	[timem:s6], [sflag:s4] =	dma.local @!p0 [hbm:s2], s1  }
0x8: {  	s9 =	simm.s32 $0x80;
	s11 =	simm.s32 $0x0;
	s2 =	sshll.u32 s29, $0x8  }
.Ltmp0:
0x9: {  	s3 =	sshll.u32 s3, $0x9;
	s30 =	sand.u32 $0x100, s2;
	(pc) =	sbr.rel .LBB2_1-.Ltmp0, $4  }
0xa: {  	s12 =	simm.s32 $0x0;
	_ =	strace $0x80000056;
	s3 =	sor.u32 s3, s30  }
0xb: {  	s4 =	simm.s32 $0x1;
	s2 =	sadd.s32 $0x9F6200, s5;
	s7 =	ssub.s32 $0x2700, s3  }
0xc: {  	s5 =	sadd.s32 $0xA1D400, s5;
	[sflag:s4] =	ssyncpa.u1 $0x0;
	s6 =	sshrl.u32 s7, $0xD  }
0xd: {  	[sflag:s31] =	ssyncpa.u1 $0x0;
	s10 =	smov.u32 s3;
	s7 =	sor.u32 $0x2, s6  }
.LBB2_5:
0xe: {  	_ =	sdelay $0x3  }
0xf: {  	[tilespmem:v3+s18+$0x0 ss:$0x1] =	vst.idx.msk $0xffff, v1  }
0x10: {  	[tilespmem:v3+s17+$0x0 ss:$0x1] =	vst.idx.msk $0xffff, v2  }
0x11: {  	[tilespmem:v3+s16+$0x0 ss:$0x1] =	vst.idx.msk $0xffff, v4  }
0x12: {  	[tilespmem:v3+s19+$0x0 ss:$0x1] =	vst.idx.msk $0xffff, v5  }
.LBB2_6:
0x13: {  	s16 =	sand.u32 $0x1FFFFFF, s11  }
0x14: {  	s17 =	smulhi.u32 $0x1A36E2F, s16;
	_ =	sdelay $0x1  }
0x15: {  	s17 =	sshrl.u32 s17, $0x6  }
0x16: {  	s17 =	smul.u32 $0x2710, s17;
	_ =	sdelay $0x1  }
0x17: {  	s16 =	ssub.s32 s16, s17  }
0x18: {  	s16 =	sshll.u32 s16, $0x4  }
0x19: {  	s16 =	sadd.s32 s5, s16  }
0x1a: {  	[hbm4b:s16+s8] =	stream.strided.scatter [tilespmem:s15], [sflag:$0x2], s14, s9, s8, $0x38;
	[tilespmem:$0x10000] =	vst v63  }
.LBB2_7:
0x1b: {  	p1 =	slt.u32 s12, $0x2  }
0x1c: {  	p2 =	sgt.s32 @!p1 s13, $0x2610  }
0x1d: {  	s14 =	smov.u32 s13;
	s15 =	sshra.s32 @!p1 s13, $0x1F;
	p2 =	por !p2, p1  }
0x1e: {  	s13 =	sand.u32 @!p1 s15, s13;
	s14 =	simm.s32 @p2 $0x2610  }
0x1f: {  	s13 =	ssub.s32 @!p1 s14, s13  }
0x20: {  	s13 =	sadd.s32 @!p1 $0xFFFFD9F0, s13  }
0x21: {  	s14 =	sshll.u32 @!p1 s13, $0x8  }
0x22: {  	p2 =	sgt.s32 @!p1 s13, $0xFF;
	s13 =	ssub.s32 @!p1 $0x10000, s14  }
0x23: {  	s15 =	sadd.s32 $0x2000, s10;
	p2 =	por !p2, p1;
	s13 =	sshrl.u32 @!p1 s13, $0x2  }
0x24: {  	s13 =	simm.s32 @!p2 $0x0;
	p2 =	sgt.s32 s15, $0x270F  }
0x25: {  	s15 =	smov.u32 @p2 s3;
	p2 =	sne.s32 s12, s7  }
.Ltmp1:
0x26: {  	_ = 	snop;
	(pc) =	sbr.rel @!p2 .LBB2_8-.Ltmp1, $4  }
0x27: {  	s14 =	simm.s32 @!p1 $0x2  }
0x28: {  	_ =	swait.ge @!p1 [sflag:s14], s13;
	s16 =	ssub.s32 @!p1 $0x0, s13  }
0x29: {  	s13 =	smov.u32 s11;
	s12 =	sadd.s32 $0x1, s12;
	[sflag:s14] =	ssyncset.done @!p1 $0x0  }
0x2a: {  	s11 =	smov.u32 s10;
	s10 =	smov.u32 s15;
	[sflag:s14] =	ssyncadd.s32 @!p1 s16  }
.LBB2_1:
0x2b: {  	p1 =	sgt.u32 s12, s6  }
0x2c: {  	s15 =	smov.u32 s10;
	p2 =	sgt.s32 @!p1 s10, $0x2610  }
0x2d: {  	s14 =	sand.u32 @!p1 $0x1FFFFFF, s10;
	s16 =	sshra.s32 @!p1 s10, $0x1F;
	p2 =	por !p2, p1  }
0x2e: {  	s17 =	smulhi.u32 @!p1 $0x1A36E2F, s14;
	s16 =	sand.u32 @!p1 s16, s10;
	s15 =	simm.s32 @p2 $0x2610  }
0x2f: {  	s15 =	ssub.s32 @!p1 s15, s16  }
0x30: {  	s16 =	sshrl.u32 @!p1 s17, $0x6;
	s15 =	sadd.s32 @!p1 $0xFFFFD9F0, s15  }
0x31: {  	s17 =	sxor.u32 @!p1 $0xFFFFFFFF, s12;
	s16 =	smul.u32 @!p1 $0x2710, s16;
	s18 =	sshll.u32 @!p1 s15, $0x8  }
0x32: {  	s17 =	sshll.u32 @!p1 s17, $0xE;
	p2 =	sgt.s32 @!p1 s15, $0xFF;
	s15 =	ssub.s32 @!p1 $0x10000, s18  }
0x33: {  	s14 =	ssub.s32 @!p1 s14, s16;
	p2 =	por !p2, p1;
	s16 =	sand.u32 @!p1 $0x4000, s17  }
0x34: {  	s17 =	simm.s32 @!p1 $0x40;
	s15 =	sshrl.u32 @!p1 s15, $0x2;
	s14 =	sshll.u32 @!p1 s14, $0x4  }
0x35: {  	s18 =	simm.s32 @!p1 $0x80;
	s15 =	simm.s32 @!p2 $0x0;
	s14 =	sadd.s32 @!p1 s2, s14  }
0x36: {  	[tilespmem:s16], [sflag:$0x1] =	stream.strided.gather @!p1 [hbm4b:s14+s17], s15, s18, s17, $0x38;
	[tilespmem:$0x10000] =	vst v63  }
0x37: {  	p1 =	seq.s32 s12, $0x0  }
0x38: {  	p2 =	sge.u32 @!p1 s12, s7  }
0x39: {  	p1 =	por p1, p2  }
.Ltmp2:
0x3a: {  	_ = 	snop;
	(pc) =	sbr.rel @p1 .LBB2_7-.Ltmp2, $1  }
0x3b: {  	_ =	sdelay $0x3  }
0x3c: {  	p1 =	sgt.s32 s11, $0x2610;
	s14 =	smov.u32 s11;
	s15 =	sshra.s32 s11, $0x1F  }
0x3d: {  	s14 =	simm.s32 @!p1 $0x2610;
	s15 =	sand.u32 s15, s11  }
0x3e: {  	s14 =	ssub.s32 s14, s15  }
0x3f: {  	s14 =	sadd.s32 $0xFFFFD9F0, s14  }
0x40: {  	s31 =	sshll.u32 s14, $0x8  }
0x41: {  	s15 =	ssub.s32 $0x10000, s31  }
0x42: {  	p1 =	sgt.s32 s14, $0xFF;
	s14 =	sshrl.u32 s15, $0x2;
	s15 =	sadd.s32 $0x100, s11  }
0x43: {  	s14 =	simm.s32 @p1 $0x0;
	p1 =	slt.s32 s15, $0x2710  }
0x44: {  	s15 =	simm.s32 @!p1 $0x2710  }
0x45: {  	s20 =	ssub.s32 s15, s11  }
0x46: {  	p1 =	slt.s32 s20, $0x1  }
.Ltmp3:
0x47: {  	_ = 	snop;
	(pc) =	sbr.rel @p1 .LBB2_6-.Ltmp3, $4  }
0x48: {  	_ = 	snop  }
0x49: {  	s16 =	sshll.u32 s12, $0xE;
	_ =	swait.ge [sflag:s4], s14  }
0x4a: {  	s16 =	sand.u32 $0x4000, s16;
	s17 =	ssub.s32 $0x0, s14;
	[sflag:s4] =	ssyncset.done $0x0  }
0x4b: {  	s15 =	sor.u32 $0x8000, s16;
	[sflag:s4] =	ssyncadd.s32 s17  }
0x4c: {  	v0 =	vmov s16;
	_ =	sdelay $0x2  }
0x4d: {  	s31 =	simm.s32 $0x0;
	p1 =	sne.s32 s20, $0x1  }
.Ltmp4:
0x4e: {  	s18 =	sand.u32 $0x3FC0, s31;
	(pc) =	sbr.rel @!p1 .LBB2_5-.Ltmp4, $4  }
0x4f: {  	s17 =	sor.u32 $0x30, s18;
	v1 =	vld.idx.msk [tilespmem:v0+s18+$0x0 ss:$0x1], $0xffff  }
0x50: {  	v3 =	vmov s15;
	s16 =	sor.u32 $0x10, s18;
	v2 =	vld.idx.msk [tilespmem:v0+s17+$0x0 ss:$0x1], $0xffff  }
0x51: {  	s19 =	sor.u32 $0x20, s18;
	v4 =	vld.idx.msk [tilespmem:v0+s16+$0x0 ss:$0x1], $0xffff  }
0x52: {  	s20 =	sadd.s32 $0xFFFFFFFF, s20;
	s21 =	simm.s32 $0x40;
	v5 =	vld.idx.msk [tilespmem:v0+s19+$0x0 ss:$0x1], $0xffff  }
.LBB2_4:
0x53: {  	s22 =	sand.u32 $0x3FC0, s21  }
0x54: {  	p1 =	sne.s32 s20, $0x1;
	s20 =	sadd.s32 $0xFFFFFFFF, s20;
	s23 =	sor.u32 $0x10, s22  }
.Ltmp5:
0x55: {  	s24 =	sor.u32 $0x20, s22;
	s25 =	sor.u32 $0x30, s22;
	[tilespmem:v3+s18+$0x0 ss:$0x1] =	vst.idx.msk $0xffff, v1;
	v1 =	vld.idx.msk [tilespmem:v0+s22+$0x0 ss:$0x1], $0xffff;
	(pc) =	sbr.rel @p1 .LBB2_4-.Ltmp5, $4  }
0x56: {  	s18 =	smov.u32 s22;
	[tilespmem:v3+s17+$0x0 ss:$0x1] =	vst.idx.msk $0xffff, v2;
	v2 =	vld.idx.msk [tilespmem:v0+s25+$0x0 ss:$0x1], $0xffff;
	s17 =	smov.u32 s25  }
0x57: {  	[tilespmem:v3+s16+$0x0 ss:$0x1] =	vst.idx.msk $0xffff, v4;
	v4 =	vld.idx.msk [tilespmem:v0+s23+$0x0 ss:$0x1], $0xffff;
	s16 =	smov.u32 s23  }
0x58: {  	[tilespmem:v3+s19+$0x0 ss:$0x1] =	vst.idx.msk $0xffff, v5;
	v5 =	vld.idx.msk [tilespmem:v0+s24+$0x0 ss:$0x1], $0xffff;
	s19 =	smov.u32 s24  }
0x59: {  	s21 =	sadd.s32 $0x40, s21  }
.Ltmp6:
0x5a: {  	_ = 	snop;
	(pc) =	sbr.rel .LBB2_5-.Ltmp6, $1  }
0x5b: {  	_ =	sdelay $0x3  }
.LBB2_8:
0x5c: {  	_ =	sfence.sel $0x180000  }
0x5d: {  	s2 =	simm.s32 $0x1;
	[bflag:$0x0] =	sbarrier.arrive $0xFFFF  }
0x5e: {  	s31 =	simm.s32 $0x2;
	[sflag:s2] =	ssyncpa.u1 $0x1  }
0x5f: {  	[sflag:s31] =	ssyncpa.u1 $0x1  }
0x60: {  	_ =	strace $0x90000056  }
0x61: {  	s0 =	sadd.s32 @!p0 $0x100000, s0;
	[bflag:$0x2] =	sbarrier.arrive $0xFFFF  }
0x62: {  	[sflag:s0] =	ssyncadd.tile.s32 @!p0 $0x1;
	s0 =	simm.s32 @!p0 $0x3F  }
0x63: {  	_ =	swait.ge @!p0 [sflag:s0], s1  }
0x64: {  	s1 =	ssub.s32 @!p0 $0x0, s1;
	[sflag:s0] =	ssyncset.done @!p0 $0x0  }
0x65: {  	[sflag:s0] =	ssyncadd.s32 @!p0 s1  }
0x66: {  	[bflag:$0x3] =	sbarrier.arrive $0xFFFF  }
0x67: {  	_ =	shalt  }
.Lfunc_end2:
execute1_lowered:
.L_overlay_start_2:
0x68: {  	(tag) =	ssettag $0x2  }
0x69: {  	s2 =	rddreg [dreg:$0x0]  }
0x6a: {  	s4 =	rddreg [dreg:$0x1];
	_ =	strace $0x80000059;
	s0 =	simm.s32 $0x1  }
0x6b: {  	s3 =	simm.s32 $0x88;
	v0 =	vimm.s32 $0x0;
	[sflag:s0] =	ssyncpa.u1 $0x0  }
0x6c: {  	s1 =	sadd.s32 $0xA1D400, s2;
	[tilespmem:s3+$0x30] =	vst v0  }
0x6d: {  	s0 =	sadd.s32 $0xED8200, s2;
	s6 =	sadd.s32 $0x13CDE00, s2;
	[tilespmem:s3+$0x20] =	vst v0  }
0x6e: {  	s2 =	sadd.s32 $0xEE2000, s2;
	s7 =	sand.u32 $0x1, s4;
	s4 =	simm.s32 $0x40;
	[tilespmem:s3+$0x10] =	vst v0  }
.LBB3_1:
0x6f: {  	s4 =	sadd.s32 $0x40, s4  }
0x70: {  	[tilespmem:s3+$0x0] =	vst v0;
	s3 =	sadd.s32 $0x40, s3;
	p0 =	slt.u32 s4, $0x5040  }
.Ltmp7:
0x71: {  	(pc) =	sbr.rel @p0 .LBB3_1-.Ltmp7, $4  }
0x72: {  	_ = 	snop  }
0x73: {  	[tilespmem:s3+$0x30] =	vst v0  }
0x74: {  	[tilespmem:s3+$0x20] =	vst v0  }
0x75: {  	[tilespmem:s3+$0x10] =	vst v0  }
0x76: {  	s8 =	stileid.u32  }
0x77: {  	s4 =	smul.u32 $0x1F, s8  }
0x78: {  	s5 =	smin.u32 s8, $0x4  }
0x79: {  	s4 =	sadd.s32 s5, s4  }
0x7a: {  	p0 =	slt.u32 s8, $0x4;
	s12 =	smul.u32 $0x140, s4;
	s4 =	simm.s32 $0x2800  }
0x7b: {  	s4 =	simm.s32 @!p0 $0x26C0  }
0x7c: {  	s25 =	simm.s32 $0x2;
	s4 =	sadd.s32 s4, s12  }
0x7d: {  	s28 =	simm.s32 $0x9;
	s9 =	simm.s32 $0xA;
	s14 =	smin.u32 s4, $0x27100  }
0x7e: {  	s30 =	simm.s32 $0xB;
	[dreg:$0x4] =	wrdreg s7;
	s4 =	ssub.s32 s14, s12  }
0x7f: {  	s31 =	smul.u32 $0x4E20, s7;
	s13 =	simm.s32 $0x1;
	p0 =	sgt.s32 s4, $0x0  }
0x80: {  	s19 =	simm.s32 $0x0;
	s20 =	simm.s32 $0xA808;
	s4 =	simm.s32 @!p0 $0x0  }
0x81: {  	s21 =	simm.s32 $0xFFFFFFFF;
	p1 =	por $0x0, $0x0;
	s26 =	smulhi.u32 $0x66666667, s4  }
0x82: {  	[tilespmem:s3+$0x0] =	vst v0;
	s23 =	simm.s32 $0x0;
	[sflag:s25] =	ssyncpa.u1 $0x0;
	s18 =	sshll.u32 s8, $0x7  }
0x83: {  	s0 =	sadd.s32 s31, s0;
	[dreg:$0xa] =	wrdreg s18;
	s3 =	sshrl.u32 s26, $0x7  }
0x84: {  	v0 =	vimm.s32 $0xFFFFFFFF;
	s17 =	sadd.s32 s31, s2;
	[dreg:$0x9] =	wrdreg s0;
	s29 =	smul.u32 $0x140, s3  }
0x85: {  	s25 =	simm.s32 $0x0;
	[tilespmem:$0xA108] =	vst v0;
	[sflag:s28] =	ssyncpa.u1 $0x0;
	[dreg:$0x8] =	wrdreg s17  }
.Ltmp8:
0x86: {  	p0 =	sne.s32 s4, s29;
	s4 =	simm.s32 $0x1;
	(pc) =	sbr.rel .LBB3_3-.Ltmp8, $4  }
0x87: {  	[sflag:s9] =	ssyncpa.u1 $0x0;
	[dreg:$0x5] =	wrdreg s12;
	s4 =	simm.s32 @!p0 $0x0  }
0x88: {  	[sflag:s30] =	ssyncpa.u1 $0x0;
	[dreg:$0x6] =	wrdreg s14;
	s15 =	sadd.s32 s4, s3  }
0x89: {  	s24 =	smov.u32 s12;
	s22 =	sadd.s32 $0x1, s15;
	[dreg:$0x7] =	wrdreg s15  }
0x8a: {  	v0 =	vlaneseq.u32;
	s26 =	simm.s32 $0x0;
	p0 =	por $0x1, $0x1;
	[dreg:$0xb] =	wrdreg s22  }
.LBB3_22:
0x8b: {  	s0 =	sshrl.u32 s3, $0x2  }
.LBB3_24:
0x8c: {  	s3 =	simm.s32 $0xC  }
0x8d: {  	_ =	swait.ge [sflag:s3], s0  }
0x8e: {  	s31 =	ssub.s32 $0x0, s0;
	v1 =	vmov s4;
	vm0 =	veq.s32 v0, $0x0;
	[sflag:s3] =	ssyncset.done $0x0  }
0x8f: {  	vm15 =	veq.s32 v0, $0x2;
	v1 =	vsel vm0, s2, v1;
	[sflag:s3] =	ssyncadd.s32 s31  }
0x90: {  	v1 =	vsel vm15, s26, v1;
	[sflag:s3] =	ssyncpa.u1 $0x1  }
0x91: {  	[tilespmem:$0xA108] =	vst v1  }
.LBB3_25:
0x92: {  	s0 =	sadd.s32 $0x140, s24  }
0x93: {  	s2 =	smov.u32 s12;
	p2 =	slt.s32 s0, s14  }
0x94: {  	s2 =	smov.u32 @p2 s0;
	p2 =	sne.s32 s25, s22  }
.Ltmp9:
0x95: {  	_ = 	snop;
	(pc) =	sbr.rel @!p2 .LBB3_26-.Ltmp9, $4  }
0x96: {  	_ = 	snop  }
0x97: {  	s26 =	smov.u32 s23;
	s31 =	sadd.s32 $0x1, s25;
	p0 =	por !p0, !p0  }
0x98: {  	s23 =	smov.u32 s24;
	s20 =	sadd.s32 $0x140, s20;
	s21 =	sadd.s32 $0x1, s21  }
0x99: {  	p1 =	por !p1, !p1;
	s25 =	smov.u32 s31;
	s24 =	smov.u32 s2  }
.LBB3_3:
0x9a: {  	p2 =	sge.u32 s25, s15  }
0x9b: {  	s0 =	smulhi.u32 @!p2 $0xAAAAAAAB, s25  }
0x9c: {  	s2 =	smov.u32 s24;
	p3 =	sgt.s32 @!p2 s24, $0x26FC0  }
0x9d: {  	s3 =	sshra.s32 @!p2 s24, $0x1F;
	p3 =	por !p3, p2;
	s0 =	sshrl.u32 @!p2 s0, $0x1  }
0x9e: {  	s3 =	sand.u32 @!p2 s3, s24;
	s2 =	simm.s32 @p3 $0x26FC0;
	s0 =	smul.u32 @!p2 $0x3, s0  }
0x9f: {  	s2 =	ssub.s32 @!p2 s2, s3  }
0xa0: {  	s2 =	sadd.s32 @!p2 $0xFFFD9040, s2;
	s0 =	ssub.s32 @!p2 s25, s0  }
0xa1: {  	s3 =	sshll.u32 @!p2 s2, $0x2;
	p3 =	sgt.s32 @!p2 s2, $0x13F;
	s0 =	smul.u32 @!p2 $0x500, s0  }
0xa2: {  	s4 =	sand.u32 @!p2 $0x7, s24;
	s2 =	ssub.s32 @!p2 $0x500, s3;
	p3 =	por !p3, p2  }
0xa3: {  	s3 =	sshrl.u32 @!p2 s24, $0x3;
	s2 =	sshrl.u32 @!p2 s2, $0x2;
	s0 =	sshrl.u32 @!p2 s0, $0x2  }
0xa4: {  	s3 =	sadd.s32 @!p2 s3, s17;
	s2 =	simm.s32 @!p3 $0x0;
	s0 =	sadd.s32 @!p2 $0xA948, s0  }
0xa5: {  	[tilespmem:s0], [sflag:$0xA] =	stream.linear.gather @!p2 [hbm4b:s3+s4], s2, $0x38;
	[tilespmem:$0x1EF88] =	vst v63  }
0xa6: {  	s0 =	sadd.s32 $0xFFFFFFFF, s25  }
0xa7: {  	p2 =	sge.u32 s0, s15  }
.Ltmp10:
0xa8: {  	_ = 	snop;
	(pc) =	sbr.rel @p2 .LBB3_7-.Ltmp10, $1  }
0xa9: {  	_ =	sdelay $0x3  }
0xaa: {  	p2 =	sgt.s32 s23, $0x26FC0;
	s2 =	smov.u32 s23;
	s3 =	sshra.s32 s23, $0x1F  }
0xab: {  	s2 =	simm.s32 @!p2 $0x26FC0;
	s3 =	sand.u32 s3, s23  }
0xac: {  	s17 =	smulhi.u32 $0xAAAAAAAB, s21;
	s2 =	ssub.s32 s2, s3  }
0xad: {  	s0 =	sand.u32 $0x1, s0;
	s2 =	sadd.s32 $0xFFFD9040, s2  }
0xae: {  	s5 =	simm.s32 $0xA;
	s3 =	sshrl.u32 s17, $0x1;
	s4 =	sshll.u32 s2, $0x2  }
0xaf: {  	s7 =	sshrl.u32 s23, $0x3;
	s3 =	smul.u32 $0xFFFFF100, s3;
	s4 =	ssub.s32 $0x500, s4  }
0xb0: {  	s18 =	smul.u32 $0x500, s0;
	p2 =	sgt.s32 s2, $0x13F;
	s2 =	sshrl.u32 s4, $0x2  }
0xb1: {  	s9 =	sand.u32 $0x7, s23;
	s3 =	sshra.s32 s3, $0x2;
	s2 =	simm.s32 @p2 $0x0  }
0xb2: {  	s0 =	sadd.s32 s3, s20;
	s4 =	sshrl.u32 s18, $0x2;
	_ =	swait.ge [sflag:s5], s2  }
0xb3: {  	s22 =	ssub.s32 $0x0, s2;
	[sflag:s5] =	ssyncset.done $0x0;
	s8 =	rddreg [dreg:$0x9]  }
0xb4: {  	s4 =	sadd.s32 $0xAD08, s4;
	[sflag:s5] =	ssyncadd.s32 s22;
	s3 =	sadd.s32 s7, s8  }
0xb5: {  	[tilespmem:s4], [sflag:$0xB] =	stream.linear.gather [hbm4b:s3+s9], s2, $0x38;
	[tilespmem:$0x1EF88] =	vst v63  }
0xb6: {  	v1 =	vld.msk [tilespmem:s0+$0x0], $0xffff;
	_ =	sdelay $0x4  }
0xb7: {  	v1 =	vshll.u32 v1, $0x4  }
0xb8: {  	(v2sf) =	vpush v1, $0x0  }
0xb9: {  	(v2sf) =	vpush v1, $0x1  }
0xba: {  	(v2sf) =	vpush v1, $0x2;
	_ =	sdelay $0x3  }
0xbb: {  	(v2sf) =	vpush v1, $0x3;
	_ =	sdelay $0x1  }
0xbc: {  	(v2sf) =	vpush v1, $0x4  }
0xbd: {  	s2 =	simm.s32 $0x1;
	(v2sf) =	vpush v1, $0x5  }
0xbe: {  	s2 =	simm.s32 @!p0 $0x0  }
0xbf: {  	s2 =	smul.u32 $0x28000, s2;
	(v2sf) =	vpush v1, $0x6;
	_ =	sdelay $0x1  }
0xc0: {  	s2 =	sshrl.u32 s2, $0x2  }
0xc1: {  	s28 =	sadd.s32 $0xB708, s2  }
0xc2: {  	s12 =	sadd.s32 $0xFFFFF880, s28;
	s17 =	sadd.s32 $0xFFFFF900, s28;
	s10 =	spop (v2sf);
	(v2sf) =	vpush v1, $0x7  }
0xc3: {  	s18 =	sadd.s32 $0xFFFFF980, s28;
	s11 =	sand.u32 $0x1FFFFFF0, s10;
	s14 =	spop (v2sf)  }
0xc4: {  	(v2sf) =	vpush v1, $0x8;
	s2 =	sadd.s32 s6, s11;
	s15 =	sand.u32 $0x1FFFFFF0, s14;
	s16 =	spop (v2sf)  }
0xc5: {  	[tilespmem:s12], [sflag:$0x9] =	stream.linear.gather [hbm4b:s2+s19], $0x40, $0x38;
	[tilespmem:$0x1EF88] =	vst v63  }
0xc6: {  	s5 =	sadd.s32 $0xFFFFFA00, s28;
	s2 =	sadd.s32 s6, s15;
	s3 =	sand.u32 $0x1FFFFFF0, s16  }
0xc7: {  	(v2sf) =	vpush v1, $0x9;
	[tilespmem:s17], [sflag:$0x9] =	stream.linear.gather [hbm4b:s2+s19], $0x40, $0x38;
	[tilespmem:$0x1EF88] =	vst v63  }
0xc8: {  	s7 =	sadd.s32 $0xFFFFFA80, s28;
	s22 =	spop (v2sf);
	s3 =	sadd.s32 s6, s3  }
0xc9: {  	(v2sf) =	vpush v1, $0xA;
	[tilespmem:s18], [sflag:$0x9] =	stream.linear.gather [hbm4b:s3+s19], $0x40, $0x38;
	[tilespmem:$0x1EF88] =	vst v63  }
0xca: {  	s11 =	sadd.s32 $0xFFFFFB00, s28;
	s4 =	spop (v2sf);
	(v2sf) =	vpush v1, $0xB;
	s3 =	sand.u32 $0x1FFFFFF0, s22  }
0xcb: {  	s8 =	spop (v2sf);
	s2 =	sadd.s32 s6, s3;
	s3 =	sand.u32 $0x1FFFFFF0, s4  }
0xcc: {  	(v2sf) =	vpush v1, $0xC;
	[tilespmem:s5], [sflag:$0x9] =	stream.linear.gather [hbm4b:s2+s19], $0x40, $0x38;
	[tilespmem:$0x1EF88] =	vst v63  }
0xcd: {  	s9 =	sand.u32 $0x1FFFFFF0, s8;
	s10 =	spop (v2sf);
	s3 =	sadd.s32 s6, s3  }
0xce: {  	(v2sf) =	vpush v1, $0xD;
	[tilespmem:s7], [sflag:$0x9] =	stream.linear.gather [hbm4b:s3+s19], $0x40, $0x38;
	[tilespmem:$0x1EF88] =	vst v63  }
0xcf: {  	s12 =	sadd.s32 $0xFFFFFB80, s28;
	s2 =	sadd.s32 s6, s9;
	s3 =	sand.u32 $0x1FFFFFF0, s10  }
0xd0: {  	[tilespmem:s11], [sflag:$0x9] =	stream.linear.gather [hbm4b:s2+s19], $0x40, $0x38;
	[tilespmem:$0x1EF88] =	vst v63  }
0xd1: {  	s17 =	sadd.s32 $0xFFFFFC00, s28;
	s3 =	sadd.s32 s6, s3;
	s14 =	spop (v2sf)  }
0xd2: {  	[tilespmem:s12], [sflag:$0x9] =	stream.linear.gather [hbm4b:s3+s19], $0x40, $0x38;
	(v2sf) =	vpush v1, $0xE;
	[tilespmem:$0x1EF88] =	vst v63  }
0xd3: {  	s18 =	sadd.s32 $0xFFFFFC80, s28;
	s15 =	sand.u32 $0x1FFFFFF0, s14;
	s16 =	spop (v2sf)  }
0xd4: {  	s5 =	sadd.s32 $0xFFFFFD00, s28;
	(v2sf) =	vpush v1, $0xF;
	s2 =	sadd.s32 s6, s15;
	s3 =	sand.u32 $0x1FFFFFF0, s16  }
0xd5: {  	[tilespmem:s17], [sflag:$0x9] =	stream.linear.gather [hbm4b:s2+s19], $0x40, $0x38;
	[tilespmem:$0x1EF88] =	vst v63  }
0xd6: {  	s7 =	sadd.s32 $0xFFFFFD80, s28;
	s22 =	spop (v2sf);
	s3 =	sadd.s32 s6, s3  }
0xd7: {  	[tilespmem:s18], [sflag:$0x9] =	stream.linear.gather [hbm4b:s3+s19], $0x40, $0x38;
	[tilespmem:$0x1EF88] =	vst v63  }
0xd8: {  	s11 =	sadd.s32 $0xFFFFFE00, s28;
	s4 =	spop (v2sf);
	s3 =	sand.u32 $0x1FFFFFF0, s22  }
0xd9: {  	s8 =	spop (v2sf);
	s2 =	sadd.s32 s6, s3;
	s3 =	sand.u32 $0x1FFFFFF0, s4  }
0xda: {  	[tilespmem:s5], [sflag:$0x9] =	stream.linear.gather [hbm4b:s2+s19], $0x40, $0x38;
	[tilespmem:$0x1EF88] =	vst v63  }
0xdb: {  	s9 =	sand.u32 $0x1FFFFFF0, s8;
	s10 =	spop (v2sf);
	s3 =	sadd.s32 s6, s3  }
0xdc: {  	[tilespmem:s7], [sflag:$0x9] =	stream.linear.gather [hbm4b:s3+s19], $0x40, $0x38;
	[tilespmem:$0x1EF88] =	vst v63  }
0xdd: {  	s14 =	spop (v2sf);
	s2 =	sadd.s32 s6, s9;
	s3 =	sand.u32 $0x1FFFFFF0, s10  }
0xde: {  	[tilespmem:s11], [sflag:$0x9] =	stream.linear.gather [hbm4b:s2+s19], $0x40, $0x38;
	[tilespmem:$0x1EF88] =	vst v63  }
0xdf: {  	s12 =	sadd.s32 $0xFFFFFE80, s28;
	s15 =	sand.u32 $0x1FFFFFF0, s14;
	s3 =	sadd.s32 s6, s3  }
0xe0: {  	[tilespmem:s12], [sflag:$0x9] =	stream.linear.gather [hbm4b:s3+s19], $0x40, $0x38;
	[tilespmem:$0x1EF88] =	vst v63  }
0xe1: {  	s17 =	sadd.s32 $0xFFFFFF00, s28;
	s2 =	sadd.s32 s6, s15;
	s16 =	spop (v2sf)  }
0xe2: {  	[tilespmem:s17], [sflag:$0x9] =	stream.linear.gather [hbm4b:s2+s19], $0x40, $0x38;
	[tilespmem:$0x1EF88] =	vst v63  }
0xe3: {  	s29 =	simm.s32 $0x0;
	s3 =	sand.u32 $0x1FFFFFF0, s16;
	s18 =	spop (v2sf)  }
0xe4: {  	s22 =	sadd.s32 $0xFFFFFF80, s28;
	s3 =	sadd.s32 s6, s3;
	s2 =	sand.u32 $0x1FFFFFF0, s18  }
0xe5: {  	[tilespmem:s22], [sflag:$0x9] =	stream.linear.gather [hbm4b:s3+s19], $0x40, $0x38;
	[tilespmem:$0x1EF88] =	vst v63  }
0xe6: {  	s31 =	sadd.s32 $0x10, s0;
	s30 =	sadd.s32 $0x800, s28;
	s2 =	sadd.s32 s6, s2  }
.LBB3_5:
0xe7: {  	[tilespmem:s28], [sflag:$0x9] =	stream.linear.gather [hbm4b:s2+s19], $0x40, $0x38;
	[tilespmem:$0x1EF88] =	vst v63  }
0xe8: {  	s29 =	sadd.s32 $0x10, s29;
	s28 =	smov.u32 s30  }
0xe9: {  	p2 =	slt.u32 s29, $0x130;
	v1 =	vld.msk [tilespmem:s31+$0x0], $0xffff;
	_ =	sdelay $0x4  }
0xea: {  	v1 =	vshll.u32 v1, $0x4  }
0xeb: {  	(v2sf) =	vpush v1, $0x0  }
0xec: {  	(v2sf) =	vpush v1, $0x1  }
0xed: {  	(v2sf) =	vpush v1, $0x2;
	_ =	sdelay $0x1  }
0xee: {  	(v2sf) =	vpush v1, $0x3;
	_ =	sdelay $0x1  }
0xef: {  	(v2sf) =	vpush v1, $0x4;
	_ =	sdelay $0x1  }
0xf0: {  	(v2sf) =	vpush v1, $0x5;
	_ =	sdelay $0x1  }
0xf1: {  	(v2sf) =	vpush v1, $0x6  }
0xf2: {  	s4 =	sadd.s32 $0xFFFFFE80, s30;
	s0 =	sadd.s32 $0xFFFFFF00, s30  }
0xf3: {  	s3 =	sadd.s32 $0xFFFFFD00, s30;
	s2 =	sadd.s32 $0xFFFFFD80, s30;
	s5 =	sadd.s32 $0xFFFFFE00, s30;
	(v2sf) =	vpush v1, $0x7  }
0xf4: {  	s10 =	sadd.s32 $0xFFFFFB80, s30;
	s9 =	sadd.s32 $0xFFFFFC00, s30;
	s16 =	sadd.s32 $0xFFFFFC80, s30  }
0xf5: {  	s11 =	sadd.s32 $0xFFFFFA00, s30;
	s12 =	sadd.s32 $0xFFFFFA80, s30;
	s15 =	sadd.s32 $0xFFFFFB00, s30;
	(v2sf) =	vpush v1, $0x8  }
0xf6: {  	s18 =	sadd.s32 $0xFFFFF900, s30;
	s7 =	sadd.s32 $0xFFFFF980, s30;
	s22 =	spop (v2sf)  }
0xf7: {  	s8 =	sadd.s32 $0xFFFFF880, s30;
	s22 =	sand.u32 $0x1FFFFFF0, s22;
	s14 =	spop (v2sf);
	(v2sf) =	vpush v1, $0x9  }
0xf8: {  	s22 =	sadd.s32 s6, s22;
	s14 =	sand.u32 $0x1FFFFFF0, s14;
	s17 =	spop (v2sf)  }
0xf9: {  	[tilespmem:s8], [sflag:$0x9] =	stream.linear.gather [hbm4b:s22+s19], $0x40, $0x38;
	(v2sf) =	vpush v1, $0xA;
	[tilespmem:$0x1EF88] =	vst v63  }
0xfa: {  	s8 =	sadd.s32 s6, s14;
	s14 =	sand.u32 $0x1FFFFFF0, s17;
	s17 =	spop (v2sf)  }
0xfb: {  	[tilespmem:s18], [sflag:$0x9] =	stream.linear.gather [hbm4b:s8+s19], $0x40, $0x38;
	(v2sf) =	vpush v1, $0xB;
	[tilespmem:$0x1EF88] =	vst v63  }
0xfc: {  	s8 =	sadd.s32 s6, s14;
	s14 =	sand.u32 $0x1FFFFFF0, s17;
	s17 =	spop (v2sf)  }
0xfd: {  	[tilespmem:s7], [sflag:$0x9] =	stream.linear.gather [hbm4b:s8+s19], $0x40, $0x38;
	(v2sf) =	vpush v1, $0xC;
	[tilespmem:$0x1EF88] =	vst v63  }
0xfe: {  	s7 =	sadd.s32 s6, s14;
	s8 =	sand.u32 $0x1FFFFFF0, s17;
	s14 =	spop (v2sf)  }
0xff: {  	[tilespmem:s11], [sflag:$0x9] =	stream.linear.gather [hbm4b:s7+s19], $0x40, $0x38;
	(v2sf) =	vpush v1, $0xD;
	[tilespmem:$0x1EF88] =	vst v63  }
0x100: {  	s7 =	sadd.s32 s6, s8;
	s8 =	sand.u32 $0x1FFFFFF0, s14;
	s11 =	spop (v2sf)  }
0x101: {  	[tilespmem:s12], [sflag:$0x9] =	stream.linear.gather [hbm4b:s7+s19], $0x40, $0x38;
	(v2sf) =	vpush v1, $0xE;
	[tilespmem:$0x1EF88] =	vst v63  }
0x102: {  	s7 =	sadd.s32 s6, s8;
	s8 =	sand.u32 $0x1FFFFFF0, s11;
	s11 =	spop (v2sf)  }
0x103: {  	[tilespmem:s15], [sflag:$0x9] =	stream.linear.gather [hbm4b:s7+s19], $0x40, $0x38;
	(v2sf) =	vpush v1, $0xF;
	[tilespmem:$0x1EF88] =	vst v63  }
0x104: {  	s7 =	sadd.s32 s6, s8;
	s8 =	sand.u32 $0x1FFFFFF0, s11;
	s11 =	spop (v2sf)  }
0x105: {  	[tilespmem:s10], [sflag:$0x9] =	stream.linear.gather [hbm4b:s7+s19], $0x40, $0x38;
	[tilespmem:$0x1EF88] =	vst v63  }
0x106: {  	s7 =	sadd.s32 s6, s8;
	s8 =	sand.u32 $0x1FFFFFF0, s11;
	s10 =	spop (v2sf)  }
0x107: {  	[tilespmem:s9], [sflag:$0x9] =	stream.linear.gather [hbm4b:s7+s19], $0x40, $0x38;
	[tilespmem:$0x1EF88] =	vst v63  }
0x108: {  	s7 =	sadd.s32 s6, s8;
	s8 =	sand.u32 $0x1FFFFFF0, s10;
	s9 =	spop (v2sf)  }
0x109: {  	[tilespmem:s16], [sflag:$0x9] =	stream.linear.gather [hbm4b:s7+s19], $0x40, $0x38;
	[tilespmem:$0x1EF88] =	vst v63  }
0x10a: {  	s7 =	sadd.s32 s6, s8;
	s8 =	sand.u32 $0x1FFFFFF0, s9;
	s9 =	spop (v2sf)  }
0x10b: {  	[tilespmem:s3], [sflag:$0x9] =	stream.linear.gather [hbm4b:s7+s19], $0x40, $0x38;
	[tilespmem:$0x1EF88] =	vst v63  }
0x10c: {  	s3 =	sadd.s32 s6, s8;
	s7 =	sand.u32 $0x1FFFFFF0, s9;
	s8 =	spop (v2sf)  }
0x10d: {  	[tilespmem:s2], [sflag:$0x9] =	stream.linear.gather [hbm4b:s3+s19], $0x40, $0x38;
	[tilespmem:$0x1EF88] =	vst v63  }
0x10e: {  	s2 =	sadd.s32 s6, s7;
	s3 =	sand.u32 $0x1FFFFFF0, s8;
	s7 =	spop (v2sf)  }
0x10f: {  	[tilespmem:s5], [sflag:$0x9] =	stream.linear.gather [hbm4b:s2+s19], $0x40, $0x38;
	[tilespmem:$0x1EF88] =	vst v63  }
0x110: {  	s2 =	sadd.s32 s6, s3;
	s3 =	sand.u32 $0x1FFFFFF0, s7;
	s5 =	spop (v2sf)  }
0x111: {  	[tilespmem:s4], [sflag:$0x9] =	stream.linear.gather [hbm4b:s2+s19], $0x40, $0x38;
	[tilespmem:$0x1EF88] =	vst v63  }
0x112: {  	s2 =	sadd.s32 s6, s3  }
.Ltmp11:
0x113: {  	s3 =	sand.u32 $0x1FFFFFF0, s5;
	s4 =	spop (v2sf);
	(pc) =	sbr.rel @p2 .LBB3_5-.Ltmp11, $4  }
0x114: {  	[tilespmem:s0], [sflag:$0x9] =	stream.linear.gather [hbm4b:s2+s19], $0x40, $0x38;
	[tilespmem:$0x1EF88] =	vst v63  }
0x115: {  	s0 =	sadd.s32 s6, s3;
	s2 =	sadd.s32 $0xFFFFFF80, s30;
	s3 =	sand.u32 $0x1FFFFFF0, s4  }
0x116: {  	[tilespmem:s2], [sflag:$0x9] =	stream.linear.gather [hbm4b:s0+s19], $0x40, $0x38;
	[tilespmem:$0x1EF88] =	vst v63  }
0x117: {  	s31 =	sadd.s32 $0x10, s31;
	s30 =	sadd.s32 $0x800, s30;
	s2 =	sadd.s32 s6, s3  }
0x118: {  	[tilespmem:s28], [sflag:$0x9] =	stream.linear.gather [hbm4b:s2+s19], $0x40, $0x38;
	[tilespmem:$0x1EF88] =	vst v63  }
0x119: {  	s12 =	rddreg [dreg:$0x5]  }
0x11a: {  	s14 =	rddreg [dreg:$0x6]  }
0x11b: {  	s15 =	rddreg [dreg:$0x7]  }
0x11c: {  	s17 =	rddreg [dreg:$0x8]  }
0x11d: {  	s18 =	rddreg [dreg:$0xa]  }
0x11e: {  	s22 =	rddreg [dreg:$0xb]  }
.LBB3_7:
0x11f: {  	p2 =	slt.u32 s25, $0x2  }
.Ltmp12:
0x120: {  	_ = 	snop;
	(pc) =	sbr.rel @p2 .LBB3_25-.Ltmp12, $1  }
0x121: {  	_ =	sdelay $0x3  }
0x122: {  	p2 =	sgt.s32 s26, $0x26FC0;
	s0 =	smov.u32 s26;
	s2 =	sshra.s32 s26, $0x1F  }
0x123: {  	s0 =	simm.s32 @!p2 $0x26FC0;
	s2 =	sand.u32 s2, s26  }
0x124: {  	s0 =	ssub.s32 s0, s2  }
0x125: {  	s0 =	sadd.s32 $0xFFFD9040, s0  }
0x126: {  	s3 =	simm.s32 $0x9;
	s29 =	sshll.u32 s0, $0x2  }
0x127: {  	_ =	swait.ge [sflag:s3], $0x5000;
	s2 =	ssub.s32 $0x500, s29  }
0x128: {  	[sflag:s3] =	ssyncset.done $0x0;
	p2 =	sgt.s32 s0, $0x13F;
	s0 =	sshrl.u32 s2, $0x2  }
0x129: {  	s30 =	simm.s32 $0xB;
	[sflag:s3] =	ssyncadd.s32 $0xFFFFB000;
	s0 =	simm.s32 @p2 $0x0  }
0x12a: {  	_ =	swait.ge [sflag:s30], s0  }
0x12b: {  	s0 =	ssub.s32 $0x0, s0;
	[sflag:s30] =	ssyncset.done $0x0  }
0x12c: {  	[sflag:s30] =	ssyncadd.s32 s0  }
0x12d: {  	v1 =	vld [tilespmem:$0xA108];
	_ =	sdelay $0x4  }
0x12e: {  	(v2sf) =	vpush v1, $0x0  }
0x12f: {  	(v2sf) =	vpush v1, $0x1  }
0x130: {  	(v2sf) =	vpush v1, $0x2;
	_ =	sdelay $0x3  }
0x131: {  	s0 =	sadd.s32 $0x140, s26  }
0x132: {  	s4 =	ssub.s32 $0x4E200, s26;
	p2 =	slt.s32 s14, s0  }
0x133: {  	s0 =	smov.u32 @p2 s14;
	p2 =	sgt.s32 s4, $0x0  }
0x134: {  	s0 =	ssub.s32 s0, s26;
	s4 =	simm.s32 @!p2 $0x0  }
0x135: {  	p2 =	slt.s32 s4, s0  }
0x136: {  	s0 =	smov.u32 @p2 s4  }
0x137: {  	s2 =	simm.s32 $0x1;
	p2 =	slt.s32 s0, $0x1  }
.Ltmp13:
0x138: {  	s2 =	simm.s32 @!p1 $0x0;
	(pc) =	sbr.rel @p2 .LBB3_12-.Ltmp13, $4  }
0x139: {  	s7 =	smul.u32 $0x500, s2  }
0x13a: {  	s3 =	spop (v2sf)  }
0x13b: {  	s31 =	sshrl.u32 s7, $0x2;
	s5 =	spop (v2sf)  }
0x13c: {  	s28 =	sadd.s32 $0xAD08, s31;
	s26 =	spop (v2sf)  }
0x13d: {  	s4 =	smin.u32 s0, $0x10  }
0x13e: {  	v1 =	vmov s4  }
0x13f: {  	p3 =	sgt.s32 s0, $0x10;
	vm1 =	vgt.u32 v1, v0  }
.Ltmp14:
0x140: {  	_ = 	snop;
	(pc) =	sbr.rel @!p3 .LBB3_11-.Ltmp14, $2  }
0x141: {  	_ =	sdelay $0x2  }
0x142: {  	s9 =	simm.s32 $0x10;
	s10 =	sadd.s32 $0xFFFFFFF0, s0;
	s4 =	smov.u32 s28;
	vm0 =	vmmov vm1  }
.LBB3_10:
0x143: {  	s7 =	smin.u32 s10, $0x10;
	s9 =	sadd.s32 $0x10, s9;
	v1 =	vld.msk [tilespmem:s4+$0x0 ss:$0x1], vm1  }
0x144: {  	v2 =	vmov s7;
	p3 =	slt.s32 s9, s0  }
0x145: {  	vm1 =	vgt.u32 v2, v0  }
.Ltmp15:
0x146: {  	(pc) =	sbr.rel @p3 .LBB3_10-.Ltmp15, $3  }
0x147: {  	_ =	sdelay $0x1  }
0x148: {  	v1 =	vshll.u32 v1, $0x4  }
0x149: {  	s10 =	sadd.s32 $0xFFFFFFF0, s10;
	[tilespmem:s4+$0x0] =	vst.msk vm0, v1;
	s4 =	sadd.s32 $0x10, s4;
	vm0 =	vmmov vm1  }
.LBB3_11:
0x14a: {  	_ =	sdelay $0x4  }
0x14b: {  	v1 =	vld.msk [tilespmem:s4+$0x0 ss:$0x1], vm1;
	_ =	sdelay $0x4  }
0x14c: {  	v1 =	vshll.u32 v1, $0x4  }
0x14d: {  	[tilespmem:s4+$0x0] =	vst.msk vm0, v1  }
.LBB3_12:
0x14e: {  	s4 =	sand.u32 $0x1, s25  }
0x14f: {  	s4 =	smul.u32 $0x140, s4  }
0x150: {  	p3 =	sne.s32 s5, $0xFFFFFFFF  }
0x151: {  	v1 =	vld.msk @!p3 [tilespmem:s4+$0xAD08], $0x1;
	_ =	sdelay $0x4  }
0x152: {  	(v2sf) =	vpush @!p3 v1, $0x0;
	_ =	sdelay $0xc  }
.Ltmp16:
0x153: {  	_ = 	snop;
	(pc) =	sbr.rel @p2 .LBB3_23-.Ltmp16, $4  }
0x154: {  	_ = 	snop  }
0x155: {  	s29 =	spop @!p3 (v2sf)  }
0x156: {  	s31 =	simm.s32 $0xC;
	s26 =	simm.s32 @!p3 $0x0;
	s4 =	smov.u32 s29  }
0x157: {  	[sflag:s31] =	ssyncpa.u1 $0x0;
	s29 =	smov.u32 @p3 s3;
	s4 =	smov.u32 @p3 s5  }
0x158: {  	v1 =	vld.msk [tilespmem:s28+$0x0], $0x1;
	_ =	sdelay $0x4  }
0x159: {  	(v2sf) =	vpush v1, $0x0;
	_ =	sdelay $0xe  }
0x15a: {  	s2 =	smul.u32 $0x28000, s2;
	s5 =	spop (v2sf)  }
0x15b: {  	s31 =	ssub.s32 $0x0, s0;
	p2 =	seq.s32 s29, s5  }
0x15c: {  	s3 =	smov.u32 s29;
	s2 =	sshrl.u32 s2, $0x2;
	p3 =	sgt.s32 @!p2 s29, $0x0  }
0x15d: {  	s30 =	sadd.s32 $0xAFA8, s2;
	s2 =	sadd.s32 $0x1, s31;
	p3 =	por !p3, p2  }
0x15e: {  	s3 =	simm.s32 @p3 $0x0;
	p3 =	seq.s32 s2, $0x0  }
.Ltmp17:
0x15f: {  	_ = 	snop;
	(pc) =	sbr.rel @p3 .LBB3_15-.Ltmp17, $4  }
0x160: {  	_ = 	snop  }
0x161: {  	s0 =	simm.s32 $0x0;
	s9 =	simm.s32 @!p2 $0x1;
	s3 =	smin.u32 @!p2 s3, $0x270F8  }
0x162: {  	s10 =	simm.s32 @!p2 $0x50C8;
	s9 =	smov.u32 @p2 s0;
	s7 =	sand.u32 @!p2 $0x3FFF8, s3  }
0x163: {  	s16 =	sand.u32 @!p2 $0x7, s3;
	s3 =	sadd.s32 $0x1, s28;
	s11 =	sadd.s32 @!p2 s1, s7  }
.LBB3_14:
0x164: {  	s7 =	smov.u32 s9  }
0x165: {  	[tilespmem:s10], [sflag:$0x2] =	stream.linear.gather @!p2 [hbm4b:s11+s16], $0x40, $0x38;
	[tilespmem:$0x1EF88] =	vst v63  }
0x166: {  	s2 =	sadd.s32 $0x1, s2;
	s8 =	smov.u32 s5;
	v1 =	vld.msk [tilespmem:s3+$0x0], $0x1  }
0x167: {  	p3 =	seq.s32 s2, $0x0;
	_ =	sdelay $0x3  }
0x168: {  	(v2sf) =	vpush v1, $0x0;
	_ =	sdelay $0xe  }
0x169: {  	s5 =	spop (v2sf)  }
0x16a: {  	p2 =	seq.s32 s8, s5  }
0x16b: {  	p4 =	sgt.s32 @!p2 s8, $0x0;
	s10 =	sshll.u32 @!p2 s9, $0x8;
	s9 =	sadd.s32 @!p2 $0x1, s9  }
.Ltmp18:
0x16c: {  	p4 =	por !p4, p2;
	s10 =	sshra.s32 @!p2 s10, $0x2;
	(pc) =	sbr.rel @!p3 .LBB3_14-.Ltmp18, $4  }
0x16d: {  	s9 =	smov.u32 @p2 s7;
	s8 =	simm.s32 @p4 $0x0;
	s10 =	sadd.s32 @!p2 $0x50C8, s10  }
0x16e: {  	s7 =	smin.u32 @!p2 s8, $0x270F8  }
0x16f: {  	s8 =	sand.u32 @!p2 $0x3FFF8, s7;
	s16 =	sand.u32 @!p2 $0x7, s7  }
0x170: {  	s3 =	sadd.s32 $0x1, s3;
	s11 =	sadd.s32 @!p2 s1, s8  }
.LBB3_15:
0x171: {  	[tilespmem:s10], [sflag:$0x2] =	stream.linear.gather @!p2 [hbm4b:s11+s16], $0x40, $0x38;
	[tilespmem:$0x1EF88] =	vst v63  }
.Ltmp19:
0x172: {  	s2 =	sshll.u32 s9, $0x6;
	(pc) =	sbr.rel .LBB3_16-.Ltmp19, $4  }
0x173: {  	s3 =	simm.s32 $0x2;
	s2 =	sand.u32 $0x3FFFFFC0, s2  }
0x174: {  	_ =	swait.ge [sflag:s3], s2  }
0x175: {  	s2 =	ssub.s32 $0x0, s2;
	[sflag:s3] =	ssyncset.done $0x0  }
0x176: {  	[sflag:s3] =	ssyncadd.s32 s2;
	s3 =	simm.s32 $0x0  }
.LBB3_17:
0x177: {  	v1 =	vld [tilespmem:s30+$0xFFFFFFE0];
	_ =	sdelay $0x4  }
0x178: {  	[tilespmem:s5+$0x88] =	vst.add.f32.msk $0xffff, v1  }
0x179: {  	v1 =	vld [tilespmem:s30+$0xFFFFFFF0];
	_ =	sdelay $0x4  }
0x17a: {  	[tilespmem:s5+$0x98] =	vst.add.f32.msk $0xffff, v1  }
0x17b: {  	v1 =	vld [tilespmem:s30+$0x0];
	_ =	sdelay $0x4  }
0x17c: {  	[tilespmem:s5+$0xA8] =	vst.add.f32.msk $0xffff, v1  }
0x17d: {  	v1 =	vld [tilespmem:s30+$0x10];
	_ =	sdelay $0x4  }
0x17e: {  	[tilespmem:s5+$0xB8] =	vst.add.f32.msk $0xffff, v1  }
.LBB3_21:
0x17f: {  	s31 =	sadd.s32 $0x1, s31  }
0x180: {  	p2 =	seq.s32 s31, $0x0  }
.Ltmp20:
0x181: {  	_ = 	snop;
	(pc) =	sbr.rel @p2 .LBB3_22-.Ltmp20, $2  }
0x182: {  	_ =	sdelay $0x2  }
0x183: {  	s30 =	sadd.s32 $0x80, s30;
	s28 =	sadd.s32 $0x1, s28;
	s29 =	smov.u32 s2  }
.LBB3_16:
0x184: {  	v1 =	vld.msk [tilespmem:s28+$0x0], $0x1;
	_ =	sdelay $0x4  }
0x185: {  	(v2sf) =	vpush v1, $0x0;
	_ =	sdelay $0xe  }
0x186: {  	s2 =	spop (v2sf)  }
0x187: {  	p2 =	sne.s32 s29, s2  }
.Ltmp21:
0x188: {  	_ = 	snop;
	(pc) =	sbr.rel @!p2 .LBB3_17-.Ltmp21, $3  }
0x189: {  	_ =	sdelay $0x1  }
0x18a: {  	s5 =	sshll.u32 s26, $0x8  }
0x18b: {  	s5 =	sshra.s32 s5, $0x2  }
0x18c: {  	p2 =	seq.s32 s29, s4  }
.Ltmp22:
0x18d: {  	_ = 	snop;
	(pc) =	sbr.rel @!p2 .LBB3_19-.Ltmp22, $1  }
0x18e: {  	_ =	sdelay $0x3  }
.Ltmp23:
0x18f: {  	s5 =	sadd.s32 $0x88, s5;
	(pc) =	sbr.rel .LBB3_20-.Ltmp23, $4  }
0x190: {  	[spmem:s18] =	stream.linear.scatter [tilespmem:s5], [sflag:$0x1], $0x40, $0x38;
	[tilespmem:$0x1EF88] =	vst v63  }
0x191: {  	_ =	swait.ge [sflag:s13], $0x40  }
0x192: {  	[sflag:s13] =	ssyncset.done $0x0  }
0x193: {  	[sflag:s13] =	ssyncadd.s32 $0xFFFFFFC0  }
.LBB3_19:
0x194: {  	s7 =	sshll.u32 s0, $0x8  }
0x195: {  	s7 =	sshra.s32 s7, $0x2  }
0x196: {  	v1 =	vld [tilespmem:s7+$0x50C8];
	_ =	sdelay $0x4  }
0x197: {  	[tilespmem:s5+$0x88] =	vst.add.f32.msk $0xffff, v1  }
0x198: {  	v1 =	vld [tilespmem:s7+$0x50D8];
	_ =	sdelay $0x4  }
0x199: {  	[tilespmem:s5+$0x98] =	vst.add.f32.msk $0xffff, v1  }
0x19a: {  	v1 =	vld [tilespmem:s7+$0x50E8];
	_ =	sdelay $0x4  }
0x19b: {  	[tilespmem:s5+$0xA8] =	vst.add.f32.msk $0xffff, v1  }
0x19c: {  	v1 =	vld [tilespmem:s7+$0x50F8];
	_ =	sdelay $0x2  }
0x19d: {  	p2 =	sgt.u32 s29, $0x270F8  }
0x19e: {  	s7 =	sand.u32 @!p2 $0x3FFF8, s29  }
0x19f: {  	s8 =	sadd.s32 $0x88, s5;
	[tilespmem:s5+$0xB8] =	vst.add.f32.msk $0xffff, v1;
	s5 =	sadd.s32 @!p2 s1, s7;
	s7 =	sand.u32 @!p2 $0x7, s29  }
0x1a0: {  	[hbm4b:s5+s7] =	stream.linear.scatter @!p2 [tilespmem:s8], [sflag:$0xC], $0x40, $0x38;
	[tilespmem:$0x1EF88] =	vst v63  }
0x1a1: {  	s5 =	simm.s32 $0x0  }
0x1a2: {  	s5 =	simm.s32 @!p2 $0x100  }
0x1a3: {  	s3 =	sadd.s32 s5, s3  }
.LBB3_20:
0x1a4: {  	s5 =	sadd.s32 $0x1, s26  }
0x1a5: {  	s7 =	smulhi.u32 $0xCCCCCCCD, s5;
	_ =	sdelay $0x1  }
0x1a6: {  	v1 =	vld [tilespmem:s30+$0xFFFFFFE0];
	s7 =	sshrl.u32 s7, $0x8  }
0x1a7: {  	s7 =	smul.u32 $0x140, s7;
	_ =	sdelay $0x1  }
0x1a8: {  	s26 =	ssub.s32 s5, s7  }
0x1a9: {  	s5 =	sshll.u32 s26, $0x6  }
0x1aa: {  	[tilespmem:s5+$0x88] =	vst v1  }
0x1ab: {  	v1 =	vld [tilespmem:s30+$0xFFFFFFF0];
	_ =	sdelay $0x4  }
0x1ac: {  	[tilespmem:s5+$0x98] =	vst v1  }
0x1ad: {  	v1 =	vld [tilespmem:s30+$0x0];
	_ =	sdelay $0x4  }
0x1ae: {  	[tilespmem:s5+$0xA8] =	vst v1  }
0x1af: {  	v1 =	vld [tilespmem:s30+$0x10]  }
.Ltmp24:
0x1b0: {  	_ = 	snop;
	(pc) =	sbr.rel .LBB3_21-.Ltmp24, $2  }
0x1b1: {  	_ =	sdelay $0x2  }
0x1b2: {  	s0 =	sadd.s32 $0x1, s0;
	[tilespmem:s5+$0xB8] =	vst v1  }
.LBB3_23:
.Ltmp25:
0x1b3: {  	(pc) =	sbr.rel .LBB3_24-.Ltmp25, $4  }
0x1b4: {  	_ = 	snop  }
0x1b5: {  	s0 =	simm.s32 $0x2  }
0x1b6: {  	_ =	swait.ge [sflag:s0], $0x0  }
0x1b7: {  	s2 =	smov.u32 s29;
	[sflag:s0] =	ssyncset.done $0x0;
	s0 =	simm.s32 $0x0  }
.LBB3_26:
0x1b8: {  	_ =	sfence.sel $0x180000  }
0x1b9: {  	s0 =	simm.s32 $0x9;
	[bflag:$0x0] =	sbarrier.arrive $0xFFFF  }
0x1ba: {  	s24 =	simm.s32 $0xA;
	[sflag:s0] =	ssyncpa.u1 $0x1  }
0x1bb: {  	s25 =	simm.s32 $0xB;
	[sflag:s24] =	ssyncpa.u1 $0x1  }
0x1bc: {  	s26 =	simm.s32 $0x2;
	[sflag:s25] =	ssyncpa.u1 $0x1  }
0x1bd: {  	[sflag:s26] =	ssyncpa.u1 $0x1  }
0x1be: {  	v0 =	vld [tilespmem:$0xA108];
	_ =	sdelay $0x4  }
0x1bf: {  	(v2sf) =	vpush v0, $0x0  }
0x1c0: {  	(v2sf) =	vpush v0, $0x1;
	_ =	sdelay $0x1  }
0x1c1: {  	(v2sf) =	vpush v0, $0x2;
	_ =	sdelay $0xb  }
0x1c2: {  	s0 =	spop (v2sf)  }
0x1c3: {  	s2 =	spop (v2sf)  }
0x1c4: {  	s3 =	smov.u32 s0;
	p0 =	sne.s32 s0, s2  }
0x1c5: {  	s4 =	spop (v2sf);
	s3 =	simm.s32 @!p0 $0xFFFFFFFF  }
0x1c6: {  	v2 =	vimm.s32 $0x1;
	v3 =	vlaneseq.u32;
	p0 =	seq.s32 s4, $0xFFFFFFFF;
	v1 =	vmov s3  }
0x1c7: {  	s14 =	stileid.u32;
	v0 =	vperm.xlane v0, v2;
	p1 =	sne.s32 @!p0 s0, s2;
	v1 =	vperm.xlane v1, v3  }
0x1c8: {  	vm0 =	vcmask $0x3F04;
	s6 =	simm.s32 $0xA108;
	s0 =	simm.s32 @!p0 $0x1;
	p1 =	por !p1, p0  }
0x1c9: {  	s3 =	sshll.u32 s14, $0x1;
	s2 =	sshll.u32 @!p0 s4, $0x8;
	s0 =	simm.s32 @p1 $0x0;
	v0 =	vsel vm0, v1, v0  }
0x1ca: {  	s5 =	sor.u32 $0x800, s3;
	s2 =	sshra.s32 @!p0 s2, $0x2;
	s0 =	sor.u32 @!p0 s0, s3;
	[tilespmem:$0xA108] =	vst v0  }
0x1cb: {  	[spmem:s5] =	stream.linear.scatter [tilespmem:s6], [sflag:$0x1], $0x2, $0x38;
	[tilespmem:$0x1EF88] =	vst v63  }
0x1cc: {  	s2 =	sadd.s32 @!p0 $0x88, s2;
	s0 =	sshll.u32 @!p0 s0, $0x6  }
0x1cd: {  	[spmem:s0] =	stream.linear.scatter @!p0 [tilespmem:s2], [sflag:$0x1], $0x40, $0x38;
	[tilespmem:$0x1EF88] =	vst v63  }
0x1ce: {  	s0 =	simm.s32 @!p0 $0x42  }
0x1cf: {  	s28 =	simm.s32 $0x1;
	s0 =	simm.s32 @p0 $0x2  }
0x1d0: {  	_ =	swait.ge [sflag:s28], s0  }
0x1d1: {  	s0 =	ssub.s32 $0x0, s0;
	[sflag:s28] =	ssyncset.done $0x0  }
0x1d2: {  	p0 =	sne.s32 s14, $0x0;
	[sflag:s28] =	ssyncadd.s32 s0  }
.Ltmp26:
0x1d3: {  	_ =	sfence.stream.spmem;
	(pc) =	sbr.rel @p0 .LBB3_43-.Ltmp26, $4  }
0x1d4: {  	s29 =	simm.s32 $0x3;
	[bflag:$0x0] =	sbarrier.arrive $0xFFFF  }
0x1d5: {  	s30 =	simm.s32 $0x4;
	[sflag:s29] =	ssyncpa.u1 $0x1  }
0x1d6: {  	s31 =	simm.s32 $0x3C;
	[sflag:s30] =	ssyncpa.u1 $0x1  }
0x1d7: {  	s13 =	rddreg [dreg:$0x4];
	[sflag:s31] =	ssyncpa.u1 $0x1  }
0x1d8: {  	_ =	sfence.stream.spmem;
	s0 =	simm.s32 $0x5  }
0x1d9: {  	s2 =	simm.s32 $0x800;
	s3 =	simm.s32 $0xA118;
	[sflag:s0] =	ssyncpa.u1 $0x0  }
0x1da: {  	[tilespmem:s3], [sflag:$0x5] =	stream.linear.gather [spmem:s2], $0x20, $0x38;
	[tilespmem:$0x1EF88] =	vst v63  }
0x1db: {  	s26 =	simm.s32 $0x0;
	s28 =	simm.s32 $0xA138  }
0x1dc: {  	[tilespmem:s28], [sflag:$0x5] =	stream.linear.gather [spmem:s26], $0x800, $0x38;
	[tilespmem:$0x1EF88] =	vst v63  }
0x1dd: {  	_ =	swait.ge [sflag:s0], $0x820  }
0x1de: {  	[sflag:s0] =	ssyncset.done $0x0  }
0x1df: {  	s29 =	simm.s32 $0x0;
	[sflag:s0] =	ssyncadd.s32 $0xFFFFF7E0  }
0x1e0: {  	v0 =	vld.msk [tilespmem:s29+$0xA118], $0x1;
	_ =	sdelay $0x1  }
0x1e1: {  	s30 =	simm.s32 $0x1  }
0x1e2: {  	v1 =	vld.msk [tilespmem:s30+$0xA118], $0x1;
	_ =	sdelay $0x1  }
0x1e3: {  	(v2sf) =	vpush v0, $0x0;
	_ =	sdelay $0x2  }
0x1e4: {  	(v2sf) =	vpush v1, $0x0;
	_ =	sdelay $0x2  }
0x1e5: {  	s31 =	simm.s32 $0x2  }
0x1e6: {  	v0 =	vld.msk [tilespmem:s31+$0xA118], $0x1;
	_ =	sdelay $0x2  }
0x1e7: {  	s2 =	simm.s32 $0xFFFFFFFF;
	s3 =	simm.s32 $0xFFFFFFFF;
	s0 =	simm.s32 $0xC  }
.LBB3_28:
0x1e8: {  	s4 =	smov.u32 s3;
	s5 =	smov.u32 s2  }
0x1e9: {  	s2 =	sshra.s32 s0, $0x2;
	p1 =	sne.s32 s0, $0x7C;
	s0 =	sadd.s32 $0x4, s0;
	(v2sf) =	vpush v0, $0x0  }
0x1ea: {  	v0 =	vld.msk [tilespmem:s2+$0xA118], $0x1  }
.Ltmp27:
0x1eb: {  	(pc) =	sbr.rel @p1 .LBB3_28-.Ltmp27, $4  }
0x1ec: {  	s3 =	spop (v2sf)  }
0x1ed: {  	p2 =	sne.s32 s5, $0xFFFFFFFF;
	s2 =	smov.u32 s3  }
0x1ee: {  	p3 =	seq.s32 s3, $0xFFFFFFFF;
	s2 =	smov.u32 @p2 s5  }
0x1ef: {  	s3 =	smov.u32 @p3 s4;
	s2 =	smov.u32 @p3 s5  }
0x1f0: {  	(v2sf) =	vpush v0, $0x0;
	_ =	sdelay $0x8  }
0x1f1: {  	s0 =	spop (v2sf)  }
0x1f2: {  	p1 =	sne.s32 s2, $0xFFFFFFFF;
	s4 =	smov.u32 s0  }
0x1f3: {  	s6 =	simm.s32 $0x0;
	p2 =	seq.s32 s0, $0xFFFFFFFF;
	s4 =	smov.u32 @p1 s2  }
0x1f4: {  	s9 =	simm.s32 $0xA0C8;
	s4 =	smov.u32 @p2 s2;
	s2 =	spop (v2sf)  }
0x1f5: {  	s0 =	smov.u32 @p2 s3;
	p1 =	sne.s32 s4, $0xFFFFFFFF;
	s5 =	smov.u32 s2  }
.Ltmp28:
0x1f6: {  	p2 =	seq.s32 s2, $0xFFFFFFFF;
	s5 =	smov.u32 @p1 s4;
	(pc) =	sbr.rel .LBB3_30-.Ltmp28, $4  }
0x1f7: {  	s10 =	simm.s32 $0x0;
	s5 =	smov.u32 @p2 s4;
	s7 =	spop (v2sf)  }
0x1f8: {  	s2 =	smov.u32 @p2 s0;
	p1 =	sne.s32 s5, $0xFFFFFFFF;
	s8 =	smov.u32 s7  }
0x1f9: {  	s0 =	simm.s32 $0x6;
	p2 =	seq.s32 s7, $0xFFFFFFFF;
	s8 =	smov.u32 @p1 s5  }
0x1fa: {  	[sflag:s0] =	ssyncpa.u1 $0x0;
	s7 =	smov.u32 @p2 s2;
	s8 =	smov.u32 @p2 s5  }
.LBB3_36:
0x1fb: {  	p1 =	sgt.u32 s2, $0x270F8  }
0x1fc: {  	p2 =	seq.s32 @!p1 s2, s8  }
0x1fd: {  	p1 =	por p1, p2  }
0x1fe: {  	p2 =	sne.s32 @!p1 s2, s7  }
0x1ff: {  	p1 =	por p1, !p2  }
0x200: {  	s2 =	sshll.u32 @p1 s10, $0x8  }
0x201: {  	s3 =	sand.u32 @!p1 $0x3FFF8, s2  }
0x202: {  	s2 =	sand.u32 @!p1 $0x7, s2;
	s3 =	sadd.s32 @!p1 s1, s3  }
0x203: {  	[tilespmem:s9], [sflag:$0x6] =	stream.linear.gather @!p1 [hbm4b:s3+s2], $0x40, $0x38;
	[tilespmem:$0x1EF88] =	vst v63  }
0x204: {  	_ =	swait.ge @!p1 [sflag:s0], $0x40  }
0x205: {  	[sflag:s0] =	ssyncset.done @!p1 $0x0  }
0x206: {  	[sflag:s0] =	ssyncadd.s32 @!p1 $0xFFFFFFC0  }
0x207: {  	v1 =	vld @!p1 [tilespmem:$0xA0C8];
	_ =	sdelay $0x2  }
0x208: {  	s2 =	sshll.u32 @!p1 s10, $0x8  }
0x209: {  	s3 =	sshrl.u32 @!p1 s2, $0x2  }
0x20a: {  	[tilespmem:s3+$0xA138] =	vst.add.f32.msk @!p1 $0xffff, v1  }
0x20b: {  	v1 =	vld @!p1 [tilespmem:$0xA0D8];
	_ =	sdelay $0x4  }
0x20c: {  	[tilespmem:s3+$0xA148] =	vst.add.f32.msk @!p1 $0xffff, v1  }
0x20d: {  	v1 =	vld @!p1 [tilespmem:$0xA0E8];
	_ =	sdelay $0x4  }
0x20e: {  	[tilespmem:s3+$0xA158] =	vst.add.f32.msk @!p1 $0xffff, v1  }
0x20f: {  	v1 =	vld @!p1 [tilespmem:$0xA0F8];
	_ =	sdelay $0x4  }
0x210: {  	[tilespmem:s3+$0xA168] =	vst.add.f32.msk @!p1 $0xffff, v1  }
0x211: {  	s2 =	sshrl.u32 s2, $0x2;
	[tilespmem:s6+$0xA118] =	vst.msk $0x1, v0  }
0x212: {  	v0 =	vld [tilespmem:s2+$0xA138];
	_ =	sdelay $0x2  }
0x213: {  	s31 =	sshll.u32 s6, $0x8  }
0x214: {  	s3 =	sshra.s32 s31, $0x2  }
0x215: {  	[tilespmem:s3+$0xA138] =	vst v0  }
0x216: {  	v0 =	vld [tilespmem:s2+$0xA148];
	_ =	sdelay $0x4  }
0x217: {  	[tilespmem:s3+$0xA148] =	vst v0  }
0x218: {  	v0 =	vld [tilespmem:s2+$0xA158];
	_ =	sdelay $0x4  }
0x219: {  	[tilespmem:s3+$0xA158] =	vst v0  }
0x21a: {  	v0 =	vld [tilespmem:s2+$0xA168];
	_ =	sdelay $0x4  }
0x21b: {  	s6 =	sadd.s32 $0x1, s6;
	[tilespmem:s3+$0xA168] =	vst v0  }
.LBB3_37:
0x21c: {  	s10 =	sadd.s32 $0x1, s10  }
0x21d: {  	p1 =	sne.s32 s10, $0x20  }
.Ltmp29:
0x21e: {  	_ = 	snop;
	(pc) =	sbr.rel @!p1 .LBB3_38-.Ltmp29, $1  }
0x21f: {  	_ =	sdelay $0x3  }
.LBB3_30:
0x220: {  	v0 =	vld.msk [tilespmem:s10+$0xA118], $0x1;
	_ =	sdelay $0x4  }
0x221: {  	(v2sf) =	vpush v0, $0x0;
	_ =	sdelay $0xe  }
0x222: {  	s2 =	spop (v2sf)  }
0x223: {  	p1 =	seq.s32 s2, $0xFFFFFFFF  }
.Ltmp30:
0x224: {  	_ = 	snop;
	(pc) =	sbr.rel @p1 .LBB3_37-.Ltmp30, $1  }
0x225: {  	_ =	sdelay $0x3  }
0x226: {  	p1 =	slt.s32 s6, $0x1  }
.Ltmp31:
0x227: {  	_ = 	snop;
	(pc) =	sbr.rel @p1 .LBB3_36-.Ltmp31, $1  }
0x228: {  	_ =	sdelay $0x3  }
0x229: {  	s3 =	simm.s32 $0xA118;
	p1 =	por $0x0, $0x0  }
0x22a: {  	v1 =	vld.msk @!p1 [tilespmem:s3+$0x0], $0x1;
	_ =	sdelay $0x4  }
0x22b: {  	(v2sf) =	vpush @!p1 v1, $0x0;
	_ =	sdelay $0xd  }
0x22c: {  	p3 =	sne.s32 s6, $0x1  }
.Ltmp32:
0x22d: {  	s4 =	spop @!p1 (v2sf);
	(pc) =	sbr.rel @!p3 .LBB3_34-.Ltmp32, $4  }
0x22e: {  	p2 =	seq.s32 @!p1 s2, s4  }
0x22f: {  	s4 =	simm.s32 $0x0;
	p2 =	por !p2, p1  }
0x230: {  	s11 =	simm.s32 $0xFFFFFFFF;
	s4 =	simm.s32 @p2 $0xFFFFFFFF  }
0x231: {  	s5 =	simm.s32 $0x1;
	s4 =	smov.u32 @p1 s11  }
.LBB3_33:
0x232: {  	s11 =	smov.u32 s4;
	p1 =	sne.s32 s4, $0xFFFFFFFF  }
0x233: {  	s3 =	sadd.s32 $0x1, s3;
	s4 =	smov.u32 s5;
	s5 =	sadd.s32 $0x1, s5  }
0x234: {  	p2 =	sne.s32 s6, s5;
	v1 =	vld.msk @!p1 [tilespmem:s3+$0x0], $0x1;
	_ =	sdelay $0x4  }
0x235: {  	(v2sf) =	vpush @!p1 v1, $0x0;
	_ =	sdelay $0xe  }
.Ltmp33:
0x236: {  	s12 =	spop @!p1 (v2sf);
	(pc) =	sbr.rel @p2 .LBB3_33-.Ltmp33, $4  }
0x237: {  	p3 =	seq.s32 @!p1 s2, s12  }
0x238: {  	p3 =	por !p3, p1  }
0x239: {  	s4 =	simm.s32 @p3 $0xFFFFFFFF  }
0x23a: {  	s4 =	smov.u32 @p1 s11  }
.LBB3_34:
0x23b: {  	p1 =	seq.s32 s4, $0xFFFFFFFF  }
.Ltmp34:
0x23c: {  	_ = 	snop;
	(pc) =	sbr.rel @p1 .LBB3_36-.Ltmp34, $1  }
0x23d: {  	_ =	sdelay $0x3  }
0x23e: {  	s2 =	sshll.u32 s10, $0x6  }
0x23f: {  	s2 =	sand.u32 $0x3FFFFFC0, s2  }
0x240: {  	v0 =	vld [tilespmem:s2+$0xA138];
	_ =	sdelay $0x2  }
0x241: {  	s3 =	sshll.u32 s4, $0x8  }
0x242: {  	s3 =	sshra.s32 s3, $0x2  }
0x243: {  	[tilespmem:s3+$0xA138] =	vst.add.f32.msk $0xffff, v0  }
0x244: {  	v0 =	vld [tilespmem:s2+$0xA148];
	_ =	sdelay $0x4  }
0x245: {  	[tilespmem:s3+$0xA148] =	vst.add.f32.msk $0xffff, v0  }
0x246: {  	v0 =	vld [tilespmem:s2+$0xA158];
	_ =	sdelay $0x4  }
0x247: {  	[tilespmem:s3+$0xA158] =	vst.add.f32.msk $0xffff, v0  }
0x248: {  	v0 =	vld [tilespmem:s2+$0xA168]  }
.Ltmp35:
0x249: {  	_ = 	snop;
	(pc) =	sbr.rel .LBB3_37-.Ltmp35, $2  }
0x24a: {  	_ =	sdelay $0x2  }
0x24b: {  	[tilespmem:s3+$0xA168] =	vst.add.f32.msk $0xffff, v0  }
.LBB3_38:
0x24c: {  	s0 =	simm.s32 $0x6;
	p1 =	seq.s32 s6, $0x0  }
0x24d: {  	[sflag:s0] =	ssyncpa.u1 $0x1;
	v0 =	vimm.s32 @p1 $0xFFFFFFFF  }
0x24e: {  	s0 =	sadd.s32 $0xFFFFFFFF, s6;
	[tilespmem:$0xA938] =	vst @p1 v0  }
0x24f: {  	v0 =	vld.msk @!p1 [tilespmem:s0+$0xA118], $0x1;
	_ =	sdelay $0x1  }
0x250: {  	v1 =	vld.msk @!p1 [tilespmem:$0xA118], $0x1;
	_ =	sdelay $0x2  }
0x251: {  	p2 =	seq.s32 @!p1 s0, $0x0;
	v0 =	vbroadcast @!p1 v0, $0x0  }
0x252: {  	vm0 =	vmmov @!p1 $0x1;
	p2 =	por !p2, p1  }
0x253: {  	v1 =	vnsel @!p1 vm0, $0xFFFFFFFF, v1;
	vm0 =	vcmask @!p1 $0x308;
	v0 =	vpsel !p2, $0xFFFFFFFF, v0  }
0x254: {  	p2 =	sne.s32 @!p1 s8, s7;
	v0 =	vsel @!p1 vm0, v1, v0  }
0x255: {  	s2 =	simm.s32 @!p1 $0xA138;
	s3 =	simm.s32 @!p1 $0x0;
	p3 =	por !p2, p1;
	[tilespmem:$0xA938] =	vst @!p1 v0  }
0x256: {  	[spmem:s3] =	stream.linear.scatter @!p1 [tilespmem:s2], [sflag:$0x1], $0x40, $0x38;
	[tilespmem:$0x1EF88] =	vst v63  }
0x257: {  	s2 =	sshll.u32 @!p3 s0, $0x8  }
0x258: {  	s2 =	sshra.s32 @!p3 s2, $0x2  }
0x259: {  	s3 =	simm.s32 @!p3 $0x40;
	s2 =	sadd.s32 @!p3 $0xA138, s2  }
0x25a: {  	[spmem:s3] =	stream.linear.scatter @!p3 [tilespmem:s2], [sflag:$0x1], $0x40, $0x38;
	[tilespmem:$0x1EF88] =	vst v63  }
0x25b: {  	s2 =	simm.s32 @!p3 $0x1  }
0x25c: {  	_ =	swait.ge @!p3 [sflag:s2], $0x80  }
0x25d: {  	p1 =	por p2, p1;
	[sflag:s2] =	ssyncset.done @!p3 $0x0  }
0x25e: {  	[sflag:s2] =	ssyncadd.s32 @!p3 $0xFFFFFF80;
	s2 =	simm.s32 @!p1 $0x1  }
0x25f: {  	_ =	swait.ge @!p1 [sflag:s2], $0x40  }
0x260: {  	s29 =	simm.s32 $0xA938;
	[sflag:s2] =	ssyncset.done @!p1 $0x0  }
0x261: {  	s30 =	simm.s32 $0x800;
	s31 =	simm.s32 $0x1;
	[sflag:s2] =	ssyncadd.s32 @!p1 $0xFFFFFFC0  }
0x262: {  	[spmem:s30] =	stream.linear.scatter [tilespmem:s29], [sflag:$0x1], $0x10, $0x38;
	[tilespmem:$0x1EF88] =	vst v63  }
0x263: {  	_ =	swait.ge [sflag:s31], $0x10  }
0x264: {  	[sflag:s31] =	ssyncset.done $0x0  }
0x265: {  	p1 =	seq.s32 s13, $0x0;
	s9 =	rddreg [dreg:$0x1];
	[sflag:s31] =	ssyncadd.s32 $0xFFFFFFF0  }
0x266: {  	s3 =	sshll.u32 @p1 s9, $0xE;
	s8 =	rddreg [dreg:$0x2]  }
0x267: {  	s2 =	sadd.s32 @p1 $0x15C3C, s3;
	s3 =	sshll.u32 @p1 s8, $0x11  }
0x268: {  	_ =	sfence.stream.spmem;
	s2 =	sor.u32 @p1 s3, s2  }
0x269: {  	[sflag:s2] =	ssyncadd.remote.s32 @p1 $0x1;
	s2 =	simm.s32 @p1 $0x4  }
0x26a: {  	s4 =	simm.s32 @!p1 $0x3C;
	s3 =	sand.u32 $0xFFFFFFFE, s9;
	_ =	swait.ge @p1 [sflag:s2], $0x12  }
0x26b: {  	s5 =	simm.s32 @!p1 $0x0;
	s3 =	sadd.s32 @!p1 $0x4, s3;
	[sflag:s2] =	ssyncset.done @p1 $0x0  }
0x26c: {  	s7 =	simm.s32 @!p1 $0x80;
	[sflag:s2] =	ssyncadd.s32 @p1 $0xFFFFFFEE;
	s2 =	sshll.u32 @!p1 s3, $0x1A  }
0x26d: {  	s3 =	sshll.u32 @!p1 s3, $0xD;
	s2 =	sor.u32 @!p1 s2, s8;
	_ =	swait.eq @!p1 [sflag:s4], $0x1  }
0x26e: {  	s3 =	sor.u32 @!p1 $0x1C04, s3;
	s4 =	simm.s32 @!p1 $0x1C03;
	s2 =	sor.u32 @!p1 $0x80004000, s2  }
0x26f: {  	[spmem:s7], [sflag:s3] =	dma.general @!p1 [spmem:s5], [sflag:s4], length:$0x10, [dreg:$0x0], stride_count:$0x0, ici_dest:s2, dma_misc:DstOpCode:WRITE  }
0x270: {  	p2 =	slt.s32 s0, $0x2;
	s5 =	simm.s32 @!p1 $0x100;
	s7 =	simm.s32 @!p1 $0x102  }
0x271: {  	[spmem:s7], [sflag:s3] =	dma.general @!p1 [spmem:s5], [sflag:s4], length:$0x2, [dreg:$0x0], stride_count:$0x0, ici_dest:s2, dma_misc:DstOpCode:WRITE  }
.Ltmp36:
0x272: {  	s2 =	simm.s32 @!p1 $0x3;
	(pc) =	sbr.rel @p2 .LBB3_42-.Ltmp36, $4  }
0x273: {  	s3 =	sshll.u32 @!p1 s9, $0xE;
	_ =	swait.ge @!p1 [sflag:s2], $0x12  }
0x274: {  	s4 =	sshll.u32 @!p1 s8, $0x11;
	s3 =	sadd.s32 @!p1 $0x11C3C, s3;
	[sflag:s2] =	ssyncset.done @!p1 $0x0  }
0x275: {  	[sflag:s2] =	ssyncadd.s32 @!p1 $0xFFFFFFEE;
	s2 =	sor.u32 @!p1 s4, s3  }
0x276: {  	s0 =	simm.s32 $0x0;
	[sflag:s2] =	ssyncadd.remote.s32 @!p1 $0xFFFFFFFF  }
0x277: {  	s0 =	simm.s32 $0xA119  }
0x278: {  	v0 =	vld.msk [tilespmem:s0+$0x0], $0x1;
	_ =	sdelay $0x4  }
0x279: {  	(v2sf) =	vpush v0, $0x0;
	_ =	sdelay $0xc  }
0x27a: {  	s2 =	sadd.s32 $0xFFFFFFFE, s6  }
0x27b: {  	s2 =	sadd.s32 $0xFFFFFFFF, s2  }
0x27c: {  	p2 =	sne.s32 s2, $0x0;
	s3 =	spop (v2sf)  }
.Ltmp37:
0x27d: {  	p1 =	sgt.u32 s3, $0x270F8;
	(pc) =	sbr.rel @!p2 .LBB3_41-.Ltmp37, $4  }
0x27e: {  	s5 =	simm.s32 $0x0;
	s4 =	sand.u32 @!p1 $0x3FFF8, s3  }
0x27f: {  	s0 =	simm.s32 $0xA178;
	s3 =	sand.u32 @!p1 $0x7, s3;
	s4 =	sadd.s32 @!p1 s1, s4  }
0x280: {  	[hbm4b:s4+s3] =	stream.linear.scatter @!p1 [tilespmem:s0], [sflag:$0x5], $0x40, $0x38;
	[tilespmem:$0x1EF88] =	vst v63  }
0x281: {  	s5 =	simm.s32 @!p1 $0x100;
	s3 =	simm.s32 $0x0;
	s4 =	simm.s32 $0xA11A  }
.LBB3_40:
0x282: {  	v0 =	vld.msk [tilespmem:s4+$0x0], $0x1;
	s2 =	sadd.s32 $0xFFFFFFFF, s2;
	s3 =	sadd.s32 s3, s5  }
0x283: {  	p1 =	sne.s32 s2, $0x0;
	_ =	sdelay $0x3  }
0x284: {  	(v2sf) =	vpush v0, $0x0;
	_ =	sdelay $0xe  }
.Ltmp38:
0x285: {  	s6 =	spop (v2sf);
	(pc) =	sbr.rel @p1 .LBB3_40-.Ltmp38, $4  }
0x286: {  	s5 =	simm.s32 $0x0;
	p2 =	sgt.u32 s6, $0x270F8  }
0x287: {  	s0 =	sadd.s32 $0x40, s0;
	s5 =	simm.s32 @!p2 $0x100;
	s7 =	sand.u32 @!p2 $0x3FFF8, s6  }
0x288: {  	s4 =	sadd.s32 $0x1, s4;
	s6 =	sand.u32 @!p2 $0x7, s6;
	s7 =	sadd.s32 @!p2 s1, s7  }
0x289: {  	[hbm4b:s7+s6] =	stream.linear.scatter @!p2 [tilespmem:s0], [sflag:$0x5], $0x40, $0x38;
	[tilespmem:$0x1EF88] =	vst v63  }
.LBB3_41:
0x28a: {  	s0 =	sadd.s32 s3, s5  }
0x28b: {  	s0 =	sshrl.u32 s0, $0x2  }
.LBB3_42:
0x28c: {  	s2 =	simm.s32 $0x5  }
0x28d: {  	_ =	swait.ge [sflag:s2], s0  }
0x28e: {  	s31 =	ssub.s32 $0x0, s0;
	[sflag:s2] =	ssyncset.done $0x0  }
0x28f: {  	[sflag:s2] =	ssyncadd.s32 s31  }
0x290: {  	[sflag:s2] =	ssyncpa.u1 $0x1  }
.LBB3_43:
0x291: {  	s0 =	sor.u32 s13, s14  }
0x292: {  	p1 =	sne.s32 s0, $0x0  }
.Ltmp39:
0x293: {  	_ = 	snop;
	(pc) =	sbr.rel @p1 .LBB3_58-.Ltmp39, $3  }
0x294: {  	_ =	sdelay $0x1  }
0x295: {  	[bflag:$0x0] =	sbarrier.arrive $0xFFFF  }
0x296: {  	_ =	sfence  }
0x297: {  	s2 =	simm.s32 $0x7  }
0x298: {  	s0 =	simm.s32 $0x800;
	s3 =	simm.s32 $0xA118;
	[sflag:s2] =	ssyncpa.u1 $0x0  }
0x299: {  	[tilespmem:s3], [sflag:$0x7] =	stream.linear.gather [spmem:s0], $0x20, $0x38;
	[tilespmem:$0x1EF88] =	vst v63  }
0x29a: {  	s30 =	simm.s32 $0xA138;
	s0 =	simm.s32 $0x0  }
0x29b: {  	[tilespmem:s30], [sflag:$0x7] =	stream.linear.gather [spmem:s0], $0x800, $0x38;
	[tilespmem:$0x1EF88] =	vst v63  }
.Ltmp40:
0x29c: {  	_ = 	snop;
	(pc) =	sbr.rel .LBB3_45-.Ltmp40, $4  }
0x29d: {  	_ =	swait.ge [sflag:s2], $0x820  }
0x29e: {  	[sflag:s2] =	ssyncset.done $0x0  }
0x29f: {  	s31 =	simm.s32 $0x8;
	[sflag:s2] =	ssyncadd.s32 $0xFFFFF7E0  }
0x2a0: {  	s2 =	simm.s32 $0x0;
	[sflag:s31] =	ssyncpa.u1 $0x0  }
.LBB3_51:
0x2a1: {  	p1 =	slt.u32 s3, $0x270F9  }
0x2a2: {  	s4 =	sand.u32 @p1 $0x3FFF8, s3  }
0x2a3: {  	s3 =	sand.u32 @p1 $0x7, s3;
	s5 =	simm.s32 @p1 $0xA0C8;
	s4 =	sadd.s32 @p1 s1, s4  }
0x2a4: {  	[tilespmem:s5], [sflag:$0x8] =	stream.linear.gather @p1 [hbm4b:s4+s3], $0x40, $0x38;
	[tilespmem:$0x1EF88] =	vst v63  }
0x2a5: {  	s3 =	simm.s32 @p1 $0x8  }
0x2a6: {  	_ =	swait.ge @p1 [sflag:s3], $0x40  }
0x2a7: {  	[sflag:s3] =	ssyncset.done @p1 $0x0  }
0x2a8: {  	[sflag:s3] =	ssyncadd.s32 @p1 $0xFFFFFFC0  }
0x2a9: {  	v1 =	vld @p1 [tilespmem:$0xA0C8];
	_ =	sdelay $0x2  }
0x2aa: {  	s3 =	sshll.u32 @p1 s2, $0x8  }
0x2ab: {  	s4 =	sshrl.u32 @p1 s3, $0x2  }
0x2ac: {  	[tilespmem:s4+$0xA138] =	vst.add.f32.msk @p1 $0xffff, v1  }
0x2ad: {  	v1 =	vld @p1 [tilespmem:$0xA0D8];
	_ =	sdelay $0x4  }
0x2ae: {  	[tilespmem:s4+$0xA148] =	vst.add.f32.msk @p1 $0xffff, v1  }
0x2af: {  	v1 =	vld @p1 [tilespmem:$0xA0E8];
	_ =	sdelay $0x4  }
0x2b0: {  	[tilespmem:s4+$0xA158] =	vst.add.f32.msk @p1 $0xffff, v1  }
0x2b1: {  	v1 =	vld @p1 [tilespmem:$0xA0F8];
	_ =	sdelay $0x3  }
0x2b2: {  	s5 =	sshll.u32 @!p1 s2, $0x8  }
0x2b3: {  	s5 =	smov.u32 @p1 s3;
	[tilespmem:s4+$0xA168] =	vst.add.f32.msk @p1 $0xffff, v1  }
0x2b4: {  	s3 =	sshrl.u32 s5, $0x2;
	[tilespmem:s0+$0xA118] =	vst.msk $0x1, v0  }
0x2b5: {  	v0 =	vld [tilespmem:s3+$0xA138];
	_ =	sdelay $0x2  }
0x2b6: {  	s31 =	sshll.u32 s0, $0x8  }
0x2b7: {  	s4 =	sshra.s32 s31, $0x2  }
0x2b8: {  	[tilespmem:s4+$0xA138] =	vst v0  }
0x2b9: {  	v0 =	vld [tilespmem:s3+$0xA148];
	_ =	sdelay $0x4  }
0x2ba: {  	[tilespmem:s4+$0xA148] =	vst v0  }
0x2bb: {  	v0 =	vld [tilespmem:s3+$0xA158];
	_ =	sdelay $0x4  }
0x2bc: {  	[tilespmem:s4+$0xA158] =	vst v0  }
0x2bd: {  	v0 =	vld [tilespmem:s3+$0xA168];
	_ =	sdelay $0x4  }
0x2be: {  	s0 =	sadd.s32 $0x1, s0;
	[tilespmem:s4+$0xA168] =	vst v0  }
.LBB3_52:
0x2bf: {  	s2 =	sadd.s32 $0x1, s2  }
0x2c0: {  	p1 =	sne.s32 s2, $0x20  }
.Ltmp41:
0x2c1: {  	_ = 	snop;
	(pc) =	sbr.rel @!p1 .LBB3_53-.Ltmp41, $1  }
0x2c2: {  	_ =	sdelay $0x3  }
.LBB3_45:
0x2c3: {  	v0 =	vld.msk [tilespmem:s2+$0xA118], $0x1;
	_ =	sdelay $0x4  }
0x2c4: {  	(v2sf) =	vpush v0, $0x0;
	_ =	sdelay $0xe  }
0x2c5: {  	s3 =	spop (v2sf)  }
0x2c6: {  	p1 =	seq.s32 s3, $0xFFFFFFFF  }
.Ltmp42:
0x2c7: {  	_ = 	snop;
	(pc) =	sbr.rel @p1 .LBB3_52-.Ltmp42, $1  }
0x2c8: {  	_ =	sdelay $0x3  }
0x2c9: {  	p1 =	slt.s32 s0, $0x1  }
.Ltmp43:
0x2ca: {  	_ = 	snop;
	(pc) =	sbr.rel @p1 .LBB3_51-.Ltmp43, $1  }
0x2cb: {  	_ =	sdelay $0x3  }
0x2cc: {  	s4 =	simm.s32 $0xA118;
	p1 =	por $0x0, $0x0  }
0x2cd: {  	v1 =	vld.msk @!p1 [tilespmem:s4+$0x0], $0x1;
	_ =	sdelay $0x4  }
0x2ce: {  	(v2sf) =	vpush @!p1 v1, $0x0;
	_ =	sdelay $0xd  }
0x2cf: {  	p3 =	sne.s32 s0, $0x1  }
.Ltmp44:
0x2d0: {  	s5 =	spop @!p1 (v2sf);
	(pc) =	sbr.rel @!p3 .LBB3_49-.Ltmp44, $4  }
0x2d1: {  	p2 =	seq.s32 @!p1 s3, s5  }
0x2d2: {  	s5 =	simm.s32 $0x0;
	p2 =	por !p2, p1  }
0x2d3: {  	s7 =	simm.s32 $0xFFFFFFFF;
	s5 =	simm.s32 @p2 $0xFFFFFFFF  }
0x2d4: {  	s6 =	simm.s32 $0x1;
	s5 =	smov.u32 @p1 s7  }
.LBB3_48:
0x2d5: {  	s7 =	smov.u32 s5;
	p1 =	sne.s32 s5, $0xFFFFFFFF  }
0x2d6: {  	s4 =	sadd.s32 $0x1, s4;
	s5 =	smov.u32 s6;
	s6 =	sadd.s32 $0x1, s6  }
0x2d7: {  	p2 =	sne.s32 s0, s6;
	v1 =	vld.msk @!p1 [tilespmem:s4+$0x0], $0x1;
	_ =	sdelay $0x4  }
0x2d8: {  	(v2sf) =	vpush @!p1 v1, $0x0;
	_ =	sdelay $0xe  }
.Ltmp45:
0x2d9: {  	s8 =	spop @!p1 (v2sf);
	(pc) =	sbr.rel @p2 .LBB3_48-.Ltmp45, $4  }
0x2da: {  	p3 =	seq.s32 @!p1 s3, s8  }
0x2db: {  	p3 =	por !p3, p1  }
0x2dc: {  	s5 =	simm.s32 @p3 $0xFFFFFFFF  }
0x2dd: {  	s5 =	smov.u32 @p1 s7  }
.LBB3_49:
0x2de: {  	p1 =	seq.s32 s5, $0xFFFFFFFF  }
.Ltmp46:
0x2df: {  	_ = 	snop;
	(pc) =	sbr.rel @p1 .LBB3_51-.Ltmp46, $1  }
0x2e0: {  	_ =	sdelay $0x3  }
0x2e1: {  	s3 =	sshll.u32 s2, $0x6  }
0x2e2: {  	s3 =	sand.u32 $0x3FFFFFC0, s3  }
0x2e3: {  	v0 =	vld [tilespmem:s3+$0xA138];
	_ =	sdelay $0x2  }
0x2e4: {  	s4 =	sshll.u32 s5, $0x8  }
0x2e5: {  	s4 =	sshra.s32 s4, $0x2  }
0x2e6: {  	[tilespmem:s4+$0xA138] =	vst.add.f32.msk $0xffff, v0  }
0x2e7: {  	v0 =	vld [tilespmem:s3+$0xA148];
	_ =	sdelay $0x4  }
0x2e8: {  	[tilespmem:s4+$0xA148] =	vst.add.f32.msk $0xffff, v0  }
0x2e9: {  	v0 =	vld [tilespmem:s3+$0xA158];
	_ =	sdelay $0x4  }
0x2ea: {  	[tilespmem:s4+$0xA158] =	vst.add.f32.msk $0xffff, v0  }
0x2eb: {  	v0 =	vld [tilespmem:s3+$0xA168]  }
.Ltmp47:
0x2ec: {  	_ = 	snop;
	(pc) =	sbr.rel .LBB3_52-.Ltmp47, $2  }
0x2ed: {  	_ =	sdelay $0x2  }
0x2ee: {  	[tilespmem:s4+$0xA168] =	vst.add.f32.msk $0xffff, v0  }
.LBB3_53:
0x2ef: {  	p1 =	slt.s32 s0, $0x1  }
.Ltmp48:
0x2f0: {  	_ = 	snop;
	(pc) =	sbr.rel @p1 .LBB3_57-.Ltmp48, $3  }
0x2f1: {  	_ =	sdelay $0x1  }
0x2f2: {  	s2 =	simm.s32 $0x8  }
0x2f3: {  	[sflag:s2] =	ssyncpa.u1 $0x1;
	s2 =	simm.s32 $0x0  }
0x2f4: {  	s3 =	simm.s32 $0xA118  }
0x2f5: {  	v0 =	vld.msk [tilespmem:s3+$0x0], $0x1;
	_ =	sdelay $0x4  }
0x2f6: {  	(v2sf) =	vpush v0, $0x0;
	_ =	sdelay $0xe  }
0x2f7: {  	s0 =	sadd.s32 $0xFFFFFFFF, s0;
	s4 =	spop (v2sf)  }
0x2f8: {  	p2 =	sne.s32 s0, $0x0;
	p1 =	sgt.u32 s4, $0x270F8  }
.Ltmp49:
0x2f9: {  	s5 =	sand.u32 @!p1 $0x3FFF8, s4;
	(pc) =	sbr.rel @!p2 .LBB3_56-.Ltmp49, $4  }
0x2fa: {  	s3 =	simm.s32 $0xA138;
	s4 =	sand.u32 @!p1 $0x7, s4;
	s5 =	sadd.s32 @!p1 s1, s5  }
0x2fb: {  	[hbm4b:s5+s4] =	stream.linear.scatter @!p1 [tilespmem:s3], [sflag:$0x7], $0x40, $0x38;
	[tilespmem:$0x1EF88] =	vst v63  }
0x2fc: {  	s5 =	simm.s32 $0x0  }
0x2fd: {  	s4 =	simm.s32 $0xA119;
	s5 =	simm.s32 @!p1 $0x100  }
.LBB3_55:
0x2fe: {  	v0 =	vld.msk [tilespmem:s4+$0x0], $0x1;
	s0 =	sadd.s32 $0xFFFFFFFF, s0;
	s2 =	sadd.s32 s2, s5  }
0x2ff: {  	p1 =	sne.s32 s0, $0x0;
	_ =	sdelay $0x3  }
0x300: {  	(v2sf) =	vpush v0, $0x0;
	_ =	sdelay $0xe  }
.Ltmp50:
0x301: {  	s6 =	spop (v2sf);
	(pc) =	sbr.rel @p1 .LBB3_55-.Ltmp50, $4  }
0x302: {  	s5 =	simm.s32 $0x0;
	p2 =	sgt.u32 s6, $0x270F8  }
0x303: {  	s3 =	sadd.s32 $0x40, s3;
	s5 =	simm.s32 @!p2 $0x100;
	s7 =	sand.u32 @!p2 $0x3FFF8, s6  }
0x304: {  	s4 =	sadd.s32 $0x1, s4;
	s6 =	sand.u32 @!p2 $0x7, s6;
	s7 =	sadd.s32 @!p2 s1, s7  }
0x305: {  	[hbm4b:s7+s6] =	stream.linear.scatter @!p2 [tilespmem:s3], [sflag:$0x7], $0x40, $0x38;
	[tilespmem:$0x1EF88] =	vst v63  }
.LBB3_56:
0x306: {  	s0 =	sadd.s32 s2, s5  }
0x307: {  	s2 =	sshrl.u32 s0, $0x2  }
.LBB3_57:
0x308: {  	s0 =	simm.s32 $0x7  }
0x309: {  	_ =	swait.ge [sflag:s0], s2  }
0x30a: {  	s1 =	ssub.s32 $0x0, s2;
	[sflag:s0] =	ssyncset.done $0x0  }
0x30b: {  	[sflag:s0] =	ssyncadd.s32 s1  }
0x30c: {  	[sflag:s0] =	ssyncpa.u1 $0x1  }
.LBB3_58:
0x30d: {  	_ =	sfence;
	s0 =	simm.s32 $0x1  }
0x30e: {  	[sflag:s0] =	ssyncpa.u1 $0x1  }
0x30f: {  	_ =	strace $0x90000059  }
0x310: {  	[bflag:$0x2] =	sbarrier.arrive $0xFFFF  }
0x311: {  	s0 =	rddreg [dreg:$0x3]  }
0x312: {  	s0 =	sadd.s32 @!p0 $0x100000, s0  }
0x313: {  	[sflag:s0] =	ssyncadd.tile.s32 @!p0 $0x1;
	_ =	shalt  }
.Lfunc_end3:
_tile_overlayer_lowered:
.L_overlay_start_3:
0x314: {  	(tag) =	ssettag $0x3  }
0x315: {  	s0 =	rddreg [dreg:$0x0];
	s2 =	stileid.u32  }
0x316: {  	s1 =	rddreg [dreg:$0x1];
	p0 =	sne.s32 s2, $0x0  }
0x317: {  	s3 =	rddreg [dreg:$0x2];
	[bflag:$0x3] =	sbarrier.arrive $0xFFFF;
	s2 =	simm.s32 @!p0 $0x1C01  }
0x318: {  	[timem:s3], [sflag:s2] =	dma.local @!p0 [hbm:s0], s1  }
0x319: {  	s0 =	simm.s32 @!p0 $0x1  }
0x31a: {  	_ =	swait.ge @!p0 [sflag:s0], s1  }
0x31b: {  	s1 =	ssub.s32 @!p0 $0x0, s1;
	[sflag:s0] =	ssyncset.done @!p0 $0x0  }
0x31c: {  	[sflag:s0] =	ssyncadd.s32 @!p0 s1  }
0x31d: {  	[bflag:$0x3] =	sbarrier.arrive $0xFFFF  }
0x31e: {  	_ =	shalt  }

// kernel: scatter_offload_async_start.2
scs
__scs_entry_jumppad:
0x0: {  	(pc) =	sbr.rel $0x88, $3  }
0x1: {  	(tag) =	ssettag $0x0;
	lr =	simm.s32 $0x1  }
0x2: {  	[smem:$0x3F94] =	sst lr;
	_ =	strace $0xD0000000  }
0x3: {  	_ = 	snop  }
0x4: {  	_ = 	snop  }
0x5: {  	_ = 	snop  }
0x6: {  	_ = 	snop  }
0x7: {  	_ = 	snop  }
__scs_overlays_trampoline_lowered:
0x8: {  	[smem:$0x3FA3] =	sst s0  }
0x9: {  	[smem:$0x3FA4] =	sst s1  }
0xa: {  	[smem:$0x3FA5] =	sst s2  }
0xb: {  	[smem:$0x3FA6] =	sst s3  }
0xc: {  	[smem:$0x3FA7] =	sst s4  }
0xd: {  	[smem:$0x3FA8] =	sst s5  }
0xe: {  	[smem:$0x3FA9] =	sst s6  }
0xf: {  	[smem:$0x3FAA] =	sst s7  }
0x10: {  	[smem:$0x3FAB] =	sst s8  }
0x11: {  	[smem:$0x3FAC] =	sst s9;
	s0 =	simm.s32 @!p0 $0x0  }
0x12: {  	s1 =	sld [smem:$0x3F92];
	s0 =	simm.s32 @p0 $0x1  }
0x13: {  	[smem:$0x3FAD] =	sst s0;
	s0 =	simm.s32 @!p1 $0x0  }
0x14: {  	s2 =	sld [smem:$0x3F91];
	s0 =	simm.s32 @p1 $0x1  }
0x15: {  	[smem:$0x3FAE] =	sst s0;
	s0 =	simm.s32 @!p2 $0x0  }
0x16: {  	s3 =	sld [smem:$0x3FDB];
	s0 =	simm.s32 @p2 $0x1  }
0x17: {  	s4 =	simm.s32 $0x1BF5;
	[smem:$0x3FB0] =	sst s0  }
0x18: {  	s0 =	sld [smem:$0x3F93];
	_ =	swait.ge [sflag:s4], $0x0  }
0x19: {  	s7 =	sld [smem:$0x3F94]  }
0x1a: {  	s8 =	sadd.s32 $0xFFFFE003, lr  }
0x1b: {  	s9 =	sadd.s32 $0xFFFFFEF7, lr;
	s5 =	simm.s32 $0xFFFFFFFF;
	p2 =	slt.u32 s8, $0xFFFFF086  }
0x1c: {  	p1 =	slt.u32 s9, $0xF7A;
	s5 =	simm.s32 @!p2 $0x0  }
0x1d: {  	s5 =	simm.s32 @p1 $0x1;
	p0 =	seq.s32 s7, s2  }
0x1e: {  	s7 =	smul.u32 @!p0 $0xF7A, s2;
	p2 =	seq.s32 @!p0 s5, $0x0  }
0x1f: {  	s9 =	smul.u32 $0xF7A, s1;
	s8 =	simm.s32 @!p0 $0x1BF5;
	p2 =	por !p2, p0  }
0x20: {  	[sflag:s8] =	ssyncset.s32 @!p0 $0xFFFFF086;
	s6 =	sadd.s32 @!p0 s3, s7;
	s7 =	simm.s32 @!p0 $0x108  }
0x21: {  	s3 =	sadd.s32 s3, s9;
	s6 =	sadd.s32 @!p0 $0x88, s6;
	s7 =	simm.s32 @p2 $0x1082  }
0x22: {  	[simem:s7], [sflag:s8] =	dma.local @!p0 [hbm:s6], $0xF7A  }
0x23: {  	s9 =	sor.u32 $0xD0000000, s2;
	s6 =	simm.s32 $0x108;
	_ =	swait.ge @!p0 [sflag:s8], $0x0  }
0x24: {  	s3 =	sadd.s32 $0x88, s3;
	s6 =	simm.s32 @!p1 $0x1082;
	[sflag:s4] =	ssyncset.s32 $0xFFFFF086  }
0x25: {  	[simem:s6], [sflag:s4] =	dma.local [hbm:s3], $0xF7A  }
0x26: {  	[smem:$0x3F94] =	sst s1;
	(tag) =	ssettag s2;
	_ =	strace s9  }
0x27: {  	s1 =	sld [smem:$0x3FA4]  }
0x28: {  	s2 =	sld [smem:$0x3FA5]  }
0x29: {  	s4 =	sld [smem:$0x3FA7]  }
0x2a: {  	p0 =	seq.s32 s5, $0x0;
	s5 =	sld [smem:$0x3FA8]  }
0x2b: {  	s6 =	sld [smem:$0x3FA9]  }
0x2c: {  	s7 =	sld [smem:$0x3FAA]  }
0x2d: {  	s3 =	simm.s32 $0x108;
	s8 =	sld [smem:$0x3FAB]  }
0x2e: {  	s3 =	simm.s32 @!p0 $0x1082;
	s9 =	sld [smem:$0x3FAC]  }
0x2f: {  	lr =	sadd.s32 s0, s3;
	s0 =	sld [smem:$0x3FA3]  }
0x30: {  	s3 =	sld [smem:$0x3FA6]  }
0x31: {  	[smem:$0x3FAF] =	sst s10  }
0x32: {  	s10 =	sld [smem:$0x3FAD];
	_ =	sdelay $0x3  }
0x33: {  	p0 =	seq.s32 s10, $0x1;
	s10 =	sld [smem:$0x3FAF];
	_ =	sdelay $0x3  }
0x34: {  	[smem:$0x3FAF] =	sst s10  }
0x35: {  	s10 =	sld [smem:$0x3FAE];
	_ =	sdelay $0x3  }
0x36: {  	p1 =	seq.s32 s10, $0x1;
	s10 =	sld [smem:$0x3FAF];
	_ =	sdelay $0x3  }
0x37: {  	[smem:$0x3FAF] =	sst s10  }
0x38: {  	s10 =	sld [smem:$0x3FB0]  }
0x39: {  	_ = 	snop;
	(pc) =	sbr.ind lr, $3  }
0x3a: {  	_ = 	snop  }
0x3b: {  	_ = 	snop  }
0x3c: {  	p2 =	seq.s32 s10, $0x1;
	s10 =	sld [smem:$0x3FAF]  }
0x3d: {  	_ =	shalt  }
0x3e: {  	_ =	shalt  }
0x3f: {  	_ =	shalt  }
0x40: {  	_ =	shalt  }
0x41: {  	_ =	shalt  }
0x42: {  	_ =	shalt  }
0x43: {  	_ =	shalt  }
0x44: {  	_ =	shalt  }
0x45: {  	_ =	shalt  }
0x46: {  	_ =	shalt  }
0x47: {  	_ =	shalt  }
0x48: {  	_ =	shalt  }
0x49: {  	_ =	shalt  }
0x4a: {  	_ =	shalt  }
0x4b: {  	_ =	shalt  }
0x4c: {  	_ =	shalt  }
0x4d: {  	_ =	shalt  }
0x4e: {  	_ =	shalt  }
0x4f: {  	_ =	shalt  }
0x50: {  	_ =	shalt  }
0x51: {  	_ =	shalt  }
0x52: {  	_ =	shalt  }
0x53: {  	_ =	shalt  }
0x54: {  	_ =	shalt  }
0x55: {  	_ =	shalt  }
0x56: {  	_ =	shalt  }
0x57: {  	_ =	shalt  }
0x58: {  	_ =	shalt  }
0x59: {  	_ =	shalt  }
0x5a: {  	_ =	shalt  }
0x5b: {  	_ =	shalt  }
0x5c: {  	_ =	shalt  }
0x5d: {  	_ =	shalt  }
0x5e: {  	_ =	shalt  }
0x5f: {  	_ =	shalt  }
0x60: {  	_ =	shalt  }
0x61: {  	_ =	shalt  }
0x62: {  	_ =	shalt  }
0x63: {  	_ =	shalt  }
0x64: {  	_ =	shalt  }
0x65: {  	_ =	shalt  }
0x66: {  	_ =	shalt  }
0x67: {  	_ =	shalt  }
0x68: {  	_ =	shalt  }
0x69: {  	_ =	shalt  }
0x6a: {  	_ =	shalt  }
0x6b: {  	_ =	shalt  }
0x6c: {  	_ =	shalt  }
0x6d: {  	_ =	shalt  }
0x6e: {  	_ =	shalt  }
0x6f: {  	_ =	shalt  }
0x70: {  	_ =	shalt  }
0x71: {  	_ =	shalt  }
0x72: {  	_ =	shalt  }
0x73: {  	_ =	shalt  }
0x74: {  	_ =	shalt  }
0x75: {  	_ =	shalt  }
0x76: {  	_ =	shalt  }
0x77: {  	_ =	shalt  }
0x78: {  	_ =	shalt  }
0x79: {  	_ =	shalt  }
0x7a: {  	_ =	shalt  }
0x7b: {  	_ =	shalt  }
0x7c: {  	_ =	shalt  }
0x7d: {  	_ =	shalt  }
0x7e: {  	_ =	shalt  }
0x7f: {  	_ =	shalt  }
0x80: {  	_ =	shalt  }
0x81: {  	_ =	shalt  }
0x82: {  	_ =	shalt  }
0x83: {  	_ =	shalt  }
0x84: {  	_ =	shalt  }
0x85: {  	_ =	shalt  }
0x86: {  	_ =	shalt  }
0x87: {  	_ =	shalt  }
.Lfunc_end0:
.L_simem_size_0:
called_computation.2_lowered:
.L_overlay_start_0:
0x88: {  	s0 =	sld [smem:$0x3FD9]  }
0x89: {  	s1 =	sld [smem:$0x3FFE];
	_ =	sdelay $0x3  }
0x8a: {  	s0 =	sadd.s32 s1, s0  }
0x8b: {  	[smem:$0x3FBB] =	sst s0  }
0x8c: {  	_ = 	snop  }
0x8d: {  	(tm) =	ssettm $0x1  }
0x8e: {  	s14 =	sld [smem:$0x3FFB];
	_ =	sdelay $0x3  }
0x8f: {  	_ =	strace s14  }
0x90: {  	s0 =	sld [smem:$0x3FFC];
	_ =	sdelay $0x3  }
0x91: {  	_ =	strace s0  }
0x92: {  	s0 =	sld [smem:$0x3FFD];
	_ =	sdelay $0x3  }
0x93: {  	_ =	strace s0  }
0x94: {  	_ =	strace $0x8FFFFFFF  }
0x95: {  	s15 =	sld [smem:$0x3FDB];
	_ =	sdelay $0x1  }
0x96: {  	s16 =	simm.s32 $_scs_section_size  }
0x97: {  	s2 =	simm.s32 $_size__tile_overlayer_lowered;
	s3 =	simm.s32 $_tile_overlayer_lowered  }
0x98: {  	s4 =	simm.s32 $0x1BFF;
	s17 =	sshll.u32 s3, $0x1;
	s1 =	sadd.s32 s16, s15  }
0x99: {  	s18 =	simm.s32 $0x0;
	s2 =	sshll.u32 s2, $0x1;
	s3 =	sadd.s32 s17, s1  }
0x9a: {  	[timem:s18], [sflag:s4] =	dma.local [hbm:s3], s2  }
0x9b: {  	_ =	swait.ge [sflag:s4], s2  }
0x9c: {  	s2 =	ssub.s32 $0x0, s2;
	[sflag:s4] =	ssyncset.done $0x0  }
0x9d: {  	[sflag:s4] =	ssyncadd.s32 s2;
	_ =	sdelay $0x1  }
0x9e: {  	s19 =	simm.s32 $0x1B8B  }
0x9f: {  	_ =	swait.ge [sflag:s19], $0x1  }
0xa0: {  	[sflag:s19] =	ssyncset.done $0x0  }
0xa1: {  	s21 =	simm.s32 $0x1B8E;
	s20 =	sld [smem:$0x3FFE];
	[sflag:s19] =	ssyncadd.s32 $0xFFFFFFFF  }
0xa2: {  	s22 =	simm.s32 $execute0_lowered;
	[smem:$0x3FD2] =	sst s21  }
0xa3: {  	s3 =	sshll.u32 s22, $0x1;
	_ =	strace $0x80000049;
	[dreg:$0x1] =	wrdreg $0xFFFFFFFF  }
0xa4: {  	s23 =	simm.s32 $_size_execute0_lowered;
	s3 =	sadd.s32 s1, s3;
	[dreg:$0x0] =	wrdreg $0x0  }
0xa5: {  	s4 =	sshll.u32 s23, $0x1;
	[dreg:$0x2] =	wrdreg s3  }
0xa6: {  	[dreg:$0x3] =	wrdreg s4  }
0xa7: {  	[dreg:$0x4] =	wrdreg $0xC0  }
0xa8: {  	s24 =	simm.s32 $execute1_lowered;
	_ =	task [dreg:s18], $0x5FFFF  }
0xa9: {  	s3 =	sshll.u32 s24, $0x1;
	[dreg:$0x1] =	wrdreg $0xFFFFFFFF  }
0xaa: {  	s1 =	sadd.s32 s1, s3;
	[dreg:$0x0] =	wrdreg $0x60  }
0xab: {  	[dreg:$0x2] =	wrdreg s1  }
0xac: {  	[dreg:$0x3] =	wrdreg s20  }
0xad: {  	[dreg:$0x4] =	wrdreg $0x9  }
0xae: {  	_ =	task.clear_ibuf [dreg:s18], $0x5FFFF;
	_ =	strace $0x90000049  }
0xaf: {  	s25 =	simm.s32 $0x9;
	_ =	strace $0x8000004B  }
0xb0: {  	_ =	swait.ge [sflag:s25], $0x1  }
0xb1: {  	[sflag:s25] =	ssyncadd.s32 $0xFFFFFFFF  }
0xb2: {  	_ =	strace $0x9000004B  }
0xb3: {  	_ =	strace $0x8000004C;
	[dreg:$0x1] =	wrdreg $0xFFFFFFFF  }
0xb4: {  	[dreg:$0x0] =	wrdreg $0x2030  }
0xb5: {  	[dreg:$0x2] =	wrdreg s20  }
0xb6: {  	[dreg:$0x3] =	wrdreg $0xA  }
0xb7: {  	_ =	task.clear_ibuf [dreg:s18], $0x4FFFF;
	_ =	strace $0x9000004C  }
0xb8: {  	s26 =	simm.s32 $0xA;
	_ =	strace $0x8000004E  }
0xb9: {  	_ =	swait.ge [sflag:s26], $0x1  }
0xba: {  	[sflag:s26] =	ssyncadd.s32 $0xFFFFFFFF  }
0xbb: {  	_ =	strace $0x9000004E  }
0xbc: {  	_ =	sfence  }
0xbd: {  	s28 =	sld [smem:$0x0];
	_ =	sdelay $0x1  }
0xbe: {  	s29 =	srdreg.scid  }
0xbf: {  	s30 =	sshll.u32 s29, $0xD;
	s31 =	sshrl.u32 s29, $0x2  }
0xc0: {  	s2 =	sand.u32 $0x1, s29;
	s3 =	sand.u32 $0x4000, s30;
	s1 =	sadd.s32 s31, s28  }
0xc1: {  	s2 =	sor.u32 s3, s2;
	s1 =	sshll.u32 s1, $0x11  }
0xc2: {  	s1 =	sor.u32 s1, s2  }
0xc3: {  	s1 =	sadd.s32 $0x8F2B, s1  }
0xc4: {  	[sflag:s1] =	ssyncadd.remote.s32 $0x1  }
0xc5: {  	_ =	sfence.sel $0xFFFF  }
0xc6: {  	[dreg:$0x0] =	wrdreg $0xFFFFFFFF;
	(pc) =	sbr.abs _section_cstart, $3  }
0xc7: {  	[dreg:$0x1] =	wrdreg $0xFFFFFFFF  }
0xc8: {  	_ =	task.clear_ibuf [dreg:s18], $0x2FFFF;
	_ =	strace $0x9FFFFFFF  }
0xc9: {  	(tm) =	ssettm $0x7FFFFFFF  }
tec
execute0_lowered:
.L_overlay_start_1:
0x0: {  	(tag) =	ssettag $0x1  }
0x1: {  	s2 =	rddreg [dreg:$0x0]  }
0x2: {  	s4 =	rddreg [dreg:$0x1]  }
0x3: {  	s0 =	rddreg [dreg:$0x2];
	s3 =	stileid.u32  }
0x4: {  	[bflag:$0x3] =	sbarrier.arrive $0xFFFF;
	s1 =	simm.s32 $_size_execute1_lowered;
	p0 =	sne.s32 s3, $0x0  }
0x5: {  	s1 =	sshll.u32 s1, $0x1;
	s5 =	simm.s32 @!p0 $0x1C3F;
	s6 =	simm.s32 @!p0 $0x4060  }
0x6: {  	[timem:s6], [sflag:s5] =	dma.local @!p0 [hbm:s2], s1  }
0x7: {  	s2 =	smul.u32 $0x280, s3  }
.Ltmp0:
0x8: {  	s31 =	simm.s32 $0x2;
	s7 =	simm.s32 $0x280;
	(pc) =	sbr.rel .LBB2_1-.Ltmp0, $4  }
0x9: {  	s8 =	simm.s32 $0x780;
	s10 =	simm.s32 $0x0;
	s9 =	simm.s32 $0x0  }
0xa: {  	s3 =	simm.s32 $0x1;
	_ =	strace $0x8000004A;
	s30 =	sshrl.u32 s2, $0x3  }
0xb: {  	s6 =	simm.s32 $0x0;
	[sflag:s3] =	ssyncpa.u1 $0x0;
	s5 =	sadd.s32 s30, s4  }
0xc: {  	s4 =	sadd.s32 $0x9E2000, s4;
	[sflag:s31] =	ssyncpa.u1 $0x0;
	s5 =	sadd.s32 $0x9E1A00, s5  }
.LBB2_8:
0xd: {  	p1 =	seq.s32 s9, $0x2  }
.Ltmp1:
0xe: {  	_ = 	snop;
	(pc) =	sbr.rel @p1 .LBB2_10-.Ltmp1, $1  }
0xf: {  	_ =	sdelay $0x3  }
.LBB2_9:
0x10: {  	s9 =	sadd.s32 $0x1, s9;
	s10 =	smov.u32 s2  }
.LBB2_1:
0x11: {  	p1 =	sne.s32 s9, $0x0  }
.Ltmp2:
0x12: {  	_ = 	snop;
	(pc) =	sbr.rel @!p1 .LBB2_2-.Ltmp2, $1  }
0x13: {  	_ =	sdelay $0x3  }
0x14: {  	s11 =	sand.u32 $0x1, s9  }
0x15: {  	p1 =	seq.s32 s11, $0x0  }
.Ltmp3:
0x16: {  	_ = 	snop;
	(pc) =	sbr.rel @p1 .LBB2_8-.Ltmp3, $1  }
0x17: {  	_ =	sdelay $0x3  }
0x18: {  	_ =	swait.ge [sflag:s3], $0x280  }
0x19: {  	[sflag:s3] =	ssyncset.done $0x0  }
0x1a: {  	s11 =	simm.s32 $0x0;
	p1 =	por $0x1, $0x1;
	[sflag:s3] =	ssyncadd.s32 $0xFFFFFD80  }
.LBB2_5:
0x1b: {  	v0 =	vld [tilespmem:s11+$0x280]  }
0x1c: {  	v1 =	vld [tilespmem:s11+$0x290]  }
0x1d: {  	v2 =	vld [tilespmem:s11+$0x2A0]  }
0x1e: {  	v3 =	vld [tilespmem:s11+$0x2B0]  }
0x1f: {  	v4 =	vld [tilespmem:s11+$0x2C0]  }
0x20: {  	v53 =	vld [tilespmem:s11+$0x2D0];
	[tilespmem:s11+$0x780] =	vst v0  }
0x21: {  	v54 =	vld [tilespmem:s11+$0x2E0];
	[tilespmem:s11+$0x790] =	vst v1  }
0x22: {  	v55 =	vld [tilespmem:s11+$0x2F0];
	[tilespmem:s11+$0x7A0] =	vst v2  }
0x23: {  	v56 =	vld [tilespmem:s11+$0x300];
	[tilespmem:s11+$0x7B0] =	vst v3  }
0x24: {  	v57 =	vld [tilespmem:s11+$0x310];
	[tilespmem:s11+$0x7C0] =	vst v4  }
0x25: {  	v58 =	vld [tilespmem:s11+$0x320];
	[tilespmem:s11+$0x7D0] =	vst v53  }
0x26: {  	v59 =	vld [tilespmem:s11+$0x330];
	[tilespmem:s11+$0x7E0] =	vst v54  }
0x27: {  	v60 =	vld [tilespmem:s11+$0x340];
	[tilespmem:s11+$0x7F0] =	vst v55  }
0x28: {  	v61 =	vld [tilespmem:s11+$0x350];
	[tilespmem:s11+$0x800] =	vst v56  }
0x29: {  	v62 =	vld [tilespmem:s11+$0x360];
	[tilespmem:s11+$0x810] =	vst v57  }
0x2a: {  	v63 =	vld [tilespmem:s11+$0x370];
	p2 =	por p1, p1;
	[tilespmem:s11+$0x820] =	vst v58  }
.Ltmp4:
0x2b: {  	[tilespmem:s11+$0x830] =	vst v59;
	(pc) =	sbr.rel @p2 .LBB2_5-.Ltmp4, $4  }
0x2c: {  	[tilespmem:s11+$0x840] =	vst v60  }
0x2d: {  	[tilespmem:s11+$0x850] =	vst v61  }
0x2e: {  	s12 =	simm.s32 $0x1F0;
	s13 =	simm.s32 $0x980;
	[tilespmem:s11+$0x860] =	vst v62  }
0x2f: {  	s14 =	simm.s32 $0x480;
	p1 =	por $0x0, $0x0;
	[tilespmem:s11+$0x870] =	vst v63;
	s11 =	simm.s32 $0x100  }
.LBB2_6:
0x30: {  	s12 =	sadd.s32 $0x10, s12  }
0x31: {  	v0 =	vld [tilespmem:s14+$0x0];
	p1 =	slt.u32 s12, $0x270  }
.Ltmp5:
0x32: {  	_ = 	snop;
	(pc) =	sbr.rel @p1 .LBB2_6-.Ltmp5, $2  }
0x33: {  	_ =	sdelay $0x2  }
0x34: {  	s14 =	sadd.s32 $0x10, s14;
	[tilespmem:s13+$0x0] =	vst v0;
	s13 =	sadd.s32 $0x10, s13  }
.Ltmp6:
0x35: {  	(pc) =	sbr.rel .LBB2_8-.Ltmp6, $4  }
0x36: {  	_ = 	snop  }
0x37: {  	s10 =	sshrl.u32 s10, $0x3  }
0x38: {  	s10 =	sadd.s32 s4, s10  }
0x39: {  	[hbm4b:s10+s6] =	stream.linear.scatter [tilespmem:s8], [sflag:$0x2], $0x280, $0x38;
	[tilespmem:$0xA00] =	vst v63  }
.LBB2_2:
.Ltmp7:
0x3a: {  	(pc) =	sbr.rel .LBB2_9-.Ltmp7, $2  }
0x3b: {  	_ =	sdelay $0x2  }
0x3c: {  	[tilespmem:s7], [sflag:$0x1] =	stream.linear.gather [hbm4b:s5+s6], $0x280, $0x38;
	[tilespmem:$0xA00] =	vst v63  }
.LBB2_10:
0x3d: {  	s2 =	simm.s32 $0x2  }
0x3e: {  	_ =	swait.ge [sflag:s2], $0x280  }
0x3f: {  	[sflag:s2] =	ssyncset.done $0x0  }
0x40: {  	[sflag:s2] =	ssyncadd.s32 $0xFFFFFD80  }
0x41: {  	_ =	sfence.sel $0x180000  }
0x42: {  	s3 =	simm.s32 $0x1;
	[bflag:$0x0] =	sbarrier.arrive $0xFFFF  }
0x43: {  	[sflag:s3] =	ssyncpa.u1 $0x1  }
0x44: {  	[sflag:s2] =	ssyncpa.u1 $0x1  }
0x45: {  	_ =	strace $0x9000004A  }
0x46: {  	s0 =	sadd.s32 @!p0 $0x100000, s0;
	[bflag:$0x2] =	sbarrier.arrive $0xFFFF  }
0x47: {  	[sflag:s0] =	ssyncadd.tile.s32 @!p0 $0x1;
	s0 =	simm.s32 @!p0 $0x3F  }
0x48: {  	_ =	swait.ge @!p0 [sflag:s0], s1  }
0x49: {  	s1 =	ssub.s32 @!p0 $0x0, s1;
	[sflag:s0] =	ssyncset.done @!p0 $0x0  }
0x4a: {  	[sflag:s0] =	ssyncadd.s32 @!p0 s1  }
0x4b: {  	[bflag:$0x3] =	sbarrier.arrive $0xFFFF  }
0x4c: {  	_ =	shalt  }
.Lfunc_end2:
execute1_lowered:
.L_overlay_start_2:
0x4d: {  	(tag) =	ssettag $0x2  }
0x4e: {  	s0 =	rddreg [dreg:$0x0];
	_ =	strace $0x8000004D;
	s15 =	stileid.u32  }
0x4f: {  	s2 =	simm.s32 $0x1;
	s1 =	smin.u32 s15, $0x8;
	s3 =	sshll.u32 s15, $0x1  }
0x50: {  	v1 =	vimm.s32 $0xFFFFFFFF;
	[sflag:s2] =	ssyncpa.u1 $0x0;
	s1 =	sadd.s32 s1, s3  }
0x51: {  	p0 =	slt.u32 s15, $0x8;
	[tilespmem:$0x10] =	vst v1;
	s4 =	smul.u32 $0x1F40, s1;
	s1 =	simm.s32 $0x5DC0  }
0x52: {  	v0 =	vimm.f32 $0.0e+00;
	[tilespmem:$0x20] =	vst v1;
	s1 =	simm.s32 @!p0 $0x3E80  }
0x53: {  	[tilespmem:$0x30] =	vst v0;
	s1 =	sadd.s32 s1, s4  }
0x54: {  	[tilespmem:$0x40] =	vst v0;
	s5 =	smin.u32 s1, $0x4E200  }
0x55: {  	s7 =	simm.s32 $0x2;
	s8 =	simm.s32 $0x8;
	[tilespmem:$0x50] =	vst v0;
	s9 =	ssub.s32 s5, s4  }
0x56: {  	s31 =	simm.s32 $0x9;
	s16 =	simm.s32 $0x0;
	[tilespmem:$0x60] =	vst v1;
	p0 =	sgt.s32 s9, $0x0  }
0x57: {  	s17 =	simm.s32 $0xF0;
	s18 =	simm.s32 $0xFFFFFFFF;
	[tilespmem:$0x70] =	vst v1;
	s9 =	simm.s32 @!p0 $0x0  }
0x58: {  	s19 =	simm.s32 $0xFFFFC280;
	s20 =	simm.s32 $0xFFFFFFFE;
	[tilespmem:$0x80] =	vst v1;
	s30 =	smulhi.u32 $0x10624DD3, s9  }
0x59: {  	s21 =	simm.s32 $0xF;
	s25 =	simm.s32 $0x0;
	s24 =	simm.s32 $0x0;
	v1 =	vimm.s32 $0x0;
	[tilespmem:$0xB0] =	vst v0  }
0x5a: {  	s6 =	sadd.s32 $0x9CDE00, s0;
	s15 =	sshllo.u32 s15, $0x1;
	[tilespmem:$0x90] =	vst v1;
	s10 =	sshrl.u32 s30, $0x9  }
0x5b: {  	[tilespmem:$0xA0] =	vst v1;
	[sflag:s7] =	ssyncpa.u1 $0x0;
	s7 =	simm.s32 $0x7;
	s11 =	smul.u32 $0x1F40, s10  }
.Ltmp8:
0x5c: {  	s13 =	sor.u32 $0x80, s3;
	[sflag:s7] =	ssyncpa.u1 $0x0;
	(pc) =	sbr.rel .LBB3_1-.Ltmp8, $4  }
0x5d: {  	s14 =	sor.u32 $0x81, s3;
	[sflag:s8] =	ssyncpa.u1 $0x0;
	p0 =	sne.s32 s9, s11  }
0x5e: {  	s23 =	smov.u32 s4;
	s1 =	sadd.s32 $0x9E2000, s0;
	s2 =	simm.s32 @!p0 $0x0  }
0x5f: {  	vm0 =	vmmov $0xffff;
	v2 =	vlaneseq.u32;
	[sflag:s31] =	ssyncpa.u1 $0x0;
	s9 =	sadd.s32 $0x9D7C00, s0;
	s10 =	sadd.s32 s2, s10  }
0x60: {  	vm1 =	vmxor vm1, vm1;
	vm2 =	vmmov $0x1;
	vm3 =	vcmask $0x3F3C;
	p0 =	por $0x0, $0x0;
	s11 =	sadd.s32 $0x1, s10;
	s12 =	sadd.s32 $0x2, s10  }
.LBB3_9:
0x61: {  	p1 =	slt.u32 s24, $0x3  }
0x62: {  	s0 =	simm.s32 @!p1 $0x2  }
0x63: {  	_ =	swait.ge @!p1 [sflag:s0], $0x1F40  }
0x64: {  	[sflag:s0] =	ssyncset.done @!p1 $0x0  }
0x65: {  	[sflag:s0] =	ssyncadd.s32 @!p1 $0xFFFFE0C0;
	s0 =	simm.s32 @!p1 $0x9  }
0x66: {  	_ =	swait.ge @!p1 [sflag:s0], $0x10  }
0x67: {  	[sflag:s0] =	ssyncset.done @!p1 $0x0  }
0x68: {  	[sflag:s0] =	ssyncadd.s32 @!p1 $0xFFFFFFF0;
	p1 =	sne.s32 s24, s12  }
.Ltmp9:
0x69: {  	s2 =	sadd.s32 $0x1F40, s23;
	(pc) =	sbr.rel @!p1 .LBB3_10-.Ltmp9, $4  }
0x6a: {  	s22 =	smov.u32 s4;
	s31 =	sadd.s32 $0x1, s24;
	s17 =	sadd.s32 $0x1F40, s17  }
0x6b: {  	s18 =	sadd.s32 $0x1, s18;
	s25 =	smov.u32 s23;
	p2 =	slt.s32 s2, s5  }
0x6c: {  	p0 =	por !p0, !p0;
	s19 =	sadd.s32 $0x1F40, s19;
	s22 =	smov.u32 @p2 s2  }
0x6d: {  	s20 =	sadd.s32 $0x1, s20;
	s23 =	smov.u32 s22;
	s24 =	smov.u32 s31  }
.LBB3_1:
0x6e: {  	p1 =	sge.u32 s24, s10  }
0x6f: {  	s0 =	smulhi.u32 @!p1 $0xAAAAAAAB, s24;
	_ =	sdelay $0x1  }
0x70: {  	s0 =	sshrl.u32 @!p1 s0, $0x1  }
0x71: {  	s0 =	smul.u32 @!p1 $0x3, s0;
	_ =	sdelay $0x1  }
0x72: {  	s0 =	ssub.s32 @!p1 s24, s0  }
0x73: {  	s0 =	smul.u32 @!p1 $0x7D00, s0;
	_ =	sdelay $0x1  }
0x74: {  	s2 =	sshrl.u32 @!p1 s23, $0x3;
	s0 =	sshrl.u32 @!p1 s0, $0x2  }
0x75: {  	s22 =	sand.u32 @!p1 $0x7, s23;
	s2 =	sadd.s32 @!p1 s6, s2;
	s0 =	sadd.s32 @!p1 $0x100, s0  }
0x76: {  	[tilespmem:s0], [sflag:$0x7] =	stream.linear.gather @!p1 [hbm4b:s2+s22], $0x1F40, $0x38;
	[tilespmem:$0x11A60] =	vst v63  }
0x77: {  	s0 =	sadd.s32 $0xFFFFFFFF, s24  }
0x78: {  	p1 =	sge.u32 s0, s10  }
.Ltmp10:
0x79: {  	_ = 	snop;
	(pc) =	sbr.rel @p1 .LBB3_5-.Ltmp10, $1  }
0x7a: {  	_ =	sdelay $0x3  }
0x7b: {  	s2 =	smulhi.u32 $0xAAAAAAAB, s0;
	_ =	sdelay $0x1  }
0x7c: {  	s2 =	sshrl.u32 s2, $0x1  }
0x7d: {  	s2 =	smul.u32 $0x3, s2;
	_ =	sdelay $0x1  }
0x7e: {  	s2 =	ssub.s32 s0, s2  }
0x7f: {  	s2 =	smul.u32 $0x7D00, s2  }
0x80: {  	_ =	swait.ge [sflag:s7], $0x1F40  }
0x81: {  	[sflag:s7] =	ssyncset.done $0x0;
	s2 =	sshrl.u32 s2, $0x2  }
0x82: {  	[sflag:s7] =	ssyncadd.s32 $0xFFFFE0C0;
	(ifvalue) =	ssetifvalue $0xFFFFFFFF;
	v3 =	vld.msk [tilespmem:s2+$0x100 ss:$0x1], $0xffff;
	_ =	sdelay $0x2  }
0x83: {  	s30 =	smulhi.u32 $0xAAAAAAAB, s18;
	p1 =	sne.s32 s24, $0x1  }
0x84: {  	v4 =	vimm.s32 @!p1 $0x0  }
0x85: {  	s2 =	sshrl.u32 s30, $0x1;
	v4 =	vperm.xlane @!p1 v3, v4  }
0x86: {  	s22 =	sshll.u32 s24, $0x4;
	s2 =	smul.u32 $0xFFFE8900, s2;
	vm4 =	vlt.u32 v3, $0x2800  }
0x87: {  	s22 =	sand.u32 $0x10, s22;
	v3 =	vnsel vm4, $0xFFFFFFFE, v3;
	vm4 =	vlt.u32 @!p1 v4, $0x2800  }
0x88: {  	s2 =	sshra.s32 s2, $0x2;
	[tilespmem:s22+$0x60] =	vst v3;
	v3 =	vnsel @!p1 vm4, $0xFFFFFFFE, v4  }
0x89: {  	s28 =	sadd.s32 s2, s17;
	[tilespmem:$0x80] =	vst @!p1 v3  }
0x8a: {  	v3 =	vld.msk [tilespmem:s28+$0x0 ss:$0x1], $0xffff;
	_ =	sdelay $0x4  }
0x8b: {  	(xrf1) =	vunique.msk.u32 $0xffff, v3;
	_ =	sdelay $0xd  }
0x8c: {  	v4 =	vimm.s32 $0xFFFFFFFF;
	v5, _, _ =	vpop (xrf1)  }
0x8d: {  	vm5 =	vne.s32 v3, v4;
	vm4 =	veq.s32 v5, v2  }
0x8e: {  	vm6 =	vlt.u32 v3, $0x2800;
	vm4 =	vmand vm5, vm4  }
0x8f: {  	vm4 =	vmand vm6, vm4  }
0x90: {  	v4 =	vnsel vm4, $0xFFFFFFFF, v3  }
0x91: {  	s31 =	sand.u32 $0x1, s0  }
0x92: {  	s0 =	simm.s32 $0x1F40;
	p1 =	seq.s32 s31, $0x1  }
0x93: {  	s0 =	simm.s32 @!p1 $0x0  }
0x94: {  	s26 =	sadd.s32 $0x7DF0, s0;
	(ifvalue) =	ssetifvalue $0xFFFFFFFF  }
0x95: {  	v3 =	vperm.xlane v3, v1;
	[tilespmem:s26], [sflag:$0x8] =	stream.indirect_vreg.gather [hbm4b:s1+s16], $0x1, v4, vm0, $0x4038;
	v4 =	vnsel vm6, $0xFFFFFFFE, v4;
	[tilespmem:$0x11A60] =	vst v63  }
0x96: {  	s2 =	simm.s32 $0x0;
	s22 =	sadd.s32 $0xFFFFFFF0, s28;
	[tilespmem:s28+$0x0] =	vst v4  }
.LBB3_3:
0x97: {  	v4 =	vld.msk [tilespmem:s22+$0x0 ss:$0x1], $0xffff;
	s2 =	sadd.s32 $0x10, s2;
	v5 =	vmov v3;
	s28 =	smov.u32 s22  }
0x98: {  	p1 =	slt.u32 s2, $0x1F30;
	_ =	sdelay $0x4  }
0x99: {  	v3 =	vperm.xlane v4, v1;
	(xrf1) =	vunique.msk.u32 $0xffff, v4;
	_ =	sdelay $0xd  }
0x9a: {  	v6, _, _ =	vpop (xrf1)  }
0x9b: {  	vm5 =	vne.s32 v4, v5;
	vm4 =	veq.s32 v6, v2  }
0x9c: {  	vm6 =	vlt.u32 v4, $0x2800;
	vm4 =	vmand vm5, vm4  }
0x9d: {  	vm4 =	vmand vm6, vm4  }
0x9e: {  	v4 =	vnsel vm4, $0xFFFFFFFF, v4  }
.Ltmp11:
0x9f: {  	v5 =	vnsel vm6, $0xFFFFFFFE, v4;
	(pc) =	sbr.rel @p1 .LBB3_3-.Ltmp11, $3  }
0xa0: {  	_ =	sdelay $0x1  }
0xa1: {  	s22 =	sadd.s32 $0xFFFFFFF0, s22;
	s26 =	sadd.s32 $0xFFFFFFF0, s26;
	(ifvalue) =	ssetifvalue $0xFFFFFFFF  }
0xa2: {  	[tilespmem:s26], [sflag:$0x8] =	stream.indirect_vreg.gather [hbm4b:s1+s16], $0x1, v4, vm0, $0x4038;
	[tilespmem:s28+$0x0] =	vst v5  }
0xa3: {  	s2 =	sshrl.u32 s25, $0x3  }
0xa4: {  	s0 =	sadd.s32 $0x9D40, s0;
	s2 =	sadd.s32 s9, s2  }
0xa5: {  	[tilespmem:s0], [sflag:$0x8] =	stream.linear.gather [hbm:s2], $0x1F40, $0x38;
	[tilespmem:$0x11A60] =	vst v63  }
.LBB3_5:
0xa6: {  	p1 =	slt.u32 s24, $0x2  }
0xa7: {  	p2 =	sge.u32 @!p1 s24, s12  }
0xa8: {  	p1 =	por p1, p2  }
.Ltmp12:
0xa9: {  	_ = 	snop;
	(pc) =	sbr.rel @p1 .LBB3_9-.Ltmp12, $1  }
0xaa: {  	_ =	sdelay $0x3  }
0xab: {  	s0 =	sadd.s32 $0xFFFFFFFE, s24  }
0xac: {  	s2 =	smulhi.u32 $0xAAAAAAAB, s0;
	_ =	sdelay $0x1  }
0xad: {  	s2 =	sshrl.u32 s2, $0x1  }
0xae: {  	s2 =	smul.u32 $0x3, s2;
	_ =	sdelay $0x1  }
0xaf: {  	s0 =	ssub.s32 s0, s2  }
0xb0: {  	_ =	swait.ge [sflag:s8], $0x3E80;
	s0 =	smul.u32 $0x1F40, s0  }
0xb1: {  	p1 =	sne.s32 s24, s11;
	[sflag:s8] =	ssyncset.done $0x0  }
0xb2: {  	[sflag:s8] =	ssyncadd.s32 $0xFFFFC180;
	s2 =	sadd.s32 @!p1 $0x203F, s0  }
0xb3: {  	[spmem:s14] =	stream.linear.scatter @!p1 [tilespmem:s2], [sflag:$0x1], $0x1, $0x38;
	[tilespmem:$0x11A60] =	vst v63  }
0xb4: {  	s2 =	simm.s32 @!p1 $0x1  }
0xb5: {  	_ =	swait.ge @!p1 [sflag:s2], $0x1  }
0xb6: {  	s22 =	sshll.u32 s24, $0x4;
	[sflag:s2] =	ssyncset.done @!p1 $0x0  }
0xb7: {  	s25 =	sand.u32 $0x10, s22;
	[sflag:s2] =	ssyncadd.s32 @!p1 $0xFFFFFFFF  }
0xb8: {  	s2 =	sxor.u32 $0x10, s25;
	v4 =	vld [tilespmem:s25+$0x10]  }
0xb9: {  	v5 =	vld [tilespmem:s2+$0x60]  }
0xba: {  	v3 =	vld [tilespmem:$0x80];
	_ =	sdelay $0x2  }
0xbb: {  	(v2sf) =	vpush v4, $0x0  }
0xbc: {  	(v2sf) =	vpush v5, $0x0  }
0xbd: {  	(v2sf) =	vpush v3, $0x0;
	_ =	sdelay $0xc  }
0xbe: {  	s22 =	spop (v2sf)  }
0xbf: {  	s26 =	spop (v2sf)  }
0xc0: {  	s28 =	spop (v2sf)  }
0xc1: {  	p2 =	seq.s32 s22, s26;
	p3 =	seq.s32 s28, s22  }
0xc2: {  	p3 =	por p2, p3  }
0xc3: {  	s26 =	sand.u32 $0x1, s24;
	v4 =	vpsel p3, $0xFFFFFFFF, v4  }
0xc4: {  	s29 =	smul.u32 $0x1F40, s26;
	[tilespmem:s25+$0x10] =	vst.msk $0x1, v4  }
0xc5: {  	v4 =	vld [tilespmem:$0x30]  }
0xc6: {  	v5 =	vld [tilespmem:s29+$0x9D40]  }
0xc7: {  	v6 =	vld [tilespmem:s25+$0x40];
	_ =	sdelay $0x3  }
0xc8: {  	vm4 =	vmmov vm1;
	v5 =	vadd.f32 v5, v4  }
0xc9: {  	vm5 =	vmmov vm2;
	vm4 =	vmmov @p2 vm2;
	s22 =	sshll.u32 s26, $0x4;
	v4 =	vadd.f32 v6, v4  }
0xca: {  	s26 =	sor.u32 $0x11A40, s22;
	vm5 =	vmmov @p3 vm1;
	[tilespmem:s29+$0x9D40] =	vst.msk vm4, v5  }
0xcb: {  	[tilespmem:s26+$0x0] =	vst.msk vm5, v4  }
0xcc: {  	v4 =	vld [tilespmem:s29+$0x7DF0];
	_ =	sdelay $0x3  }
0xcd: {  	v5 =	vimm.f32 $0.0e+00  }
0xce: {  	v4 =	vshift.insert v4, v5, s21  }
0xcf: {  	s22 =	sor.u32 $0x40, s2  }
0xd0: {  	[tilespmem:s22+$0x0] =	vst.msk $0x1, v4  }
0xd1: {  	[tilespmem:s29+$0x7DFF] =	vst.msk $0x1, v5  }
0xd2: {  	v4 =	vld [tilespmem:s0+$0x2030];
	_ =	sdelay $0x1  }
0xd3: {  	s22 =	smulhi.u32 $0xAAAAAAAB, s20;
	s0 =	simm.s32 $0x1  }
0xd4: {  	s0 =	simm.s32 @!p0 $0x0  }
0xd5: {  	s22 =	sshrl.u32 s22, $0x1;
	s0 =	smul.u32 $0x7D00, s0  }
0xd6: {  	s22 =	smul.u32 $0xFFFE8900, s22;
	v4 =	vshift.insert v4, v1, s21  }
0xd7: {  	s0 =	sshrl.u32 s0, $0x2  }
0xd8: {  	s22 =	sshra.s32 s22, $0x2;
	s30 =	sadd.s32 $0x9D40, s0;
	[tilespmem:s2+$0x10] =	vst.msk $0x1, v4  }
0xd9: {  	s22 =	sadd.s32 s22, s19;
	v6 =	vld [tilespmem:s30+$0x0]  }
0xda: {  	v7 =	vld [tilespmem:s22+$0x0];
	_ =	sdelay $0x3  }
0xdb: {  	v5 =	vadd.f32 v6, v5  }
0xdc: {  	vm4 =	vne.s32 v7, $0xFFFFFFFF  }
0xdd: {  	(xrf2) =	vadd.seg.scan.f32 vm4, v5;
	_ =	sdelay $0x3  }
0xde: {  	s31 =	sadd.s32 $0x5EC0, s0;
	v5 =	vperm.xlane v4, v1  }
0xdf: {  	v6 =	vld [tilespmem:s31+$0x0]  }
0xe0: {  	vm5 =	veq.s32 v7, v3;
	vm6 =	veq.s32 v7, v5  }
0xe1: {  	vm7 =	vgt.u32 v7, $0xFFFFFFFD;
	vm6 =	vmor vm6, vm5  }
0xe2: {  	vm6 =	vmor vm6, vm7  }
0xe3: {  	v9 =	vld [tilespmem:$0xA0];
	v7 =	vsel vm6, $0xFFFFFFFF, v7  }
0xe4: {  	v10 =	vld [tilespmem:$0x90];
	v6 =	vsel vm5, $0x0, v6;
	v8, _, _ =	vpop (xrf2)  }
0xe5: {  	v6 =	vadd.f32 v8, v6  }
0xe6: {  	s0 =	sadd.s32 $0xDBC0, s0  }
0xe7: {  	vm4 =	vmand vm4, vm3;
	[tilespmem:s0+$0x0] =	vst v6;
	(ifvalue) =	ssetifvalue $0xFFFFFFFF  }
0xe8: {  	vm6 =	veq.s32 v9, $0x1;
	[hbm4b:s1+s16] =	stream.indirect_vreg.scatter [tilespmem:s0], [sflag:$0x2], $0x1, v7, vm0, $0x4038;
	v7 =	vsel vm4, $0x0, v8;
	[tilespmem:$0x11A60] =	vst v63  }
0xe9: {  	s2 =	simm.s32 $0x0;
	s22 =	sadd.s32 $0x10, s22;
	vm4 =	vmor vm6, vm5;
	v6 =	vsel vm5, v8, v10;
	v7 =	vshift.insert v7, v0, s21  }
.LBB3_7:
0xea: {  	v8 =	vld [tilespmem:s22+$0x0];
	s30 =	sadd.s32 $0x10, s30  }
0xeb: {  	s31 =	sadd.s32 $0x10, s31;
	v9 =	vld [tilespmem:s30+$0x0]  }
0xec: {  	s2 =	sadd.s32 $0x10, s2;
	v10 =	vld [tilespmem:s31+$0x0]  }
0xed: {  	p2 =	slt.u32 s2, $0x1F30;
	_ =	sdelay $0x2  }
0xee: {  	v7 =	vadd.f32 v9, v7  }
0xef: {  	vm5 =	vne.s32 v8, $0xFFFFFFFF  }
0xf0: {  	vm6 =	vmand vm5, vm3;
	(xrf2) =	vadd.seg.scan.f32 vm5, v7;
	_ =	sdelay $0x5  }
0xf1: {  	vm7 =	veq.s32 v8, v5;
	vm5 =	veq.s32 v8, v3  }
0xf2: {  	vm8 =	vgt.u32 v8, $0xFFFFFFFD;
	vm4 =	vmor vm4, vm5;
	vm7 =	vmor vm7, vm5  }
0xf3: {  	vm7 =	vmor vm7, vm8  }
0xf4: {  	v8 =	vsel vm7, $0xFFFFFFFF, v8  }
.Ltmp13:
0xf5: {  	v7 =	vsel vm5, $0x0, v10;
	v9, _, _ =	vpop (xrf2);
	(pc) =	sbr.rel @p2 .LBB3_7-.Ltmp13, $4  }
0xf6: {  	v6 =	vsel vm5, v9, v6;
	v10 =	vadd.f32 v9, v7;
	v7 =	vsel vm6, $0x0, v9  }
0xf7: {  	s0 =	sadd.s32 $0x10, s0;
	v7 =	vshift.insert v7, v0, s21  }
0xf8: {  	s22 =	sadd.s32 $0x10, s22;
	[tilespmem:s0+$0x0] =	vst v10;
	(ifvalue) =	ssetifvalue $0xFFFFFFFF  }
0xf9: {  	[hbm4b:s1+s16] =	stream.indirect_vreg.scatter [tilespmem:s0], [sflag:$0x2], $0x1, v8, vm0, $0x4038;
	[tilespmem:$0x11A60] =	vst v63  }
0xfa: {  	v3 =	vld [tilespmem:s29+$0xFAF0];
	_ =	sdelay $0x4  }
0xfb: {  	v3 =	vshift.insert v3, v0, s21  }
0xfc: {  	s0 =	simm.s32 $0x30  }
0xfd: {  	[tilespmem:s0+$0x0] =	vst.msk $0x1, v3  }
0xfe: {  	v3 =	vsel vm4, $0x1, v1;
	[tilespmem:$0x90] =	vst v6  }
0xff: {  	s0 =	sadd.s32 @!p1 $0xFAFF, s29;
	[tilespmem:$0xA0] =	vst v3  }
0x100: {  	[spmem:s15] =	stream.linear.scatter @!p1 [tilespmem:s0], [sflag:$0x1], $0x1, $0x38;
	[tilespmem:$0x11A60] =	vst v63  }
0x101: {  	s0 =	simm.s32 @!p1 $0x1  }
0x102: {  	v3 =	vmctz.xlane @!p1 vm4;
	_ =	swait.ge @!p1 [sflag:s0], $0x1  }
0x103: {  	(v2sf) =	vpush @!p1 v4, $0x0  }
0x104: {  	(v2sf) =	vpush @!p1 v3, $0x0;
	_ =	sdelay $0xd  }
0x105: {  	s2 =	spop @!p1 (v2sf)  }
0x106: {  	s22 =	spop @!p1 (v2sf)  }
0x107: {  	p2 =	sne.s32 @!p1 s28, s2;
	p3 =	slt.s32 @!p1 s22, $0xF  }
0x108: {  	[sflag:s0] =	ssyncset.done @!p1 $0x0;
	p2 =	por p2, p1;
	p3 =	por !p3, p1  }
0x109: {  	[sflag:s0] =	ssyncadd.s32 @!p1 $0xFFFFFFFF;
	v3 =	vimm.s32 @!p2 $0xFFFFFFFF;
	s22 =	simm.s32 @p3 $0xF  }
0x10a: {  	[tilespmem:$0x80] =	vst @!p2 v3;
	s2 =	sadd.s32 @!p1 $0x90, s22  }
0x10b: {  	[spmem:s3] =	stream.linear.scatter @!p1 [tilespmem:s2], [sflag:$0x1], $0x1, $0x38;
	[tilespmem:$0x11A60] =	vst v63  }
0x10c: {  	_ =	swait.ge @!p1 [sflag:s0], $0x1  }
0x10d: {  	[sflag:s0] =	ssyncset.done @!p1 $0x0  }
0x10e: {  	s2 =	simm.s32 @!p1 $0x80;
	[sflag:s0] =	ssyncadd.s32 @!p1 $0xFFFFFFFF  }
0x10f: {  	[spmem:s13] =	stream.linear.scatter @!p1 [tilespmem:s2], [sflag:$0x1], $0x1, $0x38;
	[tilespmem:$0x11A60] =	vst v63  }
0x110: {  	_ =	swait.ge @!p1 [sflag:s0], $0x1  }
0x111: {  	[sflag:s0] =	ssyncset.done @!p1 $0x0  }
0x112: {  	[sflag:s0] =	ssyncadd.s32 @!p1 $0xFFFFFFFF;
	(ifvalue) =	ssetifvalue $0xFFFFFFFF;
	v3 =	vld [tilespmem:s25+$0x10];
	_ =	sdelay $0x3  }
.Ltmp14:
0x113: {  	_ = 	snop;
	(pc) =	sbr.rel .LBB3_9-.Ltmp14, $3  }
0x114: {  	_ =	sdelay $0x1  }
0x115: {  	(ifvalue) =	ssetifvalue $0xFFFFFFFF  }
0x116: {  	[hbm4b:s1+s16] =	stream.indirect_vreg.scatter [tilespmem:s26], [sflag:$0x9], $0x1, v3, vm0, $0x4038;
	[tilespmem:$0x11A60] =	vst v63  }
.LBB3_10:
0x117: {  	_ =	sfence.sel $0x180000  }
0x118: {  	s0 =	simm.s32 $0x7;
	[bflag:$0x0] =	sbarrier.arrive $0xFFFF  }
0x119: {  	s26 =	simm.s32 $0x8;
	[sflag:s0] =	ssyncpa.u1 $0x1  }
0x11a: {  	s28 =	simm.s32 $0x9;
	[sflag:s26] =	ssyncpa.u1 $0x1  }
0x11b: {  	[sflag:s28] =	ssyncpa.u1 $0x1  }
0x11c: {  	_ =	sfence.stream.spmem  }
0x11d: {  	s29 =	simm.s32 $0x3;
	[bflag:$0x0] =	sbarrier.arrive $0xFFFF  }
0x11e: {  	s30 =	simm.s32 $0x4;
	[sflag:s29] =	ssyncpa.u1 $0x1  }
0x11f: {  	s31 =	simm.s32 $0x3C;
	s2 =	stileid.u32;
	[sflag:s30] =	ssyncpa.u1 $0x1  }
0x120: {  	p0 =	sne.s32 s2, $0x0;
	[sflag:s31] =	ssyncpa.u1 $0x1  }
0x121: {  	s0 =	simm.s32 @p0 $0x1;
	_ =	sfence @p0  }
0x122: {  	[sflag:s0] =	ssyncpa.u1 @p0 $0x1;
	s0 =	simm.s32 @p0 $0x2  }
0x123: {  	[sflag:s0] =	ssyncpa.u1 @p0 $0x1  }
0x124: {  	_ =	strace @p0 $0x9000004D  }
0x125: {  	[bflag:$0x2] =	sbarrier.arrive @p0 $0xFFFF  }
0x126: {  	_ =	shalt @p0  }
.LBB3_11:
0x127: {  	_ =	sfence.stream.spmem;
	s0 =	simm.s32 $0x5  }
0x128: {  	s2 =	simm.s32 $0x80;
	s3 =	simm.s32 $0xC0;
	[sflag:s0] =	ssyncpa.u1 $0x0  }
0x129: {  	[tilespmem:s3], [sflag:$0x5] =	stream.linear.gather [spmem:s2], $0x20, $0x38;
	[tilespmem:$0x11A60] =	vst v63  }
0x12a: {  	s2 =	simm.s32 $0x0;
	s3 =	simm.s32 $0xE0  }
0x12b: {  	[tilespmem:s3], [sflag:$0x5] =	stream.linear.gather [spmem:s2], $0x20, $0x38;
	[tilespmem:$0x11A60] =	vst v63  }
.Ltmp15:
0x12c: {  	_ = 	snop;
	(pc) =	sbr.rel .LBB3_12-.Ltmp15, $4  }
0x12d: {  	_ =	swait.ge [sflag:s0], $0x40  }
0x12e: {  	[sflag:s0] =	ssyncset.done $0x0  }
0x12f: {  	s31 =	simm.s32 $0x6;
	[sflag:s0] =	ssyncadd.s32 $0xFFFFFFC0  }
0x130: {  	s4 =	simm.s32 $0x0;
	[sflag:s31] =	ssyncpa.u1 $0x0  }
.LBB3_17:
0x131: {  	p0 =	sgt.u32 s5, $0x27FF  }
0x132: {  	s0 =	sshrl.u32 @!p0 s5, $0x3  }
0x133: {  	s5 =	sand.u32 @!p0 $0x7, s5;
	s6 =	simm.s32 @!p0 $0xB0;
	s0 =	sadd.s32 @!p0 s1, s0  }
0x134: {  	[tilespmem:s6], [sflag:$0x6] =	stream.linear.gather @!p0 [hbm4b:s0+s5], $0x1, $0x38;
	[tilespmem:$0x11A60] =	vst v63  }
0x135: {  	s0 =	simm.s32 @!p0 $0x6  }
0x136: {  	_ =	swait.ge @!p0 [sflag:s0], $0x1  }
0x137: {  	[sflag:s0] =	ssyncset.done @!p0 $0x0  }
0x138: {  	[sflag:s0] =	ssyncadd.s32 @!p0 $0xFFFFFFFF  }
0x139: {  	v2 =	vmov @!p0 s4;
	v1 =	vld.msk @!p0 [tilespmem:$0xB0], $0x1;
	_ =	sdelay $0x3  }
0x13a: {  	s0 =	simm.s32 @!p0 $0xE0  }
0x13b: {  	[tilespmem:v2+s0+$0x0], v1 =	vst.idx.ret.add.f32.msk @!p0 $0x1, v1  }
0x13c: {  	[tilespmem:s2+$0xC0] =	vst.msk $0x1, v0  }
0x13d: {  	v0 =	vld.msk [tilespmem:s4+$0xE0], $0x1;
	_ =	sdelay $0x4  }
0x13e: {  	[tilespmem:s2+$0xE0] =	vst.msk $0x1, v0;
	s2 =	sadd.s32 $0x1, s2  }
.LBB3_19:
0x13f: {  	s4 =	sadd.s32 $0x1, s4  }
0x140: {  	p0 =	sne.s32 s4, $0x20  }
.Ltmp16:
0x141: {  	_ = 	snop;
	(pc) =	sbr.rel @!p0 .LBB3_20-.Ltmp16, $1  }
0x142: {  	_ =	sdelay $0x3  }
.LBB3_12:
0x143: {  	v0 =	vld.msk [tilespmem:s4+$0xC0], $0x1;
	_ =	sdelay $0x4  }
0x144: {  	(v2sf) =	vpush v0, $0x0;
	_ =	sdelay $0xe  }
0x145: {  	s5 =	spop (v2sf)  }
0x146: {  	p0 =	seq.s32 s5, $0xFFFFFFFF  }
.Ltmp17:
0x147: {  	_ = 	snop;
	(pc) =	sbr.rel @p0 .LBB3_19-.Ltmp17, $1  }
0x148: {  	_ =	sdelay $0x3  }
0x149: {  	p0 =	slt.s32 s2, $0x1  }
.Ltmp18:
0x14a: {  	_ = 	snop;
	(pc) =	sbr.rel @p0 .LBB3_17-.Ltmp18, $1  }
0x14b: {  	_ =	sdelay $0x3  }
0x14c: {  	s0 =	simm.s32 $0xC0;
	p0 =	por $0x0, $0x0  }
0x14d: {  	v1 =	vld.msk @!p0 [tilespmem:s0+$0x0], $0x1;
	_ =	sdelay $0x4  }
0x14e: {  	(v2sf) =	vpush @!p0 v1, $0x0;
	_ =	sdelay $0xd  }
0x14f: {  	p2 =	sne.s32 s2, $0x1  }
.Ltmp19:
0x150: {  	s6 =	spop @!p0 (v2sf);
	(pc) =	sbr.rel @!p2 .LBB3_16-.Ltmp19, $4  }
0x151: {  	p1 =	seq.s32 @!p0 s5, s6  }
0x152: {  	s6 =	simm.s32 $0x0;
	p1 =	por !p1, p0  }
0x153: {  	s8 =	simm.s32 $0xFFFFFFFF;
	s6 =	simm.s32 @p1 $0xFFFFFFFF  }
0x154: {  	s7 =	simm.s32 $0x1;
	s6 =	smov.u32 @p0 s8  }
.LBB3_15:
0x155: {  	s8 =	smov.u32 s6;
	p0 =	sne.s32 s6, $0xFFFFFFFF  }
0x156: {  	s0 =	sadd.s32 $0x1, s0;
	s6 =	smov.u32 s7;
	s7 =	sadd.s32 $0x1, s7  }
0x157: {  	p1 =	sne.s32 s2, s7;
	v1 =	vld.msk @!p0 [tilespmem:s0+$0x0], $0x1;
	_ =	sdelay $0x4  }
0x158: {  	(v2sf) =	vpush @!p0 v1, $0x0;
	_ =	sdelay $0xe  }
.Ltmp20:
0x159: {  	s9 =	spop @!p0 (v2sf);
	(pc) =	sbr.rel @p1 .LBB3_15-.Ltmp20, $4  }
0x15a: {  	p2 =	seq.s32 @!p0 s5, s9  }
0x15b: {  	p2 =	por !p2, p0  }
0x15c: {  	s6 =	simm.s32 @p2 $0xFFFFFFFF  }
0x15d: {  	s6 =	smov.u32 @p0 s8  }
.LBB3_16:
0x15e: {  	p0 =	sne.s32 s6, $0xFFFFFFFF  }
.Ltmp21:
0x15f: {  	_ = 	snop;
	(pc) =	sbr.rel @!p0 .LBB3_17-.Ltmp21, $1  }
0x160: {  	_ =	sdelay $0x3  }
0x161: {  	v0 =	vld.msk [tilespmem:s4+$0xE0], $0x1;
	v1 =	vmov s6  }
.Ltmp22:
0x162: {  	_ = 	snop;
	(pc) =	sbr.rel .LBB3_19-.Ltmp22, $2  }
0x163: {  	_ =	sdelay $0x2  }
0x164: {  	[tilespmem:v1+s3+$0x0], v0 =	vst.idx.ret.add.f32.msk $0x1, v0  }
.LBB3_20:
0x165: {  	p0 =	slt.s32 s2, $0x1  }
.Ltmp23:
0x166: {  	_ = 	snop;
	(pc) =	sbr.rel @p0 .LBB3_24-.Ltmp23, $3  }
0x167: {  	_ =	sdelay $0x1  }
0x168: {  	s0 =	simm.s32 $0x6  }
0x169: {  	s3 =	simm.s32 $0x0;
	[sflag:s0] =	ssyncpa.u1 $0x1  }
0x16a: {  	s0 =	simm.s32 $0xC0  }
0x16b: {  	v0 =	vld.msk [tilespmem:s0+$0x0], $0x1;
	_ =	sdelay $0x4  }
0x16c: {  	(v2sf) =	vpush v0, $0x0;
	_ =	sdelay $0xe  }
0x16d: {  	s2 =	sadd.s32 $0xFFFFFFFF, s2;
	s4 =	spop (v2sf)  }
0x16e: {  	p1 =	sne.s32 s2, $0x0;
	p0 =	sgt.u32 s4, $0x27FF  }
.Ltmp24:
0x16f: {  	s5 =	sshrl.u32 @!p0 s4, $0x3;
	(pc) =	sbr.rel @!p1 .LBB3_23-.Ltmp24, $4  }
0x170: {  	s0 =	simm.s32 $0xE0;
	s4 =	sand.u32 @!p0 $0x7, s4;
	s5 =	sadd.s32 @!p0 s1, s5  }
0x171: {  	[hbm4b:s5+s4] =	stream.linear.scatter @!p0 [tilespmem:s0], [sflag:$0x5], $0x1, $0x38;
	[tilespmem:$0x11A60] =	vst v63  }
0x172: {  	s5 =	simm.s32 $0x0  }
0x173: {  	s4 =	simm.s32 $0xC1;
	s5 =	simm.s32 @!p0 $0x4  }
.LBB3_22:
0x174: {  	v0 =	vld.msk [tilespmem:s4+$0x0], $0x1;
	s2 =	sadd.s32 $0xFFFFFFFF, s2;
	s3 =	sadd.s32 s3, s5  }
0x175: {  	p0 =	sne.s32 s2, $0x0;
	_ =	sdelay $0x3  }
0x176: {  	(v2sf) =	vpush v0, $0x0;
	_ =	sdelay $0xe  }
.Ltmp25:
0x177: {  	s6 =	spop (v2sf);
	(pc) =	sbr.rel @p0 .LBB3_22-.Ltmp25, $4  }
0x178: {  	s5 =	simm.s32 $0x0;
	p1 =	sgt.u32 s6, $0x27FF  }
0x179: {  	s0 =	sadd.s32 $0x1, s0;
	s5 =	simm.s32 @!p1 $0x4;
	s7 =	sshrl.u32 @!p1 s6, $0x3  }
0x17a: {  	s4 =	sadd.s32 $0x1, s4;
	s6 =	sand.u32 @!p1 $0x7, s6;
	s7 =	sadd.s32 @!p1 s1, s7  }
0x17b: {  	[hbm4b:s7+s6] =	stream.linear.scatter @!p1 [tilespmem:s0], [sflag:$0x5], $0x1, $0x38;
	[tilespmem:$0x11A60] =	vst v63  }
.LBB3_23:
0x17c: {  	s0 =	sadd.s32 s3, s5  }
0x17d: {  	s3 =	sshrl.u32 s0, $0x2  }
.LBB3_24:
0x17e: {  	s0 =	simm.s32 $0x5  }
0x17f: {  	_ =	swait.ge [sflag:s0], s3  }
0x180: {  	s1 =	ssub.s32 $0x0, s3;
	[sflag:s0] =	ssyncset.done $0x0  }
0x181: {  	[sflag:s0] =	ssyncadd.s32 s1  }
0x182: {  	[sflag:s0] =	ssyncpa.u1 $0x1  }
0x183: {  	s29 =	simm.s32 $0x1;
	_ =	sfence  }
0x184: {  	s30 =	simm.s32 $0x2;
	[sflag:s29] =	ssyncpa.u1 $0x1  }
0x185: {  	[sflag:s30] =	ssyncpa.u1 $0x1  }
0x186: {  	_ =	strace $0x9000004D  }
0x187: {  	[bflag:$0x2] =	sbarrier.arrive $0xFFFF  }
0x188: {  	s31 =	rddreg [dreg:$0x1]  }
0x189: {  	s0 =	sadd.s32 $0x100000, s31  }
0x18a: {  	[sflag:s0] =	ssyncadd.tile.s32 $0x1;
	_ =	shalt  }
.Lfunc_end3:
_tile_overlayer_lowered:
.L_overlay_start_3:
0x18b: {  	(tag) =	ssettag $0x3  }
0x18c: {  	s0 =	rddreg [dreg:$0x0];
	s2 =	stileid.u32  }
0x18d: {  	s1 =	rddreg [dreg:$0x1];
	p0 =	sne.s32 s2, $0x0  }
0x18e: {  	s3 =	rddreg [dreg:$0x2];
	[bflag:$0x3] =	sbarrier.arrive $0xFFFF;
	s2 =	simm.s32 @!p0 $0x1C01  }
0x18f: {  	[timem:s3], [sflag:s2] =	dma.local @!p0 [hbm:s0], s1  }
0x190: {  	s0 =	simm.s32 @!p0 $0x1  }
0x191: {  	_ =	swait.ge @!p0 [sflag:s0], s1  }
0x192: {  	s1 =	ssub.s32 @!p0 $0x0, s1;
	[sflag:s0] =	ssyncset.done @!p0 $0x0  }
0x193: {  	[sflag:s0] =	ssyncadd.s32 @!p0 s1  }
0x194: {  	[bflag:$0x3] =	sbarrier.arrive $0xFFFF  }
0x195: {  	_ =	shalt  }

// kernel: scatter_offload_async_start.3
scs
__scs_entry_jumppad:
0x0: {  	(pc) =	sbr.rel $0x88, $3  }
0x1: {  	(tag) =	ssettag $0x0;
	lr =	simm.s32 $0x1  }
0x2: {  	[smem:$0x3F94] =	sst lr;
	_ =	strace $0xD0000000  }
0x3: {  	_ = 	snop  }
0x4: {  	_ = 	snop  }
0x5: {  	_ = 	snop  }
0x6: {  	_ = 	snop  }
0x7: {  	_ = 	snop  }
__scs_overlays_trampoline_lowered:
0x8: {  	[smem:$0x3FA3] =	sst s0  }
0x9: {  	[smem:$0x3FA4] =	sst s1  }
0xa: {  	[smem:$0x3FA5] =	sst s2  }
0xb: {  	[smem:$0x3FA6] =	sst s3  }
0xc: {  	[smem:$0x3FA7] =	sst s4  }
0xd: {  	[smem:$0x3FA8] =	sst s5  }
0xe: {  	[smem:$0x3FA9] =	sst s6  }
0xf: {  	[smem:$0x3FAA] =	sst s7  }
0x10: {  	[smem:$0x3FAB] =	sst s8  }
0x11: {  	[smem:$0x3FAC] =	sst s9;
	s0 =	simm.s32 @!p0 $0x0  }
0x12: {  	s1 =	sld [smem:$0x3F92];
	s0 =	simm.s32 @p0 $0x1  }
0x13: {  	[smem:$0x3FAD] =	sst s0;
	s0 =	simm.s32 @!p1 $0x0  }
0x14: {  	s2 =	sld [smem:$0x3F91];
	s0 =	simm.s32 @p1 $0x1  }
0x15: {  	[smem:$0x3FAE] =	sst s0;
	s0 =	simm.s32 @!p2 $0x0  }
0x16: {  	s3 =	sld [smem:$0x3FDB];
	s0 =	simm.s32 @p2 $0x1  }
0x17: {  	s4 =	simm.s32 $0x1BF5;
	[smem:$0x3FB0] =	sst s0  }
0x18: {  	s0 =	sld [smem:$0x3F93];
	_ =	swait.ge [sflag:s4], $0x0  }
0x19: {  	s7 =	sld [smem:$0x3F94]  }
0x1a: {  	s8 =	sadd.s32 $0xFFFFE003, lr  }
0x1b: {  	s9 =	sadd.s32 $0xFFFFFEF7, lr;
	s5 =	simm.s32 $0xFFFFFFFF;
	p2 =	slt.u32 s8, $0xFFFFF086  }
0x1c: {  	p1 =	slt.u32 s9, $0xF7A;
	s5 =	simm.s32 @!p2 $0x0  }
0x1d: {  	s5 =	simm.s32 @p1 $0x1;
	p0 =	seq.s32 s7, s2  }
0x1e: {  	s7 =	smul.u32 @!p0 $0xF7A, s2;
	p2 =	seq.s32 @!p0 s5, $0x0  }
0x1f: {  	s9 =	smul.u32 $0xF7A, s1;
	s8 =	simm.s32 @!p0 $0x1BF5;
	p2 =	por !p2, p0  }
0x20: {  	[sflag:s8] =	ssyncset.s32 @!p0 $0xFFFFF086;
	s6 =	sadd.s32 @!p0 s3, s7;
	s7 =	simm.s32 @!p0 $0x108  }
0x21: {  	s3 =	sadd.s32 s3, s9;
	s6 =	sadd.s32 @!p0 $0x88, s6;
	s7 =	simm.s32 @p2 $0x1082  }
0x22: {  	[simem:s7], [sflag:s8] =	dma.local @!p0 [hbm:s6], $0xF7A  }
0x23: {  	s9 =	sor.u32 $0xD0000000, s2;
	s6 =	simm.s32 $0x108;
	_ =	swait.ge @!p0 [sflag:s8], $0x0  }
0x24: {  	s3 =	sadd.s32 $0x88, s3;
	s6 =	simm.s32 @!p1 $0x1082;
	[sflag:s4] =	ssyncset.s32 $0xFFFFF086  }
0x25: {  	[simem:s6], [sflag:s4] =	dma.local [hbm:s3], $0xF7A  }
0x26: {  	[smem:$0x3F94] =	sst s1;
	(tag) =	ssettag s2;
	_ =	strace s9  }
0x27: {  	s1 =	sld [smem:$0x3FA4]  }
0x28: {  	s2 =	sld [smem:$0x3FA5]  }
0x29: {  	s4 =	sld [smem:$0x3FA7]  }
0x2a: {  	p0 =	seq.s32 s5, $0x0;
	s5 =	sld [smem:$0x3FA8]  }
0x2b: {  	s6 =	sld [smem:$0x3FA9]  }
0x2c: {  	s7 =	sld [smem:$0x3FAA]  }
0x2d: {  	s3 =	simm.s32 $0x108;
	s8 =	sld [smem:$0x3FAB]  }
0x2e: {  	s3 =	simm.s32 @!p0 $0x1082;
	s9 =	sld [smem:$0x3FAC]  }
0x2f: {  	lr =	sadd.s32 s0, s3;
	s0 =	sld [smem:$0x3FA3]  }
0x30: {  	s3 =	sld [smem:$0x3FA6]  }
0x31: {  	[smem:$0x3FAF] =	sst s10  }
0x32: {  	s10 =	sld [smem:$0x3FAD];
	_ =	sdelay $0x3  }
0x33: {  	p0 =	seq.s32 s10, $0x1;
	s10 =	sld [smem:$0x3FAF];
	_ =	sdelay $0x3  }
0x34: {  	[smem:$0x3FAF] =	sst s10  }
0x35: {  	s10 =	sld [smem:$0x3FAE];
	_ =	sdelay $0x3  }
0x36: {  	p1 =	seq.s32 s10, $0x1;
	s10 =	sld [smem:$0x3FAF];
	_ =	sdelay $0x3  }
0x37: {  	[smem:$0x3FAF] =	sst s10  }
0x38: {  	s10 =	sld [smem:$0x3FB0]  }
0x39: {  	_ = 	snop;
	(pc) =	sbr.ind lr, $3  }
0x3a: {  	_ = 	snop  }
0x3b: {  	_ = 	snop  }
0x3c: {  	p2 =	seq.s32 s10, $0x1;
	s10 =	sld [smem:$0x3FAF]  }
0x3d: {  	_ =	shalt  }
0x3e: {  	_ =	shalt  }
0x3f: {  	_ =	shalt  }
0x40: {  	_ =	shalt  }
0x41: {  	_ =	shalt  }
0x42: {  	_ =	shalt  }
0x43: {  	_ =	shalt  }
0x44: {  	_ =	shalt  }
0x45: {  	_ =	shalt  }
0x46: {  	_ =	shalt  }
0x47: {  	_ =	shalt  }
0x48: {  	_ =	shalt  }
0x49: {  	_ =	shalt  }
0x4a: {  	_ =	shalt  }
0x4b: {  	_ =	shalt  }
0x4c: {  	_ =	shalt  }
0x4d: {  	_ =	shalt  }
0x4e: {  	_ =	shalt  }
0x4f: {  	_ =	shalt  }
0x50: {  	_ =	shalt  }
0x51: {  	_ =	shalt  }
0x52: {  	_ =	shalt  }
0x53: {  	_ =	shalt  }
0x54: {  	_ =	shalt  }
0x55: {  	_ =	shalt  }
0x56: {  	_ =	shalt  }
0x57: {  	_ =	shalt  }
0x58: {  	_ =	shalt  }
0x59: {  	_ =	shalt  }
0x5a: {  	_ =	shalt  }
0x5b: {  	_ =	shalt  }
0x5c: {  	_ =	shalt  }
0x5d: {  	_ =	shalt  }
0x5e: {  	_ =	shalt  }
0x5f: {  	_ =	shalt  }
0x60: {  	_ =	shalt  }
0x61: {  	_ =	shalt  }
0x62: {  	_ =	shalt  }
0x63: {  	_ =	shalt  }
0x64: {  	_ =	shalt  }
0x65: {  	_ =	shalt  }
0x66: {  	_ =	shalt  }
0x67: {  	_ =	shalt  }
0x68: {  	_ =	shalt  }
0x69: {  	_ =	shalt  }
0x6a: {  	_ =	shalt  }
0x6b: {  	_ =	shalt  }
0x6c: {  	_ =	shalt  }
0x6d: {  	_ =	shalt  }
0x6e: {  	_ =	shalt  }
0x6f: {  	_ =	shalt  }
0x70: {  	_ =	shalt  }
0x71: {  	_ =	shalt  }
0x72: {  	_ =	shalt  }
0x73: {  	_ =	shalt  }
0x74: {  	_ =	shalt  }
0x75: {  	_ =	shalt  }
0x76: {  	_ =	shalt  }
0x77: {  	_ =	shalt  }
0x78: {  	_ =	shalt  }
0x79: {  	_ =	shalt  }
0x7a: {  	_ =	shalt  }
0x7b: {  	_ =	shalt  }
0x7c: {  	_ =	shalt  }
0x7d: {  	_ =	shalt  }
0x7e: {  	_ =	shalt  }
0x7f: {  	_ =	shalt  }
0x80: {  	_ =	shalt  }
0x81: {  	_ =	shalt  }
0x82: {  	_ =	shalt  }
0x83: {  	_ =	shalt  }
0x84: {  	_ =	shalt  }
0x85: {  	_ =	shalt  }
0x86: {  	_ =	shalt  }
0x87: {  	_ =	shalt  }
.Lfunc_end0:
.L_simem_size_0:
called_computation.3_lowered:
.L_overlay_start_0:
0x88: {  	s0 =	sld [smem:$0x3FD9]  }
0x89: {  	s1 =	sld [smem:$0x3FFE];
	_ =	sdelay $0x3  }
0x8a: {  	s0 =	sadd.s32 s1, s0  }
0x8b: {  	[smem:$0x3FBB] =	sst s0  }
0x8c: {  	_ = 	snop  }
0x8d: {  	(tm) =	ssettm $0x1  }
0x8e: {  	s14 =	sld [smem:$0x3FFB];
	_ =	sdelay $0x3  }
0x8f: {  	_ =	strace s14  }
0x90: {  	s0 =	sld [smem:$0x3FFC];
	_ =	sdelay $0x3  }
0x91: {  	_ =	strace s0  }
0x92: {  	s0 =	sld [smem:$0x3FFD];
	_ =	sdelay $0x3  }
0x93: {  	_ =	strace s0  }
0x94: {  	_ =	strace $0x8FFFFFFF  }
0x95: {  	s15 =	sld [smem:$0x3FDB];
	_ =	sdelay $0x1  }
0x96: {  	s16 =	simm.s32 $_scs_section_size  }
0x97: {  	s2 =	simm.s32 $_size__tile_overlayer_lowered;
	s3 =	simm.s32 $_tile_overlayer_lowered  }
0x98: {  	s4 =	simm.s32 $0x1BFF;
	s17 =	sshll.u32 s3, $0x1;
	s1 =	sadd.s32 s16, s15  }
0x99: {  	s18 =	simm.s32 $0x0;
	s2 =	sshll.u32 s2, $0x1;
	s3 =	sadd.s32 s17, s1  }
0x9a: {  	[timem:s18], [sflag:s4] =	dma.local [hbm:s3], s2  }
0x9b: {  	_ =	swait.ge [sflag:s4], s2  }
0x9c: {  	s2 =	ssub.s32 $0x0, s2;
	[sflag:s4] =	ssyncset.done $0x0  }
0x9d: {  	[sflag:s4] =	ssyncadd.s32 s2;
	_ =	sdelay $0x1  }
0x9e: {  	s19 =	simm.s32 $0x1B8B  }
0x9f: {  	_ =	swait.ge [sflag:s19], $0x1  }
0xa0: {  	[sflag:s19] =	ssyncset.done $0x0  }
0xa1: {  	s21 =	simm.s32 $0x1B8E;
	s20 =	sld [smem:$0x3FFE];
	[sflag:s19] =	ssyncadd.s32 $0xFFFFFFFF  }
0xa2: {  	s22 =	simm.s32 $execute0_lowered;
	[smem:$0x3FD2] =	sst s21  }
0xa3: {  	s3 =	sshll.u32 s22, $0x1;
	_ =	strace $0x8000004F;
	[dreg:$0x1] =	wrdreg $0xFFFFFFFF  }
0xa4: {  	s23 =	simm.s32 $_size_execute0_lowered;
	s3 =	sadd.s32 s1, s3;
	[dreg:$0x0] =	wrdreg $0x0  }
0xa5: {  	s4 =	sshll.u32 s23, $0x1;
	[dreg:$0x2] =	wrdreg s3  }
0xa6: {  	[dreg:$0x3] =	wrdreg s4  }
0xa7: {  	[dreg:$0x4] =	wrdreg $0xC0  }
0xa8: {  	s24 =	simm.s32 $execute1_lowered;
	_ =	task [dreg:s18], $0x5FFFF  }
0xa9: {  	s3 =	sshll.u32 s24, $0x1;
	[dreg:$0x1] =	wrdreg $0xFFFFFFFF  }
0xaa: {  	s1 =	sadd.s32 s1, s3;
	[dreg:$0x0] =	wrdreg $0x60  }
0xab: {  	[dreg:$0x2] =	wrdreg s1  }
0xac: {  	[dreg:$0x3] =	wrdreg s20  }
0xad: {  	[dreg:$0x4] =	wrdreg $0xB  }
0xae: {  	_ =	task.clear_ibuf [dreg:s18], $0x5FFFF;
	_ =	strace $0x9000004F  }
0xaf: {  	s25 =	simm.s32 $0xB;
	_ =	strace $0x80000051  }
0xb0: {  	_ =	swait.ge [sflag:s25], $0x1  }
0xb1: {  	[sflag:s25] =	ssyncadd.s32 $0xFFFFFFFF  }
0xb2: {  	_ =	strace $0x90000051  }
0xb3: {  	_ =	strace $0x80000052;
	[dreg:$0x1] =	wrdreg $0xFFFFFFFF  }
0xb4: {  	[dreg:$0x0] =	wrdreg $0x2030  }
0xb5: {  	[dreg:$0x2] =	wrdreg s20  }
0xb6: {  	[dreg:$0x3] =	wrdreg $0xC  }
0xb7: {  	_ =	task.clear_ibuf [dreg:s18], $0x4FFFF;
	_ =	strace $0x90000052  }
0xb8: {  	s26 =	simm.s32 $0xC;
	_ =	strace $0x80000054  }
0xb9: {  	_ =	swait.ge [sflag:s26], $0x1  }
0xba: {  	[sflag:s26] =	ssyncadd.s32 $0xFFFFFFFF  }
0xbb: {  	_ =	strace $0x90000054  }
0xbc: {  	_ =	sfence  }
0xbd: {  	s28 =	sld [smem:$0x0];
	_ =	sdelay $0x1  }
0xbe: {  	s29 =	srdreg.scid  }
0xbf: {  	s30 =	sshll.u32 s29, $0xD;
	s31 =	sshrl.u32 s29, $0x2  }
0xc0: {  	s2 =	sand.u32 $0x1, s29;
	s3 =	sand.u32 $0x4000, s30;
	s1 =	sadd.s32 s31, s28  }
0xc1: {  	s2 =	sor.u32 s3, s2;
	s1 =	sshll.u32 s1, $0x11  }
0xc2: {  	s1 =	sor.u32 s1, s2  }
0xc3: {  	s1 =	sadd.s32 $0x8F2B, s1  }
0xc4: {  	[sflag:s1] =	ssyncadd.remote.s32 $0x1  }
0xc5: {  	_ =	sfence.sel $0xFFFF  }
0xc6: {  	[dreg:$0x0] =	wrdreg $0xFFFFFFFF;
	(pc) =	sbr.abs _section_cstart, $3  }
0xc7: {  	[dreg:$0x1] =	wrdreg $0xFFFFFFFF  }
0xc8: {  	_ =	task.clear_ibuf [dreg:s18], $0x2FFFF;
	_ =	strace $0x9FFFFFFF  }
0xc9: {  	(tm) =	ssettm $0x7FFFFFFF  }
tec
execute0_lowered:
.L_overlay_start_1:
0x0: {  	(tag) =	ssettag $0x1  }
0x1: {  	s2 =	rddreg [dreg:$0x0]  }
0x2: {  	s4 =	rddreg [dreg:$0x1]  }
0x3: {  	s0 =	rddreg [dreg:$0x2];
	s3 =	stileid.u32  }
0x4: {  	[bflag:$0x3] =	sbarrier.arrive $0xFFFF;
	s1 =	simm.s32 $_size_execute1_lowered;
	p0 =	sne.s32 s3, $0x0  }
0x5: {  	s1 =	sshll.u32 s1, $0x1;
	s5 =	simm.s32 @!p0 $0x1C3F;
	s6 =	simm.s32 @!p0 $0x4060  }
0x6: {  	[timem:s6], [sflag:s5] =	dma.local @!p0 [hbm:s2], s1  }
0x7: {  	s2 =	smul.u32 $0x280, s3  }
.Ltmp0:
0x8: {  	s31 =	simm.s32 $0x2;
	s7 =	simm.s32 $0x280;
	(pc) =	sbr.rel .LBB2_1-.Ltmp0, $4  }
0x9: {  	s8 =	simm.s32 $0x780;
	s10 =	simm.s32 $0x0;
	s9 =	simm.s32 $0x0  }
0xa: {  	s3 =	simm.s32 $0x1;
	_ =	strace $0x80000050;
	s30 =	sshrl.u32 s2, $0x3  }
0xb: {  	s6 =	simm.s32 $0x0;
	[sflag:s3] =	ssyncpa.u1 $0x0;
	s5 =	sadd.s32 s30, s4  }
0xc: {  	s4 =	sadd.s32 $0x9C4000, s4;
	[sflag:s31] =	ssyncpa.u1 $0x0;
	s5 =	sadd.s32 $0x9E1A00, s5  }
.LBB2_8:
0xd: {  	p1 =	seq.s32 s9, $0x2  }
.Ltmp1:
0xe: {  	_ = 	snop;
	(pc) =	sbr.rel @p1 .LBB2_10-.Ltmp1, $1  }
0xf: {  	_ =	sdelay $0x3  }
.LBB2_9:
0x10: {  	s9 =	sadd.s32 $0x1, s9;
	s10 =	smov.u32 s2  }
.LBB2_1:
0x11: {  	p1 =	sne.s32 s9, $0x0  }
.Ltmp2:
0x12: {  	_ = 	snop;
	(pc) =	sbr.rel @!p1 .LBB2_2-.Ltmp2, $1  }
0x13: {  	_ =	sdelay $0x3  }
0x14: {  	s11 =	sand.u32 $0x1, s9  }
0x15: {  	p1 =	seq.s32 s11, $0x0  }
.Ltmp3:
0x16: {  	_ = 	snop;
	(pc) =	sbr.rel @p1 .LBB2_8-.Ltmp3, $1  }
0x17: {  	_ =	sdelay $0x3  }
0x18: {  	_ =	swait.ge [sflag:s3], $0x280  }
0x19: {  	[sflag:s3] =	ssyncset.done $0x0  }
0x1a: {  	s11 =	simm.s32 $0x0;
	p1 =	por $0x1, $0x1;
	[sflag:s3] =	ssyncadd.s32 $0xFFFFFD80  }
.LBB2_5:
0x1b: {  	v0 =	vld [tilespmem:s11+$0x280]  }
0x1c: {  	v1 =	vld [tilespmem:s11+$0x290]  }
0x1d: {  	v2 =	vld [tilespmem:s11+$0x2A0]  }
0x1e: {  	v3 =	vld [tilespmem:s11+$0x2B0]  }
0x1f: {  	v4 =	vld [tilespmem:s11+$0x2C0]  }
0x20: {  	v53 =	vld [tilespmem:s11+$0x2D0];
	[tilespmem:s11+$0x780] =	vst v0  }
0x21: {  	v54 =	vld [tilespmem:s11+$0x2E0];
	[tilespmem:s11+$0x790] =	vst v1  }
0x22: {  	v55 =	vld [tilespmem:s11+$0x2F0];
	[tilespmem:s11+$0x7A0] =	vst v2  }
0x23: {  	v56 =	vld [tilespmem:s11+$0x300];
	[tilespmem:s11+$0x7B0] =	vst v3  }
0x24: {  	v57 =	vld [tilespmem:s11+$0x310];
	[tilespmem:s11+$0x7C0] =	vst v4  }
0x25: {  	v58 =	vld [tilespmem:s11+$0x320];
	[tilespmem:s11+$0x7D0] =	vst v53  }
0x26: {  	v59 =	vld [tilespmem:s11+$0x330];
	[tilespmem:s11+$0x7E0] =	vst v54  }
0x27: {  	v60 =	vld [tilespmem:s11+$0x340];
	[tilespmem:s11+$0x7F0] =	vst v55  }
0x28: {  	v61 =	vld [tilespmem:s11+$0x350];
	[tilespmem:s11+$0x800] =	vst v56  }
0x29: {  	v62 =	vld [tilespmem:s11+$0x360];
	[tilespmem:s11+$0x810] =	vst v57  }
0x2a: {  	v63 =	vld [tilespmem:s11+$0x370];
	p2 =	por p1, p1;
	[tilespmem:s11+$0x820] =	vst v58  }
.Ltmp4:
0x2b: {  	[tilespmem:s11+$0x830] =	vst v59;
	(pc) =	sbr.rel @p2 .LBB2_5-.Ltmp4, $4  }
0x2c: {  	[tilespmem:s11+$0x840] =	vst v60  }
0x2d: {  	[tilespmem:s11+$0x850] =	vst v61  }
0x2e: {  	s12 =	simm.s32 $0x1F0;
	s13 =	simm.s32 $0x980;
	[tilespmem:s11+$0x860] =	vst v62  }
0x2f: {  	s14 =	simm.s32 $0x480;
	p1 =	por $0x0, $0x0;
	[tilespmem:s11+$0x870] =	vst v63;
	s11 =	simm.s32 $0x100  }
.LBB2_6:
0x30: {  	s12 =	sadd.s32 $0x10, s12  }
0x31: {  	v0 =	vld [tilespmem:s14+$0x0];
	p1 =	slt.u32 s12, $0x270  }
.Ltmp5:
0x32: {  	_ = 	snop;
	(pc) =	sbr.rel @p1 .LBB2_6-.Ltmp5, $2  }
0x33: {  	_ =	sdelay $0x2  }
0x34: {  	s14 =	sadd.s32 $0x10, s14;
	[tilespmem:s13+$0x0] =	vst v0;
	s13 =	sadd.s32 $0x10, s13  }
.Ltmp6:
0x35: {  	(pc) =	sbr.rel .LBB2_8-.Ltmp6, $4  }
0x36: {  	_ = 	snop  }
0x37: {  	s10 =	sshrl.u32 s10, $0x3  }
0x38: {  	s10 =	sadd.s32 s4, s10  }
0x39: {  	[hbm4b:s10+s6] =	stream.linear.scatter [tilespmem:s8], [sflag:$0x2], $0x280, $0x38;
	[tilespmem:$0xA00] =	vst v63  }
.LBB2_2:
.Ltmp7:
0x3a: {  	(pc) =	sbr.rel .LBB2_9-.Ltmp7, $2  }
0x3b: {  	_ =	sdelay $0x2  }
0x3c: {  	[tilespmem:s7], [sflag:$0x1] =	stream.linear.gather [hbm4b:s5+s6], $0x280, $0x38;
	[tilespmem:$0xA00] =	vst v63  }
.LBB2_10:
0x3d: {  	s2 =	simm.s32 $0x2  }
0x3e: {  	_ =	swait.ge [sflag:s2], $0x280  }
0x3f: {  	[sflag:s2] =	ssyncset.done $0x0  }
0x40: {  	[sflag:s2] =	ssyncadd.s32 $0xFFFFFD80  }
0x41: {  	_ =	sfence.sel $0x180000  }
0x42: {  	s3 =	simm.s32 $0x1;
	[bflag:$0x0] =	sbarrier.arrive $0xFFFF  }
0x43: {  	[sflag:s3] =	ssyncpa.u1 $0x1  }
0x44: {  	[sflag:s2] =	ssyncpa.u1 $0x1  }
0x45: {  	_ =	strace $0x90000050  }
0x46: {  	s0 =	sadd.s32 @!p0 $0x100000, s0;
	[bflag:$0x2] =	sbarrier.arrive $0xFFFF  }
0x47: {  	[sflag:s0] =	ssyncadd.tile.s32 @!p0 $0x1;
	s0 =	simm.s32 @!p0 $0x3F  }
0x48: {  	_ =	swait.ge @!p0 [sflag:s0], s1  }
0x49: {  	s1 =	ssub.s32 @!p0 $0x0, s1;
	[sflag:s0] =	ssyncset.done @!p0 $0x0  }
0x4a: {  	[sflag:s0] =	ssyncadd.s32 @!p0 s1  }
0x4b: {  	[bflag:$0x3] =	sbarrier.arrive $0xFFFF  }
0x4c: {  	_ =	shalt  }
.Lfunc_end2:
execute1_lowered:
.L_overlay_start_2:
0x4d: {  	(tag) =	ssettag $0x2  }
0x4e: {  	s0 =	rddreg [dreg:$0x0];
	_ =	strace $0x80000053;
	s15 =	stileid.u32  }
0x4f: {  	s2 =	simm.s32 $0x1;
	s1 =	smin.u32 s15, $0x8;
	s3 =	sshll.u32 s15, $0x1  }
0x50: {  	v1 =	vimm.s32 $0xFFFFFFFF;
	[sflag:s2] =	ssyncpa.u1 $0x0;
	s1 =	sadd.s32 s1, s3  }
0x51: {  	p0 =	slt.u32 s15, $0x8;
	[tilespmem:$0x10] =	vst v1;
	s4 =	smul.u32 $0x1F40, s1;
	s1 =	simm.s32 $0x5DC0  }
0x52: {  	v0 =	vimm.f32 $0.0e+00;
	[tilespmem:$0x20] =	vst v1;
	s1 =	simm.s32 @!p0 $0x3E80  }
0x53: {  	[tilespmem:$0x30] =	vst v0;
	s1 =	sadd.s32 s1, s4  }
0x54: {  	[tilespmem:$0x40] =	vst v0;
	s5 =	smin.u32 s1, $0x4E200  }
0x55: {  	s7 =	simm.s32 $0x2;
	s8 =	simm.s32 $0x8;
	[tilespmem:$0x50] =	vst v0;
	s9 =	ssub.s32 s5, s4  }
0x56: {  	s31 =	simm.s32 $0x9;
	s16 =	simm.s32 $0x0;
	[tilespmem:$0x60] =	vst v1;
	p0 =	sgt.s32 s9, $0x0  }
0x57: {  	s17 =	simm.s32 $0xF0;
	s18 =	simm.s32 $0xFFFFFFFF;
	[tilespmem:$0x70] =	vst v1;
	s9 =	simm.s32 @!p0 $0x0  }
0x58: {  	s19 =	simm.s32 $0xFFFFC280;
	s20 =	simm.s32 $0xFFFFFFFE;
	[tilespmem:$0x80] =	vst v1;
	s30 =	smulhi.u32 $0x10624DD3, s9  }
0x59: {  	s21 =	simm.s32 $0xF;
	s25 =	simm.s32 $0x0;
	s24 =	simm.s32 $0x0;
	v1 =	vimm.s32 $0x0;
	[tilespmem:$0xB0] =	vst v0  }
0x5a: {  	s6 =	sadd.s32 $0x9E2600, s0;
	s15 =	sshllo.u32 s15, $0x1;
	[tilespmem:$0x90] =	vst v1;
	s10 =	sshrl.u32 s30, $0x9  }
0x5b: {  	[tilespmem:$0xA0] =	vst v1;
	[sflag:s7] =	ssyncpa.u1 $0x0;
	s7 =	simm.s32 $0x7;
	s11 =	smul.u32 $0x1F40, s10  }
.Ltmp8:
0x5c: {  	s13 =	sor.u32 $0x80, s3;
	[sflag:s7] =	ssyncpa.u1 $0x0;
	(pc) =	sbr.rel .LBB3_1-.Ltmp8, $4  }
0x5d: {  	s14 =	sor.u32 $0x81, s3;
	[sflag:s8] =	ssyncpa.u1 $0x0;
	p0 =	sne.s32 s9, s11  }
0x5e: {  	s23 =	smov.u32 s4;
	s1 =	sadd.s32 $0x9C4000, s0;
	s2 =	simm.s32 @!p0 $0x0  }
0x5f: {  	vm0 =	vmmov $0xffff;
	v2 =	vlaneseq.u32;
	[sflag:s31] =	ssyncpa.u1 $0x0;
	s9 =	sadd.s32 $0x9EC400, s0;
	s10 =	sadd.s32 s2, s10  }
0x60: {  	vm1 =	vmxor vm1, vm1;
	vm2 =	vmmov $0x1;
	vm3 =	vcmask $0x3F3C;
	p0 =	por $0x0, $0x0;
	s11 =	sadd.s32 $0x1, s10;
	s12 =	sadd.s32 $0x2, s10  }
.LBB3_9:
0x61: {  	p1 =	slt.u32 s24, $0x3  }
0x62: {  	s0 =	simm.s32 @!p1 $0x2  }
0x63: {  	_ =	swait.ge @!p1 [sflag:s0], $0x1F40  }
0x64: {  	[sflag:s0] =	ssyncset.done @!p1 $0x0  }
0x65: {  	[sflag:s0] =	ssyncadd.s32 @!p1 $0xFFFFE0C0;
	s0 =	simm.s32 @!p1 $0x9  }
0x66: {  	_ =	swait.ge @!p1 [sflag:s0], $0x10  }
0x67: {  	[sflag:s0] =	ssyncset.done @!p1 $0x0  }
0x68: {  	[sflag:s0] =	ssyncadd.s32 @!p1 $0xFFFFFFF0;
	p1 =	sne.s32 s24, s12  }
.Ltmp9:
0x69: {  	s2 =	sadd.s32 $0x1F40, s23;
	(pc) =	sbr.rel @!p1 .LBB3_10-.Ltmp9, $4  }
0x6a: {  	s22 =	smov.u32 s4;
	s31 =	sadd.s32 $0x1, s24;
	s17 =	sadd.s32 $0x1F40, s17  }
0x6b: {  	s18 =	sadd.s32 $0x1, s18;
	s25 =	smov.u32 s23;
	p2 =	slt.s32 s2, s5  }
0x6c: {  	p0 =	por !p0, !p0;
	s19 =	sadd.s32 $0x1F40, s19;
	s22 =	smov.u32 @p2 s2  }
0x6d: {  	s20 =	sadd.s32 $0x1, s20;
	s23 =	smov.u32 s22;
	s24 =	smov.u32 s31  }
.LBB3_1:
0x6e: {  	p1 =	sge.u32 s24, s10  }
0x6f: {  	s0 =	smulhi.u32 @!p1 $0xAAAAAAAB, s24;
	_ =	sdelay $0x1  }
0x70: {  	s0 =	sshrl.u32 @!p1 s0, $0x1  }
0x71: {  	s0 =	smul.u32 @!p1 $0x3, s0;
	_ =	sdelay $0x1  }
0x72: {  	s0 =	ssub.s32 @!p1 s24, s0  }
0x73: {  	s0 =	smul.u32 @!p1 $0x7D00, s0;
	_ =	sdelay $0x1  }
0x74: {  	s2 =	sshrl.u32 @!p1 s23, $0x3;
	s0 =	sshrl.u32 @!p1 s0, $0x2  }
0x75: {  	s22 =	sand.u32 @!p1 $0x7, s23;
	s2 =	sadd.s32 @!p1 s6, s2;
	s0 =	sadd.s32 @!p1 $0x100, s0  }
0x76: {  	[tilespmem:s0], [sflag:$0x7] =	stream.linear.gather @!p1 [hbm4b:s2+s22], $0x1F40, $0x38;
	[tilespmem:$0x11A60] =	vst v63  }
0x77: {  	s0 =	sadd.s32 $0xFFFFFFFF, s24  }
0x78: {  	p1 =	sge.u32 s0, s10  }
.Ltmp10:
0x79: {  	_ = 	snop;
	(pc) =	sbr.rel @p1 .LBB3_5-.Ltmp10, $1  }
0x7a: {  	_ =	sdelay $0x3  }
0x7b: {  	s2 =	smulhi.u32 $0xAAAAAAAB, s0;
	_ =	sdelay $0x1  }
0x7c: {  	s2 =	sshrl.u32 s2, $0x1  }
0x7d: {  	s2 =	smul.u32 $0x3, s2;
	_ =	sdelay $0x1  }
0x7e: {  	s2 =	ssub.s32 s0, s2  }
0x7f: {  	s2 =	smul.u32 $0x7D00, s2  }
0x80: {  	_ =	swait.ge [sflag:s7], $0x1F40  }
0x81: {  	[sflag:s7] =	ssyncset.done $0x0;
	s2 =	sshrl.u32 s2, $0x2  }
0x82: {  	[sflag:s7] =	ssyncadd.s32 $0xFFFFE0C0;
	(ifvalue) =	ssetifvalue $0xFFFFFFFF;
	v3 =	vld.msk [tilespmem:s2+$0x100 ss:$0x1], $0xffff;
	_ =	sdelay $0x2  }
0x83: {  	s30 =	smulhi.u32 $0xAAAAAAAB, s18;
	p1 =	sne.s32 s24, $0x1  }
0x84: {  	v4 =	vimm.s32 @!p1 $0x0  }
0x85: {  	s2 =	sshrl.u32 s30, $0x1;
	v4 =	vperm.xlane @!p1 v3, v4  }
0x86: {  	s22 =	sshll.u32 s24, $0x4;
	s2 =	smul.u32 $0xFFFE8900, s2;
	vm4 =	vlt.u32 v3, $0x2800  }
0x87: {  	s22 =	sand.u32 $0x10, s22;
	v3 =	vnsel vm4, $0xFFFFFFFE, v3;
	vm4 =	vlt.u32 @!p1 v4, $0x2800  }
0x88: {  	s2 =	sshra.s32 s2, $0x2;
	[tilespmem:s22+$0x60] =	vst v3;
	v3 =	vnsel @!p1 vm4, $0xFFFFFFFE, v4  }
0x89: {  	s28 =	sadd.s32 s2, s17;
	[tilespmem:$0x80] =	vst @!p1 v3  }
0x8a: {  	v3 =	vld.msk [tilespmem:s28+$0x0 ss:$0x1], $0xffff;
	_ =	sdelay $0x4  }
0x8b: {  	(xrf1) =	vunique.msk.u32 $0xffff, v3;
	_ =	sdelay $0xd  }
0x8c: {  	v4 =	vimm.s32 $0xFFFFFFFF;
	v5, _, _ =	vpop (xrf1)  }
0x8d: {  	vm5 =	vne.s32 v3, v4;
	vm4 =	veq.s32 v5, v2  }
0x8e: {  	vm6 =	vlt.u32 v3, $0x2800;
	vm4 =	vmand vm5, vm4  }
0x8f: {  	vm4 =	vmand vm6, vm4  }
0x90: {  	v4 =	vnsel vm4, $0xFFFFFFFF, v3  }
0x91: {  	s31 =	sand.u32 $0x1, s0  }
0x92: {  	s0 =	simm.s32 $0x1F40;
	p1 =	seq.s32 s31, $0x1  }
0x93: {  	s0 =	simm.s32 @!p1 $0x0  }
0x94: {  	s26 =	sadd.s32 $0x7DF0, s0;
	(ifvalue) =	ssetifvalue $0xFFFFFFFF  }
0x95: {  	v3 =	vperm.xlane v3, v1;
	[tilespmem:s26], [sflag:$0x8] =	stream.indirect_vreg.gather [hbm4b:s1+s16], $0x1, v4, vm0, $0x4038;
	v4 =	vnsel vm6, $0xFFFFFFFE, v4;
	[tilespmem:$0x11A60] =	vst v63  }
0x96: {  	s2 =	simm.s32 $0x0;
	s22 =	sadd.s32 $0xFFFFFFF0, s28;
	[tilespmem:s28+$0x0] =	vst v4  }
.LBB3_3:
0x97: {  	v4 =	vld.msk [tilespmem:s22+$0x0 ss:$0x1], $0xffff;
	s2 =	sadd.s32 $0x10, s2;
	v5 =	vmov v3;
	s28 =	smov.u32 s22  }
0x98: {  	p1 =	slt.u32 s2, $0x1F30;
	_ =	sdelay $0x4  }
0x99: {  	v3 =	vperm.xlane v4, v1;
	(xrf1) =	vunique.msk.u32 $0xffff, v4;
	_ =	sdelay $0xd  }
0x9a: {  	v6, _, _ =	vpop (xrf1)  }
0x9b: {  	vm5 =	vne.s32 v4, v5;
	vm4 =	veq.s32 v6, v2  }
0x9c: {  	vm6 =	vlt.u32 v4, $0x2800;
	vm4 =	vmand vm5, vm4  }
0x9d: {  	vm4 =	vmand vm6, vm4  }
0x9e: {  	v4 =	vnsel vm4, $0xFFFFFFFF, v4  }
.Ltmp11:
0x9f: {  	v5 =	vnsel vm6, $0xFFFFFFFE, v4;
	(pc) =	sbr.rel @p1 .LBB3_3-.Ltmp11, $3  }
0xa0: {  	_ =	sdelay $0x1  }
0xa1: {  	s22 =	sadd.s32 $0xFFFFFFF0, s22;
	s26 =	sadd.s32 $0xFFFFFFF0, s26;
	(ifvalue) =	ssetifvalue $0xFFFFFFFF  }
0xa2: {  	[tilespmem:s26], [sflag:$0x8] =	stream.indirect_vreg.gather [hbm4b:s1+s16], $0x1, v4, vm0, $0x4038;
	[tilespmem:s28+$0x0] =	vst v5  }
0xa3: {  	s2 =	sshrl.u32 s25, $0x3  }
0xa4: {  	s0 =	sadd.s32 $0x9D40, s0;
	s2 =	sadd.s32 s9, s2  }
0xa5: {  	[tilespmem:s0], [sflag:$0x8] =	stream.linear.gather [hbm:s2], $0x1F40, $0x38;
	[tilespmem:$0x11A60] =	vst v63  }
.LBB3_5:
0xa6: {  	p1 =	slt.u32 s24, $0x2  }
0xa7: {  	p2 =	sge.u32 @!p1 s24, s12  }
0xa8: {  	p1 =	por p1, p2  }
.Ltmp12:
0xa9: {  	_ = 	snop;
	(pc) =	sbr.rel @p1 .LBB3_9-.Ltmp12, $1  }
0xaa: {  	_ =	sdelay $0x3  }
0xab: {  	s0 =	sadd.s32 $0xFFFFFFFE, s24  }
0xac: {  	s2 =	smulhi.u32 $0xAAAAAAAB, s0;
	_ =	sdelay $0x1  }
0xad: {  	s2 =	sshrl.u32 s2, $0x1  }
0xae: {  	s2 =	smul.u32 $0x3, s2;
	_ =	sdelay $0x1  }
0xaf: {  	s0 =	ssub.s32 s0, s2  }
0xb0: {  	_ =	swait.ge [sflag:s8], $0x3E80;
	s0 =	smul.u32 $0x1F40, s0  }
0xb1: {  	p1 =	sne.s32 s24, s11;
	[sflag:s8] =	ssyncset.done $0x0  }
0xb2: {  	[sflag:s8] =	ssyncadd.s32 $0xFFFFC180;
	s2 =	sadd.s32 @!p1 $0x203F, s0  }
0xb3: {  	[spmem:s14] =	stream.linear.scatter @!p1 [tilespmem:s2], [sflag:$0x1], $0x1, $0x38;
	[tilespmem:$0x11A60] =	vst v63  }
0xb4: {  	s2 =	simm.s32 @!p1 $0x1  }
0xb5: {  	_ =	swait.ge @!p1 [sflag:s2], $0x1  }
0xb6: {  	s22 =	sshll.u32 s24, $0x4;
	[sflag:s2] =	ssyncset.done @!p1 $0x0  }
0xb7: {  	s25 =	sand.u32 $0x10, s22;
	[sflag:s2] =	ssyncadd.s32 @!p1 $0xFFFFFFFF  }
0xb8: {  	s2 =	sxor.u32 $0x10, s25;
	v4 =	vld [tilespmem:s25+$0x10]  }
0xb9: {  	v5 =	vld [tilespmem:s2+$0x60]  }
0xba: {  	v3 =	vld [tilespmem:$0x80];
	_ =	sdelay $0x2  }
0xbb: {  	(v2sf) =	vpush v4, $0x0  }
0xbc: {  	(v2sf) =	vpush v5, $0x0  }
0xbd: {  	(v2sf) =	vpush v3, $0x0;
	_ =	sdelay $0xc  }
0xbe: {  	s22 =	spop (v2sf)  }
0xbf: {  	s26 =	spop (v2sf)  }
0xc0: {  	s28 =	spop (v2sf)  }
0xc1: {  	p2 =	seq.s32 s22, s26;
	p3 =	seq.s32 s28, s22  }
0xc2: {  	p3 =	por p2, p3  }
0xc3: {  	s26 =	sand.u32 $0x1, s24;
	v4 =	vpsel p3, $0xFFFFFFFF, v4  }
0xc4: {  	s29 =	smul.u32 $0x1F40, s26;
	[tilespmem:s25+$0x10] =	vst.msk $0x1, v4  }
0xc5: {  	v4 =	vld [tilespmem:$0x30]  }
0xc6: {  	v5 =	vld [tilespmem:s29+$0x9D40]  }
0xc7: {  	v6 =	vld [tilespmem:s25+$0x40];
	_ =	sdelay $0x3  }
0xc8: {  	vm4 =	vmmov vm1;
	v5 =	vadd.f32 v5, v4  }
0xc9: {  	vm5 =	vmmov vm2;
	vm4 =	vmmov @p2 vm2;
	s22 =	sshll.u32 s26, $0x4;
	v4 =	vadd.f32 v6, v4  }
0xca: {  	s26 =	sor.u32 $0x11A40, s22;
	vm5 =	vmmov @p3 vm1;
	[tilespmem:s29+$0x9D40] =	vst.msk vm4, v5  }
0xcb: {  	[tilespmem:s26+$0x0] =	vst.msk vm5, v4  }
0xcc: {  	v4 =	vld [tilespmem:s29+$0x7DF0];
	_ =	sdelay $0x3  }
0xcd: {  	v5 =	vimm.f32 $0.0e+00  }
0xce: {  	v4 =	vshift.insert v4, v5, s21  }
0xcf: {  	s22 =	sor.u32 $0x40, s2  }
0xd0: {  	[tilespmem:s22+$0x0] =	vst.msk $0x1, v4  }
0xd1: {  	[tilespmem:s29+$0x7DFF] =	vst.msk $0x1, v5  }
0xd2: {  	v4 =	vld [tilespmem:s0+$0x2030];
	_ =	sdelay $0x1  }
0xd3: {  	s22 =	smulhi.u32 $0xAAAAAAAB, s20;
	s0 =	simm.s32 $0x1  }
0xd4: {  	s0 =	simm.s32 @!p0 $0x0  }
0xd5: {  	s22 =	sshrl.u32 s22, $0x1;
	s0 =	smul.u32 $0x7D00, s0  }
0xd6: {  	s22 =	smul.u32 $0xFFFE8900, s22;
	v4 =	vshift.insert v4, v1, s21  }
0xd7: {  	s0 =	sshrl.u32 s0, $0x2  }
0xd8: {  	s22 =	sshra.s32 s22, $0x2;
	s30 =	sadd.s32 $0x9D40, s0;
	[tilespmem:s2+$0x10] =	vst.msk $0x1, v4  }
0xd9: {  	s22 =	sadd.s32 s22, s19;
	v6 =	vld [tilespmem:s30+$0x0]  }
0xda: {  	v7 =	vld [tilespmem:s22+$0x0];
	_ =	sdelay $0x3  }
0xdb: {  	v5 =	vadd.f32 v6, v5  }
0xdc: {  	vm4 =	vne.s32 v7, $0xFFFFFFFF  }
0xdd: {  	(xrf2) =	vadd.seg.scan.f32 vm4, v5;
	_ =	sdelay $0x3  }
0xde: {  	s31 =	sadd.s32 $0x5EC0, s0;
	v5 =	vperm.xlane v4, v1  }
0xdf: {  	v6 =	vld [tilespmem:s31+$0x0]  }
0xe0: {  	vm5 =	veq.s32 v7, v3;
	vm6 =	veq.s32 v7, v5  }
0xe1: {  	vm7 =	vgt.u32 v7, $0xFFFFFFFD;
	vm6 =	vmor vm6, vm5  }
0xe2: {  	vm6 =	vmor vm6, vm7  }
0xe3: {  	v9 =	vld [tilespmem:$0xA0];
	v7 =	vsel vm6, $0xFFFFFFFF, v7  }
0xe4: {  	v10 =	vld [tilespmem:$0x90];
	v6 =	vsel vm5, $0x0, v6;
	v8, _, _ =	vpop (xrf2)  }
0xe5: {  	v6 =	vadd.f32 v8, v6  }
0xe6: {  	s0 =	sadd.s32 $0xDBC0, s0  }
0xe7: {  	vm4 =	vmand vm4, vm3;
	[tilespmem:s0+$0x0] =	vst v6;
	(ifvalue) =	ssetifvalue $0xFFFFFFFF  }
0xe8: {  	vm6 =	veq.s32 v9, $0x1;
	[hbm4b:s1+s16] =	stream.indirect_vreg.scatter [tilespmem:s0], [sflag:$0x2], $0x1, v7, vm0, $0x4038;
	v7 =	vsel vm4, $0x0, v8;
	[tilespmem:$0x11A60] =	vst v63  }
0xe9: {  	s2 =	simm.s32 $0x0;
	s22 =	sadd.s32 $0x10, s22;
	vm4 =	vmor vm6, vm5;
	v6 =	vsel vm5, v8, v10;
	v7 =	vshift.insert v7, v0, s21  }
.LBB3_7:
0xea: {  	v8 =	vld [tilespmem:s22+$0x0];
	s30 =	sadd.s32 $0x10, s30  }
0xeb: {  	s31 =	sadd.s32 $0x10, s31;
	v9 =	vld [tilespmem:s30+$0x0]  }
0xec: {  	s2 =	sadd.s32 $0x10, s2;
	v10 =	vld [tilespmem:s31+$0x0]  }
0xed: {  	p2 =	slt.u32 s2, $0x1F30;
	_ =	sdelay $0x2  }
0xee: {  	v7 =	vadd.f32 v9, v7  }
0xef: {  	vm5 =	vne.s32 v8, $0xFFFFFFFF  }
0xf0: {  	vm6 =	vmand vm5, vm3;
	(xrf2) =	vadd.seg.scan.f32 vm5, v7;
	_ =	sdelay $0x5  }
0xf1: {  	vm7 =	veq.s32 v8, v5;
	vm5 =	veq.s32 v8, v3  }
0xf2: {  	vm8 =	vgt.u32 v8, $0xFFFFFFFD;
	vm4 =	vmor vm4, vm5;
	vm7 =	vmor vm7, vm5  }
0xf3: {  	vm7 =	vmor vm7, vm8  }
0xf4: {  	v8 =	vsel vm7, $0xFFFFFFFF, v8  }
.Ltmp13:
0xf5: {  	v7 =	vsel vm5, $0x0, v10;
	v9, _, _ =	vpop (xrf2);
	(pc) =	sbr.rel @p2 .LBB3_7-.Ltmp13, $4  }
0xf6: {  	v6 =	vsel vm5, v9, v6;
	v10 =	vadd.f32 v9, v7;
	v7 =	vsel vm6, $0x0, v9  }
0xf7: {  	s0 =	sadd.s32 $0x10, s0;
	v7 =	vshift.insert v7, v0, s21  }
0xf8: {  	s22 =	sadd.s32 $0x10, s22;
	[tilespmem:s0+$0x0] =	vst v10;
	(ifvalue) =	ssetifvalue $0xFFFFFFFF  }
0xf9: {  	[hbm4b:s1+s16] =	stream.indirect_vreg.scatter [tilespmem:s0], [sflag:$0x2], $0x1, v8, vm0, $0x4038;
	[tilespmem:$0x11A60] =	vst v63  }
0xfa: {  	v3 =	vld [tilespmem:s29+$0xFAF0];
	_ =	sdelay $0x4  }
0xfb: {  	v3 =	vshift.insert v3, v0, s21  }
0xfc: {  	s0 =	simm.s32 $0x30  }
0xfd: {  	[tilespmem:s0+$0x0] =	vst.msk $0x1, v3  }
0xfe: {  	v3 =	vsel vm4, $0x1, v1;
	[tilespmem:$0x90] =	vst v6  }
0xff: {  	s0 =	sadd.s32 @!p1 $0xFAFF, s29;
	[tilespmem:$0xA0] =	vst v3  }
0x100: {  	[spmem:s15] =	stream.linear.scatter @!p1 [tilespmem:s0], [sflag:$0x1], $0x1, $0x38;
	[tilespmem:$0x11A60] =	vst v63  }
0x101: {  	s0 =	simm.s32 @!p1 $0x1  }
0x102: {  	v3 =	vmctz.xlane @!p1 vm4;
	_ =	swait.ge @!p1 [sflag:s0], $0x1  }
0x103: {  	(v2sf) =	vpush @!p1 v4, $0x0  }
0x104: {  	(v2sf) =	vpush @!p1 v3, $0x0;
	_ =	sdelay $0xd  }
0x105: {  	s2 =	spop @!p1 (v2sf)  }
0x106: {  	s22 =	spop @!p1 (v2sf)  }
0x107: {  	p2 =	sne.s32 @!p1 s28, s2;
	p3 =	slt.s32 @!p1 s22, $0xF  }
0x108: {  	[sflag:s0] =	ssyncset.done @!p1 $0x0;
	p2 =	por p2, p1;
	p3 =	por !p3, p1  }
0x109: {  	[sflag:s0] =	ssyncadd.s32 @!p1 $0xFFFFFFFF;
	v3 =	vimm.s32 @!p2 $0xFFFFFFFF;
	s22 =	simm.s32 @p3 $0xF  }
0x10a: {  	[tilespmem:$0x80] =	vst @!p2 v3;
	s2 =	sadd.s32 @!p1 $0x90, s22  }
0x10b: {  	[spmem:s3] =	stream.linear.scatter @!p1 [tilespmem:s2], [sflag:$0x1], $0x1, $0x38;
	[tilespmem:$0x11A60] =	vst v63  }
0x10c: {  	_ =	swait.ge @!p1 [sflag:s0], $0x1  }
0x10d: {  	[sflag:s0] =	ssyncset.done @!p1 $0x0  }
0x10e: {  	s2 =	simm.s32 @!p1 $0x80;
	[sflag:s0] =	ssyncadd.s32 @!p1 $0xFFFFFFFF  }
0x10f: {  	[spmem:s13] =	stream.linear.scatter @!p1 [tilespmem:s2], [sflag:$0x1], $0x1, $0x38;
	[tilespmem:$0x11A60] =	vst v63  }
0x110: {  	_ =	swait.ge @!p1 [sflag:s0], $0x1  }
0x111: {  	[sflag:s0] =	ssyncset.done @!p1 $0x0  }
0x112: {  	[sflag:s0] =	ssyncadd.s32 @!p1 $0xFFFFFFFF;
	(ifvalue) =	ssetifvalue $0xFFFFFFFF;
	v3 =	vld [tilespmem:s25+$0x10];
	_ =	sdelay $0x3  }
.Ltmp14:
0x113: {  	_ = 	snop;
	(pc) =	sbr.rel .LBB3_9-.Ltmp14, $3  }
0x114: {  	_ =	sdelay $0x1  }
0x115: {  	(ifvalue) =	ssetifvalue $0xFFFFFFFF  }
0x116: {  	[hbm4b:s1+s16] =	stream.indirect_vreg.scatter [tilespmem:s26], [sflag:$0x9], $0x1, v3, vm0, $0x4038;
	[tilespmem:$0x11A60] =	vst v63  }
.LBB3_10:
0x117: {  	_ =	sfence.sel $0x180000  }
0x118: {  	s0 =	simm.s32 $0x7;
	[bflag:$0x0] =	sbarrier.arrive $0xFFFF  }
0x119: {  	s26 =	simm.s32 $0x8;
	[sflag:s0] =	ssyncpa.u1 $0x1  }
0x11a: {  	s28 =	simm.s32 $0x9;
	[sflag:s26] =	ssyncpa.u1 $0x1  }
0x11b: {  	[sflag:s28] =	ssyncpa.u1 $0x1  }
0x11c: {  	_ =	sfence.stream.spmem  }
0x11d: {  	s29 =	simm.s32 $0x3;
	[bflag:$0x0] =	sbarrier.arrive $0xFFFF  }
0x11e: {  	s30 =	simm.s32 $0x4;
	[sflag:s29] =	ssyncpa.u1 $0x1  }
0x11f: {  	s31 =	simm.s32 $0x3C;
	s2 =	stileid.u32;
	[sflag:s30] =	ssyncpa.u1 $0x1  }
0x120: {  	p0 =	sne.s32 s2, $0x0;
	[sflag:s31] =	ssyncpa.u1 $0x1  }
0x121: {  	s0 =	simm.s32 @p0 $0x1;
	_ =	sfence @p0  }
0x122: {  	[sflag:s0] =	ssyncpa.u1 @p0 $0x1;
	s0 =	simm.s32 @p0 $0x2  }
0x123: {  	[sflag:s0] =	ssyncpa.u1 @p0 $0x1  }
0x124: {  	_ =	strace @p0 $0x90000053  }
0x125: {  	[bflag:$0x2] =	sbarrier.arrive @p0 $0xFFFF  }
0x126: {  	_ =	shalt @p0  }
.LBB3_11:
0x127: {  	_ =	sfence.stream.spmem;
	s0 =	simm.s32 $0x5  }
0x128: {  	s2 =	simm.s32 $0x80;
	s3 =	simm.s32 $0xC0;
	[sflag:s0] =	ssyncpa.u1 $0x0  }
0x129: {  	[tilespmem:s3], [sflag:$0x5] =	stream.linear.gather [spmem:s2], $0x20, $0x38;
	[tilespmem:$0x11A60] =	vst v63  }
0x12a: {  	s2 =	simm.s32 $0x0;
	s3 =	simm.s32 $0xE0  }
0x12b: {  	[tilespmem:s3], [sflag:$0x5] =	stream.linear.gather [spmem:s2], $0x20, $0x38;
	[tilespmem:$0x11A60] =	vst v63  }
.Ltmp15:
0x12c: {  	_ = 	snop;
	(pc) =	sbr.rel .LBB3_12-.Ltmp15, $4  }
0x12d: {  	_ =	swait.ge [sflag:s0], $0x40  }
0x12e: {  	[sflag:s0] =	ssyncset.done $0x0  }
0x12f: {  	s31 =	simm.s32 $0x6;
	[sflag:s0] =	ssyncadd.s32 $0xFFFFFFC0  }
0x130: {  	s4 =	simm.s32 $0x0;
	[sflag:s31] =	ssyncpa.u1 $0x0  }
.LBB3_17:
0x131: {  	p0 =	sgt.u32 s5, $0x27FF  }
0x132: {  	s0 =	sshrl.u32 @!p0 s5, $0x3  }
0x133: {  	s5 =	sand.u32 @!p0 $0x7, s5;
	s6 =	simm.s32 @!p0 $0xB0;
	s0 =	sadd.s32 @!p0 s1, s0  }
0x134: {  	[tilespmem:s6], [sflag:$0x6] =	stream.linear.gather @!p0 [hbm4b:s0+s5], $0x1, $0x38;
	[tilespmem:$0x11A60] =	vst v63  }
0x135: {  	s0 =	simm.s32 @!p0 $0x6  }
0x136: {  	_ =	swait.ge @!p0 [sflag:s0], $0x1  }
0x137: {  	[sflag:s0] =	ssyncset.done @!p0 $0x0  }
0x138: {  	[sflag:s0] =	ssyncadd.s32 @!p0 $0xFFFFFFFF  }
0x139: {  	v2 =	vmov @!p0 s4;
	v1 =	vld.msk @!p0 [tilespmem:$0xB0], $0x1;
	_ =	sdelay $0x3  }
0x13a: {  	s0 =	simm.s32 @!p0 $0xE0  }
0x13b: {  	[tilespmem:v2+s0+$0x0], v1 =	vst.idx.ret.add.f32.msk @!p0 $0x1, v1  }
0x13c: {  	[tilespmem:s2+$0xC0] =	vst.msk $0x1, v0  }
0x13d: {  	v0 =	vld.msk [tilespmem:s4+$0xE0], $0x1;
	_ =	sdelay $0x4  }
0x13e: {  	[tilespmem:s2+$0xE0] =	vst.msk $0x1, v0;
	s2 =	sadd.s32 $0x1, s2  }
.LBB3_19:
0x13f: {  	s4 =	sadd.s32 $0x1, s4  }
0x140: {  	p0 =	sne.s32 s4, $0x20  }
.Ltmp16:
0x141: {  	_ = 	snop;
	(pc) =	sbr.rel @!p0 .LBB3_20-.Ltmp16, $1  }
0x142: {  	_ =	sdelay $0x3  }
.LBB3_12:
0x143: {  	v0 =	vld.msk [tilespmem:s4+$0xC0], $0x1;
	_ =	sdelay $0x4  }
0x144: {  	(v2sf) =	vpush v0, $0x0;
	_ =	sdelay $0xe  }
0x145: {  	s5 =	spop (v2sf)  }
0x146: {  	p0 =	seq.s32 s5, $0xFFFFFFFF  }
.Ltmp17:
0x147: {  	_ = 	snop;
	(pc) =	sbr.rel @p0 .LBB3_19-.Ltmp17, $1  }
0x148: {  	_ =	sdelay $0x3  }
0x149: {  	p0 =	slt.s32 s2, $0x1  }
.Ltmp18:
0x14a: {  	_ = 	snop;
	(pc) =	sbr.rel @p0 .LBB3_17-.Ltmp18, $1  }
0x14b: {  	_ =	sdelay $0x3  }
0x14c: {  	s0 =	simm.s32 $0xC0;
	p0 =	por $0x0, $0x0  }
0x14d: {  	v1 =	vld.msk @!p0 [tilespmem:s0+$0x0], $0x1;
	_ =	sdelay $0x4  }
0x14e: {  	(v2sf) =	vpush @!p0 v1, $0x0;
	_ =	sdelay $0xd  }
0x14f: {  	p2 =	sne.s32 s2, $0x1  }
.Ltmp19:
0x150: {  	s6 =	spop @!p0 (v2sf);
	(pc) =	sbr.rel @!p2 .LBB3_16-.Ltmp19, $4  }
0x151: {  	p1 =	seq.s32 @!p0 s5, s6  }
0x152: {  	s6 =	simm.s32 $0x0;
	p1 =	por !p1, p0  }
0x153: {  	s8 =	simm.s32 $0xFFFFFFFF;
	s6 =	simm.s32 @p1 $0xFFFFFFFF  }
0x154: {  	s7 =	simm.s32 $0x1;
	s6 =	smov.u32 @p0 s8  }
.LBB3_15:
0x155: {  	s8 =	smov.u32 s6;
	p0 =	sne.s32 s6, $0xFFFFFFFF  }
0x156: {  	s0 =	sadd.s32 $0x1, s0;
	s6 =	smov.u32 s7;
	s7 =	sadd.s32 $0x1, s7  }
0x157: {  	p1 =	sne.s32 s2, s7;
	v1 =	vld.msk @!p0 [tilespmem:s0+$0x0], $0x1;
	_ =	sdelay $0x4  }
0x158: {  	(v2sf) =	vpush @!p0 v1, $0x0;
	_ =	sdelay $0xe  }
.Ltmp20:
0x159: {  	s9 =	spop @!p0 (v2sf);
	(pc) =	sbr.rel @p1 .LBB3_15-.Ltmp20, $4  }
0x15a: {  	p2 =	seq.s32 @!p0 s5, s9  }
0x15b: {  	p2 =	por !p2, p0  }
0x15c: {  	s6 =	simm.s32 @p2 $0xFFFFFFFF  }
0x15d: {  	s6 =	smov.u32 @p0 s8  }
.LBB3_16:
0x15e: {  	p0 =	sne.s32 s6, $0xFFFFFFFF  }
.Ltmp21:
0x15f: {  	_ = 	snop;
	(pc) =	sbr.rel @!p0 .LBB3_17-.Ltmp21, $1  }
0x160: {  	_ =	sdelay $0x3  }
0x161: {  	v0 =	vld.msk [tilespmem:s4+$0xE0], $0x1;
	v1 =	vmov s6  }
.Ltmp22:
0x162: {  	_ = 	snop;
	(pc) =	sbr.rel .LBB3_19-.Ltmp22, $2  }
0x163: {  	_ =	sdelay $0x2  }
0x164: {  	[tilespmem:v1+s3+$0x0], v0 =	vst.idx.ret.add.f32.msk $0x1, v0  }
.LBB3_20:
0x165: {  	p0 =	slt.s32 s2, $0x1  }
.Ltmp23:
0x166: {  	_ = 	snop;
	(pc) =	sbr.rel @p0 .LBB3_24-.Ltmp23, $3  }
0x167: {  	_ =	sdelay $0x1  }
0x168: {  	s0 =	simm.s32 $0x6  }
0x169: {  	s3 =	simm.s32 $0x0;
	[sflag:s0] =	ssyncpa.u1 $0x1  }
0x16a: {  	s0 =	simm.s32 $0xC0  }
0x16b: {  	v0 =	vld.msk [tilespmem:s0+$0x0], $0x1;
	_ =	sdelay $0x4  }
0x16c: {  	(v2sf) =	vpush v0, $0x0;
	_ =	sdelay $0xe  }
0x16d: {  	s2 =	sadd.s32 $0xFFFFFFFF, s2;
	s4 =	spop (v2sf)  }
0x16e: {  	p1 =	sne.s32 s2, $0x0;
	p0 =	sgt.u32 s4, $0x27FF  }
.Ltmp24:
0x16f: {  	s5 =	sshrl.u32 @!p0 s4, $0x3;
	(pc) =	sbr.rel @!p1 .LBB3_23-.Ltmp24, $4  }
0x170: {  	s0 =	simm.s32 $0xE0;
	s4 =	sand.u32 @!p0 $0x7, s4;
	s5 =	sadd.s32 @!p0 s1, s5  }
0x171: {  	[hbm4b:s5+s4] =	stream.linear.scatter @!p0 [tilespmem:s0], [sflag:$0x5], $0x1, $0x38;
	[tilespmem:$0x11A60] =	vst v63  }
0x172: {  	s5 =	simm.s32 $0x0  }
0x173: {  	s4 =	simm.s32 $0xC1;
	s5 =	simm.s32 @!p0 $0x4  }
.LBB3_22:
0x174: {  	v0 =	vld.msk [tilespmem:s4+$0x0], $0x1;
	s2 =	sadd.s32 $0xFFFFFFFF, s2;
	s3 =	sadd.s32 s3, s5  }
0x175: {  	p0 =	sne.s32 s2, $0x0;
	_ =	sdelay $0x3  }
0x176: {  	(v2sf) =	vpush v0, $0x0;
	_ =	sdelay $0xe  }
.Ltmp25:
0x177: {  	s6 =	spop (v2sf);
	(pc) =	sbr.rel @p0 .LBB3_22-.Ltmp25, $4  }
0x178: {  	s5 =	simm.s32 $0x0;
	p1 =	sgt.u32 s6, $0x27FF  }
0x179: {  	s0 =	sadd.s32 $0x1, s0;
	s5 =	simm.s32 @!p1 $0x4;
	s7 =	sshrl.u32 @!p1 s6, $0x3  }
0x17a: {  	s4 =	sadd.s32 $0x1, s4;
	s6 =	sand.u32 @!p1 $0x7, s6;
	s7 =	sadd.s32 @!p1 s1, s7  }
0x17b: {  	[hbm4b:s7+s6] =	stream.linear.scatter @!p1 [tilespmem:s0], [sflag:$0x5], $0x1, $0x38;
	[tilespmem:$0x11A60] =	vst v63  }
.LBB3_23:
0x17c: {  	s0 =	sadd.s32 s3, s5  }
0x17d: {  	s3 =	sshrl.u32 s0, $0x2  }
.LBB3_24:
0x17e: {  	s0 =	simm.s32 $0x5  }
0x17f: {  	_ =	swait.ge [sflag:s0], s3  }
0x180: {  	s1 =	ssub.s32 $0x0, s3;
	[sflag:s0] =	ssyncset.done $0x0  }
0x181: {  	[sflag:s0] =	ssyncadd.s32 s1  }
0x182: {  	[sflag:s0] =	ssyncpa.u1 $0x1  }
0x183: {  	s29 =	simm.s32 $0x1;
	_ =	sfence  }
0x184: {  	s30 =	simm.s32 $0x2;
	[sflag:s29] =	ssyncpa.u1 $0x1  }
0x185: {  	[sflag:s30] =	ssyncpa.u1 $0x1  }
0x186: {  	_ =	strace $0x90000053  }
0x187: {  	[bflag:$0x2] =	sbarrier.arrive $0xFFFF  }
0x188: {  	s31 =	rddreg [dreg:$0x1]  }
0x189: {  	s0 =	sadd.s32 $0x100000, s31  }
0x18a: {  	[sflag:s0] =	ssyncadd.tile.s32 $0x1;
	_ =	shalt  }
.Lfunc_end3:
_tile_overlayer_lowered:
.L_overlay_start_3:
0x18b: {  	(tag) =	ssettag $0x3  }
0x18c: {  	s0 =	rddreg [dreg:$0x0];
	s2 =	stileid.u32  }
0x18d: {  	s1 =	rddreg [dreg:$0x1];
	p0 =	sne.s32 s2, $0x0  }
0x18e: {  	s3 =	rddreg [dreg:$0x2];
	[bflag:$0x3] =	sbarrier.arrive $0xFFFF;
	s2 =	simm.s32 @!p0 $0x1C01  }
0x18f: {  	[timem:s3], [sflag:s2] =	dma.local @!p0 [hbm:s0], s1  }
0x190: {  	s0 =	simm.s32 @!p0 $0x1  }
0x191: {  	_ =	swait.ge @!p0 [sflag:s0], s1  }
0x192: {  	s1 =	ssub.s32 @!p0 $0x0, s1;
	[sflag:s0] =	ssyncset.done @!p0 $0x0  }
0x193: {  	[sflag:s0] =	ssyncadd.s32 @!p0 s1  }
0x194: {  	[bflag:$0x3] =	sbarrier.arrive $0xFFFF  }
0x195: {  	_ =	shalt  }

// kernel: scatter_offload_async_start
scs
__scs_entry_jumppad:
0x0: {  	(pc) =	sbr.rel $0x88, $3  }
0x1: {  	(tag) =	ssettag $0x0;
	lr =	simm.s32 $0x1  }
0x2: {  	[smem:$0x3F94] =	sst lr;
	_ =	strace $0xD0000000  }
0x3: {  	_ = 	snop  }
0x4: {  	_ = 	snop  }
0x5: {  	_ = 	snop  }
0x6: {  	_ = 	snop  }
0x7: {  	_ = 	snop  }
__scs_overlays_trampoline_lowered:
0x8: {  	[smem:$0x3FA3] =	sst s0  }
0x9: {  	[smem:$0x3FA4] =	sst s1  }
0xa: {  	[smem:$0x3FA5] =	sst s2  }
0xb: {  	[smem:$0x3FA6] =	sst s3  }
0xc: {  	[smem:$0x3FA7] =	sst s4  }
0xd: {  	[smem:$0x3FA8] =	sst s5  }
0xe: {  	[smem:$0x3FA9] =	sst s6  }
0xf: {  	[smem:$0x3FAA] =	sst s7  }
0x10: {  	[smem:$0x3FAB] =	sst s8  }
0x11: {  	[smem:$0x3FAC] =	sst s9;
	s0 =	simm.s32 @!p0 $0x0  }
0x12: {  	s1 =	sld [smem:$0x3F92];
	s0 =	simm.s32 @p0 $0x1  }
0x13: {  	[smem:$0x3FAD] =	sst s0;
	s0 =	simm.s32 @!p1 $0x0  }
0x14: {  	s2 =	sld [smem:$0x3F91];
	s0 =	simm.s32 @p1 $0x1  }
0x15: {  	[smem:$0x3FAE] =	sst s0;
	s0 =	simm.s32 @!p2 $0x0  }
0x16: {  	s3 =	sld [smem:$0x3FDB];
	s0 =	simm.s32 @p2 $0x1  }
0x17: {  	s4 =	simm.s32 $0x1BF5;
	[smem:$0x3FB0] =	sst s0  }
0x18: {  	s0 =	sld [smem:$0x3F93];
	_ =	swait.ge [sflag:s4], $0x0  }
0x19: {  	s7 =	sld [smem:$0x3F94]  }
0x1a: {  	s8 =	sadd.s32 $0xFFFFE003, lr  }
0x1b: {  	s9 =	sadd.s32 $0xFFFFFEF7, lr;
	s5 =	simm.s32 $0xFFFFFFFF;
	p2 =	slt.u32 s8, $0xFFFFF086  }
0x1c: {  	p1 =	slt.u32 s9, $0xF7A;
	s5 =	simm.s32 @!p2 $0x0  }
0x1d: {  	s5 =	simm.s32 @p1 $0x1;
	p0 =	seq.s32 s7, s2  }
0x1e: {  	s7 =	smul.u32 @!p0 $0xF7A, s2;
	p2 =	seq.s32 @!p0 s5, $0x0  }
0x1f: {  	s9 =	smul.u32 $0xF7A, s1;
	s8 =	simm.s32 @!p0 $0x1BF5;
	p2 =	por !p2, p0  }
0x20: {  	[sflag:s8] =	ssyncset.s32 @!p0 $0xFFFFF086;
	s6 =	sadd.s32 @!p0 s3, s7;
	s7 =	simm.s32 @!p0 $0x108  }
0x21: {  	s3 =	sadd.s32 s3, s9;
	s6 =	sadd.s32 @!p0 $0x88, s6;
	s7 =	simm.s32 @p2 $0x1082  }
0x22: {  	[simem:s7], [sflag:s8] =	dma.local @!p0 [hbm:s6], $0xF7A  }
0x23: {  	s9 =	sor.u32 $0xD0000000, s2;
	s6 =	simm.s32 $0x108;
	_ =	swait.ge @!p0 [sflag:s8], $0x0  }
0x24: {  	s3 =	sadd.s32 $0x88, s3;
	s6 =	simm.s32 @!p1 $0x1082;
	[sflag:s4] =	ssyncset.s32 $0xFFFFF086  }
0x25: {  	[simem:s6], [sflag:s4] =	dma.local [hbm:s3], $0xF7A  }
0x26: {  	[smem:$0x3F94] =	sst s1;
	(tag) =	ssettag s2;
	_ =	strace s9  }
0x27: {  	s1 =	sld [smem:$0x3FA4]  }
0x28: {  	s2 =	sld [smem:$0x3FA5]  }
0x29: {  	s4 =	sld [smem:$0x3FA7]  }
0x2a: {  	p0 =	seq.s32 s5, $0x0;
	s5 =	sld [smem:$0x3FA8]  }
0x2b: {  	s6 =	sld [smem:$0x3FA9]  }
0x2c: {  	s7 =	sld [smem:$0x3FAA]  }
0x2d: {  	s3 =	simm.s32 $0x108;
	s8 =	sld [smem:$0x3FAB]  }
0x2e: {  	s3 =	simm.s32 @!p0 $0x1082;
	s9 =	sld [smem:$0x3FAC]  }
0x2f: {  	lr =	sadd.s32 s0, s3;
	s0 =	sld [smem:$0x3FA3]  }
0x30: {  	s3 =	sld [smem:$0x3FA6]  }
0x31: {  	[smem:$0x3FAF] =	sst s10  }
0x32: {  	s10 =	sld [smem:$0x3FAD];
	_ =	sdelay $0x3  }
0x33: {  	p0 =	seq.s32 s10, $0x1;
	s10 =	sld [smem:$0x3FAF];
	_ =	sdelay $0x3  }
0x34: {  	[smem:$0x3FAF] =	sst s10  }
0x35: {  	s10 =	sld [smem:$0x3FAE];
	_ =	sdelay $0x3  }
0x36: {  	p1 =	seq.s32 s10, $0x1;
	s10 =	sld [smem:$0x3FAF];
	_ =	sdelay $0x3  }
0x37: {  	[smem:$0x3FAF] =	sst s10  }
0x38: {  	s10 =	sld [smem:$0x3FB0]  }
0x39: {  	_ = 	snop;
	(pc) =	sbr.ind lr, $3  }
0x3a: {  	_ = 	snop  }
0x3b: {  	_ = 	snop  }
0x3c: {  	p2 =	seq.s32 s10, $0x1;
	s10 =	sld [smem:$0x3FAF]  }
0x3d: {  	_ =	shalt  }
0x3e: {  	_ =	shalt  }
0x3f: {  	_ =	shalt  }
0x40: {  	_ =	shalt  }
0x41: {  	_ =	shalt  }
0x42: {  	_ =	shalt  }
0x43: {  	_ =	shalt  }
0x44: {  	_ =	shalt  }
0x45: {  	_ =	shalt  }
0x46: {  	_ =	shalt  }
0x47: {  	_ =	shalt  }
0x48: {  	_ =	shalt  }
0x49: {  	_ =	shalt  }
0x4a: {  	_ =	shalt  }
0x4b: {  	_ =	shalt  }
0x4c: {  	_ =	shalt  }
0x4d: {  	_ =	shalt  }
0x4e: {  	_ =	shalt  }
0x4f: {  	_ =	shalt  }
0x50: {  	_ =	shalt  }
0x51: {  	_ =	shalt  }
0x52: {  	_ =	shalt  }
0x53: {  	_ =	shalt  }
0x54: {  	_ =	shalt  }
0x55: {  	_ =	shalt  }
0x56: {  	_ =	shalt  }
0x57: {  	_ =	shalt  }
0x58: {  	_ =	shalt  }
0x59: {  	_ =	shalt  }
0x5a: {  	_ =	shalt  }
0x5b: {  	_ =	shalt  }
0x5c: {  	_ =	shalt  }
0x5d: {  	_ =	shalt  }
0x5e: {  	_ =	shalt  }
0x5f: {  	_ =	shalt  }
0x60: {  	_ =	shalt  }
0x61: {  	_ =	shalt  }
0x62: {  	_ =	shalt  }
0x63: {  	_ =	shalt  }
0x64: {  	_ =	shalt  }
0x65: {  	_ =	shalt  }
0x66: {  	_ =	shalt  }
0x67: {  	_ =	shalt  }
0x68: {  	_ =	shalt  }
0x69: {  	_ =	shalt  }
0x6a: {  	_ =	shalt  }
0x6b: {  	_ =	shalt  }
0x6c: {  	_ =	shalt  }
0x6d: {  	_ =	shalt  }
0x6e: {  	_ =	shalt  }
0x6f: {  	_ =	shalt  }
0x70: {  	_ =	shalt  }
0x71: {  	_ =	shalt  }
0x72: {  	_ =	shalt  }
0x73: {  	_ =	shalt  }
0x74: {  	_ =	shalt  }
0x75: {  	_ =	shalt  }
0x76: {  	_ =	shalt  }
0x77: {  	_ =	shalt  }
0x78: {  	_ =	shalt  }
0x79: {  	_ =	shalt  }
0x7a: {  	_ =	shalt  }
0x7b: {  	_ =	shalt  }
0x7c: {  	_ =	shalt  }
0x7d: {  	_ =	shalt  }
0x7e: {  	_ =	shalt  }
0x7f: {  	_ =	shalt  }
0x80: {  	_ =	shalt  }
0x81: {  	_ =	shalt  }
0x82: {  	_ =	shalt  }
0x83: {  	_ =	shalt  }
0x84: {  	_ =	shalt  }
0x85: {  	_ =	shalt  }
0x86: {  	_ =	shalt  }
0x87: {  	_ =	shalt  }
.Lfunc_end0:
.L_simem_size_0:
called_computation_lowered:
.L_overlay_start_0:
0x88: {  	s2 =	sld [smem:$0x3FD9]  }
0x89: {  	s3 =	sld [smem:$0x3FFE];
	_ =	sdelay $0x1  }
0x8a: {  	s1 =	srdreg.scid  }
0x8b: {  	s0 =	sand.u32 $0x1, s1  }
0x8c: {  	s11 =	sshll.u32 s0, $0xA;
	s2 =	sadd.s32 s3, s2  }
0x8d: {  	s2 =	sadd.s32 s2, s11  }
0x8e: {  	[smem:$0x3FBB] =	sst s2  }
0x8f: {  	_ = 	snop  }
0x90: {  	s2 =	sld [smem:$0x3FD0];
	_ =	sdelay $0x2  }
0x91: {  	s12 =	simm.s32 $0x11;
	s4 =	simm.s32 $0x10  }
0x92: {  	[smem:s4], [sflag:s12] =	dma.local [hbm:s2], $0x1  }
0x93: {  	_ =	swait.eq [sflag:s12], $0x1  }
0x94: {  	[sflag:s12] =	ssyncset.done $0x0  }
0x95: {  	[sflag:s12] =	ssyncadd.s32 $0xFFFFFFFF  }
0x96: {  	s3 =	sld [smem:$0x10];
	(tm) =	ssettm $0x1  }
0x97: {  	s13 =	sld [smem:$0x3FFB];
	_ =	sdelay $0x3  }
0x98: {  	_ =	strace s13  }
0x99: {  	s2 =	sld [smem:$0x3FFC];
	_ =	sdelay $0x3  }
0x9a: {  	_ =	strace s2  }
0x9b: {  	s2 =	sld [smem:$0x3FFD];
	_ =	sdelay $0x3  }
0x9c: {  	_ =	strace s2  }
0x9d: {  	_ =	strace $0x8FFFFFFF  }
0x9e: {  	s14 =	sld [smem:$0x3FDB];
	_ =	sdelay $0x1  }
0x9f: {  	s15 =	simm.s32 $_scs_section_size  }
0xa0: {  	s5 =	simm.s32 $_size__tile_overlayer_lowered;
	s6 =	simm.s32 $_tile_overlayer_lowered  }
0xa1: {  	s19 =	simm.s32 $0x1BFF;
	s17 =	sshll.u32 s6, $0x1;
	s7 =	sadd.s32 s15, s14  }
0xa2: {  	s20 =	simm.s32 $0x0;
	s16 =	sshll.u32 s5, $0x1;
	s18 =	sadd.s32 s17, s7  }
0xa3: {  	[timem:s20], [sflag:s19] =	dma.local [hbm:s18], s16  }
0xa4: {  	_ =	swait.ge [sflag:s19], s16  }
0xa5: {  	s4 =	ssub.s32 $0x0, s16;
	[sflag:s19] =	ssyncset.done $0x0  }
0xa6: {  	[sflag:s19] =	ssyncadd.s32 s4;
	_ =	sdelay $0x1  }
0xa7: {  	s21 =	simm.s32 $0x1B8B  }
0xa8: {  	_ =	swait.ge [sflag:s21], $0x1  }
0xa9: {  	[sflag:s21] =	ssyncset.done $0x0  }
0xaa: {  	[sflag:s21] =	ssyncadd.s32 $0xFFFFFFFF  }
0xab: {  	s4 =	sld [smem:$0x0]  }
0xac: {  	s5 =	sand.u32 $0xFFFFFFFE, s1  }
0xad: {  	p0 =	sne.s32 s1, s5  }
0xae: {  	s5 =	sshll.u32 @p0 s5, $0xE  }
0xaf: {  	s6 =	sadd.s32 @p0 $0x11B8D, s5;
	s8 =	sshll.u32 @p0 s4, $0x11  }
0xb0: {  	s6 =	sor.u32 @p0 s8, s6  }
0xb1: {  	[sflag:s6] =	ssyncadd.remote.s32 @p0 $0x1;
	_ =	sdelay $0x1  }
0xb2: {  	s6 =	simm.s32 @p0 $0x1B8D  }
0xb3: {  	_ =	swait.eq @p0 [sflag:s6], $0x1  }
0xb4: {  	[sflag:s6] =	ssyncadd.s32 @p0 $0xFFFFFFFF  }
0xb5: {  	s8 =	sshll.u32 @!p0 s1, $0xE  }
0xb6: {  	s8 =	sor.u32 @!p0 $0x4000, s8;
	s6 =	simm.s32 @!p0 $0x1B8D  }
0xb7: {  	s10 =	sshll.u32 @!p0 s4, $0x11;
	s9 =	sadd.s32 @!p0 $0x11B8D, s8;
	_ =	swait.eq @!p0 [sflag:s6], $0x1  }
0xb8: {  	[sflag:s6] =	ssyncadd.s32 @!p0 $0xFFFFFFFF;
	s6 =	sor.u32 @!p0 s10, s9  }
0xb9: {  	s23 =	simm.s32 $0x1B8E;
	s22 =	sld [smem:$0x3FFE];
	[sflag:s6] =	ssyncadd.remote.s32 @!p0 $0x1  }
0xba: {  	s24 =	simm.s32 $execute0_lowered;
	[smem:$0x3FD2] =	sst s23  }
0xbb: {  	s9 =	sshll.u32 s24, $0x1;
	_ =	strace $0x8000005B;
	[dreg:$0x1] =	wrdreg $0xFFFFFFFF  }
0xbc: {  	s25 =	simm.s32 $_size_execute0_lowered;
	s9 =	sadd.s32 s7, s9;
	[dreg:$0x0] =	wrdreg $0x0  }
0xbd: {  	s10 =	sshll.u32 s25, $0x1;
	[dreg:$0x2] =	wrdreg s9  }
0xbe: {  	[dreg:$0x3] =	wrdreg s10  }
0xbf: {  	[dreg:$0x4] =	wrdreg $0xC0  }
0xc0: {  	s26 =	simm.s32 $execute1_lowered;
	_ =	task [dreg:s20], $0x5FFFF  }
0xc1: {  	s9 =	sshll.u32 s26, $0x1;
	[dreg:$0x1] =	wrdreg $0xFFFFFFFF  }
0xc2: {  	s7 =	sadd.s32 s7, s9;
	[dreg:$0x0] =	wrdreg $0x60  }
0xc3: {  	[dreg:$0x2] =	wrdreg s7  }
0xc4: {  	[dreg:$0x3] =	wrdreg s22  }
0xc5: {  	[dreg:$0x4] =	wrdreg $0xD  }
0xc6: {  	_ =	task.clear_ibuf [dreg:s20], $0x5FFFF;
	_ =	strace $0x9000005B  }
0xc7: {  	s28 =	simm.s32 $0xD;
	_ =	strace $0x8000005D  }
0xc8: {  	_ =	swait.ge [sflag:s28], $0x1  }
0xc9: {  	[sflag:s28] =	ssyncadd.s32 $0xFFFFFFFF  }
0xca: {  	_ =	strace $0x9000005D  }
0xcb: {  	s7 =	sld [smem:$0x0];
	_ =	sdelay $0x3  }
0xcc: {  	s5 =	sadd.s32 @p0 $0x11BF3, s5;
	s9 =	sshll.u32 @p0 s7, $0x11  }
0xcd: {  	s5 =	sor.u32 @p0 s9, s5  }
0xce: {  	[sflag:s5] =	ssyncadd.remote.s32 @p0 $0x1;
	_ =	sdelay $0x1  }
0xcf: {  	s5 =	simm.s32 @p0 $0x1BF3  }
0xd0: {  	_ =	swait.eq @p0 [sflag:s5], $0x1  }
0xd1: {  	[sflag:s5] =	ssyncadd.s32 @p0 $0xFFFFFFFF;
	_ =	sdelay $0x1  }
0xd2: {  	s5 =	simm.s32 @!p0 $0x1BF3  }
0xd3: {  	s8 =	sadd.s32 @!p0 $0x11BF3, s8;
	s7 =	sshll.u32 @!p0 s7, $0x11;
	_ =	swait.eq @!p0 [sflag:s5], $0x1  }
0xd4: {  	[sflag:s5] =	ssyncadd.s32 @!p0 $0xFFFFFFFF;
	s5 =	sor.u32 @!p0 s7, s8  }
0xd5: {  	[sflag:s5] =	ssyncadd.remote.s32 @!p0 $0x1  }
0xd6: {  	_ =	strace $0x8000005E;
	[dreg:$0x1] =	wrdreg $0xFFFFFFFF  }
0xd7: {  	[dreg:$0x0] =	wrdreg $0x2030  }
0xd8: {  	[dreg:$0x2] =	wrdreg s22  }
0xd9: {  	[dreg:$0x3] =	wrdreg s3  }
0xda: {  	[dreg:$0x4] =	wrdreg s1  }
0xdb: {  	[dreg:$0x5] =	wrdreg s4  }
0xdc: {  	[dreg:$0x6] =	wrdreg $0xE  }
0xdd: {  	_ =	task.clear_ibuf [dreg:s20], $0x7FFFF;
	_ =	strace $0x9000005E  }
0xde: {  	s29 =	simm.s32 $0xE;
	_ =	strace $0x80000060  }
0xdf: {  	_ =	swait.ge [sflag:s29], $0x1  }
0xe0: {  	[sflag:s29] =	ssyncadd.s32 $0xFFFFFFFF  }
0xe1: {  	_ =	strace $0x90000060  }
0xe2: {  	_ =	sfence  }
0xe3: {  	s30 =	sld [smem:$0x0];
	_ =	sdelay $0x2  }
0xe4: {  	s31 =	sshll.u32 s1, $0xD;
	s1 =	sshrl.u32 s1, $0x2  }
0xe5: {  	s4 =	sand.u32 $0x4000, s31;
	s1 =	sadd.s32 s1, s30  }
0xe6: {  	s0 =	sor.u32 s4, s0;
	s1 =	sshll.u32 s1, $0x11  }
0xe7: {  	s0 =	sor.u32 s1, s0  }
0xe8: {  	s0 =	sadd.s32 $0x8F2B, s0  }
0xe9: {  	[sflag:s0] =	ssyncadd.remote.s32 $0x1  }
0xea: {  	_ =	sfence.sel $0xFFFF  }
0xeb: {  	[dreg:$0x0] =	wrdreg $0xFFFFFFFF;
	(pc) =	sbr.abs _section_cstart, $3  }
0xec: {  	[dreg:$0x1] =	wrdreg $0xFFFFFFFF  }
0xed: {  	_ =	task.clear_ibuf [dreg:s20], $0x2FFFF;
	_ =	strace $0x9FFFFFFF  }
0xee: {  	(tm) =	ssettm $0x7FFFFFFF  }
0xef: {  	_ =	shalt  }
tec
execute0_lowered:
.L_overlay_start_1:
0x0: {  	(tag) =	ssettag $0x1  }
0x1: {  	s2 =	rddreg [dreg:$0x0]  }
0x2: {  	s5 =	rddreg [dreg:$0x1]  }
0x3: {  	s0 =	rddreg [dreg:$0x2];
	s3 =	stileid.u32;
	[bflag:$0x3] =	sbarrier.arrive $0xFFFF  }
0x4: {  	s1 =	simm.s32 $_size_execute1_lowered;
	s29 =	srdreg.scid;
	s31 =	simm.s32 $0x2  }
0x5: {  	s13 =	simm.s32 $0x0;
	s8 =	simm.s32 $0x40;
	p0 =	sne.s32 s3, $0x0  }
0x6: {  	s1 =	sshll.u32 s1, $0x1;
	s4 =	simm.s32 @!p0 $0x1C3F;
	s6 =	simm.s32 @!p0 $0x4060  }
0x7: {  	[timem:s6], [sflag:s4] =	dma.local @!p0 [hbm:s2], s1  }
0x8: {  	s9 =	simm.s32 $0x80;
	s11 =	simm.s32 $0x0;
	s2 =	sshll.u32 s29, $0x8  }
.Ltmp0:
0x9: {  	s3 =	sshll.u32 s3, $0x9;
	s30 =	sand.u32 $0x100, s2;
	(pc) =	sbr.rel .LBB2_1-.Ltmp0, $4  }
0xa: {  	s12 =	simm.s32 $0x0;
	_ =	strace $0x8000005C;
	s3 =	sor.u32 s3, s30  }
0xb: {  	s4 =	simm.s32 $0x1;
	s2 =	sadd.s32 $0x9F6200, s5;
	s7 =	ssub.s32 $0x2700, s3  }
0xc: {  	s5 =	sadd.s32 $0xA4E400, s5;
	[sflag:s4] =	ssyncpa.u1 $0x0;
	s6 =	sshrl.u32 s7, $0xD  }
0xd: {  	[sflag:s31] =	ssyncpa.u1 $0x0;
	s10 =	smov.u32 s3;
	s7 =	sor.u32 $0x2, s6  }
.LBB2_5:
0xe: {  	_ =	sdelay $0x3  }
0xf: {  	[tilespmem:v3+s18+$0x0 ss:$0x1] =	vst.idx.msk $0xffff, v1  }
0x10: {  	[tilespmem:v3+s17+$0x0 ss:$0x1] =	vst.idx.msk $0xffff, v2  }
0x11: {  	[tilespmem:v3+s16+$0x0 ss:$0x1] =	vst.idx.msk $0xffff, v4  }
0x12: {  	[tilespmem:v3+s19+$0x0 ss:$0x1] =	vst.idx.msk $0xffff, v5  }
.LBB2_6:
0x13: {  	s16 =	sand.u32 $0x1FFFFFF, s11  }
0x14: {  	s17 =	smulhi.u32 $0x1A36E2F, s16;
	_ =	sdelay $0x1  }
0x15: {  	s17 =	sshrl.u32 s17, $0x6  }
0x16: {  	s17 =	smul.u32 $0x2710, s17;
	_ =	sdelay $0x1  }
0x17: {  	s16 =	ssub.s32 s16, s17  }
0x18: {  	s16 =	sshll.u32 s16, $0x4  }
0x19: {  	s16 =	sadd.s32 s5, s16  }
0x1a: {  	[hbm4b:s16+s8] =	stream.strided.scatter [tilespmem:s15], [sflag:$0x2], s14, s9, s8, $0x38;
	[tilespmem:$0x10000] =	vst v63  }
.LBB2_7:
0x1b: {  	p1 =	slt.u32 s12, $0x2  }
0x1c: {  	p2 =	sgt.s32 @!p1 s13, $0x2610  }
0x1d: {  	s14 =	smov.u32 s13;
	s15 =	sshra.s32 @!p1 s13, $0x1F;
	p2 =	por !p2, p1  }
0x1e: {  	s13 =	sand.u32 @!p1 s15, s13;
	s14 =	simm.s32 @p2 $0x2610  }
0x1f: {  	s13 =	ssub.s32 @!p1 s14, s13  }
0x20: {  	s13 =	sadd.s32 @!p1 $0xFFFFD9F0, s13  }
0x21: {  	s14 =	sshll.u32 @!p1 s13, $0x8  }
0x22: {  	p2 =	sgt.s32 @!p1 s13, $0xFF;
	s13 =	ssub.s32 @!p1 $0x10000, s14  }
0x23: {  	s15 =	sadd.s32 $0x2000, s10;
	p2 =	por !p2, p1;
	s13 =	sshrl.u32 @!p1 s13, $0x2  }
0x24: {  	s13 =	simm.s32 @!p2 $0x0;
	p2 =	sgt.s32 s15, $0x270F  }
0x25: {  	s15 =	smov.u32 @p2 s3;
	p2 =	sne.s32 s12, s7  }
.Ltmp1:
0x26: {  	_ = 	snop;
	(pc) =	sbr.rel @!p2 .LBB2_8-.Ltmp1, $4  }
0x27: {  	s14 =	simm.s32 @!p1 $0x2  }
0x28: {  	_ =	swait.ge @!p1 [sflag:s14], s13;
	s16 =	ssub.s32 @!p1 $0x0, s13  }
0x29: {  	s13 =	smov.u32 s11;
	s12 =	sadd.s32 $0x1, s12;
	[sflag:s14] =	ssyncset.done @!p1 $0x0  }
0x2a: {  	s11 =	smov.u32 s10;
	s10 =	smov.u32 s15;
	[sflag:s14] =	ssyncadd.s32 @!p1 s16  }
.LBB2_1:
0x2b: {  	p1 =	sgt.u32 s12, s6  }
0x2c: {  	s15 =	smov.u32 s10;
	p2 =	sgt.s32 @!p1 s10, $0x2610  }
0x2d: {  	s14 =	sand.u32 @!p1 $0x1FFFFFF, s10;
	s16 =	sshra.s32 @!p1 s10, $0x1F;
	p2 =	por !p2, p1  }
0x2e: {  	s17 =	smulhi.u32 @!p1 $0x1A36E2F, s14;
	s16 =	sand.u32 @!p1 s16, s10;
	s15 =	simm.s32 @p2 $0x2610  }
0x2f: {  	s15 =	ssub.s32 @!p1 s15, s16  }
0x30: {  	s16 =	sshrl.u32 @!p1 s17, $0x6;
	s15 =	sadd.s32 @!p1 $0xFFFFD9F0, s15  }
0x31: {  	s17 =	sxor.u32 @!p1 $0xFFFFFFFF, s12;
	s16 =	smul.u32 @!p1 $0x2710, s16;
	s18 =	sshll.u32 @!p1 s15, $0x8  }
0x32: {  	s17 =	sshll.u32 @!p1 s17, $0xE;
	p2 =	sgt.s32 @!p1 s15, $0xFF;
	s15 =	ssub.s32 @!p1 $0x10000, s18  }
0x33: {  	s14 =	ssub.s32 @!p1 s14, s16;
	p2 =	por !p2, p1;
	s16 =	sand.u32 @!p1 $0x4000, s17  }
0x34: {  	s17 =	simm.s32 @!p1 $0x40;
	s15 =	sshrl.u32 @!p1 s15, $0x2;
	s14 =	sshll.u32 @!p1 s14, $0x4  }
0x35: {  	s18 =	simm.s32 @!p1 $0x80;
	s15 =	simm.s32 @!p2 $0x0;
	s14 =	sadd.s32 @!p1 s2, s14  }
0x36: {  	[tilespmem:s16], [sflag:$0x1] =	stream.strided.gather @!p1 [hbm4b:s14+s17], s15, s18, s17, $0x38;
	[tilespmem:$0x10000] =	vst v63  }
0x37: {  	p1 =	seq.s32 s12, $0x0  }
0x38: {  	p2 =	sge.u32 @!p1 s12, s7  }
0x39: {  	p1 =	por p1, p2  }
.Ltmp2:
0x3a: {  	_ = 	snop;
	(pc) =	sbr.rel @p1 .LBB2_7-.Ltmp2, $1  }
0x3b: {  	_ =	sdelay $0x3  }
0x3c: {  	p1 =	sgt.s32 s11, $0x2610;
	s14 =	smov.u32 s11;
	s15 =	sshra.s32 s11, $0x1F  }
0x3d: {  	s14 =	simm.s32 @!p1 $0x2610;
	s15 =	sand.u32 s15, s11  }
0x3e: {  	s14 =	ssub.s32 s14, s15  }
0x3f: {  	s14 =	sadd.s32 $0xFFFFD9F0, s14  }
0x40: {  	s31 =	sshll.u32 s14, $0x8  }
0x41: {  	s15 =	ssub.s32 $0x10000, s31  }
0x42: {  	p1 =	sgt.s32 s14, $0xFF;
	s14 =	sshrl.u32 s15, $0x2;
	s15 =	sadd.s32 $0x100, s11  }
0x43: {  	s14 =	simm.s32 @p1 $0x0;
	p1 =	slt.s32 s15, $0x2710  }
0x44: {  	s15 =	simm.s32 @!p1 $0x2710  }
0x45: {  	s20 =	ssub.s32 s15, s11  }
0x46: {  	p1 =	slt.s32 s20, $0x1  }
.Ltmp3:
0x47: {  	_ = 	snop;
	(pc) =	sbr.rel @p1 .LBB2_6-.Ltmp3, $4  }
0x48: {  	_ = 	snop  }
0x49: {  	s16 =	sshll.u32 s12, $0xE;
	_ =	swait.ge [sflag:s4], s14  }
0x4a: {  	s16 =	sand.u32 $0x4000, s16;
	s17 =	ssub.s32 $0x0, s14;
	[sflag:s4] =	ssyncset.done $0x0  }
0x4b: {  	s15 =	sor.u32 $0x8000, s16;
	[sflag:s4] =	ssyncadd.s32 s17  }
0x4c: {  	v0 =	vmov s16;
	_ =	sdelay $0x2  }
0x4d: {  	s31 =	simm.s32 $0x0;
	p1 =	sne.s32 s20, $0x1  }
.Ltmp4:
0x4e: {  	s18 =	sand.u32 $0x3FC0, s31;
	(pc) =	sbr.rel @!p1 .LBB2_5-.Ltmp4, $4  }
0x4f: {  	s17 =	sor.u32 $0x30, s18;
	v1 =	vld.idx.msk [tilespmem:v0+s18+$0x0 ss:$0x1], $0xffff  }
0x50: {  	v3 =	vmov s15;
	s16 =	sor.u32 $0x10, s18;
	v2 =	vld.idx.msk [tilespmem:v0+s17+$0x0 ss:$0x1], $0xffff  }
0x51: {  	s19 =	sor.u32 $0x20, s18;
	v4 =	vld.idx.msk [tilespmem:v0+s16+$0x0 ss:$0x1], $0xffff  }
0x52: {  	s20 =	sadd.s32 $0xFFFFFFFF, s20;
	s21 =	simm.s32 $0x40;
	v5 =	vld.idx.msk [tilespmem:v0+s19+$0x0 ss:$0x1], $0xffff  }
.LBB2_4:
0x53: {  	s22 =	sand.u32 $0x3FC0, s21  }
0x54: {  	p1 =	sne.s32 s20, $0x1;
	s20 =	sadd.s32 $0xFFFFFFFF, s20;
	s23 =	sor.u32 $0x10, s22  }
.Ltmp5:
0x55: {  	s24 =	sor.u32 $0x20, s22;
	s25 =	sor.u32 $0x30, s22;
	[tilespmem:v3+s18+$0x0 ss:$0x1] =	vst.idx.msk $0xffff, v1;
	v1 =	vld.idx.msk [tilespmem:v0+s22+$0x0 ss:$0x1], $0xffff;
	(pc) =	sbr.rel @p1 .LBB2_4-.Ltmp5, $4  }
0x56: {  	s18 =	smov.u32 s22;
	[tilespmem:v3+s17+$0x0 ss:$0x1] =	vst.idx.msk $0xffff, v2;
	v2 =	vld.idx.msk [tilespmem:v0+s25+$0x0 ss:$0x1], $0xffff;
	s17 =	smov.u32 s25  }
0x57: {  	[tilespmem:v3+s16+$0x0 ss:$0x1] =	vst.idx.msk $0xffff, v4;
	v4 =	vld.idx.msk [tilespmem:v0+s23+$0x0 ss:$0x1], $0xffff;
	s16 =	smov.u32 s23  }
0x58: {  	[tilespmem:v3+s19+$0x0 ss:$0x1] =	vst.idx.msk $0xffff, v5;
	v5 =	vld.idx.msk [tilespmem:v0+s24+$0x0 ss:$0x1], $0xffff;
	s19 =	smov.u32 s24  }
0x59: {  	s21 =	sadd.s32 $0x40, s21  }
.Ltmp6:
0x5a: {  	_ = 	snop;
	(pc) =	sbr.rel .LBB2_5-.Ltmp6, $1  }
0x5b: {  	_ =	sdelay $0x3  }
.LBB2_8:
0x5c: {  	_ =	sfence.sel $0x180000  }
0x5d: {  	s2 =	simm.s32 $0x1;
	[bflag:$0x0] =	sbarrier.arrive $0xFFFF  }
0x5e: {  	s31 =	simm.s32 $0x2;
	[sflag:s2] =	ssyncpa.u1 $0x1  }
0x5f: {  	[sflag:s31] =	ssyncpa.u1 $0x1  }
0x60: {  	_ =	strace $0x9000005C  }
0x61: {  	s0 =	sadd.s32 @!p0 $0x100000, s0;
	[bflag:$0x2] =	sbarrier.arrive $0xFFFF  }
0x62: {  	[sflag:s0] =	ssyncadd.tile.s32 @!p0 $0x1;
	s0 =	simm.s32 @!p0 $0x3F  }
0x63: {  	_ =	swait.ge @!p0 [sflag:s0], s1  }
0x64: {  	s1 =	ssub.s32 @!p0 $0x0, s1;
	[sflag:s0] =	ssyncset.done @!p0 $0x0  }
0x65: {  	[sflag:s0] =	ssyncadd.s32 @!p0 s1  }
0x66: {  	[bflag:$0x3] =	sbarrier.arrive $0xFFFF  }
0x67: {  	_ =	shalt  }
.Lfunc_end2:
execute1_lowered:
.L_overlay_start_2:
0x68: {  	(tag) =	ssettag $0x2  }
0x69: {  	s2 =	rddreg [dreg:$0x0]  }
0x6a: {  	s0 =	rddreg [dreg:$0x1]  }
0x6b: {  	s4 =	rddreg [dreg:$0x2];
	_ =	strace $0x8000005F;
	s1 =	simm.s32 $0x1  }
0x6c: {  	s3 =	simm.s32 $0x88;
	v0 =	vimm.s32 $0x0;
	[sflag:s1] =	ssyncpa.u1 $0x0  }
0x6d: {  	[tilespmem:s3+$0x30] =	vst v0  }
0x6e: {  	s1 =	sadd.s32 $0xA4E400, s2;
	s6 =	sadd.s32 $0x18AFE00, s2;
	[tilespmem:s3+$0x20] =	vst v0  }
0x6f: {  	s2 =	sadd.s32 $0xA44600, s2;
	s7 =	sand.u32 $0x1, s4;
	s4 =	simm.s32 $0x40;
	[tilespmem:s3+$0x10] =	vst v0  }
.LBB3_1:
0x70: {  	s4 =	sadd.s32 $0x40, s4  }
0x71: {  	[tilespmem:s3+$0x0] =	vst v0;
	s3 =	sadd.s32 $0x40, s3;
	p0 =	slt.u32 s4, $0x5040  }
.Ltmp7:
0x72: {  	(pc) =	sbr.rel @p0 .LBB3_1-.Ltmp7, $4  }
0x73: {  	_ = 	snop  }
0x74: {  	[tilespmem:s3+$0x30] =	vst v0  }
0x75: {  	[tilespmem:s3+$0x20] =	vst v0  }
0x76: {  	[tilespmem:s3+$0x10] =	vst v0  }
0x77: {  	s8 =	stileid.u32  }
0x78: {  	s4 =	smul.u32 $0x1F, s8  }
0x79: {  	s5 =	smin.u32 s8, $0x4  }
0x7a: {  	s4 =	sadd.s32 s5, s4  }
0x7b: {  	p0 =	slt.u32 s8, $0x4;
	s12 =	smul.u32 $0x140, s4;
	s4 =	simm.s32 $0x2800  }
0x7c: {  	s4 =	simm.s32 @!p0 $0x26C0  }
0x7d: {  	s25 =	simm.s32 $0x2;
	s4 =	sadd.s32 s4, s12  }
0x7e: {  	s28 =	simm.s32 $0x9;
	s9 =	simm.s32 $0xA;
	s14 =	smin.u32 s4, $0x27100  }
0x7f: {  	s30 =	simm.s32 $0xB;
	[dreg:$0x5] =	wrdreg s7;
	s4 =	ssub.s32 s14, s12  }
0x80: {  	s31 =	smul.u32 $0x4E20, s7;
	s13 =	simm.s32 $0x1;
	p0 =	sgt.s32 s4, $0x0  }
0x81: {  	s19 =	simm.s32 $0x0;
	s20 =	simm.s32 $0xA808;
	s4 =	simm.s32 @!p0 $0x0  }
0x82: {  	s21 =	simm.s32 $0xFFFFFFFF;
	p1 =	por $0x0, $0x0;
	s26 =	smulhi.u32 $0x66666667, s4  }
0x83: {  	[tilespmem:s3+$0x0] =	vst v0;
	s23 =	simm.s32 $0x0;
	[sflag:s25] =	ssyncpa.u1 $0x0;
	s18 =	sshll.u32 s8, $0x7  }
0x84: {  	s0 =	sadd.s32 s31, s0;
	[dreg:$0xb] =	wrdreg s18;
	s3 =	sshrl.u32 s26, $0x7  }
0x85: {  	v0 =	vimm.s32 $0xFFFFFFFF;
	s17 =	sadd.s32 s31, s2;
	[dreg:$0xa] =	wrdreg s0;
	s29 =	smul.u32 $0x140, s3  }
0x86: {  	s25 =	simm.s32 $0x0;
	[tilespmem:$0xA108] =	vst v0;
	[sflag:s28] =	ssyncpa.u1 $0x0;
	[dreg:$0x9] =	wrdreg s17  }
.Ltmp8:
0x87: {  	p0 =	sne.s32 s4, s29;
	s4 =	simm.s32 $0x1;
	(pc) =	sbr.rel .LBB3_3-.Ltmp8, $4  }
0x88: {  	[sflag:s9] =	ssyncpa.u1 $0x0;
	[dreg:$0x6] =	wrdreg s12;
	s4 =	simm.s32 @!p0 $0x0  }
0x89: {  	[sflag:s30] =	ssyncpa.u1 $0x0;
	[dreg:$0x7] =	wrdreg s14;
	s15 =	sadd.s32 s4, s3  }
0x8a: {  	s24 =	smov.u32 s12;
	s22 =	sadd.s32 $0x1, s15;
	[dreg:$0x8] =	wrdreg s15  }
0x8b: {  	v0 =	vlaneseq.u32;
	s26 =	simm.s32 $0x0;
	p0 =	por $0x1, $0x1;
	[dreg:$0xc] =	wrdreg s22  }
.LBB3_22:
0x8c: {  	s0 =	sshrl.u32 s3, $0x2  }
.LBB3_24:
0x8d: {  	s3 =	simm.s32 $0xC  }
0x8e: {  	_ =	swait.ge [sflag:s3], s0  }
0x8f: {  	s31 =	ssub.s32 $0x0, s0;
	v1 =	vmov s4;
	vm0 =	veq.s32 v0, $0x0;
	[sflag:s3] =	ssyncset.done $0x0  }
0x90: {  	vm15 =	veq.s32 v0, $0x2;
	v1 =	vsel vm0, s2, v1;
	[sflag:s3] =	ssyncadd.s32 s31  }
0x91: {  	v1 =	vsel vm15, s26, v1;
	[sflag:s3] =	ssyncpa.u1 $0x1  }
0x92: {  	[tilespmem:$0xA108] =	vst v1  }
.LBB3_25:
0x93: {  	s0 =	sadd.s32 $0x140, s24  }
0x94: {  	s2 =	smov.u32 s12;
	p2 =	slt.s32 s0, s14  }
0x95: {  	s2 =	smov.u32 @p2 s0;
	p2 =	sne.s32 s25, s22  }
.Ltmp9:
0x96: {  	_ = 	snop;
	(pc) =	sbr.rel @!p2 .LBB3_26-.Ltmp9, $4  }
0x97: {  	_ = 	snop  }
0x98: {  	s26 =	smov.u32 s23;
	s31 =	sadd.s32 $0x1, s25;
	p0 =	por !p0, !p0  }
0x99: {  	s23 =	smov.u32 s24;
	s20 =	sadd.s32 $0x140, s20;
	s21 =	sadd.s32 $0x1, s21  }
0x9a: {  	p1 =	por !p1, !p1;
	s25 =	smov.u32 s31;
	s24 =	smov.u32 s2  }
.LBB3_3:
0x9b: {  	p2 =	sge.u32 s25, s15  }
0x9c: {  	s0 =	smulhi.u32 @!p2 $0xAAAAAAAB, s25  }
0x9d: {  	s2 =	smov.u32 s24;
	p3 =	sgt.s32 @!p2 s24, $0x26FC0  }
0x9e: {  	s3 =	sshra.s32 @!p2 s24, $0x1F;
	p3 =	por !p3, p2;
	s0 =	sshrl.u32 @!p2 s0, $0x1  }
0x9f: {  	s3 =	sand.u32 @!p2 s3, s24;
	s2 =	simm.s32 @p3 $0x26FC0;
	s0 =	smul.u32 @!p2 $0x3, s0  }
0xa0: {  	s2 =	ssub.s32 @!p2 s2, s3  }
0xa1: {  	s2 =	sadd.s32 @!p2 $0xFFFD9040, s2;
	s0 =	ssub.s32 @!p2 s25, s0  }
0xa2: {  	s3 =	sshll.u32 @!p2 s2, $0x2;
	p3 =	sgt.s32 @!p2 s2, $0x13F;
	s0 =	smul.u32 @!p2 $0x500, s0  }
0xa3: {  	s4 =	sand.u32 @!p2 $0x7, s24;
	s2 =	ssub.s32 @!p2 $0x500, s3;
	p3 =	por !p3, p2  }
0xa4: {  	s3 =	sshrl.u32 @!p2 s24, $0x3;
	s2 =	sshrl.u32 @!p2 s2, $0x2;
	s0 =	sshrl.u32 @!p2 s0, $0x2  }
0xa5: {  	s3 =	sadd.s32 @!p2 s3, s17;
	s2 =	simm.s32 @!p3 $0x0;
	s0 =	sadd.s32 @!p2 $0xA948, s0  }
0xa6: {  	[tilespmem:s0], [sflag:$0xA] =	stream.linear.gather @!p2 [hbm4b:s3+s4], s2, $0x38;
	[tilespmem:$0x1EF88] =	vst v63  }
0xa7: {  	s0 =	sadd.s32 $0xFFFFFFFF, s25  }
0xa8: {  	p2 =	sge.u32 s0, s15  }
.Ltmp10:
0xa9: {  	_ = 	snop;
	(pc) =	sbr.rel @p2 .LBB3_7-.Ltmp10, $1  }
0xaa: {  	_ =	sdelay $0x3  }
0xab: {  	p2 =	sgt.s32 s23, $0x26FC0;
	s2 =	smov.u32 s23;
	s3 =	sshra.s32 s23, $0x1F  }
0xac: {  	s2 =	simm.s32 @!p2 $0x26FC0;
	s3 =	sand.u32 s3, s23  }
0xad: {  	s17 =	smulhi.u32 $0xAAAAAAAB, s21;
	s2 =	ssub.s32 s2, s3  }
0xae: {  	s0 =	sand.u32 $0x1, s0;
	s2 =	sadd.s32 $0xFFFD9040, s2  }
0xaf: {  	s5 =	simm.s32 $0xA;
	s3 =	sshrl.u32 s17, $0x1;
	s4 =	sshll.u32 s2, $0x2  }
0xb0: {  	s7 =	sshrl.u32 s23, $0x3;
	s3 =	smul.u32 $0xFFFFF100, s3;
	s4 =	ssub.s32 $0x500, s4  }
0xb1: {  	s18 =	smul.u32 $0x500, s0;
	p2 =	sgt.s32 s2, $0x13F;
	s2 =	sshrl.u32 s4, $0x2  }
0xb2: {  	s9 =	sand.u32 $0x7, s23;
	s3 =	sshra.s32 s3, $0x2;
	s2 =	simm.s32 @p2 $0x0  }
0xb3: {  	s0 =	sadd.s32 s3, s20;
	s4 =	sshrl.u32 s18, $0x2;
	_ =	swait.ge [sflag:s5], s2  }
0xb4: {  	s22 =	ssub.s32 $0x0, s2;
	[sflag:s5] =	ssyncset.done $0x0;
	s8 =	rddreg [dreg:$0xa]  }
0xb5: {  	s4 =	sadd.s32 $0xAD08, s4;
	[sflag:s5] =	ssyncadd.s32 s22;
	s3 =	sadd.s32 s7, s8  }
0xb6: {  	[tilespmem:s4], [sflag:$0xB] =	stream.linear.gather [hbm4b:s3+s9], s2, $0x38;
	[tilespmem:$0x1EF88] =	vst v63  }
0xb7: {  	v1 =	vld.msk [tilespmem:s0+$0x0], $0xffff;
	_ =	sdelay $0x4  }
0xb8: {  	v1 =	vshll.u32 v1, $0x4  }
0xb9: {  	(v2sf) =	vpush v1, $0x0  }
0xba: {  	(v2sf) =	vpush v1, $0x1  }
0xbb: {  	(v2sf) =	vpush v1, $0x2;
	_ =	sdelay $0x3  }
0xbc: {  	(v2sf) =	vpush v1, $0x3;
	_ =	sdelay $0x1  }
0xbd: {  	(v2sf) =	vpush v1, $0x4  }
0xbe: {  	s2 =	simm.s32 $0x1;
	(v2sf) =	vpush v1, $0x5  }
0xbf: {  	s2 =	simm.s32 @!p0 $0x0  }
0xc0: {  	s2 =	smul.u32 $0x28000, s2;
	(v2sf) =	vpush v1, $0x6;
	_ =	sdelay $0x1  }
0xc1: {  	s2 =	sshrl.u32 s2, $0x2  }
0xc2: {  	s28 =	sadd.s32 $0xB708, s2  }
0xc3: {  	s12 =	sadd.s32 $0xFFFFF880, s28;
	s17 =	sadd.s32 $0xFFFFF900, s28;
	s10 =	spop (v2sf);
	(v2sf) =	vpush v1, $0x7  }
0xc4: {  	s18 =	sadd.s32 $0xFFFFF980, s28;
	s11 =	sand.u32 $0x1FFFFFF0, s10;
	s14 =	spop (v2sf)  }
0xc5: {  	(v2sf) =	vpush v1, $0x8;
	s2 =	sadd.s32 s6, s11;
	s15 =	sand.u32 $0x1FFFFFF0, s14;
	s16 =	spop (v2sf)  }
0xc6: {  	[tilespmem:s12], [sflag:$0x9] =	stream.linear.gather [hbm4b:s2+s19], $0x40, $0x38;
	[tilespmem:$0x1EF88] =	vst v63  }
0xc7: {  	s5 =	sadd.s32 $0xFFFFFA00, s28;
	s2 =	sadd.s32 s6, s15;
	s3 =	sand.u32 $0x1FFFFFF0, s16  }
0xc8: {  	(v2sf) =	vpush v1, $0x9;
	[tilespmem:s17], [sflag:$0x9] =	stream.linear.gather [hbm4b:s2+s19], $0x40, $0x38;
	[tilespmem:$0x1EF88] =	vst v63  }
0xc9: {  	s7 =	sadd.s32 $0xFFFFFA80, s28;
	s22 =	spop (v2sf);
	s3 =	sadd.s32 s6, s3  }
0xca: {  	(v2sf) =	vpush v1, $0xA;
	[tilespmem:s18], [sflag:$0x9] =	stream.linear.gather [hbm4b:s3+s19], $0x40, $0x38;
	[tilespmem:$0x1EF88] =	vst v63  }
0xcb: {  	s11 =	sadd.s32 $0xFFFFFB00, s28;
	s4 =	spop (v2sf);
	(v2sf) =	vpush v1, $0xB;
	s3 =	sand.u32 $0x1FFFFFF0, s22  }
0xcc: {  	s8 =	spop (v2sf);
	s2 =	sadd.s32 s6, s3;
	s3 =	sand.u32 $0x1FFFFFF0, s4  }
0xcd: {  	(v2sf) =	vpush v1, $0xC;
	[tilespmem:s5], [sflag:$0x9] =	stream.linear.gather [hbm4b:s2+s19], $0x40, $0x38;
	[tilespmem:$0x1EF88] =	vst v63  }
0xce: {  	s9 =	sand.u32 $0x1FFFFFF0, s8;
	s10 =	spop (v2sf);
	s3 =	sadd.s32 s6, s3  }
0xcf: {  	(v2sf) =	vpush v1, $0xD;
	[tilespmem:s7], [sflag:$0x9] =	stream.linear.gather [hbm4b:s3+s19], $0x40, $0x38;
	[tilespmem:$0x1EF88] =	vst v63  }
0xd0: {  	s12 =	sadd.s32 $0xFFFFFB80, s28;
	s2 =	sadd.s32 s6, s9;
	s3 =	sand.u32 $0x1FFFFFF0, s10  }
0xd1: {  	[tilespmem:s11], [sflag:$0x9] =	stream.linear.gather [hbm4b:s2+s19], $0x40, $0x38;
	[tilespmem:$0x1EF88] =	vst v63  }
0xd2: {  	s17 =	sadd.s32 $0xFFFFFC00, s28;
	s3 =	sadd.s32 s6, s3;
	s14 =	spop (v2sf)  }
0xd3: {  	[tilespmem:s12], [sflag:$0x9] =	stream.linear.gather [hbm4b:s3+s19], $0x40, $0x38;
	(v2sf) =	vpush v1, $0xE;
	[tilespmem:$0x1EF88] =	vst v63  }
0xd4: {  	s18 =	sadd.s32 $0xFFFFFC80, s28;
	s15 =	sand.u32 $0x1FFFFFF0, s14;
	s16 =	spop (v2sf)  }
0xd5: {  	s5 =	sadd.s32 $0xFFFFFD00, s28;
	(v2sf) =	vpush v1, $0xF;
	s2 =	sadd.s32 s6, s15;
	s3 =	sand.u32 $0x1FFFFFF0, s16  }
0xd6: {  	[tilespmem:s17], [sflag:$0x9] =	stream.linear.gather [hbm4b:s2+s19], $0x40, $0x38;
	[tilespmem:$0x1EF88] =	vst v63  }
0xd7: {  	s7 =	sadd.s32 $0xFFFFFD80, s28;
	s22 =	spop (v2sf);
	s3 =	sadd.s32 s6, s3  }
0xd8: {  	[tilespmem:s18], [sflag:$0x9] =	stream.linear.gather [hbm4b:s3+s19], $0x40, $0x38;
	[tilespmem:$0x1EF88] =	vst v63  }
0xd9: {  	s11 =	sadd.s32 $0xFFFFFE00, s28;
	s4 =	spop (v2sf);
	s3 =	sand.u32 $0x1FFFFFF0, s22  }
0xda: {  	s8 =	spop (v2sf);
	s2 =	sadd.s32 s6, s3;
	s3 =	sand.u32 $0x1FFFFFF0, s4  }
0xdb: {  	[tilespmem:s5], [sflag:$0x9] =	stream.linear.gather [hbm4b:s2+s19], $0x40, $0x38;
	[tilespmem:$0x1EF88] =	vst v63  }
0xdc: {  	s9 =	sand.u32 $0x1FFFFFF0, s8;
	s10 =	spop (v2sf);
	s3 =	sadd.s32 s6, s3  }
0xdd: {  	[tilespmem:s7], [sflag:$0x9] =	stream.linear.gather [hbm4b:s3+s19], $0x40, $0x38;
	[tilespmem:$0x1EF88] =	vst v63  }
0xde: {  	s14 =	spop (v2sf);
	s2 =	sadd.s32 s6, s9;
	s3 =	sand.u32 $0x1FFFFFF0, s10  }
0xdf: {  	[tilespmem:s11], [sflag:$0x9] =	stream.linear.gather [hbm4b:s2+s19], $0x40, $0x38;
	[tilespmem:$0x1EF88] =	vst v63  }
0xe0: {  	s12 =	sadd.s32 $0xFFFFFE80, s28;
	s15 =	sand.u32 $0x1FFFFFF0, s14;
	s3 =	sadd.s32 s6, s3  }
0xe1: {  	[tilespmem:s12], [sflag:$0x9] =	stream.linear.gather [hbm4b:s3+s19], $0x40, $0x38;
	[tilespmem:$0x1EF88] =	vst v63  }
0xe2: {  	s17 =	sadd.s32 $0xFFFFFF00, s28;
	s2 =	sadd.s32 s6, s15;
	s16 =	spop (v2sf)  }
0xe3: {  	[tilespmem:s17], [sflag:$0x9] =	stream.linear.gather [hbm4b:s2+s19], $0x40, $0x38;
	[tilespmem:$0x1EF88] =	vst v63  }
0xe4: {  	s29 =	simm.s32 $0x0;
	s3 =	sand.u32 $0x1FFFFFF0, s16;
	s18 =	spop (v2sf)  }
0xe5: {  	s22 =	sadd.s32 $0xFFFFFF80, s28;
	s3 =	sadd.s32 s6, s3;
	s2 =	sand.u32 $0x1FFFFFF0, s18  }
0xe6: {  	[tilespmem:s22], [sflag:$0x9] =	stream.linear.gather [hbm4b:s3+s19], $0x40, $0x38;
	[tilespmem:$0x1EF88] =	vst v63  }
0xe7: {  	s31 =	sadd.s32 $0x10, s0;
	s30 =	sadd.s32 $0x800, s28;
	s2 =	sadd.s32 s6, s2  }
.LBB3_5:
0xe8: {  	[tilespmem:s28], [sflag:$0x9] =	stream.linear.gather [hbm4b:s2+s19], $0x40, $0x38;
	[tilespmem:$0x1EF88] =	vst v63  }
0xe9: {  	s29 =	sadd.s32 $0x10, s29;
	s28 =	smov.u32 s30  }
0xea: {  	p2 =	slt.u32 s29, $0x130;
	v1 =	vld.msk [tilespmem:s31+$0x0], $0xffff;
	_ =	sdelay $0x4  }
0xeb: {  	v1 =	vshll.u32 v1, $0x4  }
0xec: {  	(v2sf) =	vpush v1, $0x0  }
0xed: {  	(v2sf) =	vpush v1, $0x1  }
0xee: {  	(v2sf) =	vpush v1, $0x2;
	_ =	sdelay $0x1  }
0xef: {  	(v2sf) =	vpush v1, $0x3;
	_ =	sdelay $0x1  }
0xf0: {  	(v2sf) =	vpush v1, $0x4;
	_ =	sdelay $0x1  }
0xf1: {  	(v2sf) =	vpush v1, $0x5;
	_ =	sdelay $0x1  }
0xf2: {  	(v2sf) =	vpush v1, $0x6  }
0xf3: {  	s4 =	sadd.s32 $0xFFFFFE80, s30;
	s0 =	sadd.s32 $0xFFFFFF00, s30  }
0xf4: {  	s3 =	sadd.s32 $0xFFFFFD00, s30;
	s2 =	sadd.s32 $0xFFFFFD80, s30;
	s5 =	sadd.s32 $0xFFFFFE00, s30;
	(v2sf) =	vpush v1, $0x7  }
0xf5: {  	s10 =	sadd.s32 $0xFFFFFB80, s30;
	s9 =	sadd.s32 $0xFFFFFC00, s30;
	s16 =	sadd.s32 $0xFFFFFC80, s30  }
0xf6: {  	s11 =	sadd.s32 $0xFFFFFA00, s30;
	s12 =	sadd.s32 $0xFFFFFA80, s30;
	s15 =	sadd.s32 $0xFFFFFB00, s30;
	(v2sf) =	vpush v1, $0x8  }
0xf7: {  	s18 =	sadd.s32 $0xFFFFF900, s30;
	s7 =	sadd.s32 $0xFFFFF980, s30;
	s22 =	spop (v2sf)  }
0xf8: {  	s8 =	sadd.s32 $0xFFFFF880, s30;
	s22 =	sand.u32 $0x1FFFFFF0, s22;
	s14 =	spop (v2sf);
	(v2sf) =	vpush v1, $0x9  }
0xf9: {  	s22 =	sadd.s32 s6, s22;
	s14 =	sand.u32 $0x1FFFFFF0, s14;
	s17 =	spop (v2sf)  }
0xfa: {  	[tilespmem:s8], [sflag:$0x9] =	stream.linear.gather [hbm4b:s22+s19], $0x40, $0x38;
	(v2sf) =	vpush v1, $0xA;
	[tilespmem:$0x1EF88] =	vst v63  }
0xfb: {  	s8 =	sadd.s32 s6, s14;
	s14 =	sand.u32 $0x1FFFFFF0, s17;
	s17 =	spop (v2sf)  }
0xfc: {  	[tilespmem:s18], [sflag:$0x9] =	stream.linear.gather [hbm4b:s8+s19], $0x40, $0x38;
	(v2sf) =	vpush v1, $0xB;
	[tilespmem:$0x1EF88] =	vst v63  }
0xfd: {  	s8 =	sadd.s32 s6, s14;
	s14 =	sand.u32 $0x1FFFFFF0, s17;
	s17 =	spop (v2sf)  }
0xfe: {  	[tilespmem:s7], [sflag:$0x9] =	stream.linear.gather [hbm4b:s8+s19], $0x40, $0x38;
	(v2sf) =	vpush v1, $0xC;
	[tilespmem:$0x1EF88] =	vst v63  }
0xff: {  	s7 =	sadd.s32 s6, s14;
	s8 =	sand.u32 $0x1FFFFFF0, s17;
	s14 =	spop (v2sf)  }
0x100: {  	[tilespmem:s11], [sflag:$0x9] =	stream.linear.gather [hbm4b:s7+s19], $0x40, $0x38;
	(v2sf) =	vpush v1, $0xD;
	[tilespmem:$0x1EF88] =	vst v63  }
0x101: {  	s7 =	sadd.s32 s6, s8;
	s8 =	sand.u32 $0x1FFFFFF0, s14;
	s11 =	spop (v2sf)  }
0x102: {  	[tilespmem:s12], [sflag:$0x9] =	stream.linear.gather [hbm4b:s7+s19], $0x40, $0x38;
	(v2sf) =	vpush v1, $0xE;
	[tilespmem:$0x1EF88] =	vst v63  }
0x103: {  	s7 =	sadd.s32 s6, s8;
	s8 =	sand.u32 $0x1FFFFFF0, s11;
	s11 =	spop (v2sf)  }
0x104: {  	[tilespmem:s15], [sflag:$0x9] =	stream.linear.gather [hbm4b:s7+s19], $0x40, $0x38;
	(v2sf) =	vpush v1, $0xF;
	[tilespmem:$0x1EF88] =	vst v63  }
0x105: {  	s7 =	sadd.s32 s6, s8;
	s8 =	sand.u32 $0x1FFFFFF0, s11;
	s11 =	spop (v2sf)  }
0x106: {  	[tilespmem:s10], [sflag:$0x9] =	stream.linear.gather [hbm4b:s7+s19], $0x40, $0x38;
	[tilespmem:$0x1EF88] =	vst v63  }
0x107: {  	s7 =	sadd.s32 s6, s8;
	s8 =	sand.u32 $0x1FFFFFF0, s11;
	s10 =	spop (v2sf)  }
0x108: {  	[tilespmem:s9], [sflag:$0x9] =	stream.linear.gather [hbm4b:s7+s19], $0x40, $0x38;
	[tilespmem:$0x1EF88] =	vst v63  }
0x109: {  	s7 =	sadd.s32 s6, s8;
	s8 =	sand.u32 $0x1FFFFFF0, s10;
	s9 =	spop (v2sf)  }
0x10a: {  	[tilespmem:s16], [sflag:$0x9] =	stream.linear.gather [hbm4b:s7+s19], $0x40, $0x38;
	[tilespmem:$0x1EF88] =	vst v63  }
0x10b: {  	s7 =	sadd.s32 s6, s8;
	s8 =	sand.u32 $0x1FFFFFF0, s9;
	s9 =	spop (v2sf)  }
0x10c: {  	[tilespmem:s3], [sflag:$0x9] =	stream.linear.gather [hbm4b:s7+s19], $0x40, $0x38;
	[tilespmem:$0x1EF88] =	vst v63  }
0x10d: {  	s3 =	sadd.s32 s6, s8;
	s7 =	sand.u32 $0x1FFFFFF0, s9;
	s8 =	spop (v2sf)  }
0x10e: {  	[tilespmem:s2], [sflag:$0x9] =	stream.linear.gather [hbm4b:s3+s19], $0x40, $0x38;
	[tilespmem:$0x1EF88] =	vst v63  }
0x10f: {  	s2 =	sadd.s32 s6, s7;
	s3 =	sand.u32 $0x1FFFFFF0, s8;
	s7 =	spop (v2sf)  }
0x110: {  	[tilespmem:s5], [sflag:$0x9] =	stream.linear.gather [hbm4b:s2+s19], $0x40, $0x38;
	[tilespmem:$0x1EF88] =	vst v63  }
0x111: {  	s2 =	sadd.s32 s6, s3;
	s3 =	sand.u32 $0x1FFFFFF0, s7;
	s5 =	spop (v2sf)  }
0x112: {  	[tilespmem:s4], [sflag:$0x9] =	stream.linear.gather [hbm4b:s2+s19], $0x40, $0x38;
	[tilespmem:$0x1EF88] =	vst v63  }
0x113: {  	s2 =	sadd.s32 s6, s3  }
.Ltmp11:
0x114: {  	s3 =	sand.u32 $0x1FFFFFF0, s5;
	s4 =	spop (v2sf);
	(pc) =	sbr.rel @p2 .LBB3_5-.Ltmp11, $4  }
0x115: {  	[tilespmem:s0], [sflag:$0x9] =	stream.linear.gather [hbm4b:s2+s19], $0x40, $0x38;
	[tilespmem:$0x1EF88] =	vst v63  }
0x116: {  	s0 =	sadd.s32 s6, s3;
	s2 =	sadd.s32 $0xFFFFFF80, s30;
	s3 =	sand.u32 $0x1FFFFFF0, s4  }
0x117: {  	[tilespmem:s2], [sflag:$0x9] =	stream.linear.gather [hbm4b:s0+s19], $0x40, $0x38;
	[tilespmem:$0x1EF88] =	vst v63  }
0x118: {  	s31 =	sadd.s32 $0x10, s31;
	s30 =	sadd.s32 $0x800, s30;
	s2 =	sadd.s32 s6, s3  }
0x119: {  	[tilespmem:s28], [sflag:$0x9] =	stream.linear.gather [hbm4b:s2+s19], $0x40, $0x38;
	[tilespmem:$0x1EF88] =	vst v63  }
0x11a: {  	s12 =	rddreg [dreg:$0x6]  }
0x11b: {  	s14 =	rddreg [dreg:$0x7]  }
0x11c: {  	s15 =	rddreg [dreg:$0x8]  }
0x11d: {  	s17 =	rddreg [dreg:$0x9]  }
0x11e: {  	s18 =	rddreg [dreg:$0xb]  }
0x11f: {  	s22 =	rddreg [dreg:$0xc]  }
.LBB3_7:
0x120: {  	p2 =	slt.u32 s25, $0x2  }
.Ltmp12:
0x121: {  	_ = 	snop;
	(pc) =	sbr.rel @p2 .LBB3_25-.Ltmp12, $1  }
0x122: {  	_ =	sdelay $0x3  }
0x123: {  	p2 =	sgt.s32 s26, $0x26FC0;
	s0 =	smov.u32 s26;
	s2 =	sshra.s32 s26, $0x1F  }
0x124: {  	s0 =	simm.s32 @!p2 $0x26FC0;
	s2 =	sand.u32 s2, s26  }
0x125: {  	s0 =	ssub.s32 s0, s2  }
0x126: {  	s0 =	sadd.s32 $0xFFFD9040, s0  }
0x127: {  	s3 =	simm.s32 $0x9;
	s29 =	sshll.u32 s0, $0x2  }
0x128: {  	_ =	swait.ge [sflag:s3], $0x5000;
	s2 =	ssub.s32 $0x500, s29  }
0x129: {  	[sflag:s3] =	ssyncset.done $0x0;
	p2 =	sgt.s32 s0, $0x13F;
	s0 =	sshrl.u32 s2, $0x2  }
0x12a: {  	s30 =	simm.s32 $0xB;
	[sflag:s3] =	ssyncadd.s32 $0xFFFFB000;
	s0 =	simm.s32 @p2 $0x0  }
0x12b: {  	_ =	swait.ge [sflag:s30], s0  }
0x12c: {  	s0 =	ssub.s32 $0x0, s0;
	[sflag:s30] =	ssyncset.done $0x0  }
0x12d: {  	[sflag:s30] =	ssyncadd.s32 s0  }
0x12e: {  	v1 =	vld [tilespmem:$0xA108];
	_ =	sdelay $0x4  }
0x12f: {  	(v2sf) =	vpush v1, $0x0  }
0x130: {  	(v2sf) =	vpush v1, $0x1  }
0x131: {  	(v2sf) =	vpush v1, $0x2;
	_ =	sdelay $0x3  }
0x132: {  	s0 =	sadd.s32 $0x140, s26  }
0x133: {  	s4 =	ssub.s32 $0x4E200, s26;
	p2 =	slt.s32 s14, s0  }
0x134: {  	s0 =	smov.u32 @p2 s14;
	p2 =	sgt.s32 s4, $0x0  }
0x135: {  	s0 =	ssub.s32 s0, s26;
	s4 =	simm.s32 @!p2 $0x0  }
0x136: {  	p2 =	slt.s32 s4, s0  }
0x137: {  	s0 =	smov.u32 @p2 s4  }
0x138: {  	s2 =	simm.s32 $0x1;
	p2 =	slt.s32 s0, $0x1  }
.Ltmp13:
0x139: {  	s2 =	simm.s32 @!p1 $0x0;
	(pc) =	sbr.rel @p2 .LBB3_12-.Ltmp13, $4  }
0x13a: {  	s7 =	smul.u32 $0x500, s2  }
0x13b: {  	s3 =	spop (v2sf)  }
0x13c: {  	s31 =	sshrl.u32 s7, $0x2;
	s5 =	spop (v2sf)  }
0x13d: {  	s28 =	sadd.s32 $0xAD08, s31;
	s26 =	spop (v2sf)  }
0x13e: {  	s4 =	smin.u32 s0, $0x10  }
0x13f: {  	v1 =	vmov s4  }
0x140: {  	p3 =	sgt.s32 s0, $0x10;
	vm1 =	vgt.u32 v1, v0  }
.Ltmp14:
0x141: {  	_ = 	snop;
	(pc) =	sbr.rel @!p3 .LBB3_11-.Ltmp14, $2  }
0x142: {  	_ =	sdelay $0x2  }
0x143: {  	s9 =	simm.s32 $0x10;
	s10 =	sadd.s32 $0xFFFFFFF0, s0;
	s4 =	smov.u32 s28;
	vm0 =	vmmov vm1  }
.LBB3_10:
0x144: {  	s7 =	smin.u32 s10, $0x10;
	s9 =	sadd.s32 $0x10, s9;
	v1 =	vld.msk [tilespmem:s4+$0x0 ss:$0x1], vm1  }
0x145: {  	v2 =	vmov s7;
	p3 =	slt.s32 s9, s0  }
0x146: {  	vm1 =	vgt.u32 v2, v0  }
.Ltmp15:
0x147: {  	(pc) =	sbr.rel @p3 .LBB3_10-.Ltmp15, $3  }
0x148: {  	_ =	sdelay $0x1  }
0x149: {  	v1 =	vshll.u32 v1, $0x4  }
0x14a: {  	s10 =	sadd.s32 $0xFFFFFFF0, s10;
	[tilespmem:s4+$0x0] =	vst.msk vm0, v1;
	s4 =	sadd.s32 $0x10, s4;
	vm0 =	vmmov vm1  }
.LBB3_11:
0x14b: {  	_ =	sdelay $0x4  }
0x14c: {  	v1 =	vld.msk [tilespmem:s4+$0x0 ss:$0x1], vm1;
	_ =	sdelay $0x4  }
0x14d: {  	v1 =	vshll.u32 v1, $0x4  }
0x14e: {  	[tilespmem:s4+$0x0] =	vst.msk vm0, v1  }
.LBB3_12:
0x14f: {  	s4 =	sand.u32 $0x1, s25  }
0x150: {  	s4 =	smul.u32 $0x140, s4  }
0x151: {  	p3 =	sne.s32 s5, $0xFFFFFFFF  }
0x152: {  	v1 =	vld.msk @!p3 [tilespmem:s4+$0xAD08], $0x1;
	_ =	sdelay $0x4  }
0x153: {  	(v2sf) =	vpush @!p3 v1, $0x0;
	_ =	sdelay $0xc  }
.Ltmp16:
0x154: {  	_ = 	snop;
	(pc) =	sbr.rel @p2 .LBB3_23-.Ltmp16, $4  }
0x155: {  	_ = 	snop  }
0x156: {  	s29 =	spop @!p3 (v2sf)  }
0x157: {  	s31 =	simm.s32 $0xC;
	s26 =	simm.s32 @!p3 $0x0;
	s4 =	smov.u32 s29  }
0x158: {  	[sflag:s31] =	ssyncpa.u1 $0x0;
	s29 =	smov.u32 @p3 s3;
	s4 =	smov.u32 @p3 s5  }
0x159: {  	v1 =	vld.msk [tilespmem:s28+$0x0], $0x1;
	_ =	sdelay $0x4  }
0x15a: {  	(v2sf) =	vpush v1, $0x0;
	_ =	sdelay $0xe  }
0x15b: {  	s2 =	smul.u32 $0x28000, s2;
	s5 =	spop (v2sf)  }
0x15c: {  	s31 =	ssub.s32 $0x0, s0;
	p2 =	seq.s32 s29, s5  }
0x15d: {  	s3 =	smov.u32 s29;
	s2 =	sshrl.u32 s2, $0x2;
	p3 =	sgt.s32 @!p2 s29, $0x0  }
0x15e: {  	s30 =	sadd.s32 $0xAFA8, s2;
	s2 =	sadd.s32 $0x1, s31;
	p3 =	por !p3, p2  }
0x15f: {  	s3 =	simm.s32 @p3 $0x0;
	p3 =	seq.s32 s2, $0x0  }
.Ltmp17:
0x160: {  	_ = 	snop;
	(pc) =	sbr.rel @p3 .LBB3_15-.Ltmp17, $4  }
0x161: {  	_ = 	snop  }
0x162: {  	s0 =	simm.s32 $0x0;
	s9 =	simm.s32 @!p2 $0x1;
	s3 =	smin.u32 @!p2 s3, $0x270F8  }
0x163: {  	s10 =	simm.s32 @!p2 $0x50C8;
	s9 =	smov.u32 @p2 s0;
	s7 =	sand.u32 @!p2 $0x3FFF8, s3  }
0x164: {  	s16 =	sand.u32 @!p2 $0x7, s3;
	s3 =	sadd.s32 $0x1, s28;
	s11 =	sadd.s32 @!p2 s1, s7  }
.LBB3_14:
0x165: {  	s7 =	smov.u32 s9  }
0x166: {  	[tilespmem:s10], [sflag:$0x2] =	stream.linear.gather @!p2 [hbm4b:s11+s16], $0x40, $0x38;
	[tilespmem:$0x1EF88] =	vst v63  }
0x167: {  	s2 =	sadd.s32 $0x1, s2;
	s8 =	smov.u32 s5;
	v1 =	vld.msk [tilespmem:s3+$0x0], $0x1  }
0x168: {  	p3 =	seq.s32 s2, $0x0;
	_ =	sdelay $0x3  }
0x169: {  	(v2sf) =	vpush v1, $0x0;
	_ =	sdelay $0xe  }
0x16a: {  	s5 =	spop (v2sf)  }
0x16b: {  	p2 =	seq.s32 s8, s5  }
0x16c: {  	p4 =	sgt.s32 @!p2 s8, $0x0;
	s10 =	sshll.u32 @!p2 s9, $0x8;
	s9 =	sadd.s32 @!p2 $0x1, s9  }
.Ltmp18:
0x16d: {  	p4 =	por !p4, p2;
	s10 =	sshra.s32 @!p2 s10, $0x2;
	(pc) =	sbr.rel @!p3 .LBB3_14-.Ltmp18, $4  }
0x16e: {  	s9 =	smov.u32 @p2 s7;
	s8 =	simm.s32 @p4 $0x0;
	s10 =	sadd.s32 @!p2 $0x50C8, s10  }
0x16f: {  	s7 =	smin.u32 @!p2 s8, $0x270F8  }
0x170: {  	s8 =	sand.u32 @!p2 $0x3FFF8, s7;
	s16 =	sand.u32 @!p2 $0x7, s7  }
0x171: {  	s3 =	sadd.s32 $0x1, s3;
	s11 =	sadd.s32 @!p2 s1, s8  }
.LBB3_15:
0x172: {  	[tilespmem:s10], [sflag:$0x2] =	stream.linear.gather @!p2 [hbm4b:s11+s16], $0x40, $0x38;
	[tilespmem:$0x1EF88] =	vst v63  }
.Ltmp19:
0x173: {  	s2 =	sshll.u32 s9, $0x6;
	(pc) =	sbr.rel .LBB3_16-.Ltmp19, $4  }
0x174: {  	s3 =	simm.s32 $0x2;
	s2 =	sand.u32 $0x3FFFFFC0, s2  }
0x175: {  	_ =	swait.ge [sflag:s3], s2  }
0x176: {  	s2 =	ssub.s32 $0x0, s2;
	[sflag:s3] =	ssyncset.done $0x0  }
0x177: {  	[sflag:s3] =	ssyncadd.s32 s2;
	s3 =	simm.s32 $0x0  }
.LBB3_17:
0x178: {  	v1 =	vld [tilespmem:s30+$0xFFFFFFE0];
	_ =	sdelay $0x4  }
0x179: {  	[tilespmem:s5+$0x88] =	vst.add.f32.msk $0xffff, v1  }
0x17a: {  	v1 =	vld [tilespmem:s30+$0xFFFFFFF0];
	_ =	sdelay $0x4  }
0x17b: {  	[tilespmem:s5+$0x98] =	vst.add.f32.msk $0xffff, v1  }
0x17c: {  	v1 =	vld [tilespmem:s30+$0x0];
	_ =	sdelay $0x4  }
0x17d: {  	[tilespmem:s5+$0xA8] =	vst.add.f32.msk $0xffff, v1  }
0x17e: {  	v1 =	vld [tilespmem:s30+$0x10];
	_ =	sdelay $0x4  }
0x17f: {  	[tilespmem:s5+$0xB8] =	vst.add.f32.msk $0xffff, v1  }
.LBB3_21:
0x180: {  	s31 =	sadd.s32 $0x1, s31  }
0x181: {  	p2 =	seq.s32 s31, $0x0  }
.Ltmp20:
0x182: {  	_ = 	snop;
	(pc) =	sbr.rel @p2 .LBB3_22-.Ltmp20, $2  }
0x183: {  	_ =	sdelay $0x2  }
0x184: {  	s30 =	sadd.s32 $0x80, s30;
	s28 =	sadd.s32 $0x1, s28;
	s29 =	smov.u32 s2  }
.LBB3_16:
0x185: {  	v1 =	vld.msk [tilespmem:s28+$0x0], $0x1;
	_ =	sdelay $0x4  }
0x186: {  	(v2sf) =	vpush v1, $0x0;
	_ =	sdelay $0xe  }
0x187: {  	s2 =	spop (v2sf)  }
0x188: {  	p2 =	sne.s32 s29, s2  }
.Ltmp21:
0x189: {  	_ = 	snop;
	(pc) =	sbr.rel @!p2 .LBB3_17-.Ltmp21, $3  }
0x18a: {  	_ =	sdelay $0x1  }
0x18b: {  	s5 =	sshll.u32 s26, $0x8  }
0x18c: {  	s5 =	sshra.s32 s5, $0x2  }
0x18d: {  	p2 =	seq.s32 s29, s4  }
.Ltmp22:
0x18e: {  	_ = 	snop;
	(pc) =	sbr.rel @!p2 .LBB3_19-.Ltmp22, $1  }
0x18f: {  	_ =	sdelay $0x3  }
.Ltmp23:
0x190: {  	s5 =	sadd.s32 $0x88, s5;
	(pc) =	sbr.rel .LBB3_20-.Ltmp23, $4  }
0x191: {  	[spmem:s18] =	stream.linear.scatter [tilespmem:s5], [sflag:$0x1], $0x40, $0x38;
	[tilespmem:$0x1EF88] =	vst v63  }
0x192: {  	_ =	swait.ge [sflag:s13], $0x40  }
0x193: {  	[sflag:s13] =	ssyncset.done $0x0  }
0x194: {  	[sflag:s13] =	ssyncadd.s32 $0xFFFFFFC0  }
.LBB3_19:
0x195: {  	s7 =	sshll.u32 s0, $0x8  }
0x196: {  	s7 =	sshra.s32 s7, $0x2  }
0x197: {  	v1 =	vld [tilespmem:s7+$0x50C8];
	_ =	sdelay $0x4  }
0x198: {  	[tilespmem:s5+$0x88] =	vst.add.f32.msk $0xffff, v1  }
0x199: {  	v1 =	vld [tilespmem:s7+$0x50D8];
	_ =	sdelay $0x4  }
0x19a: {  	[tilespmem:s5+$0x98] =	vst.add.f32.msk $0xffff, v1  }
0x19b: {  	v1 =	vld [tilespmem:s7+$0x50E8];
	_ =	sdelay $0x4  }
0x19c: {  	[tilespmem:s5+$0xA8] =	vst.add.f32.msk $0xffff, v1  }
0x19d: {  	v1 =	vld [tilespmem:s7+$0x50F8];
	_ =	sdelay $0x2  }
0x19e: {  	p2 =	sgt.u32 s29, $0x270F8  }
0x19f: {  	s7 =	sand.u32 @!p2 $0x3FFF8, s29  }
0x1a0: {  	s8 =	sadd.s32 $0x88, s5;
	[tilespmem:s5+$0xB8] =	vst.add.f32.msk $0xffff, v1;
	s5 =	sadd.s32 @!p2 s1, s7;
	s7 =	sand.u32 @!p2 $0x7, s29  }
0x1a1: {  	[hbm4b:s5+s7] =	stream.linear.scatter @!p2 [tilespmem:s8], [sflag:$0xC], $0x40, $0x38;
	[tilespmem:$0x1EF88] =	vst v63  }
0x1a2: {  	s5 =	simm.s32 $0x0  }
0x1a3: {  	s5 =	simm.s32 @!p2 $0x100  }
0x1a4: {  	s3 =	sadd.s32 s5, s3  }
.LBB3_20:
0x1a5: {  	s5 =	sadd.s32 $0x1, s26  }
0x1a6: {  	s7 =	smulhi.u32 $0xCCCCCCCD, s5;
	_ =	sdelay $0x1  }
0x1a7: {  	v1 =	vld [tilespmem:s30+$0xFFFFFFE0];
	s7 =	sshrl.u32 s7, $0x8  }
0x1a8: {  	s7 =	smul.u32 $0x140, s7;
	_ =	sdelay $0x1  }
0x1a9: {  	s26 =	ssub.s32 s5, s7  }
0x1aa: {  	s5 =	sshll.u32 s26, $0x6  }
0x1ab: {  	[tilespmem:s5+$0x88] =	vst v1  }
0x1ac: {  	v1 =	vld [tilespmem:s30+$0xFFFFFFF0];
	_ =	sdelay $0x4  }
0x1ad: {  	[tilespmem:s5+$0x98] =	vst v1  }
0x1ae: {  	v1 =	vld [tilespmem:s30+$0x0];
	_ =	sdelay $0x4  }
0x1af: {  	[tilespmem:s5+$0xA8] =	vst v1  }
0x1b0: {  	v1 =	vld [tilespmem:s30+$0x10]  }
.Ltmp24:
0x1b1: {  	_ = 	snop;
	(pc) =	sbr.rel .LBB3_21-.Ltmp24, $2  }
0x1b2: {  	_ =	sdelay $0x2  }
0x1b3: {  	s0 =	sadd.s32 $0x1, s0;
	[tilespmem:s5+$0xB8] =	vst v1  }
.LBB3_23:
.Ltmp25:
0x1b4: {  	(pc) =	sbr.rel .LBB3_24-.Ltmp25, $4  }
0x1b5: {  	_ = 	snop  }
0x1b6: {  	s0 =	simm.s32 $0x2  }
0x1b7: {  	_ =	swait.ge [sflag:s0], $0x0  }
0x1b8: {  	s2 =	smov.u32 s29;
	[sflag:s0] =	ssyncset.done $0x0;
	s0 =	simm.s32 $0x0  }
.LBB3_26:
0x1b9: {  	_ =	sfence.sel $0x180000  }
0x1ba: {  	s0 =	simm.s32 $0x9;
	[bflag:$0x0] =	sbarrier.arrive $0xFFFF  }
0x1bb: {  	s24 =	simm.s32 $0xA;
	[sflag:s0] =	ssyncpa.u1 $0x1  }
0x1bc: {  	s25 =	simm.s32 $0xB;
	[sflag:s24] =	ssyncpa.u1 $0x1  }
0x1bd: {  	s26 =	simm.s32 $0x2;
	[sflag:s25] =	ssyncpa.u1 $0x1  }
0x1be: {  	[sflag:s26] =	ssyncpa.u1 $0x1  }
0x1bf: {  	v0 =	vld [tilespmem:$0xA108];
	_ =	sdelay $0x4  }
0x1c0: {  	(v2sf) =	vpush v0, $0x0  }
0x1c1: {  	(v2sf) =	vpush v0, $0x1;
	_ =	sdelay $0x1  }
0x1c2: {  	(v2sf) =	vpush v0, $0x2;
	_ =	sdelay $0xb  }
0x1c3: {  	s0 =	spop (v2sf)  }
0x1c4: {  	s2 =	spop (v2sf)  }
0x1c5: {  	s3 =	smov.u32 s0;
	p0 =	sne.s32 s0, s2  }
0x1c6: {  	s4 =	spop (v2sf);
	s3 =	simm.s32 @!p0 $0xFFFFFFFF  }
0x1c7: {  	v2 =	vimm.s32 $0x1;
	v3 =	vlaneseq.u32;
	p0 =	seq.s32 s4, $0xFFFFFFFF;
	v1 =	vmov s3  }
0x1c8: {  	s14 =	stileid.u32;
	v0 =	vperm.xlane v0, v2;
	p1 =	sne.s32 @!p0 s0, s2;
	v1 =	vperm.xlane v1, v3  }
0x1c9: {  	vm0 =	vcmask $0x3F04;
	s6 =	simm.s32 $0xA108;
	s0 =	simm.s32 @!p0 $0x1;
	p1 =	por !p1, p0  }
0x1ca: {  	s3 =	sshll.u32 s14, $0x1;
	s2 =	sshll.u32 @!p0 s4, $0x8;
	s0 =	simm.s32 @p1 $0x0;
	v0 =	vsel vm0, v1, v0  }
0x1cb: {  	s5 =	sor.u32 $0x800, s3;
	s2 =	sshra.s32 @!p0 s2, $0x2;
	s0 =	sor.u32 @!p0 s0, s3;
	[tilespmem:$0xA108] =	vst v0  }
0x1cc: {  	[spmem:s5] =	stream.linear.scatter [tilespmem:s6], [sflag:$0x1], $0x2, $0x38;
	[tilespmem:$0x1EF88] =	vst v63  }
0x1cd: {  	s2 =	sadd.s32 @!p0 $0x88, s2;
	s0 =	sshll.u32 @!p0 s0, $0x6  }
0x1ce: {  	[spmem:s0] =	stream.linear.scatter @!p0 [tilespmem:s2], [sflag:$0x1], $0x40, $0x38;
	[tilespmem:$0x1EF88] =	vst v63  }
0x1cf: {  	s0 =	simm.s32 @!p0 $0x42  }
0x1d0: {  	s28 =	simm.s32 $0x1;
	s0 =	simm.s32 @p0 $0x2  }
0x1d1: {  	_ =	swait.ge [sflag:s28], s0  }
0x1d2: {  	s0 =	ssub.s32 $0x0, s0;
	[sflag:s28] =	ssyncset.done $0x0  }
0x1d3: {  	p0 =	sne.s32 s14, $0x0;
	[sflag:s28] =	ssyncadd.s32 s0  }
.Ltmp26:
0x1d4: {  	_ =	sfence.stream.spmem;
	(pc) =	sbr.rel @p0 .LBB3_43-.Ltmp26, $4  }
0x1d5: {  	s29 =	simm.s32 $0x3;
	[bflag:$0x0] =	sbarrier.arrive $0xFFFF  }
0x1d6: {  	s30 =	simm.s32 $0x4;
	[sflag:s29] =	ssyncpa.u1 $0x1  }
0x1d7: {  	s31 =	simm.s32 $0x3C;
	[sflag:s30] =	ssyncpa.u1 $0x1  }
0x1d8: {  	s13 =	rddreg [dreg:$0x5];
	[sflag:s31] =	ssyncpa.u1 $0x1  }
0x1d9: {  	_ =	sfence.stream.spmem;
	s0 =	simm.s32 $0x5  }
0x1da: {  	s2 =	simm.s32 $0x800;
	s3 =	simm.s32 $0xA118;
	[sflag:s0] =	ssyncpa.u1 $0x0  }
0x1db: {  	[tilespmem:s3], [sflag:$0x5] =	stream.linear.gather [spmem:s2], $0x20, $0x38;
	[tilespmem:$0x1EF88] =	vst v63  }
0x1dc: {  	s26 =	simm.s32 $0x0;
	s28 =	simm.s32 $0xA138  }
0x1dd: {  	[tilespmem:s28], [sflag:$0x5] =	stream.linear.gather [spmem:s26], $0x800, $0x38;
	[tilespmem:$0x1EF88] =	vst v63  }
0x1de: {  	_ =	swait.ge [sflag:s0], $0x820  }
0x1df: {  	[sflag:s0] =	ssyncset.done $0x0  }
0x1e0: {  	s29 =	simm.s32 $0x0;
	[sflag:s0] =	ssyncadd.s32 $0xFFFFF7E0  }
0x1e1: {  	v0 =	vld.msk [tilespmem:s29+$0xA118], $0x1;
	_ =	sdelay $0x1  }
0x1e2: {  	s30 =	simm.s32 $0x1  }
0x1e3: {  	v1 =	vld.msk [tilespmem:s30+$0xA118], $0x1;
	_ =	sdelay $0x1  }
0x1e4: {  	(v2sf) =	vpush v0, $0x0;
	_ =	sdelay $0x2  }
0x1e5: {  	(v2sf) =	vpush v1, $0x0;
	_ =	sdelay $0x2  }
0x1e6: {  	s31 =	simm.s32 $0x2  }
0x1e7: {  	v0 =	vld.msk [tilespmem:s31+$0xA118], $0x1;
	_ =	sdelay $0x2  }
0x1e8: {  	s2 =	simm.s32 $0xFFFFFFFF;
	s3 =	simm.s32 $0xFFFFFFFF;
	s0 =	simm.s32 $0xC  }
.LBB3_28:
0x1e9: {  	s4 =	smov.u32 s3;
	s5 =	smov.u32 s2  }
0x1ea: {  	s2 =	sshra.s32 s0, $0x2;
	p1 =	sne.s32 s0, $0x7C;
	s0 =	sadd.s32 $0x4, s0;
	(v2sf) =	vpush v0, $0x0  }
0x1eb: {  	v0 =	vld.msk [tilespmem:s2+$0xA118], $0x1  }
.Ltmp27:
0x1ec: {  	(pc) =	sbr.rel @p1 .LBB3_28-.Ltmp27, $4  }
0x1ed: {  	s3 =	spop (v2sf)  }
0x1ee: {  	p2 =	sne.s32 s5, $0xFFFFFFFF;
	s2 =	smov.u32 s3  }
0x1ef: {  	p3 =	seq.s32 s3, $0xFFFFFFFF;
	s2 =	smov.u32 @p2 s5  }
0x1f0: {  	s3 =	smov.u32 @p3 s4;
	s2 =	smov.u32 @p3 s5  }
0x1f1: {  	(v2sf) =	vpush v0, $0x0;
	_ =	sdelay $0x8  }
0x1f2: {  	s0 =	spop (v2sf)  }
0x1f3: {  	p1 =	sne.s32 s2, $0xFFFFFFFF;
	s4 =	smov.u32 s0  }
0x1f4: {  	s6 =	simm.s32 $0x0;
	p2 =	seq.s32 s0, $0xFFFFFFFF;
	s4 =	smov.u32 @p1 s2  }
0x1f5: {  	s9 =	simm.s32 $0xA0C8;
	s4 =	smov.u32 @p2 s2;
	s2 =	spop (v2sf)  }
0x1f6: {  	s0 =	smov.u32 @p2 s3;
	p1 =	sne.s32 s4, $0xFFFFFFFF;
	s5 =	smov.u32 s2  }
.Ltmp28:
0x1f7: {  	p2 =	seq.s32 s2, $0xFFFFFFFF;
	s5 =	smov.u32 @p1 s4;
	(pc) =	sbr.rel .LBB3_30-.Ltmp28, $4  }
0x1f8: {  	s10 =	simm.s32 $0x0;
	s5 =	smov.u32 @p2 s4;
	s7 =	spop (v2sf)  }
0x1f9: {  	s2 =	smov.u32 @p2 s0;
	p1 =	sne.s32 s5, $0xFFFFFFFF;
	s8 =	smov.u32 s7  }
0x1fa: {  	s0 =	simm.s32 $0x6;
	p2 =	seq.s32 s7, $0xFFFFFFFF;
	s8 =	smov.u32 @p1 s5  }
0x1fb: {  	[sflag:s0] =	ssyncpa.u1 $0x0;
	s7 =	smov.u32 @p2 s2;
	s8 =	smov.u32 @p2 s5  }
.LBB3_36:
0x1fc: {  	p1 =	sgt.u32 s2, $0x270F8  }
0x1fd: {  	p2 =	seq.s32 @!p1 s2, s8  }
0x1fe: {  	p1 =	por p1, p2  }
0x1ff: {  	p2 =	sne.s32 @!p1 s2, s7  }
0x200: {  	p1 =	por p1, !p2  }
0x201: {  	s2 =	sshll.u32 @p1 s10, $0x8  }
0x202: {  	s3 =	sand.u32 @!p1 $0x3FFF8, s2  }
0x203: {  	s2 =	sand.u32 @!p1 $0x7, s2;
	s3 =	sadd.s32 @!p1 s1, s3  }
0x204: {  	[tilespmem:s9], [sflag:$0x6] =	stream.linear.gather @!p1 [hbm4b:s3+s2], $0x40, $0x38;
	[tilespmem:$0x1EF88] =	vst v63  }
0x205: {  	_ =	swait.ge @!p1 [sflag:s0], $0x40  }
0x206: {  	[sflag:s0] =	ssyncset.done @!p1 $0x0  }
0x207: {  	[sflag:s0] =	ssyncadd.s32 @!p1 $0xFFFFFFC0  }
0x208: {  	v1 =	vld @!p1 [tilespmem:$0xA0C8];
	_ =	sdelay $0x2  }
0x209: {  	s2 =	sshll.u32 @!p1 s10, $0x8  }
0x20a: {  	s3 =	sshrl.u32 @!p1 s2, $0x2  }
0x20b: {  	[tilespmem:s3+$0xA138] =	vst.add.f32.msk @!p1 $0xffff, v1  }
0x20c: {  	v1 =	vld @!p1 [tilespmem:$0xA0D8];
	_ =	sdelay $0x4  }
0x20d: {  	[tilespmem:s3+$0xA148] =	vst.add.f32.msk @!p1 $0xffff, v1  }
0x20e: {  	v1 =	vld @!p1 [tilespmem:$0xA0E8];
	_ =	sdelay $0x4  }
0x20f: {  	[tilespmem:s3+$0xA158] =	vst.add.f32.msk @!p1 $0xffff, v1  }
0x210: {  	v1 =	vld @!p1 [tilespmem:$0xA0F8];
	_ =	sdelay $0x4  }
0x211: {  	[tilespmem:s3+$0xA168] =	vst.add.f32.msk @!p1 $0xffff, v1  }
0x212: {  	s2 =	sshrl.u32 s2, $0x2;
	[tilespmem:s6+$0xA118] =	vst.msk $0x1, v0  }
0x213: {  	v0 =	vld [tilespmem:s2+$0xA138];
	_ =	sdelay $0x2  }
0x214: {  	s31 =	sshll.u32 s6, $0x8  }
0x215: {  	s3 =	sshra.s32 s31, $0x2  }
0x216: {  	[tilespmem:s3+$0xA138] =	vst v0  }
0x217: {  	v0 =	vld [tilespmem:s2+$0xA148];
	_ =	sdelay $0x4  }
0x218: {  	[tilespmem:s3+$0xA148] =	vst v0  }
0x219: {  	v0 =	vld [tilespmem:s2+$0xA158];
	_ =	sdelay $0x4  }
0x21a: {  	[tilespmem:s3+$0xA158] =	vst v0  }
0x21b: {  	v0 =	vld [tilespmem:s2+$0xA168];
	_ =	sdelay $0x4  }
0x21c: {  	s6 =	sadd.s32 $0x1, s6;
	[tilespmem:s3+$0xA168] =	vst v0  }
.LBB3_37:
0x21d: {  	s10 =	sadd.s32 $0x1, s10  }
0x21e: {  	p1 =	sne.s32 s10, $0x20  }
.Ltmp29:
0x21f: {  	_ = 	snop;
	(pc) =	sbr.rel @!p1 .LBB3_38-.Ltmp29, $1  }
0x220: {  	_ =	sdelay $0x3  }
.LBB3_30:
0x221: {  	v0 =	vld.msk [tilespmem:s10+$0xA118], $0x1;
	_ =	sdelay $0x4  }
0x222: {  	(v2sf) =	vpush v0, $0x0;
	_ =	sdelay $0xe  }
0x223: {  	s2 =	spop (v2sf)  }
0x224: {  	p1 =	seq.s32 s2, $0xFFFFFFFF  }
.Ltmp30:
0x225: {  	_ = 	snop;
	(pc) =	sbr.rel @p1 .LBB3_37-.Ltmp30, $1  }
0x226: {  	_ =	sdelay $0x3  }
0x227: {  	p1 =	slt.s32 s6, $0x1  }
.Ltmp31:
0x228: {  	_ = 	snop;
	(pc) =	sbr.rel @p1 .LBB3_36-.Ltmp31, $1  }
0x229: {  	_ =	sdelay $0x3  }
0x22a: {  	s3 =	simm.s32 $0xA118;
	p1 =	por $0x0, $0x0  }
0x22b: {  	v1 =	vld.msk @!p1 [tilespmem:s3+$0x0], $0x1;
	_ =	sdelay $0x4  }
0x22c: {  	(v2sf) =	vpush @!p1 v1, $0x0;
	_ =	sdelay $0xd  }
0x22d: {  	p3 =	sne.s32 s6, $0x1  }
.Ltmp32:
0x22e: {  	s4 =	spop @!p1 (v2sf);
	(pc) =	sbr.rel @!p3 .LBB3_34-.Ltmp32, $4  }
0x22f: {  	p2 =	seq.s32 @!p1 s2, s4  }
0x230: {  	s4 =	simm.s32 $0x0;
	p2 =	por !p2, p1  }
0x231: {  	s11 =	simm.s32 $0xFFFFFFFF;
	s4 =	simm.s32 @p2 $0xFFFFFFFF  }
0x232: {  	s5 =	simm.s32 $0x1;
	s4 =	smov.u32 @p1 s11  }
.LBB3_33:
0x233: {  	s11 =	smov.u32 s4;
	p1 =	sne.s32 s4, $0xFFFFFFFF  }
0x234: {  	s3 =	sadd.s32 $0x1, s3;
	s4 =	smov.u32 s5;
	s5 =	sadd.s32 $0x1, s5  }
0x235: {  	p2 =	sne.s32 s6, s5;
	v1 =	vld.msk @!p1 [tilespmem:s3+$0x0], $0x1;
	_ =	sdelay $0x4  }
0x236: {  	(v2sf) =	vpush @!p1 v1, $0x0;
	_ =	sdelay $0xe  }
.Ltmp33:
0x237: {  	s12 =	spop @!p1 (v2sf);
	(pc) =	sbr.rel @p2 .LBB3_33-.Ltmp33, $4  }
0x238: {  	p3 =	seq.s32 @!p1 s2, s12  }
0x239: {  	p3 =	por !p3, p1  }
0x23a: {  	s4 =	simm.s32 @p3 $0xFFFFFFFF  }
0x23b: {  	s4 =	smov.u32 @p1 s11  }
.LBB3_34:
0x23c: {  	p1 =	seq.s32 s4, $0xFFFFFFFF  }
.Ltmp34:
0x23d: {  	_ = 	snop;
	(pc) =	sbr.rel @p1 .LBB3_36-.Ltmp34, $1  }
0x23e: {  	_ =	sdelay $0x3  }
0x23f: {  	s2 =	sshll.u32 s10, $0x6  }
0x240: {  	s2 =	sand.u32 $0x3FFFFFC0, s2  }
0x241: {  	v0 =	vld [tilespmem:s2+$0xA138];
	_ =	sdelay $0x2  }
0x242: {  	s3 =	sshll.u32 s4, $0x8  }
0x243: {  	s3 =	sshra.s32 s3, $0x2  }
0x244: {  	[tilespmem:s3+$0xA138] =	vst.add.f32.msk $0xffff, v0  }
0x245: {  	v0 =	vld [tilespmem:s2+$0xA148];
	_ =	sdelay $0x4  }
0x246: {  	[tilespmem:s3+$0xA148] =	vst.add.f32.msk $0xffff, v0  }
0x247: {  	v0 =	vld [tilespmem:s2+$0xA158];
	_ =	sdelay $0x4  }
0x248: {  	[tilespmem:s3+$0xA158] =	vst.add.f32.msk $0xffff, v0  }
0x249: {  	v0 =	vld [tilespmem:s2+$0xA168]  }
.Ltmp35:
0x24a: {  	_ = 	snop;
	(pc) =	sbr.rel .LBB3_37-.Ltmp35, $2  }
0x24b: {  	_ =	sdelay $0x2  }
0x24c: {  	[tilespmem:s3+$0xA168] =	vst.add.f32.msk $0xffff, v0  }
.LBB3_38:
0x24d: {  	s0 =	simm.s32 $0x6;
	p1 =	seq.s32 s6, $0x0  }
0x24e: {  	[sflag:s0] =	ssyncpa.u1 $0x1;
	v0 =	vimm.s32 @p1 $0xFFFFFFFF  }
0x24f: {  	s0 =	sadd.s32 $0xFFFFFFFF, s6;
	[tilespmem:$0xA938] =	vst @p1 v0  }
0x250: {  	v0 =	vld.msk @!p1 [tilespmem:s0+$0xA118], $0x1;
	_ =	sdelay $0x1  }
0x251: {  	v1 =	vld.msk @!p1 [tilespmem:$0xA118], $0x1;
	_ =	sdelay $0x2  }
0x252: {  	p2 =	seq.s32 @!p1 s0, $0x0;
	v0 =	vbroadcast @!p1 v0, $0x0  }
0x253: {  	vm0 =	vmmov @!p1 $0x1;
	p2 =	por !p2, p1  }
0x254: {  	v1 =	vnsel @!p1 vm0, $0xFFFFFFFF, v1;
	vm0 =	vcmask @!p1 $0x308;
	v0 =	vpsel !p2, $0xFFFFFFFF, v0  }
0x255: {  	p2 =	sne.s32 @!p1 s8, s7;
	v0 =	vsel @!p1 vm0, v1, v0  }
0x256: {  	s2 =	simm.s32 @!p1 $0xA138;
	s3 =	simm.s32 @!p1 $0x0;
	p3 =	por !p2, p1;
	[tilespmem:$0xA938] =	vst @!p1 v0  }
0x257: {  	[spmem:s3] =	stream.linear.scatter @!p1 [tilespmem:s2], [sflag:$0x1], $0x40, $0x38;
	[tilespmem:$0x1EF88] =	vst v63  }
0x258: {  	s2 =	sshll.u32 @!p3 s0, $0x8  }
0x259: {  	s2 =	sshra.s32 @!p3 s2, $0x2  }
0x25a: {  	s3 =	simm.s32 @!p3 $0x40;
	s2 =	sadd.s32 @!p3 $0xA138, s2  }
0x25b: {  	[spmem:s3] =	stream.linear.scatter @!p3 [tilespmem:s2], [sflag:$0x1], $0x40, $0x38;
	[tilespmem:$0x1EF88] =	vst v63  }
0x25c: {  	s2 =	simm.s32 @!p3 $0x1  }
0x25d: {  	_ =	swait.ge @!p3 [sflag:s2], $0x80  }
0x25e: {  	p1 =	por p2, p1;
	[sflag:s2] =	ssyncset.done @!p3 $0x0  }
0x25f: {  	[sflag:s2] =	ssyncadd.s32 @!p3 $0xFFFFFF80;
	s2 =	simm.s32 @!p1 $0x1  }
0x260: {  	_ =	swait.ge @!p1 [sflag:s2], $0x40  }
0x261: {  	s29 =	simm.s32 $0xA938;
	[sflag:s2] =	ssyncset.done @!p1 $0x0  }
0x262: {  	s30 =	simm.s32 $0x800;
	s31 =	simm.s32 $0x1;
	[sflag:s2] =	ssyncadd.s32 @!p1 $0xFFFFFFC0  }
0x263: {  	[spmem:s30] =	stream.linear.scatter [tilespmem:s29], [sflag:$0x1], $0x10, $0x38;
	[tilespmem:$0x1EF88] =	vst v63  }
0x264: {  	_ =	swait.ge [sflag:s31], $0x10  }
0x265: {  	[sflag:s31] =	ssyncset.done $0x0  }
0x266: {  	p1 =	seq.s32 s13, $0x0;
	s9 =	rddreg [dreg:$0x2];
	[sflag:s31] =	ssyncadd.s32 $0xFFFFFFF0  }
0x267: {  	s3 =	sshll.u32 @p1 s9, $0xE;
	s8 =	rddreg [dreg:$0x3]  }
0x268: {  	s2 =	sadd.s32 @p1 $0x15C3C, s3;
	s3 =	sshll.u32 @p1 s8, $0x11  }
0x269: {  	_ =	sfence.stream.spmem;
	s2 =	sor.u32 @p1 s3, s2  }
0x26a: {  	[sflag:s2] =	ssyncadd.remote.s32 @p1 $0x1;
	s2 =	simm.s32 @p1 $0x4  }
0x26b: {  	s4 =	simm.s32 @!p1 $0x3C;
	s3 =	sand.u32 $0xFFFFFFFE, s9;
	_ =	swait.ge @p1 [sflag:s2], $0x12  }
0x26c: {  	s5 =	simm.s32 @!p1 $0x0;
	s3 =	sadd.s32 @!p1 $0x4, s3;
	[sflag:s2] =	ssyncset.done @p1 $0x0  }
0x26d: {  	s7 =	simm.s32 @!p1 $0x80;
	[sflag:s2] =	ssyncadd.s32 @p1 $0xFFFFFFEE;
	s2 =	sshll.u32 @!p1 s3, $0x1A  }
0x26e: {  	s3 =	sshll.u32 @!p1 s3, $0xD;
	s2 =	sor.u32 @!p1 s2, s8;
	_ =	swait.eq @!p1 [sflag:s4], $0x1  }
0x26f: {  	s3 =	sor.u32 @!p1 $0x1C04, s3;
	s4 =	simm.s32 @!p1 $0x1C03;
	s2 =	sor.u32 @!p1 $0x80004000, s2  }
0x270: {  	[spmem:s7], [sflag:s3] =	dma.general @!p1 [spmem:s5], [sflag:s4], length:$0x10, [dreg:$0x0], stride_count:$0x0, ici_dest:s2, dma_misc:DstOpCode:WRITE  }
0x271: {  	p2 =	slt.s32 s0, $0x2;
	s5 =	simm.s32 @!p1 $0x100;
	s7 =	simm.s32 @!p1 $0x102  }
0x272: {  	[spmem:s7], [sflag:s3] =	dma.general @!p1 [spmem:s5], [sflag:s4], length:$0x2, [dreg:$0x0], stride_count:$0x0, ici_dest:s2, dma_misc:DstOpCode:WRITE  }
.Ltmp36:
0x273: {  	s2 =	simm.s32 @!p1 $0x3;
	(pc) =	sbr.rel @p2 .LBB3_42-.Ltmp36, $4  }
0x274: {  	s3 =	sshll.u32 @!p1 s9, $0xE;
	_ =	swait.ge @!p1 [sflag:s2], $0x12  }
0x275: {  	s4 =	sshll.u32 @!p1 s8, $0x11;
	s3 =	sadd.s32 @!p1 $0x11C3C, s3;
	[sflag:s2] =	ssyncset.done @!p1 $0x0  }
0x276: {  	[sflag:s2] =	ssyncadd.s32 @!p1 $0xFFFFFFEE;
	s2 =	sor.u32 @!p1 s4, s3  }
0x277: {  	s0 =	simm.s32 $0x0;
	[sflag:s2] =	ssyncadd.remote.s32 @!p1 $0xFFFFFFFF  }
0x278: {  	s0 =	simm.s32 $0xA119  }
0x279: {  	v0 =	vld.msk [tilespmem:s0+$0x0], $0x1;
	_ =	sdelay $0x4  }
0x27a: {  	(v2sf) =	vpush v0, $0x0;
	_ =	sdelay $0xc  }
0x27b: {  	s2 =	sadd.s32 $0xFFFFFFFE, s6  }
0x27c: {  	s2 =	sadd.s32 $0xFFFFFFFF, s2  }
0x27d: {  	p2 =	sne.s32 s2, $0x0;
	s3 =	spop (v2sf)  }
.Ltmp37:
0x27e: {  	p1 =	sgt.u32 s3, $0x270F8;
	(pc) =	sbr.rel @!p2 .LBB3_41-.Ltmp37, $4  }
0x27f: {  	s5 =	simm.s32 $0x0;
	s4 =	sand.u32 @!p1 $0x3FFF8, s3  }
0x280: {  	s0 =	simm.s32 $0xA178;
	s3 =	sand.u32 @!p1 $0x7, s3;
	s4 =	sadd.s32 @!p1 s1, s4  }
0x281: {  	[hbm4b:s4+s3] =	stream.linear.scatter @!p1 [tilespmem:s0], [sflag:$0x5], $0x40, $0x38;
	[tilespmem:$0x1EF88] =	vst v63  }
0x282: {  	s5 =	simm.s32 @!p1 $0x100;
	s3 =	simm.s32 $0x0;
	s4 =	simm.s32 $0xA11A  }
.LBB3_40:
0x283: {  	v0 =	vld.msk [tilespmem:s4+$0x0], $0x1;
	s2 =	sadd.s32 $0xFFFFFFFF, s2;
	s3 =	sadd.s32 s3, s5  }
0x284: {  	p1 =	sne.s32 s2, $0x0;
	_ =	sdelay $0x3  }
0x285: {  	(v2sf) =	vpush v0, $0x0;
	_ =	sdelay $0xe  }
.Ltmp38:
0x286: {  	s6 =	spop (v2sf);
	(pc) =	sbr.rel @p1 .LBB3_40-.Ltmp38, $4  }
0x287: {  	s5 =	simm.s32 $0x0;
	p2 =	sgt.u32 s6, $0x270F8  }
0x288: {  	s0 =	sadd.s32 $0x40, s0;
	s5 =	simm.s32 @!p2 $0x100;
	s7 =	sand.u32 @!p2 $0x3FFF8, s6  }
0x289: {  	s4 =	sadd.s32 $0x1, s4;
	s6 =	sand.u32 @!p2 $0x7, s6;
	s7 =	sadd.s32 @!p2 s1, s7  }
0x28a: {  	[hbm4b:s7+s6] =	stream.linear.scatter @!p2 [tilespmem:s0], [sflag:$0x5], $0x40, $0x38;
	[tilespmem:$0x1EF88] =	vst v63  }
.LBB3_41:
0x28b: {  	s0 =	sadd.s32 s3, s5  }
0x28c: {  	s0 =	sshrl.u32 s0, $0x2  }
.LBB3_42:
0x28d: {  	s2 =	simm.s32 $0x5  }
0x28e: {  	_ =	swait.ge [sflag:s2], s0  }
0x28f: {  	s31 =	ssub.s32 $0x0, s0;
	[sflag:s2] =	ssyncset.done $0x0  }
0x290: {  	[sflag:s2] =	ssyncadd.s32 s31  }
0x291: {  	[sflag:s2] =	ssyncpa.u1 $0x1  }
.LBB3_43:
0x292: {  	s0 =	sor.u32 s13, s14  }
0x293: {  	p1 =	sne.s32 s0, $0x0  }
.Ltmp39:
0x294: {  	_ = 	snop;
	(pc) =	sbr.rel @p1 .LBB3_58-.Ltmp39, $3  }
0x295: {  	_ =	sdelay $0x1  }
0x296: {  	[bflag:$0x0] =	sbarrier.arrive $0xFFFF  }
0x297: {  	_ =	sfence  }
0x298: {  	s2 =	simm.s32 $0x7  }
0x299: {  	s0 =	simm.s32 $0x800;
	s3 =	simm.s32 $0xA118;
	[sflag:s2] =	ssyncpa.u1 $0x0  }
0x29a: {  	[tilespmem:s3], [sflag:$0x7] =	stream.linear.gather [spmem:s0], $0x20, $0x38;
	[tilespmem:$0x1EF88] =	vst v63  }
0x29b: {  	s30 =	simm.s32 $0xA138;
	s0 =	simm.s32 $0x0  }
0x29c: {  	[tilespmem:s30], [sflag:$0x7] =	stream.linear.gather [spmem:s0], $0x800, $0x38;
	[tilespmem:$0x1EF88] =	vst v63  }
.Ltmp40:
0x29d: {  	_ = 	snop;
	(pc) =	sbr.rel .LBB3_45-.Ltmp40, $4  }
0x29e: {  	_ =	swait.ge [sflag:s2], $0x820  }
0x29f: {  	[sflag:s2] =	ssyncset.done $0x0  }
0x2a0: {  	s31 =	simm.s32 $0x8;
	[sflag:s2] =	ssyncadd.s32 $0xFFFFF7E0  }
0x2a1: {  	s2 =	simm.s32 $0x0;
	[sflag:s31] =	ssyncpa.u1 $0x0  }
.LBB3_51:
0x2a2: {  	p1 =	slt.u32 s3, $0x270F9  }
0x2a3: {  	s4 =	sand.u32 @p1 $0x3FFF8, s3  }
0x2a4: {  	s3 =	sand.u32 @p1 $0x7, s3;
	s5 =	simm.s32 @p1 $0xA0C8;
	s4 =	sadd.s32 @p1 s1, s4  }
0x2a5: {  	[tilespmem:s5], [sflag:$0x8] =	stream.linear.gather @p1 [hbm4b:s4+s3], $0x40, $0x38;
	[tilespmem:$0x1EF88] =	vst v63  }
0x2a6: {  	s3 =	simm.s32 @p1 $0x8  }
0x2a7: {  	_ =	swait.ge @p1 [sflag:s3], $0x40  }
0x2a8: {  	[sflag:s3] =	ssyncset.done @p1 $0x0  }
0x2a9: {  	[sflag:s3] =	ssyncadd.s32 @p1 $0xFFFFFFC0  }
0x2aa: {  	v1 =	vld @p1 [tilespmem:$0xA0C8];
	_ =	sdelay $0x2  }
0x2ab: {  	s3 =	sshll.u32 @p1 s2, $0x8  }
0x2ac: {  	s4 =	sshrl.u32 @p1 s3, $0x2  }
0x2ad: {  	[tilespmem:s4+$0xA138] =	vst.add.f32.msk @p1 $0xffff, v1  }
0x2ae: {  	v1 =	vld @p1 [tilespmem:$0xA0D8];
	_ =	sdelay $0x4  }
0x2af: {  	[tilespmem:s4+$0xA148] =	vst.add.f32.msk @p1 $0xffff, v1  }
0x2b0: {  	v1 =	vld @p1 [tilespmem:$0xA0E8];
	_ =	sdelay $0x4  }
0x2b1: {  	[tilespmem:s4+$0xA158] =	vst.add.f32.msk @p1 $0xffff, v1  }
0x2b2: {  	v1 =	vld @p1 [tilespmem:$0xA0F8];
	_ =	sdelay $0x3  }
0x2b3: {  	s5 =	sshll.u32 @!p1 s2, $0x8  }
0x2b4: {  	s5 =	smov.u32 @p1 s3;
	[tilespmem:s4+$0xA168] =	vst.add.f32.msk @p1 $0xffff, v1  }
0x2b5: {  	s3 =	sshrl.u32 s5, $0x2;
	[tilespmem:s0+$0xA118] =	vst.msk $0x1, v0  }
0x2b6: {  	v0 =	vld [tilespmem:s3+$0xA138];
	_ =	sdelay $0x2  }
0x2b7: {  	s31 =	sshll.u32 s0, $0x8  }
0x2b8: {  	s4 =	sshra.s32 s31, $0x2  }
0x2b9: {  	[tilespmem:s4+$0xA138] =	vst v0  }
0x2ba: {  	v0 =	vld [tilespmem:s3+$0xA148];
	_ =	sdelay $0x4  }
0x2bb: {  	[tilespmem:s4+$0xA148] =	vst v0  }
0x2bc: {  	v0 =	vld [tilespmem:s3+$0xA158];
	_ =	sdelay $0x4  }
0x2bd: {  	[tilespmem:s4+$0xA158] =	vst v0  }
0x2be: {  	v0 =	vld [tilespmem:s3+$0xA168];
	_ =	sdelay $0x4  }
0x2bf: {  	s0 =	sadd.s32 $0x1, s0;
	[tilespmem:s4+$0xA168] =	vst v0  }
.LBB3_52:
0x2c0: {  	s2 =	sadd.s32 $0x1, s2  }
0x2c1: {  	p1 =	sne.s32 s2, $0x20  }
.Ltmp41:
0x2c2: {  	_ = 	snop;
	(pc) =	sbr.rel @!p1 .LBB3_53-.Ltmp41, $1  }
0x2c3: {  	_ =	sdelay $0x3  }
.LBB3_45:
0x2c4: {  	v0 =	vld.msk [tilespmem:s2+$0xA118], $0x1;
	_ =	sdelay $0x4  }
0x2c5: {  	(v2sf) =	vpush v0, $0x0;
	_ =	sdelay $0xe  }
0x2c6: {  	s3 =	spop (v2sf)  }
0x2c7: {  	p1 =	seq.s32 s3, $0xFFFFFFFF  }
.Ltmp42:
0x2c8: {  	_ = 	snop;
	(pc) =	sbr.rel @p1 .LBB3_52-.Ltmp42, $1  }
0x2c9: {  	_ =	sdelay $0x3  }
0x2ca: {  	p1 =	slt.s32 s0, $0x1  }
.Ltmp43:
0x2cb: {  	_ = 	snop;
	(pc) =	sbr.rel @p1 .LBB3_51-.Ltmp43, $1  }
0x2cc: {  	_ =	sdelay $0x3  }
0x2cd: {  	s4 =	simm.s32 $0xA118;
	p1 =	por $0x0, $0x0  }
0x2ce: {  	v1 =	vld.msk @!p1 [tilespmem:s4+$0x0], $0x1;
	_ =	sdelay $0x4  }
0x2cf: {  	(v2sf) =	vpush @!p1 v1, $0x0;
	_ =	sdelay $0xd  }
0x2d0: {  	p3 =	sne.s32 s0, $0x1  }
.Ltmp44:
0x2d1: {  	s5 =	spop @!p1 (v2sf);
	(pc) =	sbr.rel @!p3 .LBB3_49-.Ltmp44, $4  }
0x2d2: {  	p2 =	seq.s32 @!p1 s3, s5  }
0x2d3: {  	s5 =	simm.s32 $0x0;
	p2 =	por !p2, p1  }
0x2d4: {  	s7 =	simm.s32 $0xFFFFFFFF;
	s5 =	simm.s32 @p2 $0xFFFFFFFF  }
0x2d5: {  	s6 =	simm.s32 $0x1;
	s5 =	smov.u32 @p1 s7  }
.LBB3_48:
0x2d6: {  	s7 =	smov.u32 s5;
	p1 =	sne.s32 s5, $0xFFFFFFFF  }
0x2d7: {  	s4 =	sadd.s32 $0x1, s4;
	s5 =	smov.u32 s6;
	s6 =	sadd.s32 $0x1, s6  }
0x2d8: {  	p2 =	sne.s32 s0, s6;
	v1 =	vld.msk @!p1 [tilespmem:s4+$0x0], $0x1;
	_ =	sdelay $0x4  }
0x2d9: {  	(v2sf) =	vpush @!p1 v1, $0x0;
	_ =	sdelay $0xe  }
.Ltmp45:
0x2da: {  	s8 =	spop @!p1 (v2sf);
	(pc) =	sbr.rel @p2 .LBB3_48-.Ltmp45, $4  }
0x2db: {  	p3 =	seq.s32 @!p1 s3, s8  }
0x2dc: {  	p3 =	por !p3, p1  }
0x2dd: {  	s5 =	simm.s32 @p3 $0xFFFFFFFF  }
0x2de: {  	s5 =	smov.u32 @p1 s7  }
.LBB3_49:
0x2df: {  	p1 =	seq.s32 s5, $0xFFFFFFFF  }
.Ltmp46:
0x2e0: {  	_ = 	snop;
	(pc) =	sbr.rel @p1 .LBB3_51-.Ltmp46, $1  }
0x2e1: {  	_ =	sdelay $0x3  }
0x2e2: {  	s3 =	sshll.u32 s2, $0x6  }
0x2e3: {  	s3 =	sand.u32 $0x3FFFFFC0, s3  }
0x2e4: {  	v0 =	vld [tilespmem:s3+$0xA138];
	_ =	sdelay $0x2  }
0x2e5: {  	s4 =	sshll.u32 s5, $0x8  }
0x2e6: {  	s4 =	sshra.s32 s4, $0x2  }
0x2e7: {  	[tilespmem:s4+$0xA138] =	vst.add.f32.msk $0xffff, v0  }
0x2e8: {  	v0 =	vld [tilespmem:s3+$0xA148];
	_ =	sdelay $0x4  }
0x2e9: {  	[tilespmem:s4+$0xA148] =	vst.add.f32.msk $0xffff, v0  }
0x2ea: {  	v0 =	vld [tilespmem:s3+$0xA158];
	_ =	sdelay $0x4  }
0x2eb: {  	[tilespmem:s4+$0xA158] =	vst.add.f32.msk $0xffff, v0  }
0x2ec: {  	v0 =	vld [tilespmem:s3+$0xA168]  }
.Ltmp47:
0x2ed: {  	_ = 	snop;
	(pc) =	sbr.rel .LBB3_52-.Ltmp47, $2  }
0x2ee: {  	_ =	sdelay $0x2  }
0x2ef: {  	[tilespmem:s4+$0xA168] =	vst.add.f32.msk $0xffff, v0  }
.LBB3_53:
0x2f0: {  	p1 =	slt.s32 s0, $0x1  }
.Ltmp48:
0x2f1: {  	_ = 	snop;
	(pc) =	sbr.rel @p1 .LBB3_57-.Ltmp48, $3  }
0x2f2: {  	_ =	sdelay $0x1  }
0x2f3: {  	s2 =	simm.s32 $0x8  }
0x2f4: {  	[sflag:s2] =	ssyncpa.u1 $0x1;
	s2 =	simm.s32 $0x0  }
0x2f5: {  	s3 =	simm.s32 $0xA118  }
0x2f6: {  	v0 =	vld.msk [tilespmem:s3+$0x0], $0x1;
	_ =	sdelay $0x4  }
0x2f7: {  	(v2sf) =	vpush v0, $0x0;
	_ =	sdelay $0xe  }
0x2f8: {  	s0 =	sadd.s32 $0xFFFFFFFF, s0;
	s4 =	spop (v2sf)  }
0x2f9: {  	p2 =	sne.s32 s0, $0x0;
	p1 =	sgt.u32 s4, $0x270F8  }
.Ltmp49:
0x2fa: {  	s5 =	sand.u32 @!p1 $0x3FFF8, s4;
	(pc) =	sbr.rel @!p2 .LBB3_56-.Ltmp49, $4  }
0x2fb: {  	s3 =	simm.s32 $0xA138;
	s4 =	sand.u32 @!p1 $0x7, s4;
	s5 =	sadd.s32 @!p1 s1, s5  }
0x2fc: {  	[hbm4b:s5+s4] =	stream.linear.scatter @!p1 [tilespmem:s3], [sflag:$0x7], $0x40, $0x38;
	[tilespmem:$0x1EF88] =	vst v63  }
0x2fd: {  	s5 =	simm.s32 $0x0  }
0x2fe: {  	s4 =	simm.s32 $0xA119;
	s5 =	simm.s32 @!p1 $0x100  }
.LBB3_55:
0x2ff: {  	v0 =	vld.msk [tilespmem:s4+$0x0], $0x1;
	s0 =	sadd.s32 $0xFFFFFFFF, s0;
	s2 =	sadd.s32 s2, s5  }
0x300: {  	p1 =	sne.s32 s0, $0x0;
	_ =	sdelay $0x3  }
0x301: {  	(v2sf) =	vpush v0, $0x0;
	_ =	sdelay $0xe  }
.Ltmp50:
0x302: {  	s6 =	spop (v2sf);
	(pc) =	sbr.rel @p1 .LBB3_55-.Ltmp50, $4  }
0x303: {  	s5 =	simm.s32 $0x0;
	p2 =	sgt.u32 s6, $0x270F8  }
0x304: {  	s3 =	sadd.s32 $0x40, s3;
	s5 =	simm.s32 @!p2 $0x100;
	s7 =	sand.u32 @!p2 $0x3FFF8, s6  }
0x305: {  	s4 =	sadd.s32 $0x1, s4;
	s6 =	sand.u32 @!p2 $0x7, s6;
	s7 =	sadd.s32 @!p2 s1, s7  }
0x306: {  	[hbm4b:s7+s6] =	stream.linear.scatter @!p2 [tilespmem:s3], [sflag:$0x7], $0x40, $0x38;
	[tilespmem:$0x1EF88] =	vst v63  }
.LBB3_56:
0x307: {  	s0 =	sadd.s32 s2, s5  }
0x308: {  	s2 =	sshrl.u32 s0, $0x2  }
.LBB3_57:
0x309: {  	s0 =	simm.s32 $0x7  }
0x30a: {  	_ =	swait.ge [sflag:s0], s2  }
0x30b: {  	s1 =	ssub.s32 $0x0, s2;
	[sflag:s0] =	ssyncset.done $0x0  }
0x30c: {  	[sflag:s0] =	ssyncadd.s32 s1  }
0x30d: {  	[sflag:s0] =	ssyncpa.u1 $0x1  }
.LBB3_58:
0x30e: {  	_ =	sfence;
	s0 =	simm.s32 $0x1  }
0x30f: {  	[sflag:s0] =	ssyncpa.u1 $0x1  }
0x310: {  	_ =	strace $0x9000005F  }
0x311: {  	[bflag:$0x2] =	sbarrier.arrive $0xFFFF  }
0x312: {  	s0 =	rddreg [dreg:$0x4]  }
0x313: {  	s0 =	sadd.s32 @!p0 $0x100000, s0  }
0x314: {  	[sflag:s0] =	ssyncadd.tile.s32 @!p0 $0x1;
	_ =	shalt  }
.Lfunc_end3:
_tile_overlayer_lowered:
.L_overlay_start_3:
0x315: {  	(tag) =	ssettag $0x3  }
0x316: {  	s0 =	rddreg [dreg:$0x0];
	s2 =	stileid.u32  }
0x317: {  	s1 =	rddreg [dreg:$0x1];
	p0 =	sne.s32 s2, $0x0  }
0x318: {  	s3 =	rddreg [dreg:$0x2];
	[bflag:$0x3] =	sbarrier.arrive $0xFFFF;
	s2 =	simm.s32 @!p0 $0x1C01  }
0x319: {  	[timem:s3], [sflag:s2] =	dma.local @!p0 [hbm:s0], s1  }
0x31a: {  	s0 =	simm.s32 @!p0 $0x1  }
0x31b: {  	_ =	swait.ge @!p0 [sflag:s0], s1  }
0x31c: {  	s1 =	ssub.s32 @!p0 $0x0, s1;
	[sflag:s0] =	ssyncset.done @!p0 $0x0  }
0x31d: {  	[sflag:s0] =	ssyncadd.s32 @!p0 s1  }
0x31e: {  	[bflag:$0x3] =	sbarrier.arrive $0xFFFF  }
0x31f: {  	_ =	shalt  }

</sc_bundles>
